<compile_context>
chip_gen: v7x
topology: tpu7x:2x2x1
jax: 0.10.2.dev20260603
libtpu: 0.0.44.dev20260713+nightly
codegen_flags: <defaults>
</compile_context>

<pallas_src>
import functools

import jax
import jax.numpy as jnp
from jax import lax
from jax.experimental import pallas as pl
from jax.experimental.pallas import tpu as pltpu
from jax.experimental.pallas import tpu_sc as plsc

N = 4096
K = 20
RB = 256
RBM = 256
NW = 32
GRR = 64
WIN = 1280


def _select_topk(work, iot, idx_ref):
    BIG = jnp.int32(2 ** 30)
    cols = []
    for _ in range(K):
        m = jnp.min(work, axis=1, keepdims=True)
        cand = jnp.where(work == m, iot, BIG)
        im = jnp.min(cand, axis=1, keepdims=True)
        cols.append(im)
        sel = iot == im
        work = jnp.where(sel, jnp.inf, work)
        iot = jnp.where(sel, BIG, iot)
    idx_ref[...] = jnp.concatenate(cols, axis=1)


def _knn_body(c0_ref, ok_ref, x_ref, xT_ref, x16_ref, xT16_ref, brow_ref,
              bcol_ref, idx_ref):
    i = pl.program_id(0)
    xb = x_ref[...]
    sqr = jnp.sum(xb * xb, axis=1, keepdims=True)
    brow1 = brow_ref[...][:, :1]
    c0 = pl.multiple_of(c0_ref[i], 128)
    ok = ok_ref[i] == 1

    @pl.when(ok)
    def _():
        xTf = jnp.concatenate(
            [xT_ref[:, :128], xT_ref[:, pl.ds(c0, WIN)]], axis=1)
        xTc = jnp.concatenate(
            [xT16_ref[:, :128], xT16_ref[:, pl.ds(c0, WIN)]], axis=1)
        bcolc = jnp.concatenate(
            [bcol_ref[:, :128], bcol_ref[:, pl.ds(c0, WIN)]], axis=1)[:1, :]
        sqc = jnp.sum(xTf * xTf, axis=0, keepdims=True)
        G = jnp.dot(x16_ref[...], xTc, preferred_element_type=jnp.float32)
        d2 = (sqr + sqc) - 2.0 * G
        CW = 128 + WIN
        iotp = lax.broadcasted_iota(jnp.int32, (RB, CW), 1)
        invalid = 1e20 + iotp.astype(jnp.float32) * 1e13
        work = jnp.where(brow1 != bcolc, invalid, d2)
        cols = []
        for _ in range(K):
            im = jnp.argmin(work, axis=1).astype(jnp.int32)[:, None]
            cols.append(jnp.where(im < 128, im, im + (c0 - 128)))
            work = jnp.where(iotp == im, jnp.inf, work)
        idx_ref[...] = jnp.concatenate(cols, axis=1)

    @pl.when(jnp.logical_not(ok))
    def _():
        xT = xT_ref[...]
        sqc = jnp.sum(xT * xT, axis=0, keepdims=True)
        G = jnp.dot(x16_ref[...], xT16_ref[...],
                    preferred_element_type=jnp.float32)
        d2 = (sqr + sqc) - 2.0 * G
        work = jnp.where(brow1 != bcol_ref[...][:1, :], jnp.inf, d2)
        iot = lax.broadcasted_iota(jnp.int32, (RB, N), 1)
        _select_topk(work, iot, idx_ref)


def _knn(x, x16, brow, bcol, c0s, oks):
    dpad = x.shape[1]
    grid_spec = pltpu.PrefetchScalarGridSpec(
        num_scalar_prefetch=2,
        grid=(N // RB,),
        in_specs=[
            pl.BlockSpec((RB, dpad), lambda i, c, o: (i, 0)),
            pl.BlockSpec((dpad, N), lambda i, c, o: (0, 0)),
            pl.BlockSpec((RB, dpad), lambda i, c, o: (i, 0)),
            pl.BlockSpec((dpad, N), lambda i, c, o: (0, 0)),
            pl.BlockSpec((RB, 8), lambda i, c, o: (i, 0)),
            pl.BlockSpec((8, N), lambda i, c, o: (0, 0)),
        ],
        out_specs=pl.BlockSpec((RB, K), lambda i, c, o: (i, 0)),
    )
    return pl.pallas_call(
        _knn_body,
        grid_spec=grid_spec,
        out_shape=jax.ShapeDtypeStruct((N, K), jnp.int32),
        compiler_params=pltpu.CompilerParams(
            dimension_semantics=("parallel",)),
    )(c0s, oks, x, x.T, x16, x16.T, brow, bcol)


def _gather(x, idxf):
    dpad = x.shape[1]
    rows = idxf.shape[0]
    rpw = rows // NW
    grr = 2 * GRR
    ng = rpw // grr
    mesh = plsc.VectorSubcoreMesh(core_axis_name="c", subcore_axis_name="s")

    @functools.partial(
        pl.kernel,
        mesh=mesh,
        out_type=jax.ShapeDtypeStruct((rows, dpad), jnp.float32),
        scratch_types=[
            pltpu.VMEM((grr,), jnp.int32),
            pltpu.VMEM((grr, dpad), jnp.float32),
            pltpu.SemaphoreType.DMA,
        ],
    )
    def k(x_hbm, idx_hbm, out_hbm, idx_v, rows_v, sem):
        wid = lax.axis_index("s") * 2 + lax.axis_index("c")
        base = wid * rpw

        def group(g, carry):
            nb = base + g * grr
            pltpu.sync_copy(idx_hbm.at[pl.ds(nb, grr)], idx_v)
            pltpu.async_copy(x_hbm.at[idx_v], rows_v, sem).wait()
            pltpu.sync_copy(rows_v, out_hbm.at[pl.ds(nb, grr)])
            return carry

        lax.fori_loop(0, ng, group, 0)

    return k(x, idxf)


def _edge_body(x_ref, xj_ref, W_ref, b_ref, out_ref, *, dpad):
    xi = x_ref[...]
    xi16 = xi.astype(jnp.bfloat16)
    W = W_ref[...]
    b = b_ref[...]
    out = None
    for j in range(K):
        xj = xj_ref[j][:, :dpad]
        msg = jnp.concatenate([xi16, (xj - xi).astype(jnp.bfloat16)], axis=1)
        h = jnp.dot(msg, W, preferred_element_type=jnp.float32) + b
        out = h if out is None else jnp.maximum(out, h)
    out_ref[...] = out


def _edge(x, xj_all, W16, b):
    dpad = x.shape[1]
    gpad = xj_all.shape[2]
    dout = W16.shape[1]
    nb = N // RBM
    return pl.pallas_call(
        functools.partial(_edge_body, dpad=dpad),
        grid=(nb,),
        in_specs=[
            pl.BlockSpec((RBM, dpad), lambda i: (i, 0)),
            pl.BlockSpec((K, RBM, gpad), lambda i: (0, i, 0)),
            pl.BlockSpec((2 * dpad, dout), lambda i: (0, 0)),
            pl.BlockSpec((1, dout), lambda i: (0, 0)),
        ],
        out_specs=pl.BlockSpec((RBM, dout), lambda i: (i, 0)),
        out_shape=jax.ShapeDtypeStruct((N, dout), jnp.float32),
        compiler_params=pltpu.CompilerParams(
            dimension_semantics=("parallel",)),
    )(x, xj_all, W16, b)


def _head_body(x1, x2, x3, x4, brow_ref, bcol_ref, Wm1, bm1, Wa, ba, Wb, bb,
               Wc, bc, out_ref):
    cat = jnp.concatenate([x1[...], x2[...], x3[...], x4[...]], axis=1)
    o = jnp.dot(cat.astype(jnp.bfloat16), Wm1[...],
                preferred_element_type=jnp.float32) + bm1[...]
    bcol = bcol_ref[...][:1, :]
    seg = (lax.broadcasted_iota(jnp.int32, (8, N), 0) == bcol).astype(jnp.float32)
    sums = jnp.dot(seg, o, preferred_element_type=jnp.float32)
    counts = jnp.sum(seg, axis=1, keepdims=True)
    gmean = sums / jnp.maximum(counts, 1.0)
    brow = brow_ref[...][:, :1]
    gmax_rows = []
    for bi in range(8):
        mrow = jnp.max(jnp.where(brow == bi, o, -jnp.inf), axis=0, keepdims=True)
        gmax_rows.append(mrow)
    gmax = jnp.concatenate(gmax_rows, axis=0)
    gmax = jnp.where(counts > 0, gmax, 0.0)
    g = jnp.concatenate([gmax, gmean], axis=1)

    def leaky(v):
        return jnp.where(v >= 0, v, 0.2 * v)

    h = leaky(jnp.dot(g.astype(jnp.bfloat16), Wa[...],
                      preferred_element_type=jnp.float32) + ba[...])
    h = leaky(jnp.dot(h.astype(jnp.bfloat16), Wb[...],
                      preferred_element_type=jnp.float32) + bb[...])
    r = jnp.dot(h.astype(jnp.bfloat16), Wc[...],
                preferred_element_type=jnp.float32) + bc[...]
    out_ref[...] = jnp.pad(r, ((0, 0), (0, 128 - r.shape[1])))


def _head(x1, x2, x3, x4, brow, bcol, Wm1, bm1, Wa, ba, Wb, bb, Wc, bc):
    args = [x1, x2, x3, x4, brow, bcol, Wm1, bm1, Wa, ba, Wb, bb, Wc, bc]

    def full(s):
        return pl.BlockSpec(s, lambda: tuple(0 for _ in s))

    return pl.pallas_call(
        _head_body,
        in_specs=[full(a.shape) for a in args],
        out_specs=full((8, 128)),
        out_shape=jax.ShapeDtypeStruct((8, 128), jnp.float32),
    )(*args)


def kernel(pos, batch, W1, b1, W2, b2, W3, b3, W4, b4, Wm1, bm1, Wa, ba, Wb,
           bb, Wc, bc):
    pos = pos.astype(jnp.float32)
    batch = batch.astype(jnp.int32)
    brow = jnp.broadcast_to(batch[:, None], (N, 8))
    bcol = jnp.broadcast_to(batch[None, :], (8, N))

    x = jnp.pad(pos, ((0, 0), (0, 5)))
    W1p = jnp.concatenate([
        jnp.pad(W1[:3], ((0, 5), (0, 0))),
        jnp.pad(W1[3:], ((0, 5), (0, 0))),
    ], axis=0)

    starts = jnp.searchsorted(batch, jnp.arange(9, dtype=jnp.int32)).astype(jnp.int32)
    bi = jnp.arange(N // RB, dtype=jnp.int32)
    bf = batch[bi * RB]
    bl = batch[bi * RB + RB - 1]
    clo = starts[bf]
    chi = starts[bl + 1]
    c0s = (jnp.minimum(jnp.maximum(clo, 128), N - WIN) // 128) * 128
    oks = (chi - c0s <= WIN).astype(jnp.int32)

    layers = [(W1p, b1), (W2, b2), (W3, b3), (W4, b4)]
    feats = []
    for W, b in layers:
        x16 = x.astype(jnp.bfloat16)
        idx = _knn(x, x16, brow, bcol, c0s, oks)
        idxf = idx.T.reshape(-1)
        dpad = x.shape[1]
        xg = x if dpad >= 128 else jnp.pad(x, ((0, 0), (0, 128 - dpad)))
        gpad = xg.shape[1]
        xj_all = _gather(xg, idxf).reshape(K, N, gpad)
        x = _edge(x, xj_all, W.astype(jnp.bfloat16), b[None, :])
        feats.append(x)

    out = _head(*feats, brow, bcol, Wm1.astype(jnp.bfloat16), bm1[None, :],
                Wa.astype(jnp.bfloat16), ba[None, :],
                Wb.astype(jnp.bfloat16), bb[None, :],
                Wc.astype(jnp.bfloat16), bc[None, :])
    return out[:, :40]

# --- scband reference (transcript-rebuilt; emitter-appended) ---
"""Pipeline reference for scband-dgcnn-87067577025190 (READ-ONLY COPY).

The authoritative reference and input builder live on the scoring server;
editing this copy changes nothing except your own understanding.
"""

import jax, jax.numpy as jnp
import numpy as np

N = 4096
B = 8
K = 20
OUT = 40


def _lin_init(k, fi, fo):
    kw, kb = jax.random.split(k)
    W = jax.random.normal(kw, (fi, fo), jnp.float32) * (1.0 / np.sqrt(fi))
    b = jax.random.normal(kb, (fo,), jnp.float32) * 0.01
    return W, b


def setup_inputs(seed: int = 0) -> dict:
    key = jax.random.key(seed)
    ks = jax.random.split(key, 10)
    pos = jax.random.normal(ks[0], (N, 3), jnp.float32)
    batch = jnp.sort(jax.random.randint(ks[1], (N,), 0, B, dtype=jnp.int32))
    W1, b1 = _lin_init(ks[2], 2 * 3, 64)
    W2, b2 = _lin_init(ks[3], 2 * 64, 64)
    W3, b3 = _lin_init(ks[4], 2 * 64, 128)
    W4, b4 = _lin_init(ks[5], 2 * 128, 256)
    Wm1, bm1 = _lin_init(ks[6], 2 * 256, 1024)
    Wa, ba = _lin_init(ks[7], 2 * 1024, 512)
    Wb, bb = _lin_init(ks[8], 512, 256)
    Wc, bc = _lin_init(ks[9], 256, OUT)
    return dict(pos=pos, batch=batch, W1=W1, b1=b1, W2=W2, b2=b2, W3=W3, b3=b3,
                W4=W4, b4=b4, Wm1=Wm1, bm1=bm1, Wa=Wa, ba=ba, Wb=Wb, bb=bb, Wc=Wc, bc=bc)


def _knn_idx(x, batch, k):
    # kNN within each cloud (self included, matching torch_cluster.knn(x, x, k, b, b))
    sq = jnp.sum(x * x, axis=1)
    d2 = sq[:, None] + sq[None, :] - 2.0 * (x @ x.T)
    d2 = jnp.where(batch[:, None] != batch[None, :], jnp.inf, d2)
    _, idx = jax.lax.top_k(-d2, k)
    return idx


def _edge_conv(x, batch, W, b, k):
    # DynamicEdgeConv: nn(cat([x_i, x_j - x_i])) with max aggregation over k neighbors.
    # PyG MLP([2*d, d_out]) with plain_last=True is a single plain Linear layer
    # (BatchNorm in eval mode with fresh stats is identity; dropout is identity in eval).
    idx = _knn_idx(x, batch, k)
    xj = x[idx]                                   # [N, k, d] gather
    xi = jnp.broadcast_to(x[:, None, :], xj.shape)
    msg = jnp.concatenate([xi, xj - xi], axis=-1)  # [N, k, 2d]
    h = msg @ W + b
    return jnp.max(h, axis=1)                     # aggr='max'


def reference(pos, batch, W1, b1, W2, b2, W3, b3, W4, b4, Wm1, bm1, Wa, ba, Wb, bb, Wc, bc):
    pos = pos.astype(jnp.float32)
    x1 = _edge_conv(pos, batch, W1, b1, K)
    x2 = _edge_conv(x1, batch, W2, b2, K)
    x3 = _edge_conv(x2, batch, W3, b3, K)
    x4 = _edge_conv(x3, batch, W4, b4, K)
    out = jnp.concatenate([x1, x2, x3, x4], axis=1) @ Wm1 + bm1  # mlp1: single plain linear
    counts = jax.ops.segment_sum(jnp.ones((pos.shape[0],), jnp.float32), batch, num_segments=B)
    gmax = jax.ops.segment_max(out, batch, num_segments=B)
    gmax = jnp.where(counts[:, None] > 0, gmax, 0.0)
    gmean = jax.ops.segment_sum(out, batch, num_segments=B) / jnp.maximum(counts, 1.0)[:, None]
    g = jnp.concatenate([gmax, gmean], axis=1)    # [B, 2048]
    h = jax.nn.leaky_relu(g @ Wa + ba, 0.2)       # mlp2 hidden layers (BN/dropout identity in eval)
    h = jax.nn.leaky_relu(h @ Wb + bb, 0.2)
    return h @ Wc + bc                            # [B, OUT]

if __name__ == "__main__":
    import jax
    _d = setup_inputs()
    print(jax.jit(kernel)(*tuple(_d.values())))

</pallas_src>

<mosaic_0001>
#map = affine_map<(d0, d1) -> (0, 0)>
#map1 = affine_map<(d0, d1) -> (0)>
module attributes {stable_mosaic.version = 14 : i64} {
  func.func @k(%arg0: i32, %arg1: i32, %arg2: memref<4096x128xf32, #tpu.memory_space<hbm>>, %arg3: memref<81920xi32, #tpu.memory_space<hbm>>, %arg4: memref<81920x128xf32, #tpu.memory_space<hbm>>, %arg5: memref<128xi32, #tpu.memory_space<vmem>>, %arg6: memref<128x128xf32, #tpu.memory_space<vmem>>, %arg7: memref<!tpu.dma_semaphore, #tpu.memory_space<semaphore_mem>>) attributes {dimension_semantics = [#tpu.dimension_semantics<core_parallel>, #tpu.dimension_semantics<subcore_parallel>], iteration_bounds = array<i64: 2, 16>, scalar_prefetch = 0 : i64, scratch_operands = 3 : i64, tpu.core_type = #tpu.core_type<sc_vector_subcore>, window_params = [{transform_indices = #map}, {transform_indices = #map1}, {transform_indices = #map}]} {
    %mul3A = arith.constant 2 : i32
    %mul3A_0 = arith.muli %arg1, %mul3A : i32
    %add3A = arith.addi %mul3A_0, %arg0 : i32
    %mul3A_1 = arith.constant 2560 : i32
    %mul3A_2 = arith.muli %add3A, %mul3A_1 : i32
    %scan3A = arith.constant 0 : i32
    %scan3A_3 = arith.constant 0 : i32
    %scan3A_4 = arith.constant 20 : i32
    %scan3A_5 = arith.addi %scan3A_3, %scan3A_4 : i32
    %scan3A_6 = arith.constant 1 : i32
    scf.for %scan3A_8 = %scan3A_3 to %scan3A_5 step %scan3A_6  : i32 {
      %mul3A_9 = arith.constant 128 : i32
      %mul3A_10 = arith.muli %scan3A_8, %mul3A_9 : i32
      %add3A_11 = arith.addi %mul3A_2, %mul3A_10 : i32
      "tpu.region"() ({
        %run_scoped3A = tpu.sem_alloc : memref<!tpu.dma_semaphore, #tpu.memory_space<semaphore_mem>>
        %dma_start3A_16 = tpu.memref_slice %arg3[%add3A_11] : memref<81920xi32, #tpu.memory_space<hbm>> -> memref<128xi32, #tpu.memory_space<hbm>>
        %dma_start3A_17 = tpu.memref_slice %arg3[%add3A_11] : memref<81920xi32, #tpu.memory_space<hbm>> -> memref<128xi32, #tpu.memory_space<hbm>>
        tpu.enqueue_dma source(%dma_start3A_17 : memref<128xi32, #tpu.memory_space<hbm>>) target(%arg5 : memref<128xi32, #tpu.memory_space<vmem>>) target_semaphore(%run_scoped3A : memref<!tpu.dma_semaphore, #tpu.memory_space<semaphore_mem>>)
        %dma_wait3A_18 = tpu.memref_slice %arg3[%add3A_11] : memref<81920xi32, #tpu.memory_space<hbm>> -> memref<128xi32, #tpu.memory_space<hbm>>
        %dma_wait3A_19 = tpu.memref_slice %arg3[%add3A_11] : memref<81920xi32, #tpu.memory_space<hbm>> -> memref<128xi32, #tpu.memory_space<hbm>>
        tpu.wait_dma2 semaphore(%run_scoped3A : memref<!tpu.dma_semaphore, #tpu.memory_space<semaphore_mem>>) src(%dma_wait3A_19 : memref<128xi32, #tpu.memory_space<hbm>>) dst(%arg5 : memref<128xi32, #tpu.memory_space<vmem>>)
        tpu.yield
      }) : () -> ()
      %dma_start3A = arith.constant 0 : i32
      %dma_start3A_12 = arith.constant 0 : i32
      %dma_start3A_13 = tpu.memref_slice %arg2[%dma_start3A, %dma_start3A_12] : memref<4096x128xf32, #tpu.memory_space<hbm>> -> memref<4096x128xf32, #tpu.memory_space<hbm>>
      tpu.enqueue_indirect_dma source(%dma_start3A_13 : memref<4096x128xf32, #tpu.memory_space<hbm>>) target(%arg6 : memref<128x128xf32, #tpu.memory_space<vmem>>) offsets(%arg5 : memref<128xi32, #tpu.memory_space<vmem>>) semaphore(%arg7 : memref<!tpu.dma_semaphore, #tpu.memory_space<semaphore_mem>>)
      %dma_wait3A = arith.constant 0 : i32
      %dma_wait3A_14 = arith.constant 0 : i32
      %dma_wait3A_15 = tpu.memref_slice %arg2[%dma_wait3A, %dma_wait3A_14] : memref<4096x128xf32, #tpu.memory_space<hbm>> -> memref<4096x128xf32, #tpu.memory_space<hbm>>
      tpu.wait_indirect_dma semaphore(%arg7 : memref<!tpu.dma_semaphore, #tpu.memory_space<semaphore_mem>>) src(%dma_wait3A_15 : memref<4096x128xf32, #tpu.memory_space<hbm>>) dst(%arg6 : memref<128x128xf32, #tpu.memory_space<vmem>>)
      "tpu.region"() ({
        %run_scoped3A = tpu.sem_alloc : memref<!tpu.dma_semaphore, #tpu.memory_space<semaphore_mem>>
        %dma_start3A_16 = arith.constant 0 : i32
        %dma_start3A_17 = tpu.memref_slice %arg4[%add3A_11, %dma_start3A_16] : memref<81920x128xf32, #tpu.memory_space<hbm>> -> memref<128x128xf32, #tpu.memory_space<hbm>>
        %dma_start3A_18 = arith.constant 0 : i32
        %dma_start3A_19 = tpu.memref_slice %arg4[%add3A_11, %dma_start3A_18] : memref<81920x128xf32, #tpu.memory_space<hbm>> -> memref<128x128xf32, #tpu.memory_space<hbm>>
        tpu.enqueue_dma source(%arg6 : memref<128x128xf32, #tpu.memory_space<vmem>>) target(%dma_start3A_19 : memref<128x128xf32, #tpu.memory_space<hbm>>) target_semaphore(%run_scoped3A : memref<!tpu.dma_semaphore, #tpu.memory_space<semaphore_mem>>)
        %dma_wait3A_20 = arith.constant 0 : i32
        %dma_wait3A_21 = tpu.memref_slice %arg4[%add3A_11, %dma_wait3A_20] : memref<81920x128xf32, #tpu.memory_space<hbm>> -> memref<128x128xf32, #tpu.memory_space<hbm>>
        %dma_wait3A_22 = arith.constant 0 : i32
        %dma_wait3A_23 = tpu.memref_slice %arg4[%add3A_11, %dma_wait3A_22] : memref<81920x128xf32, #tpu.memory_space<hbm>> -> memref<128x128xf32, #tpu.memory_space<hbm>>
        tpu.wait_dma2 semaphore(%run_scoped3A : memref<!tpu.dma_semaphore, #tpu.memory_space<semaphore_mem>>) src(%arg6 : memref<128x128xf32, #tpu.memory_space<vmem>>) dst(%dma_wait3A_23 : memref<128x128xf32, #tpu.memory_space<hbm>>)
        tpu.yield
      }) : () -> ()
    }
    %scan3A_7 = arith.constant 20 : i32
    return
  }
}

#map = affine_map<(d0, d1) -> (0, 0)>
#map1 = affine_map<(d0, d1) -> (0)>
module attributes {stable_mosaic.version = 14 : i64} {
  func.func @k(%arg0: i32, %arg1: i32, %arg2: memref<4096x128xf32, #tpu.memory_space<hbm>>, %arg3: memref<81920xi32, #tpu.memory_space<hbm>>, %arg4: memref<81920x128xf32, #tpu.memory_space<hbm>>, %arg5: memref<128xi32, #tpu.memory_space<vmem>>, %arg6: memref<128x128xf32, #tpu.memory_space<vmem>>, %arg7: memref<!tpu.dma_semaphore, #tpu.memory_space<semaphore_mem>>) attributes {dimension_semantics = [#tpu.dimension_semantics<core_parallel>, #tpu.dimension_semantics<subcore_parallel>], iteration_bounds = array<i64: 2, 16>, scalar_prefetch = 0 : i64, scratch_operands = 3 : i64, tpu.core_type = #tpu.core_type<sc_vector_subcore>, window_params = [{transform_indices = #map}, {transform_indices = #map1}, {transform_indices = #map}]} {
    %mul3A = arith.constant 2 : i32
    %mul3A_0 = arith.muli %arg1, %mul3A : i32
    %add3A = arith.addi %mul3A_0, %arg0 : i32
    %mul3A_1 = arith.constant 2560 : i32
    %mul3A_2 = arith.muli %add3A, %mul3A_1 : i32
    %scan3A = arith.constant 0 : i32
    %scan3A_3 = arith.constant 0 : i32
    %scan3A_4 = arith.constant 20 : i32
    %scan3A_5 = arith.addi %scan3A_3, %scan3A_4 : i32
    %scan3A_6 = arith.constant 1 : i32
    scf.for %scan3A_8 = %scan3A_3 to %scan3A_5 step %scan3A_6  : i32 {
      %mul3A_9 = arith.constant 128 : i32
      %mul3A_10 = arith.muli %scan3A_8, %mul3A_9 : i32
      %add3A_11 = arith.addi %mul3A_2, %mul3A_10 : i32
      "tpu.region"() ({
        %run_scoped3A = tpu.sem_alloc : memref<!tpu.dma_semaphore, #tpu.memory_space<semaphore_mem>>
        %dma_start3A_16 = tpu.memref_slice %arg3[%add3A_11] : memref<81920xi32, #tpu.memory_space<hbm>> -> memref<128xi32, #tpu.memory_space<hbm>>
        %dma_start3A_17 = tpu.memref_slice %arg3[%add3A_11] : memref<81920xi32, #tpu.memory_space<hbm>> -> memref<128xi32, #tpu.memory_space<hbm>>
        tpu.enqueue_dma source(%dma_start3A_17 : memref<128xi32, #tpu.memory_space<hbm>>) target(%arg5 : memref<128xi32, #tpu.memory_space<vmem>>) target_semaphore(%run_scoped3A : memref<!tpu.dma_semaphore, #tpu.memory_space<semaphore_mem>>)
        %dma_wait3A_18 = tpu.memref_slice %arg3[%add3A_11] : memref<81920xi32, #tpu.memory_space<hbm>> -> memref<128xi32, #tpu.memory_space<hbm>>
        %dma_wait3A_19 = tpu.memref_slice %arg3[%add3A_11] : memref<81920xi32, #tpu.memory_space<hbm>> -> memref<128xi32, #tpu.memory_space<hbm>>
        tpu.wait_dma2 semaphore(%run_scoped3A : memref<!tpu.dma_semaphore, #tpu.memory_space<semaphore_mem>>) src(%dma_wait3A_19 : memref<128xi32, #tpu.memory_space<hbm>>) dst(%arg5 : memref<128xi32, #tpu.memory_space<vmem>>)
        tpu.yield
      }) : () -> ()
      %dma_start3A = arith.constant 0 : i32
      %dma_start3A_12 = arith.constant 0 : i32
      %dma_start3A_13 = tpu.memref_slice %arg2[%dma_start3A, %dma_start3A_12] : memref<4096x128xf32, #tpu.memory_space<hbm>> -> memref<4096x128xf32, #tpu.memory_space<hbm>>
      tpu.enqueue_indirect_dma source(%dma_start3A_13 : memref<4096x128xf32, #tpu.memory_space<hbm>>) target(%arg6 : memref<128x128xf32, #tpu.memory_space<vmem>>) offsets(%arg5 : memref<128xi32, #tpu.memory_space<vmem>>) semaphore(%arg7 : memref<!tpu.dma_semaphore, #tpu.memory_space<semaphore_mem>>)
      %dma_wait3A = arith.constant 0 : i32
      %dma_wait3A_14 = arith.constant 0 : i32
      %dma_wait3A_15 = tpu.memref_slice %arg2[%dma_wait3A, %dma_wait3A_14] : memref<4096x128xf32, #tpu.memory_space<hbm>> -> memref<4096x128xf32, #tpu.memory_space<hbm>>
      tpu.wait_indirect_dma semaphore(%arg7 : memref<!tpu.dma_semaphore, #tpu.memory_space<semaphore_mem>>) src(%dma_wait3A_15 : memref<4096x128xf32, #tpu.memory_space<hbm>>) dst(%arg6 : memref<128x128xf32, #tpu.memory_space<vmem>>)
      "tpu.region"() ({
        %run_scoped3A = tpu.sem_alloc : memref<!tpu.dma_semaphore, #tpu.memory_space<semaphore_mem>>
        %dma_start3A_16 = arith.constant 0 : i32
        %dma_start3A_17 = tpu.memref_slice %arg4[%add3A_11, %dma_start3A_16] : memref<81920x128xf32, #tpu.memory_space<hbm>> -> memref<128x128xf32, #tpu.memory_space<hbm>>
        %dma_start3A_18 = arith.constant 0 : i32
        %dma_start3A_19 = tpu.memref_slice %arg4[%add3A_11, %dma_start3A_18] : memref<81920x128xf32, #tpu.memory_space<hbm>> -> memref<128x128xf32, #tpu.memory_space<hbm>>
        tpu.enqueue_dma source(%arg6 : memref<128x128xf32, #tpu.memory_space<vmem>>) target(%dma_start3A_19 : memref<128x128xf32, #tpu.memory_space<hbm>>) target_semaphore(%run_scoped3A : memref<!tpu.dma_semaphore, #tpu.memory_space<semaphore_mem>>)
        %dma_wait3A_20 = arith.constant 0 : i32
        %dma_wait3A_21 = tpu.memref_slice %arg4[%add3A_11, %dma_wait3A_20] : memref<81920x128xf32, #tpu.memory_space<hbm>> -> memref<128x128xf32, #tpu.memory_space<hbm>>
        %dma_wait3A_22 = arith.constant 0 : i32
        %dma_wait3A_23 = tpu.memref_slice %arg4[%add3A_11, %dma_wait3A_22] : memref<81920x128xf32, #tpu.memory_space<hbm>> -> memref<128x128xf32, #tpu.memory_space<hbm>>
        tpu.wait_dma2 semaphore(%run_scoped3A : memref<!tpu.dma_semaphore, #tpu.memory_space<semaphore_mem>>) src(%arg6 : memref<128x128xf32, #tpu.memory_space<vmem>>) dst(%dma_wait3A_23 : memref<128x128xf32, #tpu.memory_space<hbm>>)
        tpu.yield
      }) : () -> ()
    }
    %scan3A_7 = arith.constant 20 : i32
    return
  }
}

#map = affine_map<(d0, d1) -> (0, 0)>
#map1 = affine_map<(d0, d1) -> (0)>
module attributes {stable_mosaic.version = 14 : i64} {
  func.func @k(%arg0: i32, %arg1: i32, %arg2: memref<4096x128xf32, #tpu.memory_space<hbm>>, %arg3: memref<81920xi32, #tpu.memory_space<hbm>>, %arg4: memref<81920x128xf32, #tpu.memory_space<hbm>>, %arg5: memref<128xi32, #tpu.memory_space<vmem>>, %arg6: memref<128x128xf32, #tpu.memory_space<vmem>>, %arg7: memref<!tpu.dma_semaphore, #tpu.memory_space<semaphore_mem>>) attributes {dimension_semantics = [#tpu.dimension_semantics<core_parallel>, #tpu.dimension_semantics<subcore_parallel>], iteration_bounds = array<i64: 2, 16>, scalar_prefetch = 0 : i64, scratch_operands = 3 : i64, tpu.core_type = #tpu.core_type<sc_vector_subcore>, window_params = [{transform_indices = #map}, {transform_indices = #map1}, {transform_indices = #map}]} {
    %mul3A = arith.constant 2 : i32
    %mul3A_0 = arith.muli %arg1, %mul3A : i32
    %add3A = arith.addi %mul3A_0, %arg0 : i32
    %mul3A_1 = arith.constant 2560 : i32
    %mul3A_2 = arith.muli %add3A, %mul3A_1 : i32
    %scan3A = arith.constant 0 : i32
    %scan3A_3 = arith.constant 0 : i32
    %scan3A_4 = arith.constant 20 : i32
    %scan3A_5 = arith.addi %scan3A_3, %scan3A_4 : i32
    %scan3A_6 = arith.constant 1 : i32
    scf.for %scan3A_8 = %scan3A_3 to %scan3A_5 step %scan3A_6  : i32 {
      %mul3A_9 = arith.constant 128 : i32
      %mul3A_10 = arith.muli %scan3A_8, %mul3A_9 : i32
      %add3A_11 = arith.addi %mul3A_2, %mul3A_10 : i32
      "tpu.region"() ({
        %run_scoped3A = tpu.sem_alloc : memref<!tpu.dma_semaphore, #tpu.memory_space<semaphore_mem>>
        %dma_start3A_16 = tpu.memref_slice %arg3[%add3A_11] : memref<81920xi32, #tpu.memory_space<hbm>> -> memref<128xi32, #tpu.memory_space<hbm>>
        %dma_start3A_17 = tpu.memref_slice %arg3[%add3A_11] : memref<81920xi32, #tpu.memory_space<hbm>> -> memref<128xi32, #tpu.memory_space<hbm>>
        tpu.enqueue_dma source(%dma_start3A_17 : memref<128xi32, #tpu.memory_space<hbm>>) target(%arg5 : memref<128xi32, #tpu.memory_space<vmem>>) target_semaphore(%run_scoped3A : memref<!tpu.dma_semaphore, #tpu.memory_space<semaphore_mem>>)
        %dma_wait3A_18 = tpu.memref_slice %arg3[%add3A_11] : memref<81920xi32, #tpu.memory_space<hbm>> -> memref<128xi32, #tpu.memory_space<hbm>>
        %dma_wait3A_19 = tpu.memref_slice %arg3[%add3A_11] : memref<81920xi32, #tpu.memory_space<hbm>> -> memref<128xi32, #tpu.memory_space<hbm>>
        tpu.wait_dma2 semaphore(%run_scoped3A : memref<!tpu.dma_semaphore, #tpu.memory_space<semaphore_mem>>) src(%dma_wait3A_19 : memref<128xi32, #tpu.memory_space<hbm>>) dst(%arg5 : memref<128xi32, #tpu.memory_space<vmem>>)
        tpu.yield
      }) : () -> ()
      %dma_start3A = arith.constant 0 : i32
      %dma_start3A_12 = arith.constant 0 : i32
      %dma_start3A_13 = tpu.memref_slice %arg2[%dma_start3A, %dma_start3A_12] : memref<4096x128xf32, #tpu.memory_space<hbm>> -> memref<4096x128xf32, #tpu.memory_space<hbm>>
      tpu.enqueue_indirect_dma source(%dma_start3A_13 : memref<4096x128xf32, #tpu.memory_space<hbm>>) target(%arg6 : memref<128x128xf32, #tpu.memory_space<vmem>>) offsets(%arg5 : memref<128xi32, #tpu.memory_space<vmem>>) semaphore(%arg7 : memref<!tpu.dma_semaphore, #tpu.memory_space<semaphore_mem>>)
      %dma_wait3A = arith.constant 0 : i32
      %dma_wait3A_14 = arith.constant 0 : i32
      %dma_wait3A_15 = tpu.memref_slice %arg2[%dma_wait3A, %dma_wait3A_14] : memref<4096x128xf32, #tpu.memory_space<hbm>> -> memref<4096x128xf32, #tpu.memory_space<hbm>>
      tpu.wait_indirect_dma semaphore(%arg7 : memref<!tpu.dma_semaphore, #tpu.memory_space<semaphore_mem>>) src(%dma_wait3A_15 : memref<4096x128xf32, #tpu.memory_space<hbm>>) dst(%arg6 : memref<128x128xf32, #tpu.memory_space<vmem>>)
      "tpu.region"() ({
        %run_scoped3A = tpu.sem_alloc : memref<!tpu.dma_semaphore, #tpu.memory_space<semaphore_mem>>
        %dma_start3A_16 = arith.constant 0 : i32
        %dma_start3A_17 = tpu.memref_slice %arg4[%add3A_11, %dma_start3A_16] : memref<81920x128xf32, #tpu.memory_space<hbm>> -> memref<128x128xf32, #tpu.memory_space<hbm>>
        %dma_start3A_18 = arith.constant 0 : i32
        %dma_start3A_19 = tpu.memref_slice %arg4[%add3A_11, %dma_start3A_18] : memref<81920x128xf32, #tpu.memory_space<hbm>> -> memref<128x128xf32, #tpu.memory_space<hbm>>
        tpu.enqueue_dma source(%arg6 : memref<128x128xf32, #tpu.memory_space<vmem>>) target(%dma_start3A_19 : memref<128x128xf32, #tpu.memory_space<hbm>>) target_semaphore(%run_scoped3A : memref<!tpu.dma_semaphore, #tpu.memory_space<semaphore_mem>>)
        %dma_wait3A_20 = arith.constant 0 : i32
        %dma_wait3A_21 = tpu.memref_slice %arg4[%add3A_11, %dma_wait3A_20] : memref<81920x128xf32, #tpu.memory_space<hbm>> -> memref<128x128xf32, #tpu.memory_space<hbm>>
        %dma_wait3A_22 = arith.constant 0 : i32
        %dma_wait3A_23 = tpu.memref_slice %arg4[%add3A_11, %dma_wait3A_22] : memref<81920x128xf32, #tpu.memory_space<hbm>> -> memref<128x128xf32, #tpu.memory_space<hbm>>
        tpu.wait_dma2 semaphore(%run_scoped3A : memref<!tpu.dma_semaphore, #tpu.memory_space<semaphore_mem>>) src(%arg6 : memref<128x128xf32, #tpu.memory_space<vmem>>) dst(%dma_wait3A_23 : memref<128x128xf32, #tpu.memory_space<hbm>>)
        tpu.yield
      }) : () -> ()
    }
    %scan3A_7 = arith.constant 20 : i32
    return
  }
}

#map = affine_map<(d0, d1) -> (0, 0)>
#map1 = affine_map<(d0, d1) -> (0)>
module attributes {stable_mosaic.version = 14 : i64} {
  func.func @k(%arg0: i32, %arg1: i32, %arg2: memref<4096x128xf32, #tpu.memory_space<hbm>>, %arg3: memref<81920xi32, #tpu.memory_space<hbm>>, %arg4: memref<81920x128xf32, #tpu.memory_space<hbm>>, %arg5: memref<128xi32, #tpu.memory_space<vmem>>, %arg6: memref<128x128xf32, #tpu.memory_space<vmem>>, %arg7: memref<!tpu.dma_semaphore, #tpu.memory_space<semaphore_mem>>) attributes {dimension_semantics = [#tpu.dimension_semantics<core_parallel>, #tpu.dimension_semantics<subcore_parallel>], iteration_bounds = array<i64: 2, 16>, scalar_prefetch = 0 : i64, scratch_operands = 3 : i64, tpu.core_type = #tpu.core_type<sc_vector_subcore>, window_params = [{transform_indices = #map}, {transform_indices = #map1}, {transform_indices = #map}]} {
    %mul3A = arith.constant 2 : i32
    %mul3A_0 = arith.muli %arg1, %mul3A : i32
    %add3A = arith.addi %mul3A_0, %arg0 : i32
    %mul3A_1 = arith.constant 2560 : i32
    %mul3A_2 = arith.muli %add3A, %mul3A_1 : i32
    %scan3A = arith.constant 0 : i32
    %scan3A_3 = arith.constant 0 : i32
    %scan3A_4 = arith.constant 20 : i32
    %scan3A_5 = arith.addi %scan3A_3, %scan3A_4 : i32
    %scan3A_6 = arith.constant 1 : i32
    scf.for %scan3A_8 = %scan3A_3 to %scan3A_5 step %scan3A_6  : i32 {
      %mul3A_9 = arith.constant 128 : i32
      %mul3A_10 = arith.muli %scan3A_8, %mul3A_9 : i32
      %add3A_11 = arith.addi %mul3A_2, %mul3A_10 : i32
      "tpu.region"() ({
        %run_scoped3A = tpu.sem_alloc : memref<!tpu.dma_semaphore, #tpu.memory_space<semaphore_mem>>
        %dma_start3A_16 = tpu.memref_slice %arg3[%add3A_11] : memref<81920xi32, #tpu.memory_space<hbm>> -> memref<128xi32, #tpu.memory_space<hbm>>
        %dma_start3A_17 = tpu.memref_slice %arg3[%add3A_11] : memref<81920xi32, #tpu.memory_space<hbm>> -> memref<128xi32, #tpu.memory_space<hbm>>
        tpu.enqueue_dma source(%dma_start3A_17 : memref<128xi32, #tpu.memory_space<hbm>>) target(%arg5 : memref<128xi32, #tpu.memory_space<vmem>>) target_semaphore(%run_scoped3A : memref<!tpu.dma_semaphore, #tpu.memory_space<semaphore_mem>>)
        %dma_wait3A_18 = tpu.memref_slice %arg3[%add3A_11] : memref<81920xi32, #tpu.memory_space<hbm>> -> memref<128xi32, #tpu.memory_space<hbm>>
        %dma_wait3A_19 = tpu.memref_slice %arg3[%add3A_11] : memref<81920xi32, #tpu.memory_space<hbm>> -> memref<128xi32, #tpu.memory_space<hbm>>
        tpu.wait_dma2 semaphore(%run_scoped3A : memref<!tpu.dma_semaphore, #tpu.memory_space<semaphore_mem>>) src(%dma_wait3A_19 : memref<128xi32, #tpu.memory_space<hbm>>) dst(%arg5 : memref<128xi32, #tpu.memory_space<vmem>>)
        tpu.yield
      }) : () -> ()
      %dma_start3A = arith.constant 0 : i32
      %dma_start3A_12 = arith.constant 0 : i32
      %dma_start3A_13 = tpu.memref_slice %arg2[%dma_start3A, %dma_start3A_12] : memref<4096x128xf32, #tpu.memory_space<hbm>> -> memref<4096x128xf32, #tpu.memory_space<hbm>>
      tpu.enqueue_indirect_dma source(%dma_start3A_13 : memref<4096x128xf32, #tpu.memory_space<hbm>>) target(%arg6 : memref<128x128xf32, #tpu.memory_space<vmem>>) offsets(%arg5 : memref<128xi32, #tpu.memory_space<vmem>>) semaphore(%arg7 : memref<!tpu.dma_semaphore, #tpu.memory_space<semaphore_mem>>)
      %dma_wait3A = arith.constant 0 : i32
      %dma_wait3A_14 = arith.constant 0 : i32
      %dma_wait3A_15 = tpu.memref_slice %arg2[%dma_wait3A, %dma_wait3A_14] : memref<4096x128xf32, #tpu.memory_space<hbm>> -> memref<4096x128xf32, #tpu.memory_space<hbm>>
      tpu.wait_indirect_dma semaphore(%arg7 : memref<!tpu.dma_semaphore, #tpu.memory_space<semaphore_mem>>) src(%dma_wait3A_15 : memref<4096x128xf32, #tpu.memory_space<hbm>>) dst(%arg6 : memref<128x128xf32, #tpu.memory_space<vmem>>)
      "tpu.region"() ({
        %run_scoped3A = tpu.sem_alloc : memref<!tpu.dma_semaphore, #tpu.memory_space<semaphore_mem>>
        %dma_start3A_16 = arith.constant 0 : i32
        %dma_start3A_17 = tpu.memref_slice %arg4[%add3A_11, %dma_start3A_16] : memref<81920x128xf32, #tpu.memory_space<hbm>> -> memref<128x128xf32, #tpu.memory_space<hbm>>
        %dma_start3A_18 = arith.constant 0 : i32
        %dma_start3A_19 = tpu.memref_slice %arg4[%add3A_11, %dma_start3A_18] : memref<81920x128xf32, #tpu.memory_space<hbm>> -> memref<128x128xf32, #tpu.memory_space<hbm>>
        tpu.enqueue_dma source(%arg6 : memref<128x128xf32, #tpu.memory_space<vmem>>) target(%dma_start3A_19 : memref<128x128xf32, #tpu.memory_space<hbm>>) target_semaphore(%run_scoped3A : memref<!tpu.dma_semaphore, #tpu.memory_space<semaphore_mem>>)
        %dma_wait3A_20 = arith.constant 0 : i32
        %dma_wait3A_21 = tpu.memref_slice %arg4[%add3A_11, %dma_wait3A_20] : memref<81920x128xf32, #tpu.memory_space<hbm>> -> memref<128x128xf32, #tpu.memory_space<hbm>>
        %dma_wait3A_22 = arith.constant 0 : i32
        %dma_wait3A_23 = tpu.memref_slice %arg4[%add3A_11, %dma_wait3A_22] : memref<81920x128xf32, #tpu.memory_space<hbm>> -> memref<128x128xf32, #tpu.memory_space<hbm>>
        tpu.wait_dma2 semaphore(%run_scoped3A : memref<!tpu.dma_semaphore, #tpu.memory_space<semaphore_mem>>) src(%arg6 : memref<128x128xf32, #tpu.memory_space<vmem>>) dst(%dma_wait3A_23 : memref<128x128xf32, #tpu.memory_space<hbm>>)
        tpu.yield
      }) : () -> ()
    }
    %scan3A_7 = arith.constant 20 : i32
    return
  }
}

module attributes {stable_mosaic.version = 14 : i64} {
  func.func @_knn_body(%arg0: i32, %arg1: memref<16xi32, #tpu.memory_space<smem>>, %arg2: memref<16xi32, #tpu.memory_space<smem>>, %arg3: memref<256x8xf32, #tpu.memory_space<vmem>>, %arg4: memref<8x4096xf32, #tpu.memory_space<vmem>>, %arg5: memref<256x8xbf16, #tpu.memory_space<vmem>>, %arg6: memref<8x4096xbf16, #tpu.memory_space<vmem>>, %arg7: memref<256x8xi32, #tpu.memory_space<vmem>>, %arg8: memref<8x4096xi32, #tpu.memory_space<vmem>>, %arg9: memref<256x20xi32, #tpu.memory_space<vmem>>) attributes {dimension_semantics = [#tpu.dimension_semantics<parallel>], iteration_bounds = array<i64: 16>, scalar_prefetch = 2 : i64, scratch_operands = 0 : i64, tpu.core_type = #tpu.core_type<tc>, window_params = [{transform_indices = @transform_0, window_bounds = array<i64: 256, 8>}, {pipeline_mode = #tpu.pipeline_mode<synchronous>, transform_indices = @transform_1, window_bounds = array<i64: 8, 4096>}, {transform_indices = @transform_2, window_bounds = array<i64: 256, 8>}, {pipeline_mode = #tpu.pipeline_mode<synchronous>, transform_indices = @transform_3, window_bounds = array<i64: 8, 4096>}, {transform_indices = @transform_4, window_bounds = array<i64: 256, 8>}, {pipeline_mode = #tpu.pipeline_mode<synchronous>, transform_indices = @transform_5, window_bounds = array<i64: 8, 4096>}, {transform_indices = @transform_6, window_bounds = array<i64: 256, 20>}]} {
    %get3A = arith.constant 0 : index
    %get3A_0 = arith.constant 0 : index
    %get3A_1 = vector.load %arg3[%get3A, %get3A_0] : memref<256x8xf32, #tpu.memory_space<vmem>>, vector<256x8xf32>
    %mul3A = arith.mulf %get3A_1, %get3A_1 : vector<256x8xf32>
    %reduce_sum3A = arith.constant dense<0.000000e+00> : vector<256xf32>
    %reduce_sum3A_2 = vector.multi_reduction <add>, %mul3A, %reduce_sum3A [1] : vector<256x8xf32> to vector<256xf32>
    %broadcast_in_dim3A = vector.shape_cast %reduce_sum3A_2 : vector<256xf32> to vector<256x1xf32>
    %get3A_3 = arith.constant 0 : index
    %get3A_4 = arith.constant 0 : index
    %get3A_5 = vector.load %arg7[%get3A_3, %get3A_4] : memref<256x8xi32, #tpu.memory_space<vmem>>, vector<256x8xi32>
    %slice3A = vector.extract_strided_slice %get3A_5 {offsets = [0, 0], sizes = [256, 1], strides = [1, 1]} : vector<256x8xi32> to vector<256x1xi32>
    %get3A_6 = arith.index_cast %arg0 : i32 to index
    %get3A_7 = memref.load %arg1[%get3A_6] : memref<16xi32, #tpu.memory_space<smem>>
    %multiple_of3A = tpu.assume_multiple %get3A_7, 128 : i32
    %get3A_8 = arith.index_cast %arg0 : i32 to index
    %get3A_9 = memref.load %arg2[%get3A_8] : memref<16xi32, #tpu.memory_space<smem>>
    %eq3A = arith.constant 1 : i32
    %eq3A_10 = arith.cmpi eq, %get3A_9, %eq3A : i32
    %convert_element_type3A = arith.extui %eq3A_10 : i1 to i32
    %cond3A = arith.constant 0 : i32
    %cond3A_11 = arith.cmpi ne, %convert_element_type3A, %cond3A : i32
    scf.if %cond3A_11 {
      %get3A_16 = arith.constant 0 : index
      %get3A_17 = arith.constant 0 : index
      %get3A_18 = vector.load %arg4[%get3A_16, %get3A_17] : memref<8x4096xf32, #tpu.memory_space<vmem>>, vector<8x128xf32>
      %get3A_19 = arith.constant 0 : index
      %get3A_20 = arith.index_cast %multiple_of3A : i32 to index
      %get3A_21 = vector.load %arg4[%get3A_19, %get3A_20] : memref<8x4096xf32, #tpu.memory_space<vmem>>, vector<8x1280xf32>
      %concatenate3A = tpu.concatenate %get3A_18, %get3A_21 in 1 : vector<8x128xf32>, vector<8x1280xf32> -> vector<8x1408xf32>
      %get3A_22 = arith.constant 0 : index
      %get3A_23 = arith.constant 0 : index
      %get3A_24 = vector.load %arg6[%get3A_22, %get3A_23] : memref<8x4096xbf16, #tpu.memory_space<vmem>>, vector<8x128xbf16>
      %get3A_25 = arith.constant 0 : index
      %get3A_26 = arith.index_cast %multiple_of3A : i32 to index
      %get3A_27 = vector.load %arg6[%get3A_25, %get3A_26] : memref<8x4096xbf16, #tpu.memory_space<vmem>>, vector<8x1280xbf16>
      %concatenate3A_28 = tpu.concatenate %get3A_24, %get3A_27 in 1 : vector<8x128xbf16>, vector<8x1280xbf16> -> vector<8x1408xbf16>
      %get3A_29 = arith.constant 0 : index
      %get3A_30 = arith.constant 0 : index
      %get3A_31 = vector.load %arg8[%get3A_29, %get3A_30] : memref<8x4096xi32, #tpu.memory_space<vmem>>, vector<8x128xi32>
      %get3A_32 = arith.constant 0 : index
      %get3A_33 = arith.index_cast %multiple_of3A : i32 to index
      %get3A_34 = vector.load %arg8[%get3A_32, %get3A_33] : memref<8x4096xi32, #tpu.memory_space<vmem>>, vector<8x1280xi32>
      %concatenate3A_35 = tpu.concatenate %get3A_31, %get3A_34 in 1 : vector<8x128xi32>, vector<8x1280xi32> -> vector<8x1408xi32>
      %slice3A_36 = vector.extract_strided_slice %concatenate3A_35 {offsets = [0, 0], sizes = [1, 1408], strides = [1, 1]} : vector<8x1408xi32> to vector<1x1408xi32>
      %mul3A_37 = arith.mulf %concatenate3A, %concatenate3A : vector<8x1408xf32>
      %reduce_sum3A_38 = arith.constant dense<0.000000e+00> : vector<1408xf32>
      %reduce_sum3A_39 = vector.multi_reduction <add>, %mul3A_37, %reduce_sum3A_38 [0] : vector<8x1408xf32> to vector<1408xf32>
      %broadcast_in_dim3A_40 = vector.shape_cast %reduce_sum3A_39 : vector<1408xf32> to vector<1x1408xf32>
      %get3A_41 = arith.constant 0 : index
      %get3A_42 = arith.constant 0 : index
      %get3A_43 = vector.load %arg5[%get3A_41, %get3A_42] : memref<256x8xbf16, #tpu.memory_space<vmem>>, vector<256x8xbf16>
      %dot_general3A = arith.constant dense<0.000000e+00> : vector<256x1408xf32>
      %dot_general3A_44 = tpu.matmul %get3A_43, %concatenate3A_28, %dot_general3A {dimension_numbers = #tpu.dot_dimension_numbers<[1], [0], [0], [1], [0, 0, 1, 1], [], []>, transpose_lhs_hint = false} : vector<256x8xbf16>, vector<8x1408xbf16>, vector<256x1408xf32> -> vector<256x1408xf32>
      %add3A = vector.broadcast %broadcast_in_dim3A : vector<256x1xf32> to vector<256x1408xf32>
      %add3A_45 = vector.broadcast %broadcast_in_dim3A_40 : vector<1x1408xf32> to vector<256x1408xf32>
      %add3A_46 = arith.addf %add3A, %add3A_45 : vector<256x1408xf32>
      %mul3A_47 = arith.constant 2.000000e+00 : f32
      %mul3A_48 = vector.broadcast %mul3A_47 : f32 to vector<256x1408xf32>
      %mul3A_49 = arith.mulf %mul3A_48, %dot_general3A_44 : vector<256x1408xf32>
      %sub3A = arith.subf %add3A_46, %mul3A_49 : vector<256x1408xf32>
      %iota3A = tpu.iota {dimensions = array<i32: 1>} : vector<256x1408xi32>
      %convert_element_type3A_50 = arith.sitofp %iota3A : vector<256x1408xi32> to vector<256x1408xf32>
      %mul3A_51 = arith.constant 9.99999982E+12 : f32
      %mul3A_52 = vector.broadcast %mul3A_51 : f32 to vector<256x1408xf32>
      %mul3A_53 = arith.mulf %convert_element_type3A_50, %mul3A_52 : vector<256x1408xf32>
      %add3A_54 = arith.constant 1.000000e+20 : f32
      %add3A_55 = vector.broadcast %add3A_54 : f32 to vector<256x1408xf32>
      %add3A_56 = arith.addf %add3A_55, %mul3A_53 : vector<256x1408xf32>
      %ne3A = vector.broadcast %slice3A : vector<256x1xi32> to vector<256x1408xi32>
      %ne3A_57 = vector.broadcast %slice3A_36 : vector<1x1408xi32> to vector<256x1408xi32>
      %ne3A_58 = arith.cmpi ne, %ne3A, %ne3A_57 : vector<256x1408xi32>
      %select_n3A = arith.select %ne3A_58, %add3A_56, %sub3A : vector<256x1408xi1>, vector<256x1408xf32>
      %argmin3A = tpu.reduce_index %select_n3A {axis = 1 : i32, kind = #tpu.reduction_kind<arg_min>} : vector<256x1408xf32> -> vector<256xi32>
      %broadcast_in_dim3A_59 = vector.shape_cast %argmin3A : vector<256xi32> to vector<256x1xi32>
      %lt3A = arith.constant 128 : i32
      %lt3A_60 = vector.broadcast %lt3A : i32 to vector<256x1xi32>
      %lt3A_61 = arith.cmpi slt, %broadcast_in_dim3A_59, %lt3A_60 : vector<256x1xi32>
      %sub3A_62 = arith.constant 128 : i32
      %sub3A_63 = arith.subi %multiple_of3A, %sub3A_62 : i32
      %add3A_64 = vector.broadcast %sub3A_63 : i32 to vector<256x1xi32>
      %add3A_65 = arith.addi %broadcast_in_dim3A_59, %add3A_64 : vector<256x1xi32>
      %select_n3A_66 = arith.select %lt3A_61, %broadcast_in_dim3A_59, %add3A_65 : vector<256x1xi1>, vector<256x1xi32>
      %eq3A_67 = vector.broadcast %broadcast_in_dim3A_59 : vector<256x1xi32> to vector<256x1408xi32>
      %eq3A_68 = arith.cmpi eq, %iota3A, %eq3A_67 : vector<256x1408xi32>
      %jit3A = arith.constant 0x7F800000 : f32
      %broadcast_in_dim3A_69 = vector.broadcast %jit3A : f32 to vector<256x1408xf32>
      %select_n3A_70 = arith.select %eq3A_68, %broadcast_in_dim3A_69, %select_n3A : vector<256x1408xi1>, vector<256x1408xf32>
      %argmin3A_71 = tpu.reduce_index %select_n3A_70 {axis = 1 : i32, kind = #tpu.reduction_kind<arg_min>} : vector<256x1408xf32> -> vector<256xi32>
      %broadcast_in_dim3A_72 = vector.shape_cast %argmin3A_71 : vector<256xi32> to vector<256x1xi32>
      %lt3A_73 = arith.constant 128 : i32
      %lt3A_74 = vector.broadcast %lt3A_73 : i32 to vector<256x1xi32>
      %lt3A_75 = arith.cmpi slt, %broadcast_in_dim3A_72, %lt3A_74 : vector<256x1xi32>
      %sub3A_76 = arith.constant 128 : i32
      %sub3A_77 = arith.subi %multiple_of3A, %sub3A_76 : i32
      %add3A_78 = vector.broadcast %sub3A_77 : i32 to vector<256x1xi32>
      %add3A_79 = arith.addi %broadcast_in_dim3A_72, %add3A_78 : vector<256x1xi32>
      %select_n3A_80 = arith.select %lt3A_75, %broadcast_in_dim3A_72, %add3A_79 : vector<256x1xi1>, vector<256x1xi32>
      %eq3A_81 = vector.broadcast %broadcast_in_dim3A_72 : vector<256x1xi32> to vector<256x1408xi32>
      %eq3A_82 = arith.cmpi eq, %iota3A, %eq3A_81 : vector<256x1408xi32>
      %jit3A_83 = arith.constant 0x7F800000 : f32
      %broadcast_in_dim3A_84 = vector.broadcast %jit3A_83 : f32 to vector<256x1408xf32>
      %select_n3A_85 = arith.select %eq3A_82, %broadcast_in_dim3A_84, %select_n3A_70 : vector<256x1408xi1>, vector<256x1408xf32>
      %argmin3A_86 = tpu.reduce_index %select_n3A_85 {axis = 1 : i32, kind = #tpu.reduction_kind<arg_min>} : vector<256x1408xf32> -> vector<256xi32>
      %broadcast_in_dim3A_87 = vector.shape_cast %argmin3A_86 : vector<256xi32> to vector<256x1xi32>
      %lt3A_88 = arith.constant 128 : i32
      %lt3A_89 = vector.broadcast %lt3A_88 : i32 to vector<256x1xi32>
      %lt3A_90 = arith.cmpi slt, %broadcast_in_dim3A_87, %lt3A_89 : vector<256x1xi32>
      %sub3A_91 = arith.constant 128 : i32
      %sub3A_92 = arith.subi %multiple_of3A, %sub3A_91 : i32
      %add3A_93 = vector.broadcast %sub3A_92 : i32 to vector<256x1xi32>
      %add3A_94 = arith.addi %broadcast_in_dim3A_87, %add3A_93 : vector<256x1xi32>
      %select_n3A_95 = arith.select %lt3A_90, %broadcast_in_dim3A_87, %add3A_94 : vector<256x1xi1>, vector<256x1xi32>
      %eq3A_96 = vector.broadcast %broadcast_in_dim3A_87 : vector<256x1xi32> to vector<256x1408xi32>
      %eq3A_97 = arith.cmpi eq, %iota3A, %eq3A_96 : vector<256x1408xi32>
      %jit3A_98 = arith.constant 0x7F800000 : f32
      %broadcast_in_dim3A_99 = vector.broadcast %jit3A_98 : f32 to vector<256x1408xf32>
      %select_n3A_100 = arith.select %eq3A_97, %broadcast_in_dim3A_99, %select_n3A_85 : vector<256x1408xi1>, vector<256x1408xf32>
      %argmin3A_101 = tpu.reduce_index %select_n3A_100 {axis = 1 : i32, kind = #tpu.reduction_kind<arg_min>} : vector<256x1408xf32> -> vector<256xi32>
      %broadcast_in_dim3A_102 = vector.shape_cast %argmin3A_101 : vector<256xi32> to vector<256x1xi32>
      %lt3A_103 = arith.constant 128 : i32
      %lt3A_104 = vector.broadcast %lt3A_103 : i32 to vector<256x1xi32>
      %lt3A_105 = arith.cmpi slt, %broadcast_in_dim3A_102, %lt3A_104 : vector<256x1xi32>
      %sub3A_106 = arith.constant 128 : i32
      %sub3A_107 = arith.subi %multiple_of3A, %sub3A_106 : i32
      %add3A_108 = vector.broadcast %sub3A_107 : i32 to vector<256x1xi32>
      %add3A_109 = arith.addi %broadcast_in_dim3A_102, %add3A_108 : vector<256x1xi32>
      %select_n3A_110 = arith.select %lt3A_105, %broadcast_in_dim3A_102, %add3A_109 : vector<256x1xi1>, vector<256x1xi32>
      %eq3A_111 = vector.broadcast %broadcast_in_dim3A_102 : vector<256x1xi32> to vector<256x1408xi32>
      %eq3A_112 = arith.cmpi eq, %iota3A, %eq3A_111 : vector<256x1408xi32>
      %jit3A_113 = arith.constant 0x7F800000 : f32
      %broadcast_in_dim3A_114 = vector.broadcast %jit3A_113 : f32 to vector<256x1408xf32>
      %select_n3A_115 = arith.select %eq3A_112, %broadcast_in_dim3A_114, %select_n3A_100 : vector<256x1408xi1>, vector<256x1408xf32>
      %argmin3A_116 = tpu.reduce_index %select_n3A_115 {axis = 1 : i32, kind = #tpu.reduction_kind<arg_min>} : vector<256x1408xf32> -> vector<256xi32>
      %broadcast_in_dim3A_117 = vector.shape_cast %argmin3A_116 : vector<256xi32> to vector<256x1xi32>
      %lt3A_118 = arith.constant 128 : i32
      %lt3A_119 = vector.broadcast %lt3A_118 : i32 to vector<256x1xi32>
      %lt3A_120 = arith.cmpi slt, %broadcast_in_dim3A_117, %lt3A_119 : vector<256x1xi32>
      %sub3A_121 = arith.constant 128 : i32
      %sub3A_122 = arith.subi %multiple_of3A, %sub3A_121 : i32
      %add3A_123 = vector.broadcast %sub3A_122 : i32 to vector<256x1xi32>
      %add3A_124 = arith.addi %broadcast_in_dim3A_117, %add3A_123 : vector<256x1xi32>
      %select_n3A_125 = arith.select %lt3A_120, %broadcast_in_dim3A_117, %add3A_124 : vector<256x1xi1>, vector<256x1xi32>
      %eq3A_126 = vector.broadcast %broadcast_in_dim3A_117 : vector<256x1xi32> to vector<256x1408xi32>
      %eq3A_127 = arith.cmpi eq, %iota3A, %eq3A_126 : vector<256x1408xi32>
      %jit3A_128 = arith.constant 0x7F800000 : f32
      %broadcast_in_dim3A_129 = vector.broadcast %jit3A_128 : f32 to vector<256x1408xf32>
      %select_n3A_130 = arith.select %eq3A_127, %broadcast_in_dim3A_129, %select_n3A_115 : vector<256x1408xi1>, vector<256x1408xf32>
      %argmin3A_131 = tpu.reduce_index %select_n3A_130 {axis = 1 : i32, kind = #tpu.reduction_kind<arg_min>} : vector<256x1408xf32> -> vector<256xi32>
      %broadcast_in_dim3A_132 = vector.shape_cast %argmin3A_131 : vector<256xi32> to vector<256x1xi32>
      %lt3A_133 = arith.constant 128 : i32
      %lt3A_134 = vector.broadcast %lt3A_133 : i32 to vector<256x1xi32>
      %lt3A_135 = arith.cmpi slt, %broadcast_in_dim3A_132, %lt3A_134 : vector<256x1xi32>
      %sub3A_136 = arith.constant 128 : i32
      %sub3A_137 = arith.subi %multiple_of3A, %sub3A_136 : i32
      %add3A_138 = vector.broadcast %sub3A_137 : i32 to vector<256x1xi32>
      %add3A_139 = arith.addi %broadcast_in_dim3A_132, %add3A_138 : vector<256x1xi32>
      %select_n3A_140 = arith.select %lt3A_135, %broadcast_in_dim3A_132, %add3A_139 : vector<256x1xi1>, vector<256x1xi32>
      %eq3A_141 = vector.broadcast %broadcast_in_dim3A_132 : vector<256x1xi32> to vector<256x1408xi32>
      %eq3A_142 = arith.cmpi eq, %iota3A, %eq3A_141 : vector<256x1408xi32>
      %jit3A_143 = arith.constant 0x7F800000 : f32
      %broadcast_in_dim3A_144 = vector.broadcast %jit3A_143 : f32 to vector<256x1408xf32>
      %select_n3A_145 = arith.select %eq3A_142, %broadcast_in_dim3A_144, %select_n3A_130 : vector<256x1408xi1>, vector<256x1408xf32>
      %argmin3A_146 = tpu.reduce_index %select_n3A_145 {axis = 1 : i32, kind = #tpu.reduction_kind<arg_min>} : vector<256x1408xf32> -> vector<256xi32>
      %broadcast_in_dim3A_147 = vector.shape_cast %argmin3A_146 : vector<256xi32> to vector<256x1xi32>
      %lt3A_148 = arith.constant 128 : i32
      %lt3A_149 = vector.broadcast %lt3A_148 : i32 to vector<256x1xi32>
      %lt3A_150 = arith.cmpi slt, %broadcast_in_dim3A_147, %lt3A_149 : vector<256x1xi32>
      %sub3A_151 = arith.constant 128 : i32
      %sub3A_152 = arith.subi %multiple_of3A, %sub3A_151 : i32
      %add3A_153 = vector.broadcast %sub3A_152 : i32 to vector<256x1xi32>
      %add3A_154 = arith.addi %broadcast_in_dim3A_147, %add3A_153 : vector<256x1xi32>
      %select_n3A_155 = arith.select %lt3A_150, %broadcast_in_dim3A_147, %add3A_154 : vector<256x1xi1>, vector<256x1xi32>
      %eq3A_156 = vector.broadcast %broadcast_in_dim3A_147 : vector<256x1xi32> to vector<256x1408xi32>
      %eq3A_157 = arith.cmpi eq, %iota3A, %eq3A_156 : vector<256x1408xi32>
      %jit3A_158 = arith.constant 0x7F800000 : f32
      %broadcast_in_dim3A_159 = vector.broadcast %jit3A_158 : f32 to vector<256x1408xf32>
      %select_n3A_160 = arith.select %eq3A_157, %broadcast_in_dim3A_159, %select_n3A_145 : vector<256x1408xi1>, vector<256x1408xf32>
      %argmin3A_161 = tpu.reduce_index %select_n3A_160 {axis = 1 : i32, kind = #tpu.reduction_kind<arg_min>} : vector<256x1408xf32> -> vector<256xi32>
      %broadcast_in_dim3A_162 = vector.shape_cast %argmin3A_161 : vector<256xi32> to vector<256x1xi32>
      %lt3A_163 = arith.constant 128 : i32
      %lt3A_164 = vector.broadcast %lt3A_163 : i32 to vector<256x1xi32>
      %lt3A_165 = arith.cmpi slt, %broadcast_in_dim3A_162, %lt3A_164 : vector<256x1xi32>
      %sub3A_166 = arith.constant 128 : i32
      %sub3A_167 = arith.subi %multiple_of3A, %sub3A_166 : i32
      %add3A_168 = vector.broadcast %sub3A_167 : i32 to vector<256x1xi32>
      %add3A_169 = arith.addi %broadcast_in_dim3A_162, %add3A_168 : vector<256x1xi32>
      %select_n3A_170 = arith.select %lt3A_165, %broadcast_in_dim3A_162, %add3A_169 : vector<256x1xi1>, vector<256x1xi32>
      %eq3A_171 = vector.broadcast %broadcast_in_dim3A_162 : vector<256x1xi32> to vector<256x1408xi32>
      %eq3A_172 = arith.cmpi eq, %iota3A, %eq3A_171 : vector<256x1408xi32>
      %jit3A_173 = arith.constant 0x7F800000 : f32
      %broadcast_in_dim3A_174 = vector.broadcast %jit3A_173 : f32 to vector<256x1408xf32>
      %select_n3A_175 = arith.select %eq3A_172, %broadcast_in_dim3A_174, %select_n3A_160 : vector<256x1408xi1>, vector<256x1408xf32>
      %argmin3A_176 = tpu.reduce_index %select_n3A_175 {axis = 1 : i32, kind = #tpu.reduction_kind<arg_min>} : vector<256x1408xf32> -> vector<256xi32>
      %broadcast_in_dim3A_177 = vector.shape_cast %argmin3A_176 : vector<256xi32> to vector<256x1xi32>
      %lt3A_178 = arith.constant 128 : i32
      %lt3A_179 = vector.broadcast %lt3A_178 : i32 to vector<256x1xi32>
      %lt3A_180 = arith.cmpi slt, %broadcast_in_dim3A_177, %lt3A_179 : vector<256x1xi32>
      %sub3A_181 = arith.constant 128 : i32
      %sub3A_182 = arith.subi %multiple_of3A, %sub3A_181 : i32
      %add3A_183 = vector.broadcast %sub3A_182 : i32 to vector<256x1xi32>
      %add3A_184 = arith.addi %broadcast_in_dim3A_177, %add3A_183 : vector<256x1xi32>
      %select_n3A_185 = arith.select %lt3A_180, %broadcast_in_dim3A_177, %add3A_184 : vector<256x1xi1>, vector<256x1xi32>
      %eq3A_186 = vector.broadcast %broadcast_in_dim3A_177 : vector<256x1xi32> to vector<256x1408xi32>
      %eq3A_187 = arith.cmpi eq, %iota3A, %eq3A_186 : vector<256x1408xi32>
      %jit3A_188 = arith.constant 0x7F800000 : f32
      %broadcast_in_dim3A_189 = vector.broadcast %jit3A_188 : f32 to vector<256x1408xf32>
      %select_n3A_190 = arith.select %eq3A_187, %broadcast_in_dim3A_189, %select_n3A_175 : vector<256x1408xi1>, vector<256x1408xf32>
      %argmin3A_191 = tpu.reduce_index %select_n3A_190 {axis = 1 : i32, kind = #tpu.reduction_kind<arg_min>} : vector<256x1408xf32> -> vector<256xi32>
      %broadcast_in_dim3A_192 = vector.shape_cast %argmin3A_191 : vector<256xi32> to vector<256x1xi32>
      %lt3A_193 = arith.constant 128 : i32
      %lt3A_194 = vector.broadcast %lt3A_193 : i32 to vector<256x1xi32>
      %lt3A_195 = arith.cmpi slt, %broadcast_in_dim3A_192, %lt3A_194 : vector<256x1xi32>
      %sub3A_196 = arith.constant 128 : i32
      %sub3A_197 = arith.subi %multiple_of3A, %sub3A_196 : i32
      %add3A_198 = vector.broadcast %sub3A_197 : i32 to vector<256x1xi32>
      %add3A_199 = arith.addi %broadcast_in_dim3A_192, %add3A_198 : vector<256x1xi32>
      %select_n3A_200 = arith.select %lt3A_195, %broadcast_in_dim3A_192, %add3A_199 : vector<256x1xi1>, vector<256x1xi32>
      %eq3A_201 = vector.broadcast %broadcast_in_dim3A_192 : vector<256x1xi32> to vector<256x1408xi32>
      %eq3A_202 = arith.cmpi eq, %iota3A, %eq3A_201 : vector<256x1408xi32>
      %jit3A_203 = arith.constant 0x7F800000 : f32
      %broadcast_in_dim3A_204 = vector.broadcast %jit3A_203 : f32 to vector<256x1408xf32>
      %select_n3A_205 = arith.select %eq3A_202, %broadcast_in_dim3A_204, %select_n3A_190 : vector<256x1408xi1>, vector<256x1408xf32>
      %argmin3A_206 = tpu.reduce_index %select_n3A_205 {axis = 1 : i32, kind = #tpu.reduction_kind<arg_min>} : vector<256x1408xf32> -> vector<256xi32>
      %broadcast_in_dim3A_207 = vector.shape_cast %argmin3A_206 : vector<256xi32> to vector<256x1xi32>
      %lt3A_208 = arith.constant 128 : i32
      %lt3A_209 = vector.broadcast %lt3A_208 : i32 to vector<256x1xi32>
      %lt3A_210 = arith.cmpi slt, %broadcast_in_dim3A_207, %lt3A_209 : vector<256x1xi32>
      %sub3A_211 = arith.constant 128 : i32
      %sub3A_212 = arith.subi %multiple_of3A, %sub3A_211 : i32
      %add3A_213 = vector.broadcast %sub3A_212 : i32 to vector<256x1xi32>
      %add3A_214 = arith.addi %broadcast_in_dim3A_207, %add3A_213 : vector<256x1xi32>
      %select_n3A_215 = arith.select %lt3A_210, %broadcast_in_dim3A_207, %add3A_214 : vector<256x1xi1>, vector<256x1xi32>
      %eq3A_216 = vector.broadcast %broadcast_in_dim3A_207 : vector<256x1xi32> to vector<256x1408xi32>
      %eq3A_217 = arith.cmpi eq, %iota3A, %eq3A_216 : vector<256x1408xi32>
      %jit3A_218 = arith.constant 0x7F800000 : f32
      %broadcast_in_dim3A_219 = vector.broadcast %jit3A_218 : f32 to vector<256x1408xf32>
      %select_n3A_220 = arith.select %eq3A_217, %broadcast_in_dim3A_219, %select_n3A_205 : vector<256x1408xi1>, vector<256x1408xf32>
      %argmin3A_221 = tpu.reduce_index %select_n3A_220 {axis = 1 : i32, kind = #tpu.reduction_kind<arg_min>} : vector<256x1408xf32> -> vector<256xi32>
      %broadcast_in_dim3A_222 = vector.shape_cast %argmin3A_221 : vector<256xi32> to vector<256x1xi32>
      %lt3A_223 = arith.constant 128 : i32
      %lt3A_224 = vector.broadcast %lt3A_223 : i32 to vector<256x1xi32>
      %lt3A_225 = arith.cmpi slt, %broadcast_in_dim3A_222, %lt3A_224 : vector<256x1xi32>
      %sub3A_226 = arith.constant 128 : i32
      %sub3A_227 = arith.subi %multiple_of3A, %sub3A_226 : i32
      %add3A_228 = vector.broadcast %sub3A_227 : i32 to vector<256x1xi32>
      %add3A_229 = arith.addi %broadcast_in_dim3A_222, %add3A_228 : vector<256x1xi32>
      %select_n3A_230 = arith.select %lt3A_225, %broadcast_in_dim3A_222, %add3A_229 : vector<256x1xi1>, vector<256x1xi32>
      %eq3A_231 = vector.broadcast %broadcast_in_dim3A_222 : vector<256x1xi32> to vector<256x1408xi32>
      %eq3A_232 = arith.cmpi eq, %iota3A, %eq3A_231 : vector<256x1408xi32>
      %jit3A_233 = arith.constant 0x7F800000 : f32
      %broadcast_in_dim3A_234 = vector.broadcast %jit3A_233 : f32 to vector<256x1408xf32>
      %select_n3A_235 = arith.select %eq3A_232, %broadcast_in_dim3A_234, %select_n3A_220 : vector<256x1408xi1>, vector<256x1408xf32>
      %argmin3A_236 = tpu.reduce_index %select_n3A_235 {axis = 1 : i32, kind = #tpu.reduction_kind<arg_min>} : vector<256x1408xf32> -> vector<256xi32>
      %broadcast_in_dim3A_237 = vector.shape_cast %argmin3A_236 : vector<256xi32> to vector<256x1xi32>
      %lt3A_238 = arith.constant 128 : i32
      %lt3A_239 = vector.broadcast %lt3A_238 : i32 to vector<256x1xi32>
      %lt3A_240 = arith.cmpi slt, %broadcast_in_dim3A_237, %lt3A_239 : vector<256x1xi32>
      %sub3A_241 = arith.constant 128 : i32
      %sub3A_242 = arith.subi %multiple_of3A, %sub3A_241 : i32
      %add3A_243 = vector.broadcast %sub3A_242 : i32 to vector<256x1xi32>
      %add3A_244 = arith.addi %broadcast_in_dim3A_237, %add3A_243 : vector<256x1xi32>
      %select_n3A_245 = arith.select %lt3A_240, %broadcast_in_dim3A_237, %add3A_244 : vector<256x1xi1>, vector<256x1xi32>
      %eq3A_246 = vector.broadcast %broadcast_in_dim3A_237 : vector<256x1xi32> to vector<256x1408xi32>
      %eq3A_247 = arith.cmpi eq, %iota3A, %eq3A_246 : vector<256x1408xi32>
      %jit3A_248 = arith.constant 0x7F800000 : f32
      %broadcast_in_dim3A_249 = vector.broadcast %jit3A_248 : f32 to vector<256x1408xf32>
      %select_n3A_250 = arith.select %eq3A_247, %broadcast_in_dim3A_249, %select_n3A_235 : vector<256x1408xi1>, vector<256x1408xf32>
      %argmin3A_251 = tpu.reduce_index %select_n3A_250 {axis = 1 : i32, kind = #tpu.reduction_kind<arg_min>} : vector<256x1408xf32> -> vector<256xi32>
      %broadcast_in_dim3A_252 = vector.shape_cast %argmin3A_251 : vector<256xi32> to vector<256x1xi32>
      %lt3A_253 = arith.constant 128 : i32
      %lt3A_254 = vector.broadcast %lt3A_253 : i32 to vector<256x1xi32>
      %lt3A_255 = arith.cmpi slt, %broadcast_in_dim3A_252, %lt3A_254 : vector<256x1xi32>
      %sub3A_256 = arith.constant 128 : i32
      %sub3A_257 = arith.subi %multiple_of3A, %sub3A_256 : i32
      %add3A_258 = vector.broadcast %sub3A_257 : i32 to vector<256x1xi32>
      %add3A_259 = arith.addi %broadcast_in_dim3A_252, %add3A_258 : vector<256x1xi32>
      %select_n3A_260 = arith.select %lt3A_255, %broadcast_in_dim3A_252, %add3A_259 : vector<256x1xi1>, vector<256x1xi32>
      %eq3A_261 = vector.broadcast %broadcast_in_dim3A_252 : vector<256x1xi32> to vector<256x1408xi32>
      %eq3A_262 = arith.cmpi eq, %iota3A, %eq3A_261 : vector<256x1408xi32>
      %jit3A_263 = arith.constant 0x7F800000 : f32
      %broadcast_in_dim3A_264 = vector.broadcast %jit3A_263 : f32 to vector<256x1408xf32>
      %select_n3A_265 = arith.select %eq3A_262, %broadcast_in_dim3A_264, %select_n3A_250 : vector<256x1408xi1>, vector<256x1408xf32>
      %argmin3A_266 = tpu.reduce_index %select_n3A_265 {axis = 1 : i32, kind = #tpu.reduction_kind<arg_min>} : vector<256x1408xf32> -> vector<256xi32>
      %broadcast_in_dim3A_267 = vector.shape_cast %argmin3A_266 : vector<256xi32> to vector<256x1xi32>
      %lt3A_268 = arith.constant 128 : i32
      %lt3A_269 = vector.broadcast %lt3A_268 : i32 to vector<256x1xi32>
      %lt3A_270 = arith.cmpi slt, %broadcast_in_dim3A_267, %lt3A_269 : vector<256x1xi32>
      %sub3A_271 = arith.constant 128 : i32
      %sub3A_272 = arith.subi %multiple_of3A, %sub3A_271 : i32
      %add3A_273 = vector.broadcast %sub3A_272 : i32 to vector<256x1xi32>
      %add3A_274 = arith.addi %broadcast_in_dim3A_267, %add3A_273 : vector<256x1xi32>
      %select_n3A_275 = arith.select %lt3A_270, %broadcast_in_dim3A_267, %add3A_274 : vector<256x1xi1>, vector<256x1xi32>
      %eq3A_276 = vector.broadcast %broadcast_in_dim3A_267 : vector<256x1xi32> to vector<256x1408xi32>
      %eq3A_277 = arith.cmpi eq, %iota3A, %eq3A_276 : vector<256x1408xi32>
      %jit3A_278 = arith.constant 0x7F800000 : f32
      %broadcast_in_dim3A_279 = vector.broadcast %jit3A_278 : f32 to vector<256x1408xf32>
      %select_n3A_280 = arith.select %eq3A_277, %broadcast_in_dim3A_279, %select_n3A_265 : vector<256x1408xi1>, vector<256x1408xf32>
      %argmin3A_281 = tpu.reduce_index %select_n3A_280 {axis = 1 : i32, kind = #tpu.reduction_kind<arg_min>} : vector<256x1408xf32> -> vector<256xi32>
      %broadcast_in_dim3A_282 = vector.shape_cast %argmin3A_281 : vector<256xi32> to vector<256x1xi32>
      %lt3A_283 = arith.constant 128 : i32
      %lt3A_284 = vector.broadcast %lt3A_283 : i32 to vector<256x1xi32>
      %lt3A_285 = arith.cmpi slt, %broadcast_in_dim3A_282, %lt3A_284 : vector<256x1xi32>
      %sub3A_286 = arith.constant 128 : i32
      %sub3A_287 = arith.subi %multiple_of3A, %sub3A_286 : i32
      %add3A_288 = vector.broadcast %sub3A_287 : i32 to vector<256x1xi32>
      %add3A_289 = arith.addi %broadcast_in_dim3A_282, %add3A_288 : vector<256x1xi32>
      %select_n3A_290 = arith.select %lt3A_285, %broadcast_in_dim3A_282, %add3A_289 : vector<256x1xi1>, vector<256x1xi32>
      %eq3A_291 = vector.broadcast %broadcast_in_dim3A_282 : vector<256x1xi32> to vector<256x1408xi32>
      %eq3A_292 = arith.cmpi eq, %iota3A, %eq3A_291 : vector<256x1408xi32>
      %jit3A_293 = arith.constant 0x7F800000 : f32
      %broadcast_in_dim3A_294 = vector.broadcast %jit3A_293 : f32 to vector<256x1408xf32>
      %select_n3A_295 = arith.select %eq3A_292, %broadcast_in_dim3A_294, %select_n3A_280 : vector<256x1408xi1>, vector<256x1408xf32>
      %argmin3A_296 = tpu.reduce_index %select_n3A_295 {axis = 1 : i32, kind = #tpu.reduction_kind<arg_min>} : vector<256x1408xf32> -> vector<256xi32>
      %broadcast_in_dim3A_297 = vector.shape_cast %argmin3A_296 : vector<256xi32> to vector<256x1xi32>
      %lt3A_298 = arith.constant 128 : i32
      %lt3A_299 = vector.broadcast %lt3A_298 : i32 to vector<256x1xi32>
      %lt3A_300 = arith.cmpi slt, %broadcast_in_dim3A_297, %lt3A_299 : vector<256x1xi32>
      %sub3A_301 = arith.constant 128 : i32
      %sub3A_302 = arith.subi %multiple_of3A, %sub3A_301 : i32
      %add3A_303 = vector.broadcast %sub3A_302 : i32 to vector<256x1xi32>
      %add3A_304 = arith.addi %broadcast_in_dim3A_297, %add3A_303 : vector<256x1xi32>
      %select_n3A_305 = arith.select %lt3A_300, %broadcast_in_dim3A_297, %add3A_304 : vector<256x1xi1>, vector<256x1xi32>
      %eq3A_306 = vector.broadcast %broadcast_in_dim3A_297 : vector<256x1xi32> to vector<256x1408xi32>
      %eq3A_307 = arith.cmpi eq, %iota3A, %eq3A_306 : vector<256x1408xi32>
      %jit3A_308 = arith.constant 0x7F800000 : f32
      %broadcast_in_dim3A_309 = vector.broadcast %jit3A_308 : f32 to vector<256x1408xf32>
      %select_n3A_310 = arith.select %eq3A_307, %broadcast_in_dim3A_309, %select_n3A_295 : vector<256x1408xi1>, vector<256x1408xf32>
      %argmin3A_311 = tpu.reduce_index %select_n3A_310 {axis = 1 : i32, kind = #tpu.reduction_kind<arg_min>} : vector<256x1408xf32> -> vector<256xi32>
      %broadcast_in_dim3A_312 = vector.shape_cast %argmin3A_311 : vector<256xi32> to vector<256x1xi32>
      %lt3A_313 = arith.constant 128 : i32
      %lt3A_314 = vector.broadcast %lt3A_313 : i32 to vector<256x1xi32>
      %lt3A_315 = arith.cmpi slt, %broadcast_in_dim3A_312, %lt3A_314 : vector<256x1xi32>
      %sub3A_316 = arith.constant 128 : i32
      %sub3A_317 = arith.subi %multiple_of3A, %sub3A_316 : i32
      %add3A_318 = vector.broadcast %sub3A_317 : i32 to vector<256x1xi32>
      %add3A_319 = arith.addi %broadcast_in_dim3A_312, %add3A_318 : vector<256x1xi32>
      %select_n3A_320 = arith.select %lt3A_315, %broadcast_in_dim3A_312, %add3A_319 : vector<256x1xi1>, vector<256x1xi32>
      %eq3A_321 = vector.broadcast %broadcast_in_dim3A_312 : vector<256x1xi32> to vector<256x1408xi32>
      %eq3A_322 = arith.cmpi eq, %iota3A, %eq3A_321 : vector<256x1408xi32>
      %jit3A_323 = arith.constant 0x7F800000 : f32
      %broadcast_in_dim3A_324 = vector.broadcast %jit3A_323 : f32 to vector<256x1408xf32>
      %select_n3A_325 = arith.select %eq3A_322, %broadcast_in_dim3A_324, %select_n3A_310 : vector<256x1408xi1>, vector<256x1408xf32>
      %argmin3A_326 = tpu.reduce_index %select_n3A_325 {axis = 1 : i32, kind = #tpu.reduction_kind<arg_min>} : vector<256x1408xf32> -> vector<256xi32>
      %broadcast_in_dim3A_327 = vector.shape_cast %argmin3A_326 : vector<256xi32> to vector<256x1xi32>
      %lt3A_328 = arith.constant 128 : i32
      %lt3A_329 = vector.broadcast %lt3A_328 : i32 to vector<256x1xi32>
      %lt3A_330 = arith.cmpi slt, %broadcast_in_dim3A_327, %lt3A_329 : vector<256x1xi32>
      %sub3A_331 = arith.constant 128 : i32
      %sub3A_332 = arith.subi %multiple_of3A, %sub3A_331 : i32
      %add3A_333 = vector.broadcast %sub3A_332 : i32 to vector<256x1xi32>
      %add3A_334 = arith.addi %broadcast_in_dim3A_327, %add3A_333 : vector<256x1xi32>
      %select_n3A_335 = arith.select %lt3A_330, %broadcast_in_dim3A_327, %add3A_334 : vector<256x1xi1>, vector<256x1xi32>
      %eq3A_336 = vector.broadcast %broadcast_in_dim3A_327 : vector<256x1xi32> to vector<256x1408xi32>
      %eq3A_337 = arith.cmpi eq, %iota3A, %eq3A_336 : vector<256x1408xi32>
      %jit3A_338 = arith.constant 0x7F800000 : f32
      %broadcast_in_dim3A_339 = vector.broadcast %jit3A_338 : f32 to vector<256x1408xf32>
      %select_n3A_340 = arith.select %eq3A_337, %broadcast_in_dim3A_339, %select_n3A_325 : vector<256x1408xi1>, vector<256x1408xf32>
      %argmin3A_341 = tpu.reduce_index %select_n3A_340 {axis = 1 : i32, kind = #tpu.reduction_kind<arg_min>} : vector<256x1408xf32> -> vector<256xi32>
      %broadcast_in_dim3A_342 = vector.shape_cast %argmin3A_341 : vector<256xi32> to vector<256x1xi32>
      %lt3A_343 = arith.constant 128 : i32
      %lt3A_344 = vector.broadcast %lt3A_343 : i32 to vector<256x1xi32>
      %lt3A_345 = arith.cmpi slt, %broadcast_in_dim3A_342, %lt3A_344 : vector<256x1xi32>
      %sub3A_346 = arith.constant 128 : i32
      %sub3A_347 = arith.subi %multiple_of3A, %sub3A_346 : i32
      %add3A_348 = vector.broadcast %sub3A_347 : i32 to vector<256x1xi32>
      %add3A_349 = arith.addi %broadcast_in_dim3A_342, %add3A_348 : vector<256x1xi32>
      %select_n3A_350 = arith.select %lt3A_345, %broadcast_in_dim3A_342, %add3A_349 : vector<256x1xi1>, vector<256x1xi32>
      %concatenate3A_351 = tpu.concatenate %select_n3A_66, %select_n3A_80, %select_n3A_95, %select_n3A_110, %select_n3A_125, %select_n3A_140, %select_n3A_155, %select_n3A_170, %select_n3A_185, %select_n3A_200, %select_n3A_215, %select_n3A_230, %select_n3A_245, %select_n3A_260, %select_n3A_275, %select_n3A_290, %select_n3A_305, %select_n3A_320, %select_n3A_335, %select_n3A_350 in 1 : vector<256x1xi32>, vector<256x1xi32>, vector<256x1xi32>, vector<256x1xi32>, vector<256x1xi32>, vector<256x1xi32>, vector<256x1xi32>, vector<256x1xi32>, vector<256x1xi32>, vector<256x1xi32>, vector<256x1xi32>, vector<256x1xi32>, vector<256x1xi32>, vector<256x1xi32>, vector<256x1xi32>, vector<256x1xi32>, vector<256x1xi32>, vector<256x1xi32>, vector<256x1xi32>, vector<256x1xi32> -> vector<256x20xi32>
      %swap3A = arith.constant 0 : index
      %swap3A_352 = arith.constant 0 : index
      %swap3A_353 = vector.load %arg9[%swap3A, %swap3A_352] : memref<256x20xi32, #tpu.memory_space<vmem>>, vector<256x20xi32>
      tpu.vector_store %arg9[%swap3A, %swap3A_352], %concatenate3A_351 {strides = array<i32>} : memref<256x20xi32, #tpu.memory_space<vmem>>, vector<256x20xi32>,
    } else {
    }
    %not3A = arith.constant true
    %not3A_12 = arith.xori %eq3A_10, %not3A : i1
    %convert_element_type3A_13 = arith.extui %not3A_12 : i1 to i32
    %cond3A_14 = arith.constant 0 : i32
    %cond3A_15 = arith.cmpi ne, %convert_element_type3A_13, %cond3A_14 : i32
    scf.if %cond3A_15 {
      %get3A_16 = arith.constant 0 : index
      %get3A_17 = arith.constant 0 : index
      %get3A_18 = vector.load %arg4[%get3A_16, %get3A_17] : memref<8x4096xf32, #tpu.memory_space<vmem>>, vector<8x4096xf32>
      %mul3A_19 = arith.mulf %get3A_18, %get3A_18 : vector<8x4096xf32>
      %reduce_sum3A_20 = arith.constant dense<0.000000e+00> : vector<4096xf32>
      %reduce_sum3A_21 = vector.multi_reduction <add>, %mul3A_19, %reduce_sum3A_20 [0] : vector<8x4096xf32> to vector<4096xf32>
      %broadcast_in_dim3A_22 = vector.shape_cast %reduce_sum3A_21 : vector<4096xf32> to vector<1x4096xf32>
      %get3A_23 = arith.constant 0 : index
      %get3A_24 = arith.constant 0 : index
      %get3A_25 = vector.load %arg5[%get3A_23, %get3A_24] : memref<256x8xbf16, #tpu.memory_space<vmem>>, vector<256x8xbf16>
      %get3A_26 = arith.constant 0 : index
      %get3A_27 = arith.constant 0 : index
      %get3A_28 = vector.load %arg6[%get3A_26, %get3A_27] : memref<8x4096xbf16, #tpu.memory_space<vmem>>, vector<8x4096xbf16>
      %dot_general3A = arith.constant dense<0.000000e+00> : vector<256x4096xf32>
      %dot_general3A_29 = tpu.matmul %get3A_25, %get3A_28, %dot_general3A {dimension_numbers = #tpu.dot_dimension_numbers<[1], [0], [0], [1], [0, 0, 1, 1], [], []>, transpose_lhs_hint = false} : vector<256x8xbf16>, vector<8x4096xbf16>, vector<256x4096xf32> -> vector<256x4096xf32>
      %add3A = vector.broadcast %broadcast_in_dim3A : vector<256x1xf32> to vector<256x4096xf32>
      %add3A_30 = vector.broadcast %broadcast_in_dim3A_22 : vector<1x4096xf32> to vector<256x4096xf32>
      %add3A_31 = arith.addf %add3A, %add3A_30 : vector<256x4096xf32>
      %mul3A_32 = arith.constant 2.000000e+00 : f32
      %mul3A_33 = vector.broadcast %mul3A_32 : f32 to vector<256x4096xf32>
      %mul3A_34 = arith.mulf %mul3A_33, %dot_general3A_29 : vector<256x4096xf32>
      %sub3A = arith.subf %add3A_31, %mul3A_34 : vector<256x4096xf32>
      %get3A_35 = arith.constant 0 : index
      %get3A_36 = arith.constant 0 : index
      %get3A_37 = vector.load %arg8[%get3A_35, %get3A_36] : memref<8x4096xi32, #tpu.memory_space<vmem>>, vector<8x4096xi32>
      %slice3A_38 = vector.extract_strided_slice %get3A_37 {offsets = [0, 0], sizes = [1, 4096], strides = [1, 1]} : vector<8x4096xi32> to vector<1x4096xi32>
      %ne3A = vector.broadcast %slice3A : vector<256x1xi32> to vector<256x4096xi32>
      %ne3A_39 = vector.broadcast %slice3A_38 : vector<1x4096xi32> to vector<256x4096xi32>
      %ne3A_40 = arith.cmpi ne, %ne3A, %ne3A_39 : vector<256x4096xi32>
      %jit3A = arith.constant 0x7F800000 : f32
      %broadcast_in_dim3A_41 = vector.broadcast %jit3A : f32 to vector<256x4096xf32>
      %select_n3A = arith.select %ne3A_40, %broadcast_in_dim3A_41, %sub3A : vector<256x4096xi1>, vector<256x4096xf32>
      %iota3A = tpu.iota {dimensions = array<i32: 1>} : vector<256x4096xi32>
      %reduce_min3A = arith.constant dense<0x7F800000> : vector<256xf32>
      %reduce_min3A_42 = vector.multi_reduction <minimumf>, %select_n3A, %reduce_min3A [1] : vector<256x4096xf32> to vector<256xf32>
      %broadcast_in_dim3A_43 = vector.shape_cast %reduce_min3A_42 : vector<256xf32> to vector<256x1xf32>
      %eq3A_44 = vector.broadcast %broadcast_in_dim3A_43 : vector<256x1xf32> to vector<256x4096xf32>
      %eq3A_45 = arith.cmpf oeq, %select_n3A, %eq3A_44 : vector<256x4096xf32>
      %jit3A_46 = arith.constant 1073741824 : i32
      %broadcast_in_dim3A_47 = vector.broadcast %jit3A_46 : i32 to vector<256x4096xi32>
      %select_n3A_48 = arith.select %eq3A_45, %iota3A, %broadcast_in_dim3A_47 : vector<256x4096xi1>, vector<256x4096xi32>
      %reduce_min3A_49 = arith.constant dense<2147483647> : vector<256xi32>
      %reduce_min3A_50 = vector.multi_reduction <minsi>, %select_n3A_48, %reduce_min3A_49 [1] : vector<256x4096xi32> to vector<256xi32>
      %broadcast_in_dim3A_51 = vector.shape_cast %reduce_min3A_50 : vector<256xi32> to vector<256x1xi32>
      %eq3A_52 = vector.broadcast %broadcast_in_dim3A_51 : vector<256x1xi32> to vector<256x4096xi32>
      %eq3A_53 = arith.cmpi eq, %iota3A, %eq3A_52 : vector<256x4096xi32>
      %jit3A_54 = arith.constant 0x7F800000 : f32
      %broadcast_in_dim3A_55 = vector.broadcast %jit3A_54 : f32 to vector<256x4096xf32>
      %select_n3A_56 = arith.select %eq3A_53, %broadcast_in_dim3A_55, %select_n3A : vector<256x4096xi1>, vector<256x4096xf32>
      %jit3A_57 = arith.constant 1073741824 : i32
      %broadcast_in_dim3A_58 = vector.broadcast %jit3A_57 : i32 to vector<256x4096xi32>
      %select_n3A_59 = arith.select %eq3A_53, %broadcast_in_dim3A_58, %iota3A : vector<256x4096xi1>, vector<256x4096xi32>
      %reduce_min3A_60 = arith.constant dense<0x7F800000> : vector<256xf32>
      %reduce_min3A_61 = vector.multi_reduction <minimumf>, %select_n3A_56, %reduce_min3A_60 [1] : vector<256x4096xf32> to vector<256xf32>
      %broadcast_in_dim3A_62 = vector.shape_cast %reduce_min3A_61 : vector<256xf32> to vector<256x1xf32>
      %eq3A_63 = vector.broadcast %broadcast_in_dim3A_62 : vector<256x1xf32> to vector<256x4096xf32>
      %eq3A_64 = arith.cmpf oeq, %select_n3A_56, %eq3A_63 : vector<256x4096xf32>
      %jit3A_65 = arith.constant 1073741824 : i32
      %broadcast_in_dim3A_66 = vector.broadcast %jit3A_65 : i32 to vector<256x4096xi32>
      %select_n3A_67 = arith.select %eq3A_64, %select_n3A_59, %broadcast_in_dim3A_66 : vector<256x4096xi1>, vector<256x4096xi32>
      %reduce_min3A_68 = arith.constant dense<2147483647> : vector<256xi32>
      %reduce_min3A_69 = vector.multi_reduction <minsi>, %select_n3A_67, %reduce_min3A_68 [1] : vector<256x4096xi32> to vector<256xi32>
      %broadcast_in_dim3A_70 = vector.shape_cast %reduce_min3A_69 : vector<256xi32> to vector<256x1xi32>
      %eq3A_71 = vector.broadcast %broadcast_in_dim3A_70 : vector<256x1xi32> to vector<256x4096xi32>
      %eq3A_72 = arith.cmpi eq, %select_n3A_59, %eq3A_71 : vector<256x4096xi32>
      %jit3A_73 = arith.constant 0x7F800000 : f32
      %broadcast_in_dim3A_74 = vector.broadcast %jit3A_73 : f32 to vector<256x4096xf32>
      %select_n3A_75 = arith.select %eq3A_72, %broadcast_in_dim3A_74, %select_n3A_56 : vector<256x4096xi1>, vector<256x4096xf32>
      %jit3A_76 = arith.constant 1073741824 : i32
      %broadcast_in_dim3A_77 = vector.broadcast %jit3A_76 : i32 to vector<256x4096xi32>
      %select_n3A_78 = arith.select %eq3A_72, %broadcast_in_dim3A_77, %select_n3A_59 : vector<256x4096xi1>, vector<256x4096xi32>
      %reduce_min3A_79 = arith.constant dense<0x7F800000> : vector<256xf32>
      %reduce_min3A_80 = vector.multi_reduction <minimumf>, %select_n3A_75, %reduce_min3A_79 [1] : vector<256x4096xf32> to vector<256xf32>
      %broadcast_in_dim3A_81 = vector.shape_cast %reduce_min3A_80 : vector<256xf32> to vector<256x1xf32>
      %eq3A_82 = vector.broadcast %broadcast_in_dim3A_81 : vector<256x1xf32> to vector<256x4096xf32>
      %eq3A_83 = arith.cmpf oeq, %select_n3A_75, %eq3A_82 : vector<256x4096xf32>
      %jit3A_84 = arith.constant 1073741824 : i32
      %broadcast_in_dim3A_85 = vector.broadcast %jit3A_84 : i32 to vector<256x4096xi32>
      %select_n3A_86 = arith.select %eq3A_83, %select_n3A_78, %broadcast_in_dim3A_85 : vector<256x4096xi1>, vector<256x4096xi32>
      %reduce_min3A_87 = arith.constant dense<2147483647> : vector<256xi32>
      %reduce_min3A_88 = vector.multi_reduction <minsi>, %select_n3A_86, %reduce_min3A_87 [1] : vector<256x4096xi32> to vector<256xi32>
      %broadcast_in_dim3A_89 = vector.shape_cast %reduce_min3A_88 : vector<256xi32> to vector<256x1xi32>
      %eq3A_90 = vector.broadcast %broadcast_in_dim3A_89 : vector<256x1xi32> to vector<256x4096xi32>
      %eq3A_91 = arith.cmpi eq, %select_n3A_78, %eq3A_90 : vector<256x4096xi32>
      %jit3A_92 = arith.constant 0x7F800000 : f32
      %broadcast_in_dim3A_93 = vector.broadcast %jit3A_92 : f32 to vector<256x4096xf32>
      %select_n3A_94 = arith.select %eq3A_91, %broadcast_in_dim3A_93, %select_n3A_75 : vector<256x4096xi1>, vector<256x4096xf32>
      %jit3A_95 = arith.constant 1073741824 : i32
      %broadcast_in_dim3A_96 = vector.broadcast %jit3A_95 : i32 to vector<256x4096xi32>
      %select_n3A_97 = arith.select %eq3A_91, %broadcast_in_dim3A_96, %select_n3A_78 : vector<256x4096xi1>, vector<256x4096xi32>
      %reduce_min3A_98 = arith.constant dense<0x7F800000> : vector<256xf32>
      %reduce_min3A_99 = vector.multi_reduction <minimumf>, %select_n3A_94, %reduce_min3A_98 [1] : vector<256x4096xf32> to vector<256xf32>
      %broadcast_in_dim3A_100 = vector.shape_cast %reduce_min3A_99 : vector<256xf32> to vector<256x1xf32>
      %eq3A_101 = vector.broadcast %broadcast_in_dim3A_100 : vector<256x1xf32> to vector<256x4096xf32>
      %eq3A_102 = arith.cmpf oeq, %select_n3A_94, %eq3A_101 : vector<256x4096xf32>
      %jit3A_103 = arith.constant 1073741824 : i32
      %broadcast_in_dim3A_104 = vector.broadcast %jit3A_103 : i32 to vector<256x4096xi32>
      %select_n3A_105 = arith.select %eq3A_102, %select_n3A_97, %broadcast_in_dim3A_104 : vector<256x4096xi1>, vector<256x4096xi32>
      %reduce_min3A_106 = arith.constant dense<2147483647> : vector<256xi32>
      %reduce_min3A_107 = vector.multi_reduction <minsi>, %select_n3A_105, %reduce_min3A_106 [1] : vector<256x4096xi32> to vector<256xi32>
      %broadcast_in_dim3A_108 = vector.shape_cast %reduce_min3A_107 : vector<256xi32> to vector<256x1xi32>
      %eq3A_109 = vector.broadcast %broadcast_in_dim3A_108 : vector<256x1xi32> to vector<256x4096xi32>
      %eq3A_110 = arith.cmpi eq, %select_n3A_97, %eq3A_109 : vector<256x4096xi32>
      %jit3A_111 = arith.constant 0x7F800000 : f32
      %broadcast_in_dim3A_112 = vector.broadcast %jit3A_111 : f32 to vector<256x4096xf32>
      %select_n3A_113 = arith.select %eq3A_110, %broadcast_in_dim3A_112, %select_n3A_94 : vector<256x4096xi1>, vector<256x4096xf32>
      %jit3A_114 = arith.constant 1073741824 : i32
      %broadcast_in_dim3A_115 = vector.broadcast %jit3A_114 : i32 to vector<256x4096xi32>
      %select_n3A_116 = arith.select %eq3A_110, %broadcast_in_dim3A_115, %select_n3A_97 : vector<256x4096xi1>, vector<256x4096xi32>
      %reduce_min3A_117 = arith.constant dense<0x7F800000> : vector<256xf32>
      %reduce_min3A_118 = vector.multi_reduction <minimumf>, %select_n3A_113, %reduce_min3A_117 [1] : vector<256x4096xf32> to vector<256xf32>
      %broadcast_in_dim3A_119 = vector.shape_cast %reduce_min3A_118 : vector<256xf32> to vector<256x1xf32>
      %eq3A_120 = vector.broadcast %broadcast_in_dim3A_119 : vector<256x1xf32> to vector<256x4096xf32>
      %eq3A_121 = arith.cmpf oeq, %select_n3A_113, %eq3A_120 : vector<256x4096xf32>
      %jit3A_122 = arith.constant 1073741824 : i32
      %broadcast_in_dim3A_123 = vector.broadcast %jit3A_122 : i32 to vector<256x4096xi32>
      %select_n3A_124 = arith.select %eq3A_121, %select_n3A_116, %broadcast_in_dim3A_123 : vector<256x4096xi1>, vector<256x4096xi32>
      %reduce_min3A_125 = arith.constant dense<2147483647> : vector<256xi32>
      %reduce_min3A_126 = vector.multi_reduction <minsi>, %select_n3A_124, %reduce_min3A_125 [1] : vector<256x4096xi32> to vector<256xi32>
      %broadcast_in_dim3A_127 = vector.shape_cast %reduce_min3A_126 : vector<256xi32> to vector<256x1xi32>
      %eq3A_128 = vector.broadcast %broadcast_in_dim3A_127 : vector<256x1xi32> to vector<256x4096xi32>
      %eq3A_129 = arith.cmpi eq, %select_n3A_116, %eq3A_128 : vector<256x4096xi32>
      %jit3A_130 = arith.constant 0x7F800000 : f32
      %broadcast_in_dim3A_131 = vector.broadcast %jit3A_130 : f32 to vector<256x4096xf32>
      %select_n3A_132 = arith.select %eq3A_129, %broadcast_in_dim3A_131, %select_n3A_113 : vector<256x4096xi1>, vector<256x4096xf32>
      %jit3A_133 = arith.constant 1073741824 : i32
      %broadcast_in_dim3A_134 = vector.broadcast %jit3A_133 : i32 to vector<256x4096xi32>
      %select_n3A_135 = arith.select %eq3A_129, %broadcast_in_dim3A_134, %select_n3A_116 : vector<256x4096xi1>, vector<256x4096xi32>
      %reduce_min3A_136 = arith.constant dense<0x7F800000> : vector<256xf32>
      %reduce_min3A_137 = vector.multi_reduction <minimumf>, %select_n3A_132, %reduce_min3A_136 [1] : vector<256x4096xf32> to vector<256xf32>
      %broadcast_in_dim3A_138 = vector.shape_cast %reduce_min3A_137 : vector<256xf32> to vector<256x1xf32>
      %eq3A_139 = vector.broadcast %broadcast_in_dim3A_138 : vector<256x1xf32> to vector<256x4096xf32>
      %eq3A_140 = arith.cmpf oeq, %select_n3A_132, %eq3A_139 : vector<256x4096xf32>
      %jit3A_141 = arith.constant 1073741824 : i32
      %broadcast_in_dim3A_142 = vector.broadcast %jit3A_141 : i32 to vector<256x4096xi32>
      %select_n3A_143 = arith.select %eq3A_140, %select_n3A_135, %broadcast_in_dim3A_142 : vector<256x4096xi1>, vector<256x4096xi32>
      %reduce_min3A_144 = arith.constant dense<2147483647> : vector<256xi32>
      %reduce_min3A_145 = vector.multi_reduction <minsi>, %select_n3A_143, %reduce_min3A_144 [1] : vector<256x4096xi32> to vector<256xi32>
      %broadcast_in_dim3A_146 = vector.shape_cast %reduce_min3A_145 : vector<256xi32> to vector<256x1xi32>
      %eq3A_147 = vector.broadcast %broadcast_in_dim3A_146 : vector<256x1xi32> to vector<256x4096xi32>
      %eq3A_148 = arith.cmpi eq, %select_n3A_135, %eq3A_147 : vector<256x4096xi32>
      %jit3A_149 = arith.constant 0x7F800000 : f32
      %broadcast_in_dim3A_150 = vector.broadcast %jit3A_149 : f32 to vector<256x4096xf32>
      %select_n3A_151 = arith.select %eq3A_148, %broadcast_in_dim3A_150, %select_n3A_132 : vector<256x4096xi1>, vector<256x4096xf32>
      %jit3A_152 = arith.constant 1073741824 : i32
      %broadcast_in_dim3A_153 = vector.broadcast %jit3A_152 : i32 to vector<256x4096xi32>
      %select_n3A_154 = arith.select %eq3A_148, %broadcast_in_dim3A_153, %select_n3A_135 : vector<256x4096xi1>, vector<256x4096xi32>
      %reduce_min3A_155 = arith.constant dense<0x7F800000> : vector<256xf32>
      %reduce_min3A_156 = vector.multi_reduction <minimumf>, %select_n3A_151, %reduce_min3A_155 [1] : vector<256x4096xf32> to vector<256xf32>
      %broadcast_in_dim3A_157 = vector.shape_cast %reduce_min3A_156 : vector<256xf32> to vector<256x1xf32>
      %eq3A_158 = vector.broadcast %broadcast_in_dim3A_157 : vector<256x1xf32> to vector<256x4096xf32>
      %eq3A_159 = arith.cmpf oeq, %select_n3A_151, %eq3A_158 : vector<256x4096xf32>
      %jit3A_160 = arith.constant 1073741824 : i32
      %broadcast_in_dim3A_161 = vector.broadcast %jit3A_160 : i32 to vector<256x4096xi32>
      %select_n3A_162 = arith.select %eq3A_159, %select_n3A_154, %broadcast_in_dim3A_161 : vector<256x4096xi1>, vector<256x4096xi32>
      %reduce_min3A_163 = arith.constant dense<2147483647> : vector<256xi32>
      %reduce_min3A_164 = vector.multi_reduction <minsi>, %select_n3A_162, %reduce_min3A_163 [1] : vector<256x4096xi32> to vector<256xi32>
      %broadcast_in_dim3A_165 = vector.shape_cast %reduce_min3A_164 : vector<256xi32> to vector<256x1xi32>
      %eq3A_166 = vector.broadcast %broadcast_in_dim3A_165 : vector<256x1xi32> to vector<256x4096xi32>
      %eq3A_167 = arith.cmpi eq, %select_n3A_154, %eq3A_166 : vector<256x4096xi32>
      %jit3A_168 = arith.constant 0x7F800000 : f32
      %broadcast_in_dim3A_169 = vector.broadcast %jit3A_168 : f32 to vector<256x4096xf32>
      %select_n3A_170 = arith.select %eq3A_167, %broadcast_in_dim3A_169, %select_n3A_151 : vector<256x4096xi1>, vector<256x4096xf32>
      %jit3A_171 = arith.constant 1073741824 : i32
      %broadcast_in_dim3A_172 = vector.broadcast %jit3A_171 : i32 to vector<256x4096xi32>
      %select_n3A_173 = arith.select %eq3A_167, %broadcast_in_dim3A_172, %select_n3A_154 : vector<256x4096xi1>, vector<256x4096xi32>
      %reduce_min3A_174 = arith.constant dense<0x7F800000> : vector<256xf32>
      %reduce_min3A_175 = vector.multi_reduction <minimumf>, %select_n3A_170, %reduce_min3A_174 [1] : vector<256x4096xf32> to vector<256xf32>
      %broadcast_in_dim3A_176 = vector.shape_cast %reduce_min3A_175 : vector<256xf32> to vector<256x1xf32>
      %eq3A_177 = vector.broadcast %broadcast_in_dim3A_176 : vector<256x1xf32> to vector<256x4096xf32>
      %eq3A_178 = arith.cmpf oeq, %select_n3A_170, %eq3A_177 : vector<256x4096xf32>
      %jit3A_179 = arith.constant 1073741824 : i32
      %broadcast_in_dim3A_180 = vector.broadcast %jit3A_179 : i32 to vector<256x4096xi32>
      %select_n3A_181 = arith.select %eq3A_178, %select_n3A_173, %broadcast_in_dim3A_180 : vector<256x4096xi1>, vector<256x4096xi32>
      %reduce_min3A_182 = arith.constant dense<2147483647> : vector<256xi32>
      %reduce_min3A_183 = vector.multi_reduction <minsi>, %select_n3A_181, %reduce_min3A_182 [1] : vector<256x4096xi32> to vector<256xi32>
      %broadcast_in_dim3A_184 = vector.shape_cast %reduce_min3A_183 : vector<256xi32> to vector<256x1xi32>
      %eq3A_185 = vector.broadcast %broadcast_in_dim3A_184 : vector<256x1xi32> to vector<256x4096xi32>
      %eq3A_186 = arith.cmpi eq, %select_n3A_173, %eq3A_185 : vector<256x4096xi32>
      %jit3A_187 = arith.constant 0x7F800000 : f32
      %broadcast_in_dim3A_188 = vector.broadcast %jit3A_187 : f32 to vector<256x4096xf32>
      %select_n3A_189 = arith.select %eq3A_186, %broadcast_in_dim3A_188, %select_n3A_170 : vector<256x4096xi1>, vector<256x4096xf32>
      %jit3A_190 = arith.constant 1073741824 : i32
      %broadcast_in_dim3A_191 = vector.broadcast %jit3A_190 : i32 to vector<256x4096xi32>
      %select_n3A_192 = arith.select %eq3A_186, %broadcast_in_dim3A_191, %select_n3A_173 : vector<256x4096xi1>, vector<256x4096xi32>
      %reduce_min3A_193 = arith.constant dense<0x7F800000> : vector<256xf32>
      %reduce_min3A_194 = vector.multi_reduction <minimumf>, %select_n3A_189, %reduce_min3A_193 [1] : vector<256x4096xf32> to vector<256xf32>
      %broadcast_in_dim3A_195 = vector.shape_cast %reduce_min3A_194 : vector<256xf32> to vector<256x1xf32>
      %eq3A_196 = vector.broadcast %broadcast_in_dim3A_195 : vector<256x1xf32> to vector<256x4096xf32>
      %eq3A_197 = arith.cmpf oeq, %select_n3A_189, %eq3A_196 : vector<256x4096xf32>
      %jit3A_198 = arith.constant 1073741824 : i32
      %broadcast_in_dim3A_199 = vector.broadcast %jit3A_198 : i32 to vector<256x4096xi32>
      %select_n3A_200 = arith.select %eq3A_197, %select_n3A_192, %broadcast_in_dim3A_199 : vector<256x4096xi1>, vector<256x4096xi32>
      %reduce_min3A_201 = arith.constant dense<2147483647> : vector<256xi32>
      %reduce_min3A_202 = vector.multi_reduction <minsi>, %select_n3A_200, %reduce_min3A_201 [1] : vector<256x4096xi32> to vector<256xi32>
      %broadcast_in_dim3A_203 = vector.shape_cast %reduce_min3A_202 : vector<256xi32> to vector<256x1xi32>
      %eq3A_204 = vector.broadcast %broadcast_in_dim3A_203 : vector<256x1xi32> to vector<256x4096xi32>
      %eq3A_205 = arith.cmpi eq, %select_n3A_192, %eq3A_204 : vector<256x4096xi32>
      %jit3A_206 = arith.constant 0x7F800000 : f32
      %broadcast_in_dim3A_207 = vector.broadcast %jit3A_206 : f32 to vector<256x4096xf32>
      %select_n3A_208 = arith.select %eq3A_205, %broadcast_in_dim3A_207, %select_n3A_189 : vector<256x4096xi1>, vector<256x4096xf32>
      %jit3A_209 = arith.constant 1073741824 : i32
      %broadcast_in_dim3A_210 = vector.broadcast %jit3A_209 : i32 to vector<256x4096xi32>
      %select_n3A_211 = arith.select %eq3A_205, %broadcast_in_dim3A_210, %select_n3A_192 : vector<256x4096xi1>, vector<256x4096xi32>
      %reduce_min3A_212 = arith.constant dense<0x7F800000> : vector<256xf32>
      %reduce_min3A_213 = vector.multi_reduction <minimumf>, %select_n3A_208, %reduce_min3A_212 [1] : vector<256x4096xf32> to vector<256xf32>
      %broadcast_in_dim3A_214 = vector.shape_cast %reduce_min3A_213 : vector<256xf32> to vector<256x1xf32>
      %eq3A_215 = vector.broadcast %broadcast_in_dim3A_214 : vector<256x1xf32> to vector<256x4096xf32>
      %eq3A_216 = arith.cmpf oeq, %select_n3A_208, %eq3A_215 : vector<256x4096xf32>
      %jit3A_217 = arith.constant 1073741824 : i32
      %broadcast_in_dim3A_218 = vector.broadcast %jit3A_217 : i32 to vector<256x4096xi32>
      %select_n3A_219 = arith.select %eq3A_216, %select_n3A_211, %broadcast_in_dim3A_218 : vector<256x4096xi1>, vector<256x4096xi32>
      %reduce_min3A_220 = arith.constant dense<2147483647> : vector<256xi32>
      %reduce_min3A_221 = vector.multi_reduction <minsi>, %select_n3A_219, %reduce_min3A_220 [1] : vector<256x4096xi32> to vector<256xi32>
      %broadcast_in_dim3A_222 = vector.shape_cast %reduce_min3A_221 : vector<256xi32> to vector<256x1xi32>
      %eq3A_223 = vector.broadcast %broadcast_in_dim3A_222 : vector<256x1xi32> to vector<256x4096xi32>
      %eq3A_224 = arith.cmpi eq, %select_n3A_211, %eq3A_223 : vector<256x4096xi32>
      %jit3A_225 = arith.constant 0x7F800000 : f32
      %broadcast_in_dim3A_226 = vector.broadcast %jit3A_225 : f32 to vector<256x4096xf32>
      %select_n3A_227 = arith.select %eq3A_224, %broadcast_in_dim3A_226, %select_n3A_208 : vector<256x4096xi1>, vector<256x4096xf32>
      %jit3A_228 = arith.constant 1073741824 : i32
      %broadcast_in_dim3A_229 = vector.broadcast %jit3A_228 : i32 to vector<256x4096xi32>
      %select_n3A_230 = arith.select %eq3A_224, %broadcast_in_dim3A_229, %select_n3A_211 : vector<256x4096xi1>, vector<256x4096xi32>
      %reduce_min3A_231 = arith.constant dense<0x7F800000> : vector<256xf32>
      %reduce_min3A_232 = vector.multi_reduction <minimumf>, %select_n3A_227, %reduce_min3A_231 [1] : vector<256x4096xf32> to vector<256xf32>
      %broadcast_in_dim3A_233 = vector.shape_cast %reduce_min3A_232 : vector<256xf32> to vector<256x1xf32>
      %eq3A_234 = vector.broadcast %broadcast_in_dim3A_233 : vector<256x1xf32> to vector<256x4096xf32>
      %eq3A_235 = arith.cmpf oeq, %select_n3A_227, %eq3A_234 : vector<256x4096xf32>
      %jit3A_236 = arith.constant 1073741824 : i32
      %broadcast_in_dim3A_237 = vector.broadcast %jit3A_236 : i32 to vector<256x4096xi32>
      %select_n3A_238 = arith.select %eq3A_235, %select_n3A_230, %broadcast_in_dim3A_237 : vector<256x4096xi1>, vector<256x4096xi32>
      %reduce_min3A_239 = arith.constant dense<2147483647> : vector<256xi32>
      %reduce_min3A_240 = vector.multi_reduction <minsi>, %select_n3A_238, %reduce_min3A_239 [1] : vector<256x4096xi32> to vector<256xi32>
      %broadcast_in_dim3A_241 = vector.shape_cast %reduce_min3A_240 : vector<256xi32> to vector<256x1xi32>
      %eq3A_242 = vector.broadcast %broadcast_in_dim3A_241 : vector<256x1xi32> to vector<256x4096xi32>
      %eq3A_243 = arith.cmpi eq, %select_n3A_230, %eq3A_242 : vector<256x4096xi32>
      %jit3A_244 = arith.constant 0x7F800000 : f32
      %broadcast_in_dim3A_245 = vector.broadcast %jit3A_244 : f32 to vector<256x4096xf32>
      %select_n3A_246 = arith.select %eq3A_243, %broadcast_in_dim3A_245, %select_n3A_227 : vector<256x4096xi1>, vector<256x4096xf32>
      %jit3A_247 = arith.constant 1073741824 : i32
      %broadcast_in_dim3A_248 = vector.broadcast %jit3A_247 : i32 to vector<256x4096xi32>
      %select_n3A_249 = arith.select %eq3A_243, %broadcast_in_dim3A_248, %select_n3A_230 : vector<256x4096xi1>, vector<256x4096xi32>
      %reduce_min3A_250 = arith.constant dense<0x7F800000> : vector<256xf32>
      %reduce_min3A_251 = vector.multi_reduction <minimumf>, %select_n3A_246, %reduce_min3A_250 [1] : vector<256x4096xf32> to vector<256xf32>
      %broadcast_in_dim3A_252 = vector.shape_cast %reduce_min3A_251 : vector<256xf32> to vector<256x1xf32>
      %eq3A_253 = vector.broadcast %broadcast_in_dim3A_252 : vector<256x1xf32> to vector<256x4096xf32>
      %eq3A_254 = arith.cmpf oeq, %select_n3A_246, %eq3A_253 : vector<256x4096xf32>
      %jit3A_255 = arith.constant 1073741824 : i32
      %broadcast_in_dim3A_256 = vector.broadcast %jit3A_255 : i32 to vector<256x4096xi32>
      %select_n3A_257 = arith.select %eq3A_254, %select_n3A_249, %broadcast_in_dim3A_256 : vector<256x4096xi1>, vector<256x4096xi32>
      %reduce_min3A_258 = arith.constant dense<2147483647> : vector<256xi32>
      %reduce_min3A_259 = vector.multi_reduction <minsi>, %select_n3A_257, %reduce_min3A_258 [1] : vector<256x4096xi32> to vector<256xi32>
      %broadcast_in_dim3A_260 = vector.shape_cast %reduce_min3A_259 : vector<256xi32> to vector<256x1xi32>
      %eq3A_261 = vector.broadcast %broadcast_in_dim3A_260 : vector<256x1xi32> to vector<256x4096xi32>
      %eq3A_262 = arith.cmpi eq, %select_n3A_249, %eq3A_261 : vector<256x4096xi32>
      %jit3A_263 = arith.constant 0x7F800000 : f32
      %broadcast_in_dim3A_264 = vector.broadcast %jit3A_263 : f32 to vector<256x4096xf32>
      %select_n3A_265 = arith.select %eq3A_262, %broadcast_in_dim3A_264, %select_n3A_246 : vector<256x4096xi1>, vector<256x4096xf32>
      %jit3A_266 = arith.constant 1073741824 : i32
      %broadcast_in_dim3A_267 = vector.broadcast %jit3A_266 : i32 to vector<256x4096xi32>
      %select_n3A_268 = arith.select %eq3A_262, %broadcast_in_dim3A_267, %select_n3A_249 : vector<256x4096xi1>, vector<256x4096xi32>
      %reduce_min3A_269 = arith.constant dense<0x7F800000> : vector<256xf32>
      %reduce_min3A_270 = vector.multi_reduction <minimumf>, %select_n3A_265, %reduce_min3A_269 [1] : vector<256x4096xf32> to vector<256xf32>
      %broadcast_in_dim3A_271 = vector.shape_cast %reduce_min3A_270 : vector<256xf32> to vector<256x1xf32>
      %eq3A_272 = vector.broadcast %broadcast_in_dim3A_271 : vector<256x1xf32> to vector<256x4096xf32>
      %eq3A_273 = arith.cmpf oeq, %select_n3A_265, %eq3A_272 : vector<256x4096xf32>
      %jit3A_274 = arith.constant 1073741824 : i32
      %broadcast_in_dim3A_275 = vector.broadcast %jit3A_274 : i32 to vector<256x4096xi32>
      %select_n3A_276 = arith.select %eq3A_273, %select_n3A_268, %broadcast_in_dim3A_275 : vector<256x4096xi1>, vector<256x4096xi32>
      %reduce_min3A_277 = arith.constant dense<2147483647> : vector<256xi32>
      %reduce_min3A_278 = vector.multi_reduction <minsi>, %select_n3A_276, %reduce_min3A_277 [1] : vector<256x4096xi32> to vector<256xi32>
      %broadcast_in_dim3A_279 = vector.shape_cast %reduce_min3A_278 : vector<256xi32> to vector<256x1xi32>
      %eq3A_280 = vector.broadcast %broadcast_in_dim3A_279 : vector<256x1xi32> to vector<256x4096xi32>
      %eq3A_281 = arith.cmpi eq, %select_n3A_268, %eq3A_280 : vector<256x4096xi32>
      %jit3A_282 = arith.constant 0x7F800000 : f32
      %broadcast_in_dim3A_283 = vector.broadcast %jit3A_282 : f32 to vector<256x4096xf32>
      %select_n3A_284 = arith.select %eq3A_281, %broadcast_in_dim3A_283, %select_n3A_265 : vector<256x4096xi1>, vector<256x4096xf32>
      %jit3A_285 = arith.constant 1073741824 : i32
      %broadcast_in_dim3A_286 = vector.broadcast %jit3A_285 : i32 to vector<256x4096xi32>
      %select_n3A_287 = arith.select %eq3A_281, %broadcast_in_dim3A_286, %select_n3A_268 : vector<256x4096xi1>, vector<256x4096xi32>
      %reduce_min3A_288 = arith.constant dense<0x7F800000> : vector<256xf32>
      %reduce_min3A_289 = vector.multi_reduction <minimumf>, %select_n3A_284, %reduce_min3A_288 [1] : vector<256x4096xf32> to vector<256xf32>
      %broadcast_in_dim3A_290 = vector.shape_cast %reduce_min3A_289 : vector<256xf32> to vector<256x1xf32>
      %eq3A_291 = vector.broadcast %broadcast_in_dim3A_290 : vector<256x1xf32> to vector<256x4096xf32>
      %eq3A_292 = arith.cmpf oeq, %select_n3A_284, %eq3A_291 : vector<256x4096xf32>
      %jit3A_293 = arith.constant 1073741824 : i32
      %broadcast_in_dim3A_294 = vector.broadcast %jit3A_293 : i32 to vector<256x4096xi32>
      %select_n3A_295 = arith.select %eq3A_292, %select_n3A_287, %broadcast_in_dim3A_294 : vector<256x4096xi1>, vector<256x4096xi32>
      %reduce_min3A_296 = arith.constant dense<2147483647> : vector<256xi32>
      %reduce_min3A_297 = vector.multi_reduction <minsi>, %select_n3A_295, %reduce_min3A_296 [1] : vector<256x4096xi32> to vector<256xi32>
      %broadcast_in_dim3A_298 = vector.shape_cast %reduce_min3A_297 : vector<256xi32> to vector<256x1xi32>
      %eq3A_299 = vector.broadcast %broadcast_in_dim3A_298 : vector<256x1xi32> to vector<256x4096xi32>
      %eq3A_300 = arith.cmpi eq, %select_n3A_287, %eq3A_299 : vector<256x4096xi32>
      %jit3A_301 = arith.constant 0x7F800000 : f32
      %broadcast_in_dim3A_302 = vector.broadcast %jit3A_301 : f32 to vector<256x4096xf32>
      %select_n3A_303 = arith.select %eq3A_300, %broadcast_in_dim3A_302, %select_n3A_284 : vector<256x4096xi1>, vector<256x4096xf32>
      %jit3A_304 = arith.constant 1073741824 : i32
      %broadcast_in_dim3A_305 = vector.broadcast %jit3A_304 : i32 to vector<256x4096xi32>
      %select_n3A_306 = arith.select %eq3A_300, %broadcast_in_dim3A_305, %select_n3A_287 : vector<256x4096xi1>, vector<256x4096xi32>
      %reduce_min3A_307 = arith.constant dense<0x7F800000> : vector<256xf32>
      %reduce_min3A_308 = vector.multi_reduction <minimumf>, %select_n3A_303, %reduce_min3A_307 [1] : vector<256x4096xf32> to vector<256xf32>
      %broadcast_in_dim3A_309 = vector.shape_cast %reduce_min3A_308 : vector<256xf32> to vector<256x1xf32>
      %eq3A_310 = vector.broadcast %broadcast_in_dim3A_309 : vector<256x1xf32> to vector<256x4096xf32>
      %eq3A_311 = arith.cmpf oeq, %select_n3A_303, %eq3A_310 : vector<256x4096xf32>
      %jit3A_312 = arith.constant 1073741824 : i32
      %broadcast_in_dim3A_313 = vector.broadcast %jit3A_312 : i32 to vector<256x4096xi32>
      %select_n3A_314 = arith.select %eq3A_311, %select_n3A_306, %broadcast_in_dim3A_313 : vector<256x4096xi1>, vector<256x4096xi32>
      %reduce_min3A_315 = arith.constant dense<2147483647> : vector<256xi32>
      %reduce_min3A_316 = vector.multi_reduction <minsi>, %select_n3A_314, %reduce_min3A_315 [1] : vector<256x4096xi32> to vector<256xi32>
      %broadcast_in_dim3A_317 = vector.shape_cast %reduce_min3A_316 : vector<256xi32> to vector<256x1xi32>
      %eq3A_318 = vector.broadcast %broadcast_in_dim3A_317 : vector<256x1xi32> to vector<256x4096xi32>
      %eq3A_319 = arith.cmpi eq, %select_n3A_306, %eq3A_318 : vector<256x4096xi32>
      %jit3A_320 = arith.constant 0x7F800000 : f32
      %broadcast_in_dim3A_321 = vector.broadcast %jit3A_320 : f32 to vector<256x4096xf32>
      %select_n3A_322 = arith.select %eq3A_319, %broadcast_in_dim3A_321, %select_n3A_303 : vector<256x4096xi1>, vector<256x4096xf32>
      %jit3A_323 = arith.constant 1073741824 : i32
      %broadcast_in_dim3A_324 = vector.broadcast %jit3A_323 : i32 to vector<256x4096xi32>
      %select_n3A_325 = arith.select %eq3A_319, %broadcast_in_dim3A_324, %select_n3A_306 : vector<256x4096xi1>, vector<256x4096xi32>
      %reduce_min3A_326 = arith.constant dense<0x7F800000> : vector<256xf32>
      %reduce_min3A_327 = vector.multi_reduction <minimumf>, %select_n3A_322, %reduce_min3A_326 [1] : vector<256x4096xf32> to vector<256xf32>
      %broadcast_in_dim3A_328 = vector.shape_cast %reduce_min3A_327 : vector<256xf32> to vector<256x1xf32>
      %eq3A_329 = vector.broadcast %broadcast_in_dim3A_328 : vector<256x1xf32> to vector<256x4096xf32>
      %eq3A_330 = arith.cmpf oeq, %select_n3A_322, %eq3A_329 : vector<256x4096xf32>
      %jit3A_331 = arith.constant 1073741824 : i32
      %broadcast_in_dim3A_332 = vector.broadcast %jit3A_331 : i32 to vector<256x4096xi32>
      %select_n3A_333 = arith.select %eq3A_330, %select_n3A_325, %broadcast_in_dim3A_332 : vector<256x4096xi1>, vector<256x4096xi32>
      %reduce_min3A_334 = arith.constant dense<2147483647> : vector<256xi32>
      %reduce_min3A_335 = vector.multi_reduction <minsi>, %select_n3A_333, %reduce_min3A_334 [1] : vector<256x4096xi32> to vector<256xi32>
      %broadcast_in_dim3A_336 = vector.shape_cast %reduce_min3A_335 : vector<256xi32> to vector<256x1xi32>
      %eq3A_337 = vector.broadcast %broadcast_in_dim3A_336 : vector<256x1xi32> to vector<256x4096xi32>
      %eq3A_338 = arith.cmpi eq, %select_n3A_325, %eq3A_337 : vector<256x4096xi32>
      %jit3A_339 = arith.constant 0x7F800000 : f32
      %broadcast_in_dim3A_340 = vector.broadcast %jit3A_339 : f32 to vector<256x4096xf32>
      %select_n3A_341 = arith.select %eq3A_338, %broadcast_in_dim3A_340, %select_n3A_322 : vector<256x4096xi1>, vector<256x4096xf32>
      %jit3A_342 = arith.constant 1073741824 : i32
      %broadcast_in_dim3A_343 = vector.broadcast %jit3A_342 : i32 to vector<256x4096xi32>
      %select_n3A_344 = arith.select %eq3A_338, %broadcast_in_dim3A_343, %select_n3A_325 : vector<256x4096xi1>, vector<256x4096xi32>
      %reduce_min3A_345 = arith.constant dense<0x7F800000> : vector<256xf32>
      %reduce_min3A_346 = vector.multi_reduction <minimumf>, %select_n3A_341, %reduce_min3A_345 [1] : vector<256x4096xf32> to vector<256xf32>
      %broadcast_in_dim3A_347 = vector.shape_cast %reduce_min3A_346 : vector<256xf32> to vector<256x1xf32>
      %eq3A_348 = vector.broadcast %broadcast_in_dim3A_347 : vector<256x1xf32> to vector<256x4096xf32>
      %eq3A_349 = arith.cmpf oeq, %select_n3A_341, %eq3A_348 : vector<256x4096xf32>
      %jit3A_350 = arith.constant 1073741824 : i32
      %broadcast_in_dim3A_351 = vector.broadcast %jit3A_350 : i32 to vector<256x4096xi32>
      %select_n3A_352 = arith.select %eq3A_349, %select_n3A_344, %broadcast_in_dim3A_351 : vector<256x4096xi1>, vector<256x4096xi32>
      %reduce_min3A_353 = arith.constant dense<2147483647> : vector<256xi32>
      %reduce_min3A_354 = vector.multi_reduction <minsi>, %select_n3A_352, %reduce_min3A_353 [1] : vector<256x4096xi32> to vector<256xi32>
      %broadcast_in_dim3A_355 = vector.shape_cast %reduce_min3A_354 : vector<256xi32> to vector<256x1xi32>
      %eq3A_356 = vector.broadcast %broadcast_in_dim3A_355 : vector<256x1xi32> to vector<256x4096xi32>
      %eq3A_357 = arith.cmpi eq, %select_n3A_344, %eq3A_356 : vector<256x4096xi32>
      %jit3A_358 = arith.constant 0x7F800000 : f32
      %broadcast_in_dim3A_359 = vector.broadcast %jit3A_358 : f32 to vector<256x4096xf32>
      %select_n3A_360 = arith.select %eq3A_357, %broadcast_in_dim3A_359, %select_n3A_341 : vector<256x4096xi1>, vector<256x4096xf32>
      %jit3A_361 = arith.constant 1073741824 : i32
      %broadcast_in_dim3A_362 = vector.broadcast %jit3A_361 : i32 to vector<256x4096xi32>
      %select_n3A_363 = arith.select %eq3A_357, %broadcast_in_dim3A_362, %select_n3A_344 : vector<256x4096xi1>, vector<256x4096xi32>
      %reduce_min3A_364 = arith.constant dense<0x7F800000> : vector<256xf32>
      %reduce_min3A_365 = vector.multi_reduction <minimumf>, %select_n3A_360, %reduce_min3A_364 [1] : vector<256x4096xf32> to vector<256xf32>
      %broadcast_in_dim3A_366 = vector.shape_cast %reduce_min3A_365 : vector<256xf32> to vector<256x1xf32>
      %eq3A_367 = vector.broadcast %broadcast_in_dim3A_366 : vector<256x1xf32> to vector<256x4096xf32>
      %eq3A_368 = arith.cmpf oeq, %select_n3A_360, %eq3A_367 : vector<256x4096xf32>
      %jit3A_369 = arith.constant 1073741824 : i32
      %broadcast_in_dim3A_370 = vector.broadcast %jit3A_369 : i32 to vector<256x4096xi32>
      %select_n3A_371 = arith.select %eq3A_368, %select_n3A_363, %broadcast_in_dim3A_370 : vector<256x4096xi1>, vector<256x4096xi32>
      %reduce_min3A_372 = arith.constant dense<2147483647> : vector<256xi32>
      %reduce_min3A_373 = vector.multi_reduction <minsi>, %select_n3A_371, %reduce_min3A_372 [1] : vector<256x4096xi32> to vector<256xi32>
      %broadcast_in_dim3A_374 = vector.shape_cast %reduce_min3A_373 : vector<256xi32> to vector<256x1xi32>
      %eq3A_375 = vector.broadcast %broadcast_in_dim3A_374 : vector<256x1xi32> to vector<256x4096xi32>
      %eq3A_376 = arith.cmpi eq, %select_n3A_363, %eq3A_375 : vector<256x4096xi32>
      %jit3A_377 = arith.constant 0x7F800000 : f32
      %broadcast_in_dim3A_378 = vector.broadcast %jit3A_377 : f32 to vector<256x4096xf32>
      %select_n3A_379 = arith.select %eq3A_376, %broadcast_in_dim3A_378, %select_n3A_360 : vector<256x4096xi1>, vector<256x4096xf32>
      %jit3A_380 = arith.constant 1073741824 : i32
      %broadcast_in_dim3A_381 = vector.broadcast %jit3A_380 : i32 to vector<256x4096xi32>
      %select_n3A_382 = arith.select %eq3A_376, %broadcast_in_dim3A_381, %select_n3A_363 : vector<256x4096xi1>, vector<256x4096xi32>
      %reduce_min3A_383 = arith.constant dense<0x7F800000> : vector<256xf32>
      %reduce_min3A_384 = vector.multi_reduction <minimumf>, %select_n3A_379, %reduce_min3A_383 [1] : vector<256x4096xf32> to vector<256xf32>
      %broadcast_in_dim3A_385 = vector.shape_cast %reduce_min3A_384 : vector<256xf32> to vector<256x1xf32>
      %eq3A_386 = vector.broadcast %broadcast_in_dim3A_385 : vector<256x1xf32> to vector<256x4096xf32>
      %eq3A_387 = arith.cmpf oeq, %select_n3A_379, %eq3A_386 : vector<256x4096xf32>
      %jit3A_388 = arith.constant 1073741824 : i32
      %broadcast_in_dim3A_389 = vector.broadcast %jit3A_388 : i32 to vector<256x4096xi32>
      %select_n3A_390 = arith.select %eq3A_387, %select_n3A_382, %broadcast_in_dim3A_389 : vector<256x4096xi1>, vector<256x4096xi32>
      %reduce_min3A_391 = arith.constant dense<2147483647> : vector<256xi32>
      %reduce_min3A_392 = vector.multi_reduction <minsi>, %select_n3A_390, %reduce_min3A_391 [1] : vector<256x4096xi32> to vector<256xi32>
      %broadcast_in_dim3A_393 = vector.shape_cast %reduce_min3A_392 : vector<256xi32> to vector<256x1xi32>
      %eq3A_394 = vector.broadcast %broadcast_in_dim3A_393 : vector<256x1xi32> to vector<256x4096xi32>
      %eq3A_395 = arith.cmpi eq, %select_n3A_382, %eq3A_394 : vector<256x4096xi32>
      %jit3A_396 = arith.constant 0x7F800000 : f32
      %broadcast_in_dim3A_397 = vector.broadcast %jit3A_396 : f32 to vector<256x4096xf32>
      %select_n3A_398 = arith.select %eq3A_395, %broadcast_in_dim3A_397, %select_n3A_379 : vector<256x4096xi1>, vector<256x4096xf32>
      %jit3A_399 = arith.constant 1073741824 : i32
      %broadcast_in_dim3A_400 = vector.broadcast %jit3A_399 : i32 to vector<256x4096xi32>
      %select_n3A_401 = arith.select %eq3A_395, %broadcast_in_dim3A_400, %select_n3A_382 : vector<256x4096xi1>, vector<256x4096xi32>
      %reduce_min3A_402 = arith.constant dense<0x7F800000> : vector<256xf32>
      %reduce_min3A_403 = vector.multi_reduction <minimumf>, %select_n3A_398, %reduce_min3A_402 [1] : vector<256x4096xf32> to vector<256xf32>
      %broadcast_in_dim3A_404 = vector.shape_cast %reduce_min3A_403 : vector<256xf32> to vector<256x1xf32>
      %eq3A_405 = vector.broadcast %broadcast_in_dim3A_404 : vector<256x1xf32> to vector<256x4096xf32>
      %eq3A_406 = arith.cmpf oeq, %select_n3A_398, %eq3A_405 : vector<256x4096xf32>
      %jit3A_407 = arith.constant 1073741824 : i32
      %broadcast_in_dim3A_408 = vector.broadcast %jit3A_407 : i32 to vector<256x4096xi32>
      %select_n3A_409 = arith.select %eq3A_406, %select_n3A_401, %broadcast_in_dim3A_408 : vector<256x4096xi1>, vector<256x4096xi32>
      %reduce_min3A_410 = arith.constant dense<2147483647> : vector<256xi32>
      %reduce_min3A_411 = vector.multi_reduction <minsi>, %select_n3A_409, %reduce_min3A_410 [1] : vector<256x4096xi32> to vector<256xi32>
      %broadcast_in_dim3A_412 = vector.shape_cast %reduce_min3A_411 : vector<256xi32> to vector<256x1xi32>
      %concatenate3A = tpu.concatenate %broadcast_in_dim3A_51, %broadcast_in_dim3A_70, %broadcast_in_dim3A_89, %broadcast_in_dim3A_108, %broadcast_in_dim3A_127, %broadcast_in_dim3A_146, %broadcast_in_dim3A_165, %broadcast_in_dim3A_184, %broadcast_in_dim3A_203, %broadcast_in_dim3A_222, %broadcast_in_dim3A_241, %broadcast_in_dim3A_260, %broadcast_in_dim3A_279, %broadcast_in_dim3A_298, %broadcast_in_dim3A_317, %broadcast_in_dim3A_336, %broadcast_in_dim3A_355, %broadcast_in_dim3A_374, %broadcast_in_dim3A_393, %broadcast_in_dim3A_412 in 1 : vector<256x1xi32>, vector<256x1xi32>, vector<256x1xi32>, vector<256x1xi32>, vector<256x1xi32>, vector<256x1xi32>, vector<256x1xi32>, vector<256x1xi32>, vector<256x1xi32>, vector<256x1xi32>, vector<256x1xi32>, vector<256x1xi32>, vector<256x1xi32>, vector<256x1xi32>, vector<256x1xi32>, vector<256x1xi32>, vector<256x1xi32>, vector<256x1xi32>, vector<256x1xi32>, vector<256x1xi32> -> vector<256x20xi32>
      %swap3A = arith.constant 0 : index
      %swap3A_413 = arith.constant 0 : index
      %swap3A_414 = vector.load %arg9[%swap3A, %swap3A_413] : memref<256x20xi32, #tpu.memory_space<vmem>>, vector<256x20xi32>
      tpu.vector_store %arg9[%swap3A, %swap3A_413], %concatenate3A {strides = array<i32>} : memref<256x20xi32, #tpu.memory_space<vmem>>, vector<256x20xi32>,
    } else {
    }
    return
  }
  func.func @transform_0(%arg0: i32, %arg1: memref<16xi32, #tpu.memory_space<smem>>, %arg2: memref<16xi32, #tpu.memory_space<smem>>) -> (i32, i32) {
    %c0_i32 = arith.constant 0 : i32
    %c0_i32_0 = arith.constant 0 : i32
    return %arg0, %c0_i32 : i32, i32
  }
  func.func @transform_1(%arg0: i32, %arg1: memref<16xi32, #tpu.memory_space<smem>>, %arg2: memref<16xi32, #tpu.memory_space<smem>>) -> (i32, i32) {
    %c0_i32 = arith.constant 0 : i32
    %c0_i32_0 = arith.constant 0 : i32
    %c0_i32_1 = arith.constant 0 : i32
    return %c0_i32, %c0_i32_0 : i32, i32
  }
  func.func @transform_2(%arg0: i32, %arg1: memref<16xi32, #tpu.memory_space<smem>>, %arg2: memref<16xi32, #tpu.memory_space<smem>>) -> (i32, i32) {
    %c0_i32 = arith.constant 0 : i32
    %c0_i32_0 = arith.constant 0 : i32
    return %arg0, %c0_i32 : i32, i32
  }
  func.func @transform_3(%arg0: i32, %arg1: memref<16xi32, #tpu.memory_space<smem>>, %arg2: memref<16xi32, #tpu.memory_space<smem>>) -> (i32, i32) {
    %c0_i32 = arith.constant 0 : i32
    %c0_i32_0 = arith.constant 0 : i32
    %c0_i32_1 = arith.constant 0 : i32
    return %c0_i32, %c0_i32_0 : i32, i32
  }
  func.func @transform_4(%arg0: i32, %arg1: memref<16xi32, #tpu.memory_space<smem>>, %arg2: memref<16xi32, #tpu.memory_space<smem>>) -> (i32, i32) {
    %c0_i32 = arith.constant 0 : i32
    %c0_i32_0 = arith.constant 0 : i32
    return %arg0, %c0_i32 : i32, i32
  }
  func.func @transform_5(%arg0: i32, %arg1: memref<16xi32, #tpu.memory_space<smem>>, %arg2: memref<16xi32, #tpu.memory_space<smem>>) -> (i32, i32) {
    %c0_i32 = arith.constant 0 : i32
    %c0_i32_0 = arith.constant 0 : i32
    %c0_i32_1 = arith.constant 0 : i32
    return %c0_i32, %c0_i32_0 : i32, i32
  }
  func.func @transform_6(%arg0: i32, %arg1: memref<16xi32, #tpu.memory_space<smem>>, %arg2: memref<16xi32, #tpu.memory_space<smem>>) -> (i32, i32) {
    %c0_i32 = arith.constant 0 : i32
    %c0_i32_0 = arith.constant 0 : i32
    return %arg0, %c0_i32 : i32, i32
  }
}

module attributes {stable_mosaic.version = 14 : i64} {
  func.func @_edge_body(%arg0: i32, %arg1: memref<256x8xf32, #tpu.memory_space<vmem>>, %arg2: memref<20x256x128xf32, #tpu.memory_space<vmem>>, %arg3: memref<16x64xbf16, #tpu.memory_space<vmem>>, %arg4: memref<1x64xf32, #tpu.memory_space<vmem>>, %arg5: memref<256x64xf32, #tpu.memory_space<vmem>>) attributes {dimension_semantics = [#tpu.dimension_semantics<parallel>], iteration_bounds = array<i64: 16>, scalar_prefetch = 0 : i64, scratch_operands = 0 : i64, tpu.core_type = #tpu.core_type<tc>, window_params = [{transform_indices = @transform_0, window_bounds = array<i64: 256, 8>}, {transform_indices = @transform_1, window_bounds = array<i64: 20, 256, 128>}, {pipeline_mode = #tpu.pipeline_mode<synchronous>, transform_indices = @transform_2, window_bounds = array<i64: 16, 64>}, {pipeline_mode = #tpu.pipeline_mode<synchronous>, transform_indices = @transform_3, window_bounds = array<i64: 1, 64>}, {transform_indices = @transform_4, window_bounds = array<i64: 256, 64>}]} {
    %get3A = arith.constant 0 : index
    %get3A_0 = arith.constant 0 : index
    %get3A_1 = vector.load %arg1[%get3A, %get3A_0] : memref<256x8xf32, #tpu.memory_space<vmem>>, vector<256x8xf32>
    %convert_element_type3A = arith.truncf %get3A_1 : vector<256x8xf32> to vector<256x8xbf16>
    %get3A_2 = arith.constant 0 : index
    %get3A_3 = arith.constant 0 : index
    %get3A_4 = vector.load %arg3[%get3A_2, %get3A_3] : memref<16x64xbf16, #tpu.memory_space<vmem>>, vector<16x64xbf16>
    %get3A_5 = arith.constant 0 : index
    %get3A_6 = arith.constant 0 : index
    %get3A_7 = vector.load %arg4[%get3A_5, %get3A_6] : memref<1x64xf32, #tpu.memory_space<vmem>>, vector<1x64xf32>
    %get3A_8 = arith.constant 0 : index
    %get3A_9 = arith.constant 0 : index
    %get3A_10 = arith.constant 0 : index
    %get3A_11 = vector.load %arg2[%get3A_8, %get3A_9, %get3A_10] : memref<20x256x128xf32, #tpu.memory_space<vmem>>, vector<1x256x128xf32>
    %get3A_12 = vector.shape_cast %get3A_11 : vector<1x256x128xf32> to vector<256x128xf32>
    %slice3A = vector.extract_strided_slice %get3A_12 {offsets = [0, 0], sizes = [256, 8], strides = [1, 1]} : vector<256x128xf32> to vector<256x8xf32>
    %sub3A = arith.subf %slice3A, %get3A_1 : vector<256x8xf32>
    %convert_element_type3A_13 = arith.truncf %sub3A : vector<256x8xf32> to vector<256x8xbf16>
    %concatenate3A = tpu.concatenate %convert_element_type3A, %convert_element_type3A_13 in 1 : vector<256x8xbf16>, vector<256x8xbf16> -> vector<256x16xbf16>
    %dot_general3A = arith.constant dense<0.000000e+00> : vector<256x64xf32>
    %dot_general3A_14 = tpu.matmul %concatenate3A, %get3A_4, %dot_general3A {dimension_numbers = #tpu.dot_dimension_numbers<[1], [0], [0], [1], [0, 0, 1, 1], [], []>, transpose_lhs_hint = false} : vector<256x16xbf16>, vector<16x64xbf16>, vector<256x64xf32> -> vector<256x64xf32>
    %add3A = vector.broadcast %get3A_7 : vector<1x64xf32> to vector<256x64xf32>
    %add3A_15 = arith.addf %dot_general3A_14, %add3A : vector<256x64xf32>
    %get3A_16 = arith.constant 1 : index
    %get3A_17 = arith.constant 0 : index
    %get3A_18 = arith.constant 0 : index
    %get3A_19 = vector.load %arg2[%get3A_16, %get3A_17, %get3A_18] : memref<20x256x128xf32, #tpu.memory_space<vmem>>, vector<1x256x128xf32>
    %get3A_20 = vector.shape_cast %get3A_19 : vector<1x256x128xf32> to vector<256x128xf32>
    %slice3A_21 = vector.extract_strided_slice %get3A_20 {offsets = [0, 0], sizes = [256, 8], strides = [1, 1]} : vector<256x128xf32> to vector<256x8xf32>
    %sub3A_22 = arith.subf %slice3A_21, %get3A_1 : vector<256x8xf32>
    %convert_element_type3A_23 = arith.truncf %sub3A_22 : vector<256x8xf32> to vector<256x8xbf16>
    %concatenate3A_24 = tpu.concatenate %convert_element_type3A, %convert_element_type3A_23 in 1 : vector<256x8xbf16>, vector<256x8xbf16> -> vector<256x16xbf16>
    %dot_general3A_25 = arith.constant dense<0.000000e+00> : vector<256x64xf32>
    %dot_general3A_26 = tpu.matmul %concatenate3A_24, %get3A_4, %dot_general3A_25 {dimension_numbers = #tpu.dot_dimension_numbers<[1], [0], [0], [1], [0, 0, 1, 1], [], []>, transpose_lhs_hint = false} : vector<256x16xbf16>, vector<16x64xbf16>, vector<256x64xf32> -> vector<256x64xf32>
    %add3A_27 = vector.broadcast %get3A_7 : vector<1x64xf32> to vector<256x64xf32>
    %add3A_28 = arith.addf %dot_general3A_26, %add3A_27 : vector<256x64xf32>
    %max3A = arith.maximumf %add3A_15, %add3A_28 : vector<256x64xf32>
    %get3A_29 = arith.constant 2 : index
    %get3A_30 = arith.constant 0 : index
    %get3A_31 = arith.constant 0 : index
    %get3A_32 = vector.load %arg2[%get3A_29, %get3A_30, %get3A_31] : memref<20x256x128xf32, #tpu.memory_space<vmem>>, vector<1x256x128xf32>
    %get3A_33 = vector.shape_cast %get3A_32 : vector<1x256x128xf32> to vector<256x128xf32>
    %slice3A_34 = vector.extract_strided_slice %get3A_33 {offsets = [0, 0], sizes = [256, 8], strides = [1, 1]} : vector<256x128xf32> to vector<256x8xf32>
    %sub3A_35 = arith.subf %slice3A_34, %get3A_1 : vector<256x8xf32>
    %convert_element_type3A_36 = arith.truncf %sub3A_35 : vector<256x8xf32> to vector<256x8xbf16>
    %concatenate3A_37 = tpu.concatenate %convert_element_type3A, %convert_element_type3A_36 in 1 : vector<256x8xbf16>, vector<256x8xbf16> -> vector<256x16xbf16>
    %dot_general3A_38 = arith.constant dense<0.000000e+00> : vector<256x64xf32>
    %dot_general3A_39 = tpu.matmul %concatenate3A_37, %get3A_4, %dot_general3A_38 {dimension_numbers = #tpu.dot_dimension_numbers<[1], [0], [0], [1], [0, 0, 1, 1], [], []>, transpose_lhs_hint = false} : vector<256x16xbf16>, vector<16x64xbf16>, vector<256x64xf32> -> vector<256x64xf32>
    %add3A_40 = vector.broadcast %get3A_7 : vector<1x64xf32> to vector<256x64xf32>
    %add3A_41 = arith.addf %dot_general3A_39, %add3A_40 : vector<256x64xf32>
    %max3A_42 = arith.maximumf %max3A, %add3A_41 : vector<256x64xf32>
    %get3A_43 = arith.constant 3 : index
    %get3A_44 = arith.constant 0 : index
    %get3A_45 = arith.constant 0 : index
    %get3A_46 = vector.load %arg2[%get3A_43, %get3A_44, %get3A_45] : memref<20x256x128xf32, #tpu.memory_space<vmem>>, vector<1x256x128xf32>
    %get3A_47 = vector.shape_cast %get3A_46 : vector<1x256x128xf32> to vector<256x128xf32>
    %slice3A_48 = vector.extract_strided_slice %get3A_47 {offsets = [0, 0], sizes = [256, 8], strides = [1, 1]} : vector<256x128xf32> to vector<256x8xf32>
    %sub3A_49 = arith.subf %slice3A_48, %get3A_1 : vector<256x8xf32>
    %convert_element_type3A_50 = arith.truncf %sub3A_49 : vector<256x8xf32> to vector<256x8xbf16>
    %concatenate3A_51 = tpu.concatenate %convert_element_type3A, %convert_element_type3A_50 in 1 : vector<256x8xbf16>, vector<256x8xbf16> -> vector<256x16xbf16>
    %dot_general3A_52 = arith.constant dense<0.000000e+00> : vector<256x64xf32>
    %dot_general3A_53 = tpu.matmul %concatenate3A_51, %get3A_4, %dot_general3A_52 {dimension_numbers = #tpu.dot_dimension_numbers<[1], [0], [0], [1], [0, 0, 1, 1], [], []>, transpose_lhs_hint = false} : vector<256x16xbf16>, vector<16x64xbf16>, vector<256x64xf32> -> vector<256x64xf32>
    %add3A_54 = vector.broadcast %get3A_7 : vector<1x64xf32> to vector<256x64xf32>
    %add3A_55 = arith.addf %dot_general3A_53, %add3A_54 : vector<256x64xf32>
    %max3A_56 = arith.maximumf %max3A_42, %add3A_55 : vector<256x64xf32>
    %get3A_57 = arith.constant 4 : index
    %get3A_58 = arith.constant 0 : index
    %get3A_59 = arith.constant 0 : index
    %get3A_60 = vector.load %arg2[%get3A_57, %get3A_58, %get3A_59] : memref<20x256x128xf32, #tpu.memory_space<vmem>>, vector<1x256x128xf32>
    %get3A_61 = vector.shape_cast %get3A_60 : vector<1x256x128xf32> to vector<256x128xf32>
    %slice3A_62 = vector.extract_strided_slice %get3A_61 {offsets = [0, 0], sizes = [256, 8], strides = [1, 1]} : vector<256x128xf32> to vector<256x8xf32>
    %sub3A_63 = arith.subf %slice3A_62, %get3A_1 : vector<256x8xf32>
    %convert_element_type3A_64 = arith.truncf %sub3A_63 : vector<256x8xf32> to vector<256x8xbf16>
    %concatenate3A_65 = tpu.concatenate %convert_element_type3A, %convert_element_type3A_64 in 1 : vector<256x8xbf16>, vector<256x8xbf16> -> vector<256x16xbf16>
    %dot_general3A_66 = arith.constant dense<0.000000e+00> : vector<256x64xf32>
    %dot_general3A_67 = tpu.matmul %concatenate3A_65, %get3A_4, %dot_general3A_66 {dimension_numbers = #tpu.dot_dimension_numbers<[1], [0], [0], [1], [0, 0, 1, 1], [], []>, transpose_lhs_hint = false} : vector<256x16xbf16>, vector<16x64xbf16>, vector<256x64xf32> -> vector<256x64xf32>
    %add3A_68 = vector.broadcast %get3A_7 : vector<1x64xf32> to vector<256x64xf32>
    %add3A_69 = arith.addf %dot_general3A_67, %add3A_68 : vector<256x64xf32>
    %max3A_70 = arith.maximumf %max3A_56, %add3A_69 : vector<256x64xf32>
    %get3A_71 = arith.constant 5 : index
    %get3A_72 = arith.constant 0 : index
    %get3A_73 = arith.constant 0 : index
    %get3A_74 = vector.load %arg2[%get3A_71, %get3A_72, %get3A_73] : memref<20x256x128xf32, #tpu.memory_space<vmem>>, vector<1x256x128xf32>
    %get3A_75 = vector.shape_cast %get3A_74 : vector<1x256x128xf32> to vector<256x128xf32>
    %slice3A_76 = vector.extract_strided_slice %get3A_75 {offsets = [0, 0], sizes = [256, 8], strides = [1, 1]} : vector<256x128xf32> to vector<256x8xf32>
    %sub3A_77 = arith.subf %slice3A_76, %get3A_1 : vector<256x8xf32>
    %convert_element_type3A_78 = arith.truncf %sub3A_77 : vector<256x8xf32> to vector<256x8xbf16>
    %concatenate3A_79 = tpu.concatenate %convert_element_type3A, %convert_element_type3A_78 in 1 : vector<256x8xbf16>, vector<256x8xbf16> -> vector<256x16xbf16>
    %dot_general3A_80 = arith.constant dense<0.000000e+00> : vector<256x64xf32>
    %dot_general3A_81 = tpu.matmul %concatenate3A_79, %get3A_4, %dot_general3A_80 {dimension_numbers = #tpu.dot_dimension_numbers<[1], [0], [0], [1], [0, 0, 1, 1], [], []>, transpose_lhs_hint = false} : vector<256x16xbf16>, vector<16x64xbf16>, vector<256x64xf32> -> vector<256x64xf32>
    %add3A_82 = vector.broadcast %get3A_7 : vector<1x64xf32> to vector<256x64xf32>
    %add3A_83 = arith.addf %dot_general3A_81, %add3A_82 : vector<256x64xf32>
    %max3A_84 = arith.maximumf %max3A_70, %add3A_83 : vector<256x64xf32>
    %get3A_85 = arith.constant 6 : index
    %get3A_86 = arith.constant 0 : index
    %get3A_87 = arith.constant 0 : index
    %get3A_88 = vector.load %arg2[%get3A_85, %get3A_86, %get3A_87] : memref<20x256x128xf32, #tpu.memory_space<vmem>>, vector<1x256x128xf32>
    %get3A_89 = vector.shape_cast %get3A_88 : vector<1x256x128xf32> to vector<256x128xf32>
    %slice3A_90 = vector.extract_strided_slice %get3A_89 {offsets = [0, 0], sizes = [256, 8], strides = [1, 1]} : vector<256x128xf32> to vector<256x8xf32>
    %sub3A_91 = arith.subf %slice3A_90, %get3A_1 : vector<256x8xf32>
    %convert_element_type3A_92 = arith.truncf %sub3A_91 : vector<256x8xf32> to vector<256x8xbf16>
    %concatenate3A_93 = tpu.concatenate %convert_element_type3A, %convert_element_type3A_92 in 1 : vector<256x8xbf16>, vector<256x8xbf16> -> vector<256x16xbf16>
    %dot_general3A_94 = arith.constant dense<0.000000e+00> : vector<256x64xf32>
    %dot_general3A_95 = tpu.matmul %concatenate3A_93, %get3A_4, %dot_general3A_94 {dimension_numbers = #tpu.dot_dimension_numbers<[1], [0], [0], [1], [0, 0, 1, 1], [], []>, transpose_lhs_hint = false} : vector<256x16xbf16>, vector<16x64xbf16>, vector<256x64xf32> -> vector<256x64xf32>
    %add3A_96 = vector.broadcast %get3A_7 : vector<1x64xf32> to vector<256x64xf32>
    %add3A_97 = arith.addf %dot_general3A_95, %add3A_96 : vector<256x64xf32>
    %max3A_98 = arith.maximumf %max3A_84, %add3A_97 : vector<256x64xf32>
    %get3A_99 = arith.constant 7 : index
    %get3A_100 = arith.constant 0 : index
    %get3A_101 = arith.constant 0 : index
    %get3A_102 = vector.load %arg2[%get3A_99, %get3A_100, %get3A_101] : memref<20x256x128xf32, #tpu.memory_space<vmem>>, vector<1x256x128xf32>
    %get3A_103 = vector.shape_cast %get3A_102 : vector<1x256x128xf32> to vector<256x128xf32>
    %slice3A_104 = vector.extract_strided_slice %get3A_103 {offsets = [0, 0], sizes = [256, 8], strides = [1, 1]} : vector<256x128xf32> to vector<256x8xf32>
    %sub3A_105 = arith.subf %slice3A_104, %get3A_1 : vector<256x8xf32>
    %convert_element_type3A_106 = arith.truncf %sub3A_105 : vector<256x8xf32> to vector<256x8xbf16>
    %concatenate3A_107 = tpu.concatenate %convert_element_type3A, %convert_element_type3A_106 in 1 : vector<256x8xbf16>, vector<256x8xbf16> -> vector<256x16xbf16>
    %dot_general3A_108 = arith.constant dense<0.000000e+00> : vector<256x64xf32>
    %dot_general3A_109 = tpu.matmul %concatenate3A_107, %get3A_4, %dot_general3A_108 {dimension_numbers = #tpu.dot_dimension_numbers<[1], [0], [0], [1], [0, 0, 1, 1], [], []>, transpose_lhs_hint = false} : vector<256x16xbf16>, vector<16x64xbf16>, vector<256x64xf32> -> vector<256x64xf32>
    %add3A_110 = vector.broadcast %get3A_7 : vector<1x64xf32> to vector<256x64xf32>
    %add3A_111 = arith.addf %dot_general3A_109, %add3A_110 : vector<256x64xf32>
    %max3A_112 = arith.maximumf %max3A_98, %add3A_111 : vector<256x64xf32>
    %get3A_113 = arith.constant 8 : index
    %get3A_114 = arith.constant 0 : index
    %get3A_115 = arith.constant 0 : index
    %get3A_116 = vector.load %arg2[%get3A_113, %get3A_114, %get3A_115] : memref<20x256x128xf32, #tpu.memory_space<vmem>>, vector<1x256x128xf32>
    %get3A_117 = vector.shape_cast %get3A_116 : vector<1x256x128xf32> to vector<256x128xf32>
    %slice3A_118 = vector.extract_strided_slice %get3A_117 {offsets = [0, 0], sizes = [256, 8], strides = [1, 1]} : vector<256x128xf32> to vector<256x8xf32>
    %sub3A_119 = arith.subf %slice3A_118, %get3A_1 : vector<256x8xf32>
    %convert_element_type3A_120 = arith.truncf %sub3A_119 : vector<256x8xf32> to vector<256x8xbf16>
    %concatenate3A_121 = tpu.concatenate %convert_element_type3A, %convert_element_type3A_120 in 1 : vector<256x8xbf16>, vector<256x8xbf16> -> vector<256x16xbf16>
    %dot_general3A_122 = arith.constant dense<0.000000e+00> : vector<256x64xf32>
    %dot_general3A_123 = tpu.matmul %concatenate3A_121, %get3A_4, %dot_general3A_122 {dimension_numbers = #tpu.dot_dimension_numbers<[1], [0], [0], [1], [0, 0, 1, 1], [], []>, transpose_lhs_hint = false} : vector<256x16xbf16>, vector<16x64xbf16>, vector<256x64xf32> -> vector<256x64xf32>
    %add3A_124 = vector.broadcast %get3A_7 : vector<1x64xf32> to vector<256x64xf32>
    %add3A_125 = arith.addf %dot_general3A_123, %add3A_124 : vector<256x64xf32>
    %max3A_126 = arith.maximumf %max3A_112, %add3A_125 : vector<256x64xf32>
    %get3A_127 = arith.constant 9 : index
    %get3A_128 = arith.constant 0 : index
    %get3A_129 = arith.constant 0 : index
    %get3A_130 = vector.load %arg2[%get3A_127, %get3A_128, %get3A_129] : memref<20x256x128xf32, #tpu.memory_space<vmem>>, vector<1x256x128xf32>
    %get3A_131 = vector.shape_cast %get3A_130 : vector<1x256x128xf32> to vector<256x128xf32>
    %slice3A_132 = vector.extract_strided_slice %get3A_131 {offsets = [0, 0], sizes = [256, 8], strides = [1, 1]} : vector<256x128xf32> to vector<256x8xf32>
    %sub3A_133 = arith.subf %slice3A_132, %get3A_1 : vector<256x8xf32>
    %convert_element_type3A_134 = arith.truncf %sub3A_133 : vector<256x8xf32> to vector<256x8xbf16>
    %concatenate3A_135 = tpu.concatenate %convert_element_type3A, %convert_element_type3A_134 in 1 : vector<256x8xbf16>, vector<256x8xbf16> -> vector<256x16xbf16>
    %dot_general3A_136 = arith.constant dense<0.000000e+00> : vector<256x64xf32>
    %dot_general3A_137 = tpu.matmul %concatenate3A_135, %get3A_4, %dot_general3A_136 {dimension_numbers = #tpu.dot_dimension_numbers<[1], [0], [0], [1], [0, 0, 1, 1], [], []>, transpose_lhs_hint = false} : vector<256x16xbf16>, vector<16x64xbf16>, vector<256x64xf32> -> vector<256x64xf32>
    %add3A_138 = vector.broadcast %get3A_7 : vector<1x64xf32> to vector<256x64xf32>
    %add3A_139 = arith.addf %dot_general3A_137, %add3A_138 : vector<256x64xf32>
    %max3A_140 = arith.maximumf %max3A_126, %add3A_139 : vector<256x64xf32>
    %get3A_141 = arith.constant 10 : index
    %get3A_142 = arith.constant 0 : index
    %get3A_143 = arith.constant 0 : index
    %get3A_144 = vector.load %arg2[%get3A_141, %get3A_142, %get3A_143] : memref<20x256x128xf32, #tpu.memory_space<vmem>>, vector<1x256x128xf32>
    %get3A_145 = vector.shape_cast %get3A_144 : vector<1x256x128xf32> to vector<256x128xf32>
    %slice3A_146 = vector.extract_strided_slice %get3A_145 {offsets = [0, 0], sizes = [256, 8], strides = [1, 1]} : vector<256x128xf32> to vector<256x8xf32>
    %sub3A_147 = arith.subf %slice3A_146, %get3A_1 : vector<256x8xf32>
    %convert_element_type3A_148 = arith.truncf %sub3A_147 : vector<256x8xf32> to vector<256x8xbf16>
    %concatenate3A_149 = tpu.concatenate %convert_element_type3A, %convert_element_type3A_148 in 1 : vector<256x8xbf16>, vector<256x8xbf16> -> vector<256x16xbf16>
    %dot_general3A_150 = arith.constant dense<0.000000e+00> : vector<256x64xf32>
    %dot_general3A_151 = tpu.matmul %concatenate3A_149, %get3A_4, %dot_general3A_150 {dimension_numbers = #tpu.dot_dimension_numbers<[1], [0], [0], [1], [0, 0, 1, 1], [], []>, transpose_lhs_hint = false} : vector<256x16xbf16>, vector<16x64xbf16>, vector<256x64xf32> -> vector<256x64xf32>
    %add3A_152 = vector.broadcast %get3A_7 : vector<1x64xf32> to vector<256x64xf32>
    %add3A_153 = arith.addf %dot_general3A_151, %add3A_152 : vector<256x64xf32>
    %max3A_154 = arith.maximumf %max3A_140, %add3A_153 : vector<256x64xf32>
    %get3A_155 = arith.constant 11 : index
    %get3A_156 = arith.constant 0 : index
    %get3A_157 = arith.constant 0 : index
    %get3A_158 = vector.load %arg2[%get3A_155, %get3A_156, %get3A_157] : memref<20x256x128xf32, #tpu.memory_space<vmem>>, vector<1x256x128xf32>
    %get3A_159 = vector.shape_cast %get3A_158 : vector<1x256x128xf32> to vector<256x128xf32>
    %slice3A_160 = vector.extract_strided_slice %get3A_159 {offsets = [0, 0], sizes = [256, 8], strides = [1, 1]} : vector<256x128xf32> to vector<256x8xf32>
    %sub3A_161 = arith.subf %slice3A_160, %get3A_1 : vector<256x8xf32>
    %convert_element_type3A_162 = arith.truncf %sub3A_161 : vector<256x8xf32> to vector<256x8xbf16>
    %concatenate3A_163 = tpu.concatenate %convert_element_type3A, %convert_element_type3A_162 in 1 : vector<256x8xbf16>, vector<256x8xbf16> -> vector<256x16xbf16>
    %dot_general3A_164 = arith.constant dense<0.000000e+00> : vector<256x64xf32>
    %dot_general3A_165 = tpu.matmul %concatenate3A_163, %get3A_4, %dot_general3A_164 {dimension_numbers = #tpu.dot_dimension_numbers<[1], [0], [0], [1], [0, 0, 1, 1], [], []>, transpose_lhs_hint = false} : vector<256x16xbf16>, vector<16x64xbf16>, vector<256x64xf32> -> vector<256x64xf32>
    %add3A_166 = vector.broadcast %get3A_7 : vector<1x64xf32> to vector<256x64xf32>
    %add3A_167 = arith.addf %dot_general3A_165, %add3A_166 : vector<256x64xf32>
    %max3A_168 = arith.maximumf %max3A_154, %add3A_167 : vector<256x64xf32>
    %get3A_169 = arith.constant 12 : index
    %get3A_170 = arith.constant 0 : index
    %get3A_171 = arith.constant 0 : index
    %get3A_172 = vector.load %arg2[%get3A_169, %get3A_170, %get3A_171] : memref<20x256x128xf32, #tpu.memory_space<vmem>>, vector<1x256x128xf32>
    %get3A_173 = vector.shape_cast %get3A_172 : vector<1x256x128xf32> to vector<256x128xf32>
    %slice3A_174 = vector.extract_strided_slice %get3A_173 {offsets = [0, 0], sizes = [256, 8], strides = [1, 1]} : vector<256x128xf32> to vector<256x8xf32>
    %sub3A_175 = arith.subf %slice3A_174, %get3A_1 : vector<256x8xf32>
    %convert_element_type3A_176 = arith.truncf %sub3A_175 : vector<256x8xf32> to vector<256x8xbf16>
    %concatenate3A_177 = tpu.concatenate %convert_element_type3A, %convert_element_type3A_176 in 1 : vector<256x8xbf16>, vector<256x8xbf16> -> vector<256x16xbf16>
    %dot_general3A_178 = arith.constant dense<0.000000e+00> : vector<256x64xf32>
    %dot_general3A_179 = tpu.matmul %concatenate3A_177, %get3A_4, %dot_general3A_178 {dimension_numbers = #tpu.dot_dimension_numbers<[1], [0], [0], [1], [0, 0, 1, 1], [], []>, transpose_lhs_hint = false} : vector<256x16xbf16>, vector<16x64xbf16>, vector<256x64xf32> -> vector<256x64xf32>
    %add3A_180 = vector.broadcast %get3A_7 : vector<1x64xf32> to vector<256x64xf32>
    %add3A_181 = arith.addf %dot_general3A_179, %add3A_180 : vector<256x64xf32>
    %max3A_182 = arith.maximumf %max3A_168, %add3A_181 : vector<256x64xf32>
    %get3A_183 = arith.constant 13 : index
    %get3A_184 = arith.constant 0 : index
    %get3A_185 = arith.constant 0 : index
    %get3A_186 = vector.load %arg2[%get3A_183, %get3A_184, %get3A_185] : memref<20x256x128xf32, #tpu.memory_space<vmem>>, vector<1x256x128xf32>
    %get3A_187 = vector.shape_cast %get3A_186 : vector<1x256x128xf32> to vector<256x128xf32>
    %slice3A_188 = vector.extract_strided_slice %get3A_187 {offsets = [0, 0], sizes = [256, 8], strides = [1, 1]} : vector<256x128xf32> to vector<256x8xf32>
    %sub3A_189 = arith.subf %slice3A_188, %get3A_1 : vector<256x8xf32>
    %convert_element_type3A_190 = arith.truncf %sub3A_189 : vector<256x8xf32> to vector<256x8xbf16>
    %concatenate3A_191 = tpu.concatenate %convert_element_type3A, %convert_element_type3A_190 in 1 : vector<256x8xbf16>, vector<256x8xbf16> -> vector<256x16xbf16>
    %dot_general3A_192 = arith.constant dense<0.000000e+00> : vector<256x64xf32>
    %dot_general3A_193 = tpu.matmul %concatenate3A_191, %get3A_4, %dot_general3A_192 {dimension_numbers = #tpu.dot_dimension_numbers<[1], [0], [0], [1], [0, 0, 1, 1], [], []>, transpose_lhs_hint = false} : vector<256x16xbf16>, vector<16x64xbf16>, vector<256x64xf32> -> vector<256x64xf32>
    %add3A_194 = vector.broadcast %get3A_7 : vector<1x64xf32> to vector<256x64xf32>
    %add3A_195 = arith.addf %dot_general3A_193, %add3A_194 : vector<256x64xf32>
    %max3A_196 = arith.maximumf %max3A_182, %add3A_195 : vector<256x64xf32>
    %get3A_197 = arith.constant 14 : index
    %get3A_198 = arith.constant 0 : index
    %get3A_199 = arith.constant 0 : index
    %get3A_200 = vector.load %arg2[%get3A_197, %get3A_198, %get3A_199] : memref<20x256x128xf32, #tpu.memory_space<vmem>>, vector<1x256x128xf32>
    %get3A_201 = vector.shape_cast %get3A_200 : vector<1x256x128xf32> to vector<256x128xf32>
    %slice3A_202 = vector.extract_strided_slice %get3A_201 {offsets = [0, 0], sizes = [256, 8], strides = [1, 1]} : vector<256x128xf32> to vector<256x8xf32>
    %sub3A_203 = arith.subf %slice3A_202, %get3A_1 : vector<256x8xf32>
    %convert_element_type3A_204 = arith.truncf %sub3A_203 : vector<256x8xf32> to vector<256x8xbf16>
    %concatenate3A_205 = tpu.concatenate %convert_element_type3A, %convert_element_type3A_204 in 1 : vector<256x8xbf16>, vector<256x8xbf16> -> vector<256x16xbf16>
    %dot_general3A_206 = arith.constant dense<0.000000e+00> : vector<256x64xf32>
    %dot_general3A_207 = tpu.matmul %concatenate3A_205, %get3A_4, %dot_general3A_206 {dimension_numbers = #tpu.dot_dimension_numbers<[1], [0], [0], [1], [0, 0, 1, 1], [], []>, transpose_lhs_hint = false} : vector<256x16xbf16>, vector<16x64xbf16>, vector<256x64xf32> -> vector<256x64xf32>
    %add3A_208 = vector.broadcast %get3A_7 : vector<1x64xf32> to vector<256x64xf32>
    %add3A_209 = arith.addf %dot_general3A_207, %add3A_208 : vector<256x64xf32>
    %max3A_210 = arith.maximumf %max3A_196, %add3A_209 : vector<256x64xf32>
    %get3A_211 = arith.constant 15 : index
    %get3A_212 = arith.constant 0 : index
    %get3A_213 = arith.constant 0 : index
    %get3A_214 = vector.load %arg2[%get3A_211, %get3A_212, %get3A_213] : memref<20x256x128xf32, #tpu.memory_space<vmem>>, vector<1x256x128xf32>
    %get3A_215 = vector.shape_cast %get3A_214 : vector<1x256x128xf32> to vector<256x128xf32>
    %slice3A_216 = vector.extract_strided_slice %get3A_215 {offsets = [0, 0], sizes = [256, 8], strides = [1, 1]} : vector<256x128xf32> to vector<256x8xf32>
    %sub3A_217 = arith.subf %slice3A_216, %get3A_1 : vector<256x8xf32>
    %convert_element_type3A_218 = arith.truncf %sub3A_217 : vector<256x8xf32> to vector<256x8xbf16>
    %concatenate3A_219 = tpu.concatenate %convert_element_type3A, %convert_element_type3A_218 in 1 : vector<256x8xbf16>, vector<256x8xbf16> -> vector<256x16xbf16>
    %dot_general3A_220 = arith.constant dense<0.000000e+00> : vector<256x64xf32>
    %dot_general3A_221 = tpu.matmul %concatenate3A_219, %get3A_4, %dot_general3A_220 {dimension_numbers = #tpu.dot_dimension_numbers<[1], [0], [0], [1], [0, 0, 1, 1], [], []>, transpose_lhs_hint = false} : vector<256x16xbf16>, vector<16x64xbf16>, vector<256x64xf32> -> vector<256x64xf32>
    %add3A_222 = vector.broadcast %get3A_7 : vector<1x64xf32> to vector<256x64xf32>
    %add3A_223 = arith.addf %dot_general3A_221, %add3A_222 : vector<256x64xf32>
    %max3A_224 = arith.maximumf %max3A_210, %add3A_223 : vector<256x64xf32>
    %get3A_225 = arith.constant 16 : index
    %get3A_226 = arith.constant 0 : index
    %get3A_227 = arith.constant 0 : index
    %get3A_228 = vector.load %arg2[%get3A_225, %get3A_226, %get3A_227] : memref<20x256x128xf32, #tpu.memory_space<vmem>>, vector<1x256x128xf32>
    %get3A_229 = vector.shape_cast %get3A_228 : vector<1x256x128xf32> to vector<256x128xf32>
    %slice3A_230 = vector.extract_strided_slice %get3A_229 {offsets = [0, 0], sizes = [256, 8], strides = [1, 1]} : vector<256x128xf32> to vector<256x8xf32>
    %sub3A_231 = arith.subf %slice3A_230, %get3A_1 : vector<256x8xf32>
    %convert_element_type3A_232 = arith.truncf %sub3A_231 : vector<256x8xf32> to vector<256x8xbf16>
    %concatenate3A_233 = tpu.concatenate %convert_element_type3A, %convert_element_type3A_232 in 1 : vector<256x8xbf16>, vector<256x8xbf16> -> vector<256x16xbf16>
    %dot_general3A_234 = arith.constant dense<0.000000e+00> : vector<256x64xf32>
    %dot_general3A_235 = tpu.matmul %concatenate3A_233, %get3A_4, %dot_general3A_234 {dimension_numbers = #tpu.dot_dimension_numbers<[1], [0], [0], [1], [0, 0, 1, 1], [], []>, transpose_lhs_hint = false} : vector<256x16xbf16>, vector<16x64xbf16>, vector<256x64xf32> -> vector<256x64xf32>
    %add3A_236 = vector.broadcast %get3A_7 : vector<1x64xf32> to vector<256x64xf32>
    %add3A_237 = arith.addf %dot_general3A_235, %add3A_236 : vector<256x64xf32>
    %max3A_238 = arith.maximumf %max3A_224, %add3A_237 : vector<256x64xf32>
    %get3A_239 = arith.constant 17 : index
    %get3A_240 = arith.constant 0 : index
    %get3A_241 = arith.constant 0 : index
    %get3A_242 = vector.load %arg2[%get3A_239, %get3A_240, %get3A_241] : memref<20x256x128xf32, #tpu.memory_space<vmem>>, vector<1x256x128xf32>
    %get3A_243 = vector.shape_cast %get3A_242 : vector<1x256x128xf32> to vector<256x128xf32>
    %slice3A_244 = vector.extract_strided_slice %get3A_243 {offsets = [0, 0], sizes = [256, 8], strides = [1, 1]} : vector<256x128xf32> to vector<256x8xf32>
    %sub3A_245 = arith.subf %slice3A_244, %get3A_1 : vector<256x8xf32>
    %convert_element_type3A_246 = arith.truncf %sub3A_245 : vector<256x8xf32> to vector<256x8xbf16>
    %concatenate3A_247 = tpu.concatenate %convert_element_type3A, %convert_element_type3A_246 in 1 : vector<256x8xbf16>, vector<256x8xbf16> -> vector<256x16xbf16>
    %dot_general3A_248 = arith.constant dense<0.000000e+00> : vector<256x64xf32>
    %dot_general3A_249 = tpu.matmul %concatenate3A_247, %get3A_4, %dot_general3A_248 {dimension_numbers = #tpu.dot_dimension_numbers<[1], [0], [0], [1], [0, 0, 1, 1], [], []>, transpose_lhs_hint = false} : vector<256x16xbf16>, vector<16x64xbf16>, vector<256x64xf32> -> vector<256x64xf32>
    %add3A_250 = vector.broadcast %get3A_7 : vector<1x64xf32> to vector<256x64xf32>
    %add3A_251 = arith.addf %dot_general3A_249, %add3A_250 : vector<256x64xf32>
    %max3A_252 = arith.maximumf %max3A_238, %add3A_251 : vector<256x64xf32>
    %get3A_253 = arith.constant 18 : index
    %get3A_254 = arith.constant 0 : index
    %get3A_255 = arith.constant 0 : index
    %get3A_256 = vector.load %arg2[%get3A_253, %get3A_254, %get3A_255] : memref<20x256x128xf32, #tpu.memory_space<vmem>>, vector<1x256x128xf32>
    %get3A_257 = vector.shape_cast %get3A_256 : vector<1x256x128xf32> to vector<256x128xf32>
    %slice3A_258 = vector.extract_strided_slice %get3A_257 {offsets = [0, 0], sizes = [256, 8], strides = [1, 1]} : vector<256x128xf32> to vector<256x8xf32>
    %sub3A_259 = arith.subf %slice3A_258, %get3A_1 : vector<256x8xf32>
    %convert_element_type3A_260 = arith.truncf %sub3A_259 : vector<256x8xf32> to vector<256x8xbf16>
    %concatenate3A_261 = tpu.concatenate %convert_element_type3A, %convert_element_type3A_260 in 1 : vector<256x8xbf16>, vector<256x8xbf16> -> vector<256x16xbf16>
    %dot_general3A_262 = arith.constant dense<0.000000e+00> : vector<256x64xf32>
    %dot_general3A_263 = tpu.matmul %concatenate3A_261, %get3A_4, %dot_general3A_262 {dimension_numbers = #tpu.dot_dimension_numbers<[1], [0], [0], [1], [0, 0, 1, 1], [], []>, transpose_lhs_hint = false} : vector<256x16xbf16>, vector<16x64xbf16>, vector<256x64xf32> -> vector<256x64xf32>
    %add3A_264 = vector.broadcast %get3A_7 : vector<1x64xf32> to vector<256x64xf32>
    %add3A_265 = arith.addf %dot_general3A_263, %add3A_264 : vector<256x64xf32>
    %max3A_266 = arith.maximumf %max3A_252, %add3A_265 : vector<256x64xf32>
    %get3A_267 = arith.constant 19 : index
    %get3A_268 = arith.constant 0 : index
    %get3A_269 = arith.constant 0 : index
    %get3A_270 = vector.load %arg2[%get3A_267, %get3A_268, %get3A_269] : memref<20x256x128xf32, #tpu.memory_space<vmem>>, vector<1x256x128xf32>
    %get3A_271 = vector.shape_cast %get3A_270 : vector<1x256x128xf32> to vector<256x128xf32>
    %slice3A_272 = vector.extract_strided_slice %get3A_271 {offsets = [0, 0], sizes = [256, 8], strides = [1, 1]} : vector<256x128xf32> to vector<256x8xf32>
    %sub3A_273 = arith.subf %slice3A_272, %get3A_1 : vector<256x8xf32>
    %convert_element_type3A_274 = arith.truncf %sub3A_273 : vector<256x8xf32> to vector<256x8xbf16>
    %concatenate3A_275 = tpu.concatenate %convert_element_type3A, %convert_element_type3A_274 in 1 : vector<256x8xbf16>, vector<256x8xbf16> -> vector<256x16xbf16>
    %dot_general3A_276 = arith.constant dense<0.000000e+00> : vector<256x64xf32>
    %dot_general3A_277 = tpu.matmul %concatenate3A_275, %get3A_4, %dot_general3A_276 {dimension_numbers = #tpu.dot_dimension_numbers<[1], [0], [0], [1], [0, 0, 1, 1], [], []>, transpose_lhs_hint = false} : vector<256x16xbf16>, vector<16x64xbf16>, vector<256x64xf32> -> vector<256x64xf32>
    %add3A_278 = vector.broadcast %get3A_7 : vector<1x64xf32> to vector<256x64xf32>
    %add3A_279 = arith.addf %dot_general3A_277, %add3A_278 : vector<256x64xf32>
    %max3A_280 = arith.maximumf %max3A_266, %add3A_279 : vector<256x64xf32>
    %swap3A = arith.constant 0 : index
    %swap3A_281 = arith.constant 0 : index
    %swap3A_282 = vector.load %arg5[%swap3A, %swap3A_281] : memref<256x64xf32, #tpu.memory_space<vmem>>, vector<256x64xf32>
    tpu.vector_store %arg5[%swap3A, %swap3A_281], %max3A_280 {strides = array<i32>} : memref<256x64xf32, #tpu.memory_space<vmem>>, vector<256x64xf32>,
    return
  }
  func.func @transform_0(%arg0: i32) -> (i32, i32) {
    %c0_i32 = arith.constant 0 : i32
    %c0_i32_0 = arith.constant 0 : i32
    return %arg0, %c0_i32 : i32, i32
  }
  func.func @transform_1(%arg0: i32) -> (i32, i32, i32) {
    %c0_i32 = arith.constant 0 : i32
    %c0_i32_0 = arith.constant 0 : i32
    %c0_i32_1 = arith.constant 0 : i32
    return %c0_i32, %arg0, %c0_i32_0 : i32, i32, i32
  }
  func.func @transform_2(%arg0: i32) -> (i32, i32) {
    %c0_i32 = arith.constant 0 : i32
    %c0_i32_0 = arith.constant 0 : i32
    %c0_i32_1 = arith.constant 0 : i32
    return %c0_i32, %c0_i32_0 : i32, i32
  }
  func.func @transform_3(%arg0: i32) -> (i32, i32) {
    %c0_i32 = arith.constant 0 : i32
    %c0_i32_0 = arith.constant 0 : i32
    %c0_i32_1 = arith.constant 0 : i32
    return %c0_i32, %c0_i32_0 : i32, i32
  }
  func.func @transform_4(%arg0: i32) -> (i32, i32) {
    %c0_i32 = arith.constant 0 : i32
    %c0_i32_0 = arith.constant 0 : i32
    return %arg0, %c0_i32 : i32, i32
  }
}

module attributes {stable_mosaic.version = 14 : i64} {
  func.func @_knn_body(%arg0: i32, %arg1: memref<16xi32, #tpu.memory_space<smem>>, %arg2: memref<16xi32, #tpu.memory_space<smem>>, %arg3: memref<256x64xf32, #tpu.memory_space<vmem>>, %arg4: memref<64x4096xf32, #tpu.memory_space<vmem>>, %arg5: memref<256x64xbf16, #tpu.memory_space<vmem>>, %arg6: memref<64x4096xbf16, #tpu.memory_space<vmem>>, %arg7: memref<256x8xi32, #tpu.memory_space<vmem>>, %arg8: memref<8x4096xi32, #tpu.memory_space<vmem>>, %arg9: memref<256x20xi32, #tpu.memory_space<vmem>>) attributes {dimension_semantics = [#tpu.dimension_semantics<parallel>], iteration_bounds = array<i64: 16>, scalar_prefetch = 2 : i64, scratch_operands = 0 : i64, tpu.core_type = #tpu.core_type<tc>, window_params = [{transform_indices = @transform_0, window_bounds = array<i64: 256, 64>}, {pipeline_mode = #tpu.pipeline_mode<synchronous>, transform_indices = @transform_1, window_bounds = array<i64: 64, 4096>}, {transform_indices = @transform_2, window_bounds = array<i64: 256, 64>}, {pipeline_mode = #tpu.pipeline_mode<synchronous>, transform_indices = @transform_3, window_bounds = array<i64: 64, 4096>}, {transform_indices = @transform_4, window_bounds = array<i64: 256, 8>}, {pipeline_mode = #tpu.pipeline_mode<synchronous>, transform_indices = @transform_5, window_bounds = array<i64: 8, 4096>}, {transform_indices = @transform_6, window_bounds = array<i64: 256, 20>}]} {
    %get3A = arith.constant 0 : index
    %get3A_0 = arith.constant 0 : index
    %get3A_1 = vector.load %arg3[%get3A, %get3A_0] : memref<256x64xf32, #tpu.memory_space<vmem>>, vector<256x64xf32>
    %mul3A = arith.mulf %get3A_1, %get3A_1 : vector<256x64xf32>
    %reduce_sum3A = arith.constant dense<0.000000e+00> : vector<256xf32>
    %reduce_sum3A_2 = vector.multi_reduction <add>, %mul3A, %reduce_sum3A [1] : vector<256x64xf32> to vector<256xf32>
    %broadcast_in_dim3A = vector.shape_cast %reduce_sum3A_2 : vector<256xf32> to vector<256x1xf32>
    %get3A_3 = arith.constant 0 : index
    %get3A_4 = arith.constant 0 : index
    %get3A_5 = vector.load %arg7[%get3A_3, %get3A_4] : memref<256x8xi32, #tpu.memory_space<vmem>>, vector<256x8xi32>
    %slice3A = vector.extract_strided_slice %get3A_5 {offsets = [0, 0], sizes = [256, 1], strides = [1, 1]} : vector<256x8xi32> to vector<256x1xi32>
    %get3A_6 = arith.index_cast %arg0 : i32 to index
    %get3A_7 = memref.load %arg1[%get3A_6] : memref<16xi32, #tpu.memory_space<smem>>
    %multiple_of3A = tpu.assume_multiple %get3A_7, 128 : i32
    %get3A_8 = arith.index_cast %arg0 : i32 to index
    %get3A_9 = memref.load %arg2[%get3A_8] : memref<16xi32, #tpu.memory_space<smem>>
    %eq3A = arith.constant 1 : i32
    %eq3A_10 = arith.cmpi eq, %get3A_9, %eq3A : i32
    %convert_element_type3A = arith.extui %eq3A_10 : i1 to i32
    %cond3A = arith.constant 0 : i32
    %cond3A_11 = arith.cmpi ne, %convert_element_type3A, %cond3A : i32
    scf.if %cond3A_11 {
      %get3A_16 = arith.constant 0 : index
      %get3A_17 = arith.constant 0 : index
      %get3A_18 = vector.load %arg4[%get3A_16, %get3A_17] : memref<64x4096xf32, #tpu.memory_space<vmem>>, vector<64x128xf32>
      %get3A_19 = arith.constant 0 : index
      %get3A_20 = arith.index_cast %multiple_of3A : i32 to index
      %get3A_21 = vector.load %arg4[%get3A_19, %get3A_20] : memref<64x4096xf32, #tpu.memory_space<vmem>>, vector<64x1280xf32>
      %concatenate3A = tpu.concatenate %get3A_18, %get3A_21 in 1 : vector<64x128xf32>, vector<64x1280xf32> -> vector<64x1408xf32>
      %get3A_22 = arith.constant 0 : index
      %get3A_23 = arith.constant 0 : index
      %get3A_24 = vector.load %arg6[%get3A_22, %get3A_23] : memref<64x4096xbf16, #tpu.memory_space<vmem>>, vector<64x128xbf16>
      %get3A_25 = arith.constant 0 : index
      %get3A_26 = arith.index_cast %multiple_of3A : i32 to index
      %get3A_27 = vector.load %arg6[%get3A_25, %get3A_26] : memref<64x4096xbf16, #tpu.memory_space<vmem>>, vector<64x1280xbf16>
      %concatenate3A_28 = tpu.concatenate %get3A_24, %get3A_27 in 1 : vector<64x128xbf16>, vector<64x1280xbf16> -> vector<64x1408xbf16>
      %get3A_29 = arith.constant 0 : index
      %get3A_30 = arith.constant 0 : index
      %get3A_31 = vector.load %arg8[%get3A_29, %get3A_30] : memref<8x4096xi32, #tpu.memory_space<vmem>>, vector<8x128xi32>
      %get3A_32 = arith.constant 0 : index
      %get3A_33 = arith.index_cast %multiple_of3A : i32 to index
      %get3A_34 = vector.load %arg8[%get3A_32, %get3A_33] : memref<8x4096xi32, #tpu.memory_space<vmem>>, vector<8x1280xi32>
      %concatenate3A_35 = tpu.concatenate %get3A_31, %get3A_34 in 1 : vector<8x128xi32>, vector<8x1280xi32> -> vector<8x1408xi32>
      %slice3A_36 = vector.extract_strided_slice %concatenate3A_35 {offsets = [0, 0], sizes = [1, 1408], strides = [1, 1]} : vector<8x1408xi32> to vector<1x1408xi32>
      %mul3A_37 = arith.mulf %concatenate3A, %concatenate3A : vector<64x1408xf32>
      %reduce_sum3A_38 = arith.constant dense<0.000000e+00> : vector<1408xf32>
      %reduce_sum3A_39 = vector.multi_reduction <add>, %mul3A_37, %reduce_sum3A_38 [0] : vector<64x1408xf32> to vector<1408xf32>
      %broadcast_in_dim3A_40 = vector.shape_cast %reduce_sum3A_39 : vector<1408xf32> to vector<1x1408xf32>
      %get3A_41 = arith.constant 0 : index
      %get3A_42 = arith.constant 0 : index
      %get3A_43 = vector.load %arg5[%get3A_41, %get3A_42] : memref<256x64xbf16, #tpu.memory_space<vmem>>, vector<256x64xbf16>
      %dot_general3A = arith.constant dense<0.000000e+00> : vector<256x1408xf32>
      %dot_general3A_44 = tpu.matmul %get3A_43, %concatenate3A_28, %dot_general3A {dimension_numbers = #tpu.dot_dimension_numbers<[1], [0], [0], [1], [0, 0, 1, 1], [], []>, transpose_lhs_hint = false} : vector<256x64xbf16>, vector<64x1408xbf16>, vector<256x1408xf32> -> vector<256x1408xf32>
      %add3A = vector.broadcast %broadcast_in_dim3A : vector<256x1xf32> to vector<256x1408xf32>
      %add3A_45 = vector.broadcast %broadcast_in_dim3A_40 : vector<1x1408xf32> to vector<256x1408xf32>
      %add3A_46 = arith.addf %add3A, %add3A_45 : vector<256x1408xf32>
      %mul3A_47 = arith.constant 2.000000e+00 : f32
      %mul3A_48 = vector.broadcast %mul3A_47 : f32 to vector<256x1408xf32>
      %mul3A_49 = arith.mulf %mul3A_48, %dot_general3A_44 : vector<256x1408xf32>
      %sub3A = arith.subf %add3A_46, %mul3A_49 : vector<256x1408xf32>
      %iota3A = tpu.iota {dimensions = array<i32: 1>} : vector<256x1408xi32>
      %convert_element_type3A_50 = arith.sitofp %iota3A : vector<256x1408xi32> to vector<256x1408xf32>
      %mul3A_51 = arith.constant 9.99999982E+12 : f32
      %mul3A_52 = vector.broadcast %mul3A_51 : f32 to vector<256x1408xf32>
      %mul3A_53 = arith.mulf %convert_element_type3A_50, %mul3A_52 : vector<256x1408xf32>
      %add3A_54 = arith.constant 1.000000e+20 : f32
      %add3A_55 = vector.broadcast %add3A_54 : f32 to vector<256x1408xf32>
      %add3A_56 = arith.addf %add3A_55, %mul3A_53 : vector<256x1408xf32>
      %ne3A = vector.broadcast %slice3A : vector<256x1xi32> to vector<256x1408xi32>
      %ne3A_57 = vector.broadcast %slice3A_36 : vector<1x1408xi32> to vector<256x1408xi32>
      %ne3A_58 = arith.cmpi ne, %ne3A, %ne3A_57 : vector<256x1408xi32>
      %select_n3A = arith.select %ne3A_58, %add3A_56, %sub3A : vector<256x1408xi1>, vector<256x1408xf32>
      %argmin3A = tpu.reduce_index %select_n3A {axis = 1 : i32, kind = #tpu.reduction_kind<arg_min>} : vector<256x1408xf32> -> vector<256xi32>
      %broadcast_in_dim3A_59 = vector.shape_cast %argmin3A : vector<256xi32> to vector<256x1xi32>
      %lt3A = arith.constant 128 : i32
      %lt3A_60 = vector.broadcast %lt3A : i32 to vector<256x1xi32>
      %lt3A_61 = arith.cmpi slt, %broadcast_in_dim3A_59, %lt3A_60 : vector<256x1xi32>
      %sub3A_62 = arith.constant 128 : i32
      %sub3A_63 = arith.subi %multiple_of3A, %sub3A_62 : i32
      %add3A_64 = vector.broadcast %sub3A_63 : i32 to vector<256x1xi32>
      %add3A_65 = arith.addi %broadcast_in_dim3A_59, %add3A_64 : vector<256x1xi32>
      %select_n3A_66 = arith.select %lt3A_61, %broadcast_in_dim3A_59, %add3A_65 : vector<256x1xi1>, vector<256x1xi32>
      %eq3A_67 = vector.broadcast %broadcast_in_dim3A_59 : vector<256x1xi32> to vector<256x1408xi32>
      %eq3A_68 = arith.cmpi eq, %iota3A, %eq3A_67 : vector<256x1408xi32>
      %jit3A = arith.constant 0x7F800000 : f32
      %broadcast_in_dim3A_69 = vector.broadcast %jit3A : f32 to vector<256x1408xf32>
      %select_n3A_70 = arith.select %eq3A_68, %broadcast_in_dim3A_69, %select_n3A : vector<256x1408xi1>, vector<256x1408xf32>
      %argmin3A_71 = tpu.reduce_index %select_n3A_70 {axis = 1 : i32, kind = #tpu.reduction_kind<arg_min>} : vector<256x1408xf32> -> vector<256xi32>
      %broadcast_in_dim3A_72 = vector.shape_cast %argmin3A_71 : vector<256xi32> to vector<256x1xi32>
      %lt3A_73 = arith.constant 128 : i32
      %lt3A_74 = vector.broadcast %lt3A_73 : i32 to vector<256x1xi32>
      %lt3A_75 = arith.cmpi slt, %broadcast_in_dim3A_72, %lt3A_74 : vector<256x1xi32>
      %sub3A_76 = arith.constant 128 : i32
      %sub3A_77 = arith.subi %multiple_of3A, %sub3A_76 : i32
      %add3A_78 = vector.broadcast %sub3A_77 : i32 to vector<256x1xi32>
      %add3A_79 = arith.addi %broadcast_in_dim3A_72, %add3A_78 : vector<256x1xi32>
      %select_n3A_80 = arith.select %lt3A_75, %broadcast_in_dim3A_72, %add3A_79 : vector<256x1xi1>, vector<256x1xi32>
      %eq3A_81 = vector.broadcast %broadcast_in_dim3A_72 : vector<256x1xi32> to vector<256x1408xi32>
      %eq3A_82 = arith.cmpi eq, %iota3A, %eq3A_81 : vector<256x1408xi32>
      %jit3A_83 = arith.constant 0x7F800000 : f32
      %broadcast_in_dim3A_84 = vector.broadcast %jit3A_83 : f32 to vector<256x1408xf32>
      %select_n3A_85 = arith.select %eq3A_82, %broadcast_in_dim3A_84, %select_n3A_70 : vector<256x1408xi1>, vector<256x1408xf32>
      %argmin3A_86 = tpu.reduce_index %select_n3A_85 {axis = 1 : i32, kind = #tpu.reduction_kind<arg_min>} : vector<256x1408xf32> -> vector<256xi32>
      %broadcast_in_dim3A_87 = vector.shape_cast %argmin3A_86 : vector<256xi32> to vector<256x1xi32>
      %lt3A_88 = arith.constant 128 : i32
      %lt3A_89 = vector.broadcast %lt3A_88 : i32 to vector<256x1xi32>
      %lt3A_90 = arith.cmpi slt, %broadcast_in_dim3A_87, %lt3A_89 : vector<256x1xi32>
      %sub3A_91 = arith.constant 128 : i32
      %sub3A_92 = arith.subi %multiple_of3A, %sub3A_91 : i32
      %add3A_93 = vector.broadcast %sub3A_92 : i32 to vector<256x1xi32>
      %add3A_94 = arith.addi %broadcast_in_dim3A_87, %add3A_93 : vector<256x1xi32>
      %select_n3A_95 = arith.select %lt3A_90, %broadcast_in_dim3A_87, %add3A_94 : vector<256x1xi1>, vector<256x1xi32>
      %eq3A_96 = vector.broadcast %broadcast_in_dim3A_87 : vector<256x1xi32> to vector<256x1408xi32>
      %eq3A_97 = arith.cmpi eq, %iota3A, %eq3A_96 : vector<256x1408xi32>
      %jit3A_98 = arith.constant 0x7F800000 : f32
      %broadcast_in_dim3A_99 = vector.broadcast %jit3A_98 : f32 to vector<256x1408xf32>
      %select_n3A_100 = arith.select %eq3A_97, %broadcast_in_dim3A_99, %select_n3A_85 : vector<256x1408xi1>, vector<256x1408xf32>
      %argmin3A_101 = tpu.reduce_index %select_n3A_100 {axis = 1 : i32, kind = #tpu.reduction_kind<arg_min>} : vector<256x1408xf32> -> vector<256xi32>
      %broadcast_in_dim3A_102 = vector.shape_cast %argmin3A_101 : vector<256xi32> to vector<256x1xi32>
      %lt3A_103 = arith.constant 128 : i32
      %lt3A_104 = vector.broadcast %lt3A_103 : i32 to vector<256x1xi32>
      %lt3A_105 = arith.cmpi slt, %broadcast_in_dim3A_102, %lt3A_104 : vector<256x1xi32>
      %sub3A_106 = arith.constant 128 : i32
      %sub3A_107 = arith.subi %multiple_of3A, %sub3A_106 : i32
      %add3A_108 = vector.broadcast %sub3A_107 : i32 to vector<256x1xi32>
      %add3A_109 = arith.addi %broadcast_in_dim3A_102, %add3A_108 : vector<256x1xi32>
      %select_n3A_110 = arith.select %lt3A_105, %broadcast_in_dim3A_102, %add3A_109 : vector<256x1xi1>, vector<256x1xi32>
      %eq3A_111 = vector.broadcast %broadcast_in_dim3A_102 : vector<256x1xi32> to vector<256x1408xi32>
      %eq3A_112 = arith.cmpi eq, %iota3A, %eq3A_111 : vector<256x1408xi32>
      %jit3A_113 = arith.constant 0x7F800000 : f32
      %broadcast_in_dim3A_114 = vector.broadcast %jit3A_113 : f32 to vector<256x1408xf32>
      %select_n3A_115 = arith.select %eq3A_112, %broadcast_in_dim3A_114, %select_n3A_100 : vector<256x1408xi1>, vector<256x1408xf32>
      %argmin3A_116 = tpu.reduce_index %select_n3A_115 {axis = 1 : i32, kind = #tpu.reduction_kind<arg_min>} : vector<256x1408xf32> -> vector<256xi32>
      %broadcast_in_dim3A_117 = vector.shape_cast %argmin3A_116 : vector<256xi32> to vector<256x1xi32>
      %lt3A_118 = arith.constant 128 : i32
      %lt3A_119 = vector.broadcast %lt3A_118 : i32 to vector<256x1xi32>
      %lt3A_120 = arith.cmpi slt, %broadcast_in_dim3A_117, %lt3A_119 : vector<256x1xi32>
      %sub3A_121 = arith.constant 128 : i32
      %sub3A_122 = arith.subi %multiple_of3A, %sub3A_121 : i32
      %add3A_123 = vector.broadcast %sub3A_122 : i32 to vector<256x1xi32>
      %add3A_124 = arith.addi %broadcast_in_dim3A_117, %add3A_123 : vector<256x1xi32>
      %select_n3A_125 = arith.select %lt3A_120, %broadcast_in_dim3A_117, %add3A_124 : vector<256x1xi1>, vector<256x1xi32>
      %eq3A_126 = vector.broadcast %broadcast_in_dim3A_117 : vector<256x1xi32> to vector<256x1408xi32>
      %eq3A_127 = arith.cmpi eq, %iota3A, %eq3A_126 : vector<256x1408xi32>
      %jit3A_128 = arith.constant 0x7F800000 : f32
      %broadcast_in_dim3A_129 = vector.broadcast %jit3A_128 : f32 to vector<256x1408xf32>
      %select_n3A_130 = arith.select %eq3A_127, %broadcast_in_dim3A_129, %select_n3A_115 : vector<256x1408xi1>, vector<256x1408xf32>
      %argmin3A_131 = tpu.reduce_index %select_n3A_130 {axis = 1 : i32, kind = #tpu.reduction_kind<arg_min>} : vector<256x1408xf32> -> vector<256xi32>
      %broadcast_in_dim3A_132 = vector.shape_cast %argmin3A_131 : vector<256xi32> to vector<256x1xi32>
      %lt3A_133 = arith.constant 128 : i32
      %lt3A_134 = vector.broadcast %lt3A_133 : i32 to vector<256x1xi32>
      %lt3A_135 = arith.cmpi slt, %broadcast_in_dim3A_132, %lt3A_134 : vector<256x1xi32>
      %sub3A_136 = arith.constant 128 : i32
      %sub3A_137 = arith.subi %multiple_of3A, %sub3A_136 : i32
      %add3A_138 = vector.broadcast %sub3A_137 : i32 to vector<256x1xi32>
      %add3A_139 = arith.addi %broadcast_in_dim3A_132, %add3A_138 : vector<256x1xi32>
      %select_n3A_140 = arith.select %lt3A_135, %broadcast_in_dim3A_132, %add3A_139 : vector<256x1xi1>, vector<256x1xi32>
      %eq3A_141 = vector.broadcast %broadcast_in_dim3A_132 : vector<256x1xi32> to vector<256x1408xi32>
      %eq3A_142 = arith.cmpi eq, %iota3A, %eq3A_141 : vector<256x1408xi32>
      %jit3A_143 = arith.constant 0x7F800000 : f32
      %broadcast_in_dim3A_144 = vector.broadcast %jit3A_143 : f32 to vector<256x1408xf32>
      %select_n3A_145 = arith.select %eq3A_142, %broadcast_in_dim3A_144, %select_n3A_130 : vector<256x1408xi1>, vector<256x1408xf32>
      %argmin3A_146 = tpu.reduce_index %select_n3A_145 {axis = 1 : i32, kind = #tpu.reduction_kind<arg_min>} : vector<256x1408xf32> -> vector<256xi32>
      %broadcast_in_dim3A_147 = vector.shape_cast %argmin3A_146 : vector<256xi32> to vector<256x1xi32>
      %lt3A_148 = arith.constant 128 : i32
      %lt3A_149 = vector.broadcast %lt3A_148 : i32 to vector<256x1xi32>
      %lt3A_150 = arith.cmpi slt, %broadcast_in_dim3A_147, %lt3A_149 : vector<256x1xi32>
      %sub3A_151 = arith.constant 128 : i32
      %sub3A_152 = arith.subi %multiple_of3A, %sub3A_151 : i32
      %add3A_153 = vector.broadcast %sub3A_152 : i32 to vector<256x1xi32>
      %add3A_154 = arith.addi %broadcast_in_dim3A_147, %add3A_153 : vector<256x1xi32>
      %select_n3A_155 = arith.select %lt3A_150, %broadcast_in_dim3A_147, %add3A_154 : vector<256x1xi1>, vector<256x1xi32>
      %eq3A_156 = vector.broadcast %broadcast_in_dim3A_147 : vector<256x1xi32> to vector<256x1408xi32>
      %eq3A_157 = arith.cmpi eq, %iota3A, %eq3A_156 : vector<256x1408xi32>
      %jit3A_158 = arith.constant 0x7F800000 : f32
      %broadcast_in_dim3A_159 = vector.broadcast %jit3A_158 : f32 to vector<256x1408xf32>
      %select_n3A_160 = arith.select %eq3A_157, %broadcast_in_dim3A_159, %select_n3A_145 : vector<256x1408xi1>, vector<256x1408xf32>
      %argmin3A_161 = tpu.reduce_index %select_n3A_160 {axis = 1 : i32, kind = #tpu.reduction_kind<arg_min>} : vector<256x1408xf32> -> vector<256xi32>
      %broadcast_in_dim3A_162 = vector.shape_cast %argmin3A_161 : vector<256xi32> to vector<256x1xi32>
      %lt3A_163 = arith.constant 128 : i32
      %lt3A_164 = vector.broadcast %lt3A_163 : i32 to vector<256x1xi32>
      %lt3A_165 = arith.cmpi slt, %broadcast_in_dim3A_162, %lt3A_164 : vector<256x1xi32>
      %sub3A_166 = arith.constant 128 : i32
      %sub3A_167 = arith.subi %multiple_of3A, %sub3A_166 : i32
      %add3A_168 = vector.broadcast %sub3A_167 : i32 to vector<256x1xi32>
      %add3A_169 = arith.addi %broadcast_in_dim3A_162, %add3A_168 : vector<256x1xi32>
      %select_n3A_170 = arith.select %lt3A_165, %broadcast_in_dim3A_162, %add3A_169 : vector<256x1xi1>, vector<256x1xi32>
      %eq3A_171 = vector.broadcast %broadcast_in_dim3A_162 : vector<256x1xi32> to vector<256x1408xi32>
      %eq3A_172 = arith.cmpi eq, %iota3A, %eq3A_171 : vector<256x1408xi32>
      %jit3A_173 = arith.constant 0x7F800000 : f32
      %broadcast_in_dim3A_174 = vector.broadcast %jit3A_173 : f32 to vector<256x1408xf32>
      %select_n3A_175 = arith.select %eq3A_172, %broadcast_in_dim3A_174, %select_n3A_160 : vector<256x1408xi1>, vector<256x1408xf32>
      %argmin3A_176 = tpu.reduce_index %select_n3A_175 {axis = 1 : i32, kind = #tpu.reduction_kind<arg_min>} : vector<256x1408xf32> -> vector<256xi32>
      %broadcast_in_dim3A_177 = vector.shape_cast %argmin3A_176 : vector<256xi32> to vector<256x1xi32>
      %lt3A_178 = arith.constant 128 : i32
      %lt3A_179 = vector.broadcast %lt3A_178 : i32 to vector<256x1xi32>
      %lt3A_180 = arith.cmpi slt, %broadcast_in_dim3A_177, %lt3A_179 : vector<256x1xi32>
      %sub3A_181 = arith.constant 128 : i32
      %sub3A_182 = arith.subi %multiple_of3A, %sub3A_181 : i32
      %add3A_183 = vector.broadcast %sub3A_182 : i32 to vector<256x1xi32>
      %add3A_184 = arith.addi %broadcast_in_dim3A_177, %add3A_183 : vector<256x1xi32>
      %select_n3A_185 = arith.select %lt3A_180, %broadcast_in_dim3A_177, %add3A_184 : vector<256x1xi1>, vector<256x1xi32>
      %eq3A_186 = vector.broadcast %broadcast_in_dim3A_177 : vector<256x1xi32> to vector<256x1408xi32>
      %eq3A_187 = arith.cmpi eq, %iota3A, %eq3A_186 : vector<256x1408xi32>
      %jit3A_188 = arith.constant 0x7F800000 : f32
      %broadcast_in_dim3A_189 = vector.broadcast %jit3A_188 : f32 to vector<256x1408xf32>
      %select_n3A_190 = arith.select %eq3A_187, %broadcast_in_dim3A_189, %select_n3A_175 : vector<256x1408xi1>, vector<256x1408xf32>
      %argmin3A_191 = tpu.reduce_index %select_n3A_190 {axis = 1 : i32, kind = #tpu.reduction_kind<arg_min>} : vector<256x1408xf32> -> vector<256xi32>
      %broadcast_in_dim3A_192 = vector.shape_cast %argmin3A_191 : vector<256xi32> to vector<256x1xi32>
      %lt3A_193 = arith.constant 128 : i32
      %lt3A_194 = vector.broadcast %lt3A_193 : i32 to vector<256x1xi32>
      %lt3A_195 = arith.cmpi slt, %broadcast_in_dim3A_192, %lt3A_194 : vector<256x1xi32>
      %sub3A_196 = arith.constant 128 : i32
      %sub3A_197 = arith.subi %multiple_of3A, %sub3A_196 : i32
      %add3A_198 = vector.broadcast %sub3A_197 : i32 to vector<256x1xi32>
      %add3A_199 = arith.addi %broadcast_in_dim3A_192, %add3A_198 : vector<256x1xi32>
      %select_n3A_200 = arith.select %lt3A_195, %broadcast_in_dim3A_192, %add3A_199 : vector<256x1xi1>, vector<256x1xi32>
      %eq3A_201 = vector.broadcast %broadcast_in_dim3A_192 : vector<256x1xi32> to vector<256x1408xi32>
      %eq3A_202 = arith.cmpi eq, %iota3A, %eq3A_201 : vector<256x1408xi32>
      %jit3A_203 = arith.constant 0x7F800000 : f32
      %broadcast_in_dim3A_204 = vector.broadcast %jit3A_203 : f32 to vector<256x1408xf32>
      %select_n3A_205 = arith.select %eq3A_202, %broadcast_in_dim3A_204, %select_n3A_190 : vector<256x1408xi1>, vector<256x1408xf32>
      %argmin3A_206 = tpu.reduce_index %select_n3A_205 {axis = 1 : i32, kind = #tpu.reduction_kind<arg_min>} : vector<256x1408xf32> -> vector<256xi32>
      %broadcast_in_dim3A_207 = vector.shape_cast %argmin3A_206 : vector<256xi32> to vector<256x1xi32>
      %lt3A_208 = arith.constant 128 : i32
      %lt3A_209 = vector.broadcast %lt3A_208 : i32 to vector<256x1xi32>
      %lt3A_210 = arith.cmpi slt, %broadcast_in_dim3A_207, %lt3A_209 : vector<256x1xi32>
      %sub3A_211 = arith.constant 128 : i32
      %sub3A_212 = arith.subi %multiple_of3A, %sub3A_211 : i32
      %add3A_213 = vector.broadcast %sub3A_212 : i32 to vector<256x1xi32>
      %add3A_214 = arith.addi %broadcast_in_dim3A_207, %add3A_213 : vector<256x1xi32>
      %select_n3A_215 = arith.select %lt3A_210, %broadcast_in_dim3A_207, %add3A_214 : vector<256x1xi1>, vector<256x1xi32>
      %eq3A_216 = vector.broadcast %broadcast_in_dim3A_207 : vector<256x1xi32> to vector<256x1408xi32>
      %eq3A_217 = arith.cmpi eq, %iota3A, %eq3A_216 : vector<256x1408xi32>
      %jit3A_218 = arith.constant 0x7F800000 : f32
      %broadcast_in_dim3A_219 = vector.broadcast %jit3A_218 : f32 to vector<256x1408xf32>
      %select_n3A_220 = arith.select %eq3A_217, %broadcast_in_dim3A_219, %select_n3A_205 : vector<256x1408xi1>, vector<256x1408xf32>
      %argmin3A_221 = tpu.reduce_index %select_n3A_220 {axis = 1 : i32, kind = #tpu.reduction_kind<arg_min>} : vector<256x1408xf32> -> vector<256xi32>
      %broadcast_in_dim3A_222 = vector.shape_cast %argmin3A_221 : vector<256xi32> to vector<256x1xi32>
      %lt3A_223 = arith.constant 128 : i32
      %lt3A_224 = vector.broadcast %lt3A_223 : i32 to vector<256x1xi32>
      %lt3A_225 = arith.cmpi slt, %broadcast_in_dim3A_222, %lt3A_224 : vector<256x1xi32>
      %sub3A_226 = arith.constant 128 : i32
      %sub3A_227 = arith.subi %multiple_of3A, %sub3A_226 : i32
      %add3A_228 = vector.broadcast %sub3A_227 : i32 to vector<256x1xi32>
      %add3A_229 = arith.addi %broadcast_in_dim3A_222, %add3A_228 : vector<256x1xi32>
      %select_n3A_230 = arith.select %lt3A_225, %broadcast_in_dim3A_222, %add3A_229 : vector<256x1xi1>, vector<256x1xi32>
      %eq3A_231 = vector.broadcast %broadcast_in_dim3A_222 : vector<256x1xi32> to vector<256x1408xi32>
      %eq3A_232 = arith.cmpi eq, %iota3A, %eq3A_231 : vector<256x1408xi32>
      %jit3A_233 = arith.constant 0x7F800000 : f32
      %broadcast_in_dim3A_234 = vector.broadcast %jit3A_233 : f32 to vector<256x1408xf32>
      %select_n3A_235 = arith.select %eq3A_232, %broadcast_in_dim3A_234, %select_n3A_220 : vector<256x1408xi1>, vector<256x1408xf32>
      %argmin3A_236 = tpu.reduce_index %select_n3A_235 {axis = 1 : i32, kind = #tpu.reduction_kind<arg_min>} : vector<256x1408xf32> -> vector<256xi32>
      %broadcast_in_dim3A_237 = vector.shape_cast %argmin3A_236 : vector<256xi32> to vector<256x1xi32>
      %lt3A_238 = arith.constant 128 : i32
      %lt3A_239 = vector.broadcast %lt3A_238 : i32 to vector<256x1xi32>
      %lt3A_240 = arith.cmpi slt, %broadcast_in_dim3A_237, %lt3A_239 : vector<256x1xi32>
      %sub3A_241 = arith.constant 128 : i32
      %sub3A_242 = arith.subi %multiple_of3A, %sub3A_241 : i32
      %add3A_243 = vector.broadcast %sub3A_242 : i32 to vector<256x1xi32>
      %add3A_244 = arith.addi %broadcast_in_dim3A_237, %add3A_243 : vector<256x1xi32>
      %select_n3A_245 = arith.select %lt3A_240, %broadcast_in_dim3A_237, %add3A_244 : vector<256x1xi1>, vector<256x1xi32>
      %eq3A_246 = vector.broadcast %broadcast_in_dim3A_237 : vector<256x1xi32> to vector<256x1408xi32>
      %eq3A_247 = arith.cmpi eq, %iota3A, %eq3A_246 : vector<256x1408xi32>
      %jit3A_248 = arith.constant 0x7F800000 : f32
      %broadcast_in_dim3A_249 = vector.broadcast %jit3A_248 : f32 to vector<256x1408xf32>
      %select_n3A_250 = arith.select %eq3A_247, %broadcast_in_dim3A_249, %select_n3A_235 : vector<256x1408xi1>, vector<256x1408xf32>
      %argmin3A_251 = tpu.reduce_index %select_n3A_250 {axis = 1 : i32, kind = #tpu.reduction_kind<arg_min>} : vector<256x1408xf32> -> vector<256xi32>
      %broadcast_in_dim3A_252 = vector.shape_cast %argmin3A_251 : vector<256xi32> to vector<256x1xi32>
      %lt3A_253 = arith.constant 128 : i32
      %lt3A_254 = vector.broadcast %lt3A_253 : i32 to vector<256x1xi32>
      %lt3A_255 = arith.cmpi slt, %broadcast_in_dim3A_252, %lt3A_254 : vector<256x1xi32>
      %sub3A_256 = arith.constant 128 : i32
      %sub3A_257 = arith.subi %multiple_of3A, %sub3A_256 : i32
      %add3A_258 = vector.broadcast %sub3A_257 : i32 to vector<256x1xi32>
      %add3A_259 = arith.addi %broadcast_in_dim3A_252, %add3A_258 : vector<256x1xi32>
      %select_n3A_260 = arith.select %lt3A_255, %broadcast_in_dim3A_252, %add3A_259 : vector<256x1xi1>, vector<256x1xi32>
      %eq3A_261 = vector.broadcast %broadcast_in_dim3A_252 : vector<256x1xi32> to vector<256x1408xi32>
      %eq3A_262 = arith.cmpi eq, %iota3A, %eq3A_261 : vector<256x1408xi32>
      %jit3A_263 = arith.constant 0x7F800000 : f32
      %broadcast_in_dim3A_264 = vector.broadcast %jit3A_263 : f32 to vector<256x1408xf32>
      %select_n3A_265 = arith.select %eq3A_262, %broadcast_in_dim3A_264, %select_n3A_250 : vector<256x1408xi1>, vector<256x1408xf32>
      %argmin3A_266 = tpu.reduce_index %select_n3A_265 {axis = 1 : i32, kind = #tpu.reduction_kind<arg_min>} : vector<256x1408xf32> -> vector<256xi32>
      %broadcast_in_dim3A_267 = vector.shape_cast %argmin3A_266 : vector<256xi32> to vector<256x1xi32>
      %lt3A_268 = arith.constant 128 : i32
      %lt3A_269 = vector.broadcast %lt3A_268 : i32 to vector<256x1xi32>
      %lt3A_270 = arith.cmpi slt, %broadcast_in_dim3A_267, %lt3A_269 : vector<256x1xi32>
      %sub3A_271 = arith.constant 128 : i32
      %sub3A_272 = arith.subi %multiple_of3A, %sub3A_271 : i32
      %add3A_273 = vector.broadcast %sub3A_272 : i32 to vector<256x1xi32>
      %add3A_274 = arith.addi %broadcast_in_dim3A_267, %add3A_273 : vector<256x1xi32>
      %select_n3A_275 = arith.select %lt3A_270, %broadcast_in_dim3A_267, %add3A_274 : vector<256x1xi1>, vector<256x1xi32>
      %eq3A_276 = vector.broadcast %broadcast_in_dim3A_267 : vector<256x1xi32> to vector<256x1408xi32>
      %eq3A_277 = arith.cmpi eq, %iota3A, %eq3A_276 : vector<256x1408xi32>
      %jit3A_278 = arith.constant 0x7F800000 : f32
      %broadcast_in_dim3A_279 = vector.broadcast %jit3A_278 : f32 to vector<256x1408xf32>
      %select_n3A_280 = arith.select %eq3A_277, %broadcast_in_dim3A_279, %select_n3A_265 : vector<256x1408xi1>, vector<256x1408xf32>
      %argmin3A_281 = tpu.reduce_index %select_n3A_280 {axis = 1 : i32, kind = #tpu.reduction_kind<arg_min>} : vector<256x1408xf32> -> vector<256xi32>
      %broadcast_in_dim3A_282 = vector.shape_cast %argmin3A_281 : vector<256xi32> to vector<256x1xi32>
      %lt3A_283 = arith.constant 128 : i32
      %lt3A_284 = vector.broadcast %lt3A_283 : i32 to vector<256x1xi32>
      %lt3A_285 = arith.cmpi slt, %broadcast_in_dim3A_282, %lt3A_284 : vector<256x1xi32>
      %sub3A_286 = arith.constant 128 : i32
      %sub3A_287 = arith.subi %multiple_of3A, %sub3A_286 : i32
      %add3A_288 = vector.broadcast %sub3A_287 : i32 to vector<256x1xi32>
      %add3A_289 = arith.addi %broadcast_in_dim3A_282, %add3A_288 : vector<256x1xi32>
      %select_n3A_290 = arith.select %lt3A_285, %broadcast_in_dim3A_282, %add3A_289 : vector<256x1xi1>, vector<256x1xi32>
      %eq3A_291 = vector.broadcast %broadcast_in_dim3A_282 : vector<256x1xi32> to vector<256x1408xi32>
      %eq3A_292 = arith.cmpi eq, %iota3A, %eq3A_291 : vector<256x1408xi32>
      %jit3A_293 = arith.constant 0x7F800000 : f32
      %broadcast_in_dim3A_294 = vector.broadcast %jit3A_293 : f32 to vector<256x1408xf32>
      %select_n3A_295 = arith.select %eq3A_292, %broadcast_in_dim3A_294, %select_n3A_280 : vector<256x1408xi1>, vector<256x1408xf32>
      %argmin3A_296 = tpu.reduce_index %select_n3A_295 {axis = 1 : i32, kind = #tpu.reduction_kind<arg_min>} : vector<256x1408xf32> -> vector<256xi32>
      %broadcast_in_dim3A_297 = vector.shape_cast %argmin3A_296 : vector<256xi32> to vector<256x1xi32>
      %lt3A_298 = arith.constant 128 : i32
      %lt3A_299 = vector.broadcast %lt3A_298 : i32 to vector<256x1xi32>
      %lt3A_300 = arith.cmpi slt, %broadcast_in_dim3A_297, %lt3A_299 : vector<256x1xi32>
      %sub3A_301 = arith.constant 128 : i32
      %sub3A_302 = arith.subi %multiple_of3A, %sub3A_301 : i32
      %add3A_303 = vector.broadcast %sub3A_302 : i32 to vector<256x1xi32>
      %add3A_304 = arith.addi %broadcast_in_dim3A_297, %add3A_303 : vector<256x1xi32>
      %select_n3A_305 = arith.select %lt3A_300, %broadcast_in_dim3A_297, %add3A_304 : vector<256x1xi1>, vector<256x1xi32>
      %eq3A_306 = vector.broadcast %broadcast_in_dim3A_297 : vector<256x1xi32> to vector<256x1408xi32>
      %eq3A_307 = arith.cmpi eq, %iota3A, %eq3A_306 : vector<256x1408xi32>
      %jit3A_308 = arith.constant 0x7F800000 : f32
      %broadcast_in_dim3A_309 = vector.broadcast %jit3A_308 : f32 to vector<256x1408xf32>
      %select_n3A_310 = arith.select %eq3A_307, %broadcast_in_dim3A_309, %select_n3A_295 : vector<256x1408xi1>, vector<256x1408xf32>
      %argmin3A_311 = tpu.reduce_index %select_n3A_310 {axis = 1 : i32, kind = #tpu.reduction_kind<arg_min>} : vector<256x1408xf32> -> vector<256xi32>
      %broadcast_in_dim3A_312 = vector.shape_cast %argmin3A_311 : vector<256xi32> to vector<256x1xi32>
      %lt3A_313 = arith.constant 128 : i32
      %lt3A_314 = vector.broadcast %lt3A_313 : i32 to vector<256x1xi32>
      %lt3A_315 = arith.cmpi slt, %broadcast_in_dim3A_312, %lt3A_314 : vector<256x1xi32>
      %sub3A_316 = arith.constant 128 : i32
      %sub3A_317 = arith.subi %multiple_of3A, %sub3A_316 : i32
      %add3A_318 = vector.broadcast %sub3A_317 : i32 to vector<256x1xi32>
      %add3A_319 = arith.addi %broadcast_in_dim3A_312, %add3A_318 : vector<256x1xi32>
      %select_n3A_320 = arith.select %lt3A_315, %broadcast_in_dim3A_312, %add3A_319 : vector<256x1xi1>, vector<256x1xi32>
      %eq3A_321 = vector.broadcast %broadcast_in_dim3A_312 : vector<256x1xi32> to vector<256x1408xi32>
      %eq3A_322 = arith.cmpi eq, %iota3A, %eq3A_321 : vector<256x1408xi32>
      %jit3A_323 = arith.constant 0x7F800000 : f32
      %broadcast_in_dim3A_324 = vector.broadcast %jit3A_323 : f32 to vector<256x1408xf32>
      %select_n3A_325 = arith.select %eq3A_322, %broadcast_in_dim3A_324, %select_n3A_310 : vector<256x1408xi1>, vector<256x1408xf32>
      %argmin3A_326 = tpu.reduce_index %select_n3A_325 {axis = 1 : i32, kind = #tpu.reduction_kind<arg_min>} : vector<256x1408xf32> -> vector<256xi32>
      %broadcast_in_dim3A_327 = vector.shape_cast %argmin3A_326 : vector<256xi32> to vector<256x1xi32>
      %lt3A_328 = arith.constant 128 : i32
      %lt3A_329 = vector.broadcast %lt3A_328 : i32 to vector<256x1xi32>
      %lt3A_330 = arith.cmpi slt, %broadcast_in_dim3A_327, %lt3A_329 : vector<256x1xi32>
      %sub3A_331 = arith.constant 128 : i32
      %sub3A_332 = arith.subi %multiple_of3A, %sub3A_331 : i32
      %add3A_333 = vector.broadcast %sub3A_332 : i32 to vector<256x1xi32>
      %add3A_334 = arith.addi %broadcast_in_dim3A_327, %add3A_333 : vector<256x1xi32>
      %select_n3A_335 = arith.select %lt3A_330, %broadcast_in_dim3A_327, %add3A_334 : vector<256x1xi1>, vector<256x1xi32>
      %eq3A_336 = vector.broadcast %broadcast_in_dim3A_327 : vector<256x1xi32> to vector<256x1408xi32>
      %eq3A_337 = arith.cmpi eq, %iota3A, %eq3A_336 : vector<256x1408xi32>
      %jit3A_338 = arith.constant 0x7F800000 : f32
      %broadcast_in_dim3A_339 = vector.broadcast %jit3A_338 : f32 to vector<256x1408xf32>
      %select_n3A_340 = arith.select %eq3A_337, %broadcast_in_dim3A_339, %select_n3A_325 : vector<256x1408xi1>, vector<256x1408xf32>
      %argmin3A_341 = tpu.reduce_index %select_n3A_340 {axis = 1 : i32, kind = #tpu.reduction_kind<arg_min>} : vector<256x1408xf32> -> vector<256xi32>
      %broadcast_in_dim3A_342 = vector.shape_cast %argmin3A_341 : vector<256xi32> to vector<256x1xi32>
      %lt3A_343 = arith.constant 128 : i32
      %lt3A_344 = vector.broadcast %lt3A_343 : i32 to vector<256x1xi32>
      %lt3A_345 = arith.cmpi slt, %broadcast_in_dim3A_342, %lt3A_344 : vector<256x1xi32>
      %sub3A_346 = arith.constant 128 : i32
      %sub3A_347 = arith.subi %multiple_of3A, %sub3A_346 : i32
      %add3A_348 = vector.broadcast %sub3A_347 : i32 to vector<256x1xi32>
      %add3A_349 = arith.addi %broadcast_in_dim3A_342, %add3A_348 : vector<256x1xi32>
      %select_n3A_350 = arith.select %lt3A_345, %broadcast_in_dim3A_342, %add3A_349 : vector<256x1xi1>, vector<256x1xi32>
      %concatenate3A_351 = tpu.concatenate %select_n3A_66, %select_n3A_80, %select_n3A_95, %select_n3A_110, %select_n3A_125, %select_n3A_140, %select_n3A_155, %select_n3A_170, %select_n3A_185, %select_n3A_200, %select_n3A_215, %select_n3A_230, %select_n3A_245, %select_n3A_260, %select_n3A_275, %select_n3A_290, %select_n3A_305, %select_n3A_320, %select_n3A_335, %select_n3A_350 in 1 : vector<256x1xi32>, vector<256x1xi32>, vector<256x1xi32>, vector<256x1xi32>, vector<256x1xi32>, vector<256x1xi32>, vector<256x1xi32>, vector<256x1xi32>, vector<256x1xi32>, vector<256x1xi32>, vector<256x1xi32>, vector<256x1xi32>, vector<256x1xi32>, vector<256x1xi32>, vector<256x1xi32>, vector<256x1xi32>, vector<256x1xi32>, vector<256x1xi32>, vector<256x1xi32>, vector<256x1xi32> -> vector<256x20xi32>
      %swap3A = arith.constant 0 : index
      %swap3A_352 = arith.constant 0 : index
      %swap3A_353 = vector.load %arg9[%swap3A, %swap3A_352] : memref<256x20xi32, #tpu.memory_space<vmem>>, vector<256x20xi32>
      tpu.vector_store %arg9[%swap3A, %swap3A_352], %concatenate3A_351 {strides = array<i32>} : memref<256x20xi32, #tpu.memory_space<vmem>>, vector<256x20xi32>,
    } else {
    }
    %not3A = arith.constant true
    %not3A_12 = arith.xori %eq3A_10, %not3A : i1
    %convert_element_type3A_13 = arith.extui %not3A_12 : i1 to i32
    %cond3A_14 = arith.constant 0 : i32
    %cond3A_15 = arith.cmpi ne, %convert_element_type3A_13, %cond3A_14 : i32
    scf.if %cond3A_15 {
      %get3A_16 = arith.constant 0 : index
      %get3A_17 = arith.constant 0 : index
      %get3A_18 = vector.load %arg4[%get3A_16, %get3A_17] : memref<64x4096xf32, #tpu.memory_space<vmem>>, vector<64x4096xf32>
      %mul3A_19 = arith.mulf %get3A_18, %get3A_18 : vector<64x4096xf32>
      %reduce_sum3A_20 = arith.constant dense<0.000000e+00> : vector<4096xf32>
      %reduce_sum3A_21 = vector.multi_reduction <add>, %mul3A_19, %reduce_sum3A_20 [0] : vector<64x4096xf32> to vector<4096xf32>
      %broadcast_in_dim3A_22 = vector.shape_cast %reduce_sum3A_21 : vector<4096xf32> to vector<1x4096xf32>
      %get3A_23 = arith.constant 0 : index
      %get3A_24 = arith.constant 0 : index
      %get3A_25 = vector.load %arg5[%get3A_23, %get3A_24] : memref<256x64xbf16, #tpu.memory_space<vmem>>, vector<256x64xbf16>
      %get3A_26 = arith.constant 0 : index
      %get3A_27 = arith.constant 0 : index
      %get3A_28 = vector.load %arg6[%get3A_26, %get3A_27] : memref<64x4096xbf16, #tpu.memory_space<vmem>>, vector<64x4096xbf16>
      %dot_general3A = arith.constant dense<0.000000e+00> : vector<256x4096xf32>
      %dot_general3A_29 = tpu.matmul %get3A_25, %get3A_28, %dot_general3A {dimension_numbers = #tpu.dot_dimension_numbers<[1], [0], [0], [1], [0, 0, 1, 1], [], []>, transpose_lhs_hint = false} : vector<256x64xbf16>, vector<64x4096xbf16>, vector<256x4096xf32> -> vector<256x4096xf32>
      %add3A = vector.broadcast %broadcast_in_dim3A : vector<256x1xf32> to vector<256x4096xf32>
      %add3A_30 = vector.broadcast %broadcast_in_dim3A_22 : vector<1x4096xf32> to vector<256x4096xf32>
      %add3A_31 = arith.addf %add3A, %add3A_30 : vector<256x4096xf32>
      %mul3A_32 = arith.constant 2.000000e+00 : f32
      %mul3A_33 = vector.broadcast %mul3A_32 : f32 to vector<256x4096xf32>
      %mul3A_34 = arith.mulf %mul3A_33, %dot_general3A_29 : vector<256x4096xf32>
      %sub3A = arith.subf %add3A_31, %mul3A_34 : vector<256x4096xf32>
      %get3A_35 = arith.constant 0 : index
      %get3A_36 = arith.constant 0 : index
      %get3A_37 = vector.load %arg8[%get3A_35, %get3A_36] : memref<8x4096xi32, #tpu.memory_space<vmem>>, vector<8x4096xi32>
      %slice3A_38 = vector.extract_strided_slice %get3A_37 {offsets = [0, 0], sizes = [1, 4096], strides = [1, 1]} : vector<8x4096xi32> to vector<1x4096xi32>
      %ne3A = vector.broadcast %slice3A : vector<256x1xi32> to vector<256x4096xi32>
      %ne3A_39 = vector.broadcast %slice3A_38 : vector<1x4096xi32> to vector<256x4096xi32>
      %ne3A_40 = arith.cmpi ne, %ne3A, %ne3A_39 : vector<256x4096xi32>
      %jit3A = arith.constant 0x7F800000 : f32
      %broadcast_in_dim3A_41 = vector.broadcast %jit3A : f32 to vector<256x4096xf32>
      %select_n3A = arith.select %ne3A_40, %broadcast_in_dim3A_41, %sub3A : vector<256x4096xi1>, vector<256x4096xf32>
      %iota3A = tpu.iota {dimensions = array<i32: 1>} : vector<256x4096xi32>
      %reduce_min3A = arith.constant dense<0x7F800000> : vector<256xf32>
      %reduce_min3A_42 = vector.multi_reduction <minimumf>, %select_n3A, %reduce_min3A [1] : vector<256x4096xf32> to vector<256xf32>
      %broadcast_in_dim3A_43 = vector.shape_cast %reduce_min3A_42 : vector<256xf32> to vector<256x1xf32>
      %eq3A_44 = vector.broadcast %broadcast_in_dim3A_43 : vector<256x1xf32> to vector<256x4096xf32>
      %eq3A_45 = arith.cmpf oeq, %select_n3A, %eq3A_44 : vector<256x4096xf32>
      %jit3A_46 = arith.constant 1073741824 : i32
      %broadcast_in_dim3A_47 = vector.broadcast %jit3A_46 : i32 to vector<256x4096xi32>
      %select_n3A_48 = arith.select %eq3A_45, %iota3A, %broadcast_in_dim3A_47 : vector<256x4096xi1>, vector<256x4096xi32>
      %reduce_min3A_49 = arith.constant dense<2147483647> : vector<256xi32>
      %reduce_min3A_50 = vector.multi_reduction <minsi>, %select_n3A_48, %reduce_min3A_49 [1] : vector<256x4096xi32> to vector<256xi32>
      %broadcast_in_dim3A_51 = vector.shape_cast %reduce_min3A_50 : vector<256xi32> to vector<256x1xi32>
      %eq3A_52 = vector.broadcast %broadcast_in_dim3A_51 : vector<256x1xi32> to vector<256x4096xi32>
      %eq3A_53 = arith.cmpi eq, %iota3A, %eq3A_52 : vector<256x4096xi32>
      %jit3A_54 = arith.constant 0x7F800000 : f32
      %broadcast_in_dim3A_55 = vector.broadcast %jit3A_54 : f32 to vector<256x4096xf32>
      %select_n3A_56 = arith.select %eq3A_53, %broadcast_in_dim3A_55, %select_n3A : vector<256x4096xi1>, vector<256x4096xf32>
      %jit3A_57 = arith.constant 1073741824 : i32
      %broadcast_in_dim3A_58 = vector.broadcast %jit3A_57 : i32 to vector<256x4096xi32>
      %select_n3A_59 = arith.select %eq3A_53, %broadcast_in_dim3A_58, %iota3A : vector<256x4096xi1>, vector<256x4096xi32>
      %reduce_min3A_60 = arith.constant dense<0x7F800000> : vector<256xf32>
      %reduce_min3A_61 = vector.multi_reduction <minimumf>, %select_n3A_56, %reduce_min3A_60 [1] : vector<256x4096xf32> to vector<256xf32>
      %broadcast_in_dim3A_62 = vector.shape_cast %reduce_min3A_61 : vector<256xf32> to vector<256x1xf32>
      %eq3A_63 = vector.broadcast %broadcast_in_dim3A_62 : vector<256x1xf32> to vector<256x4096xf32>
      %eq3A_64 = arith.cmpf oeq, %select_n3A_56, %eq3A_63 : vector<256x4096xf32>
      %jit3A_65 = arith.constant 1073741824 : i32
      %broadcast_in_dim3A_66 = vector.broadcast %jit3A_65 : i32 to vector<256x4096xi32>
      %select_n3A_67 = arith.select %eq3A_64, %select_n3A_59, %broadcast_in_dim3A_66 : vector<256x4096xi1>, vector<256x4096xi32>
      %reduce_min3A_68 = arith.constant dense<2147483647> : vector<256xi32>
      %reduce_min3A_69 = vector.multi_reduction <minsi>, %select_n3A_67, %reduce_min3A_68 [1] : vector<256x4096xi32> to vector<256xi32>
      %broadcast_in_dim3A_70 = vector.shape_cast %reduce_min3A_69 : vector<256xi32> to vector<256x1xi32>
      %eq3A_71 = vector.broadcast %broadcast_in_dim3A_70 : vector<256x1xi32> to vector<256x4096xi32>
      %eq3A_72 = arith.cmpi eq, %select_n3A_59, %eq3A_71 : vector<256x4096xi32>
      %jit3A_73 = arith.constant 0x7F800000 : f32
      %broadcast_in_dim3A_74 = vector.broadcast %jit3A_73 : f32 to vector<256x4096xf32>
      %select_n3A_75 = arith.select %eq3A_72, %broadcast_in_dim3A_74, %select_n3A_56 : vector<256x4096xi1>, vector<256x4096xf32>
      %jit3A_76 = arith.constant 1073741824 : i32
      %broadcast_in_dim3A_77 = vector.broadcast %jit3A_76 : i32 to vector<256x4096xi32>
      %select_n3A_78 = arith.select %eq3A_72, %broadcast_in_dim3A_77, %select_n3A_59 : vector<256x4096xi1>, vector<256x4096xi32>
      %reduce_min3A_79 = arith.constant dense<0x7F800000> : vector<256xf32>
      %reduce_min3A_80 = vector.multi_reduction <minimumf>, %select_n3A_75, %reduce_min3A_79 [1] : vector<256x4096xf32> to vector<256xf32>
      %broadcast_in_dim3A_81 = vector.shape_cast %reduce_min3A_80 : vector<256xf32> to vector<256x1xf32>
      %eq3A_82 = vector.broadcast %broadcast_in_dim3A_81 : vector<256x1xf32> to vector<256x4096xf32>
      %eq3A_83 = arith.cmpf oeq, %select_n3A_75, %eq3A_82 : vector<256x4096xf32>
      %jit3A_84 = arith.constant 1073741824 : i32
      %broadcast_in_dim3A_85 = vector.broadcast %jit3A_84 : i32 to vector<256x4096xi32>
      %select_n3A_86 = arith.select %eq3A_83, %select_n3A_78, %broadcast_in_dim3A_85 : vector<256x4096xi1>, vector<256x4096xi32>
      %reduce_min3A_87 = arith.constant dense<2147483647> : vector<256xi32>
      %reduce_min3A_88 = vector.multi_reduction <minsi>, %select_n3A_86, %reduce_min3A_87 [1] : vector<256x4096xi32> to vector<256xi32>
      %broadcast_in_dim3A_89 = vector.shape_cast %reduce_min3A_88 : vector<256xi32> to vector<256x1xi32>
      %eq3A_90 = vector.broadcast %broadcast_in_dim3A_89 : vector<256x1xi32> to vector<256x4096xi32>
      %eq3A_91 = arith.cmpi eq, %select_n3A_78, %eq3A_90 : vector<256x4096xi32>
      %jit3A_92 = arith.constant 0x7F800000 : f32
      %broadcast_in_dim3A_93 = vector.broadcast %jit3A_92 : f32 to vector<256x4096xf32>
      %select_n3A_94 = arith.select %eq3A_91, %broadcast_in_dim3A_93, %select_n3A_75 : vector<256x4096xi1>, vector<256x4096xf32>
      %jit3A_95 = arith.constant 1073741824 : i32
      %broadcast_in_dim3A_96 = vector.broadcast %jit3A_95 : i32 to vector<256x4096xi32>
      %select_n3A_97 = arith.select %eq3A_91, %broadcast_in_dim3A_96, %select_n3A_78 : vector<256x4096xi1>, vector<256x4096xi32>
      %reduce_min3A_98 = arith.constant dense<0x7F800000> : vector<256xf32>
      %reduce_min3A_99 = vector.multi_reduction <minimumf>, %select_n3A_94, %reduce_min3A_98 [1] : vector<256x4096xf32> to vector<256xf32>
      %broadcast_in_dim3A_100 = vector.shape_cast %reduce_min3A_99 : vector<256xf32> to vector<256x1xf32>
      %eq3A_101 = vector.broadcast %broadcast_in_dim3A_100 : vector<256x1xf32> to vector<256x4096xf32>
      %eq3A_102 = arith.cmpf oeq, %select_n3A_94, %eq3A_101 : vector<256x4096xf32>
      %jit3A_103 = arith.constant 1073741824 : i32
      %broadcast_in_dim3A_104 = vector.broadcast %jit3A_103 : i32 to vector<256x4096xi32>
      %select_n3A_105 = arith.select %eq3A_102, %select_n3A_97, %broadcast_in_dim3A_104 : vector<256x4096xi1>, vector<256x4096xi32>
      %reduce_min3A_106 = arith.constant dense<2147483647> : vector<256xi32>
      %reduce_min3A_107 = vector.multi_reduction <minsi>, %select_n3A_105, %reduce_min3A_106 [1] : vector<256x4096xi32> to vector<256xi32>
      %broadcast_in_dim3A_108 = vector.shape_cast %reduce_min3A_107 : vector<256xi32> to vector<256x1xi32>
      %eq3A_109 = vector.broadcast %broadcast_in_dim3A_108 : vector<256x1xi32> to vector<256x4096xi32>
      %eq3A_110 = arith.cmpi eq, %select_n3A_97, %eq3A_109 : vector<256x4096xi32>
      %jit3A_111 = arith.constant 0x7F800000 : f32
      %broadcast_in_dim3A_112 = vector.broadcast %jit3A_111 : f32 to vector<256x4096xf32>
      %select_n3A_113 = arith.select %eq3A_110, %broadcast_in_dim3A_112, %select_n3A_94 : vector<256x4096xi1>, vector<256x4096xf32>
      %jit3A_114 = arith.constant 1073741824 : i32
      %broadcast_in_dim3A_115 = vector.broadcast %jit3A_114 : i32 to vector<256x4096xi32>
      %select_n3A_116 = arith.select %eq3A_110, %broadcast_in_dim3A_115, %select_n3A_97 : vector<256x4096xi1>, vector<256x4096xi32>
      %reduce_min3A_117 = arith.constant dense<0x7F800000> : vector<256xf32>
      %reduce_min3A_118 = vector.multi_reduction <minimumf>, %select_n3A_113, %reduce_min3A_117 [1] : vector<256x4096xf32> to vector<256xf32>
      %broadcast_in_dim3A_119 = vector.shape_cast %reduce_min3A_118 : vector<256xf32> to vector<256x1xf32>
      %eq3A_120 = vector.broadcast %broadcast_in_dim3A_119 : vector<256x1xf32> to vector<256x4096xf32>
      %eq3A_121 = arith.cmpf oeq, %select_n3A_113, %eq3A_120 : vector<256x4096xf32>
      %jit3A_122 = arith.constant 1073741824 : i32
      %broadcast_in_dim3A_123 = vector.broadcast %jit3A_122 : i32 to vector<256x4096xi32>
      %select_n3A_124 = arith.select %eq3A_121, %select_n3A_116, %broadcast_in_dim3A_123 : vector<256x4096xi1>, vector<256x4096xi32>
      %reduce_min3A_125 = arith.constant dense<2147483647> : vector<256xi32>
      %reduce_min3A_126 = vector.multi_reduction <minsi>, %select_n3A_124, %reduce_min3A_125 [1] : vector<256x4096xi32> to vector<256xi32>
      %broadcast_in_dim3A_127 = vector.shape_cast %reduce_min3A_126 : vector<256xi32> to vector<256x1xi32>
      %eq3A_128 = vector.broadcast %broadcast_in_dim3A_127 : vector<256x1xi32> to vector<256x4096xi32>
      %eq3A_129 = arith.cmpi eq, %select_n3A_116, %eq3A_128 : vector<256x4096xi32>
      %jit3A_130 = arith.constant 0x7F800000 : f32
      %broadcast_in_dim3A_131 = vector.broadcast %jit3A_130 : f32 to vector<256x4096xf32>
      %select_n3A_132 = arith.select %eq3A_129, %broadcast_in_dim3A_131, %select_n3A_113 : vector<256x4096xi1>, vector<256x4096xf32>
      %jit3A_133 = arith.constant 1073741824 : i32
      %broadcast_in_dim3A_134 = vector.broadcast %jit3A_133 : i32 to vector<256x4096xi32>
      %select_n3A_135 = arith.select %eq3A_129, %broadcast_in_dim3A_134, %select_n3A_116 : vector<256x4096xi1>, vector<256x4096xi32>
      %reduce_min3A_136 = arith.constant dense<0x7F800000> : vector<256xf32>
      %reduce_min3A_137 = vector.multi_reduction <minimumf>, %select_n3A_132, %reduce_min3A_136 [1] : vector<256x4096xf32> to vector<256xf32>
      %broadcast_in_dim3A_138 = vector.shape_cast %reduce_min3A_137 : vector<256xf32> to vector<256x1xf32>
      %eq3A_139 = vector.broadcast %broadcast_in_dim3A_138 : vector<256x1xf32> to vector<256x4096xf32>
      %eq3A_140 = arith.cmpf oeq, %select_n3A_132, %eq3A_139 : vector<256x4096xf32>
      %jit3A_141 = arith.constant 1073741824 : i32
      %broadcast_in_dim3A_142 = vector.broadcast %jit3A_141 : i32 to vector<256x4096xi32>
      %select_n3A_143 = arith.select %eq3A_140, %select_n3A_135, %broadcast_in_dim3A_142 : vector<256x4096xi1>, vector<256x4096xi32>
      %reduce_min3A_144 = arith.constant dense<2147483647> : vector<256xi32>
      %reduce_min3A_145 = vector.multi_reduction <minsi>, %select_n3A_143, %reduce_min3A_144 [1] : vector<256x4096xi32> to vector<256xi32>
      %broadcast_in_dim3A_146 = vector.shape_cast %reduce_min3A_145 : vector<256xi32> to vector<256x1xi32>
      %eq3A_147 = vector.broadcast %broadcast_in_dim3A_146 : vector<256x1xi32> to vector<256x4096xi32>
      %eq3A_148 = arith.cmpi eq, %select_n3A_135, %eq3A_147 : vector<256x4096xi32>
      %jit3A_149 = arith.constant 0x7F800000 : f32
      %broadcast_in_dim3A_150 = vector.broadcast %jit3A_149 : f32 to vector<256x4096xf32>
      %select_n3A_151 = arith.select %eq3A_148, %broadcast_in_dim3A_150, %select_n3A_132 : vector<256x4096xi1>, vector<256x4096xf32>
      %jit3A_152 = arith.constant 1073741824 : i32
      %broadcast_in_dim3A_153 = vector.broadcast %jit3A_152 : i32 to vector<256x4096xi32>
      %select_n3A_154 = arith.select %eq3A_148, %broadcast_in_dim3A_153, %select_n3A_135 : vector<256x4096xi1>, vector<256x4096xi32>
      %reduce_min3A_155 = arith.constant dense<0x7F800000> : vector<256xf32>
      %reduce_min3A_156 = vector.multi_reduction <minimumf>, %select_n3A_151, %reduce_min3A_155 [1] : vector<256x4096xf32> to vector<256xf32>
      %broadcast_in_dim3A_157 = vector.shape_cast %reduce_min3A_156 : vector<256xf32> to vector<256x1xf32>
      %eq3A_158 = vector.broadcast %broadcast_in_dim3A_157 : vector<256x1xf32> to vector<256x4096xf32>
      %eq3A_159 = arith.cmpf oeq, %select_n3A_151, %eq3A_158 : vector<256x4096xf32>
      %jit3A_160 = arith.constant 1073741824 : i32
      %broadcast_in_dim3A_161 = vector.broadcast %jit3A_160 : i32 to vector<256x4096xi32>
      %select_n3A_162 = arith.select %eq3A_159, %select_n3A_154, %broadcast_in_dim3A_161 : vector<256x4096xi1>, vector<256x4096xi32>
      %reduce_min3A_163 = arith.constant dense<2147483647> : vector<256xi32>
      %reduce_min3A_164 = vector.multi_reduction <minsi>, %select_n3A_162, %reduce_min3A_163 [1] : vector<256x4096xi32> to vector<256xi32>
      %broadcast_in_dim3A_165 = vector.shape_cast %reduce_min3A_164 : vector<256xi32> to vector<256x1xi32>
      %eq3A_166 = vector.broadcast %broadcast_in_dim3A_165 : vector<256x1xi32> to vector<256x4096xi32>
      %eq3A_167 = arith.cmpi eq, %select_n3A_154, %eq3A_166 : vector<256x4096xi32>
      %jit3A_168 = arith.constant 0x7F800000 : f32
      %broadcast_in_dim3A_169 = vector.broadcast %jit3A_168 : f32 to vector<256x4096xf32>
      %select_n3A_170 = arith.select %eq3A_167, %broadcast_in_dim3A_169, %select_n3A_151 : vector<256x4096xi1>, vector<256x4096xf32>
      %jit3A_171 = arith.constant 1073741824 : i32
      %broadcast_in_dim3A_172 = vector.broadcast %jit3A_171 : i32 to vector<256x4096xi32>
      %select_n3A_173 = arith.select %eq3A_167, %broadcast_in_dim3A_172, %select_n3A_154 : vector<256x4096xi1>, vector<256x4096xi32>
      %reduce_min3A_174 = arith.constant dense<0x7F800000> : vector<256xf32>
      %reduce_min3A_175 = vector.multi_reduction <minimumf>, %select_n3A_170, %reduce_min3A_174 [1] : vector<256x4096xf32> to vector<256xf32>
      %broadcast_in_dim3A_176 = vector.shape_cast %reduce_min3A_175 : vector<256xf32> to vector<256x1xf32>
      %eq3A_177 = vector.broadcast %broadcast_in_dim3A_176 : vector<256x1xf32> to vector<256x4096xf32>
      %eq3A_178 = arith.cmpf oeq, %select_n3A_170, %eq3A_177 : vector<256x4096xf32>
      %jit3A_179 = arith.constant 1073741824 : i32
      %broadcast_in_dim3A_180 = vector.broadcast %jit3A_179 : i32 to vector<256x4096xi32>
      %select_n3A_181 = arith.select %eq3A_178, %select_n3A_173, %broadcast_in_dim3A_180 : vector<256x4096xi1>, vector<256x4096xi32>
      %reduce_min3A_182 = arith.constant dense<2147483647> : vector<256xi32>
      %reduce_min3A_183 = vector.multi_reduction <minsi>, %select_n3A_181, %reduce_min3A_182 [1] : vector<256x4096xi32> to vector<256xi32>
      %broadcast_in_dim3A_184 = vector.shape_cast %reduce_min3A_183 : vector<256xi32> to vector<256x1xi32>
      %eq3A_185 = vector.broadcast %broadcast_in_dim3A_184 : vector<256x1xi32> to vector<256x4096xi32>
      %eq3A_186 = arith.cmpi eq, %select_n3A_173, %eq3A_185 : vector<256x4096xi32>
      %jit3A_187 = arith.constant 0x7F800000 : f32
      %broadcast_in_dim3A_188 = vector.broadcast %jit3A_187 : f32 to vector<256x4096xf32>
      %select_n3A_189 = arith.select %eq3A_186, %broadcast_in_dim3A_188, %select_n3A_170 : vector<256x4096xi1>, vector<256x4096xf32>
      %jit3A_190 = arith.constant 1073741824 : i32
      %broadcast_in_dim3A_191 = vector.broadcast %jit3A_190 : i32 to vector<256x4096xi32>
      %select_n3A_192 = arith.select %eq3A_186, %broadcast_in_dim3A_191, %select_n3A_173 : vector<256x4096xi1>, vector<256x4096xi32>
      %reduce_min3A_193 = arith.constant dense<0x7F800000> : vector<256xf32>
      %reduce_min3A_194 = vector.multi_reduction <minimumf>, %select_n3A_189, %reduce_min3A_193 [1] : vector<256x4096xf32> to vector<256xf32>
      %broadcast_in_dim3A_195 = vector.shape_cast %reduce_min3A_194 : vector<256xf32> to vector<256x1xf32>
      %eq3A_196 = vector.broadcast %broadcast_in_dim3A_195 : vector<256x1xf32> to vector<256x4096xf32>
      %eq3A_197 = arith.cmpf oeq, %select_n3A_189, %eq3A_196 : vector<256x4096xf32>
      %jit3A_198 = arith.constant 1073741824 : i32
      %broadcast_in_dim3A_199 = vector.broadcast %jit3A_198 : i32 to vector<256x4096xi32>
      %select_n3A_200 = arith.select %eq3A_197, %select_n3A_192, %broadcast_in_dim3A_199 : vector<256x4096xi1>, vector<256x4096xi32>
      %reduce_min3A_201 = arith.constant dense<2147483647> : vector<256xi32>
      %reduce_min3A_202 = vector.multi_reduction <minsi>, %select_n3A_200, %reduce_min3A_201 [1] : vector<256x4096xi32> to vector<256xi32>
      %broadcast_in_dim3A_203 = vector.shape_cast %reduce_min3A_202 : vector<256xi32> to vector<256x1xi32>
      %eq3A_204 = vector.broadcast %broadcast_in_dim3A_203 : vector<256x1xi32> to vector<256x4096xi32>
      %eq3A_205 = arith.cmpi eq, %select_n3A_192, %eq3A_204 : vector<256x4096xi32>
      %jit3A_206 = arith.constant 0x7F800000 : f32
      %broadcast_in_dim3A_207 = vector.broadcast %jit3A_206 : f32 to vector<256x4096xf32>
      %select_n3A_208 = arith.select %eq3A_205, %broadcast_in_dim3A_207, %select_n3A_189 : vector<256x4096xi1>, vector<256x4096xf32>
      %jit3A_209 = arith.constant 1073741824 : i32
      %broadcast_in_dim3A_210 = vector.broadcast %jit3A_209 : i32 to vector<256x4096xi32>
      %select_n3A_211 = arith.select %eq3A_205, %broadcast_in_dim3A_210, %select_n3A_192 : vector<256x4096xi1>, vector<256x4096xi32>
      %reduce_min3A_212 = arith.constant dense<0x7F800000> : vector<256xf32>
      %reduce_min3A_213 = vector.multi_reduction <minimumf>, %select_n3A_208, %reduce_min3A_212 [1] : vector<256x4096xf32> to vector<256xf32>
      %broadcast_in_dim3A_214 = vector.shape_cast %reduce_min3A_213 : vector<256xf32> to vector<256x1xf32>
      %eq3A_215 = vector.broadcast %broadcast_in_dim3A_214 : vector<256x1xf32> to vector<256x4096xf32>
      %eq3A_216 = arith.cmpf oeq, %select_n3A_208, %eq3A_215 : vector<256x4096xf32>
      %jit3A_217 = arith.constant 1073741824 : i32
      %broadcast_in_dim3A_218 = vector.broadcast %jit3A_217 : i32 to vector<256x4096xi32>
      %select_n3A_219 = arith.select %eq3A_216, %select_n3A_211, %broadcast_in_dim3A_218 : vector<256x4096xi1>, vector<256x4096xi32>
      %reduce_min3A_220 = arith.constant dense<2147483647> : vector<256xi32>
      %reduce_min3A_221 = vector.multi_reduction <minsi>, %select_n3A_219, %reduce_min3A_220 [1] : vector<256x4096xi32> to vector<256xi32>
      %broadcast_in_dim3A_222 = vector.shape_cast %reduce_min3A_221 : vector<256xi32> to vector<256x1xi32>
      %eq3A_223 = vector.broadcast %broadcast_in_dim3A_222 : vector<256x1xi32> to vector<256x4096xi32>
      %eq3A_224 = arith.cmpi eq, %select_n3A_211, %eq3A_223 : vector<256x4096xi32>
      %jit3A_225 = arith.constant 0x7F800000 : f32
      %broadcast_in_dim3A_226 = vector.broadcast %jit3A_225 : f32 to vector<256x4096xf32>
      %select_n3A_227 = arith.select %eq3A_224, %broadcast_in_dim3A_226, %select_n3A_208 : vector<256x4096xi1>, vector<256x4096xf32>
      %jit3A_228 = arith.constant 1073741824 : i32
      %broadcast_in_dim3A_229 = vector.broadcast %jit3A_228 : i32 to vector<256x4096xi32>
      %select_n3A_230 = arith.select %eq3A_224, %broadcast_in_dim3A_229, %select_n3A_211 : vector<256x4096xi1>, vector<256x4096xi32>
      %reduce_min3A_231 = arith.constant dense<0x7F800000> : vector<256xf32>
      %reduce_min3A_232 = vector.multi_reduction <minimumf>, %select_n3A_227, %reduce_min3A_231 [1] : vector<256x4096xf32> to vector<256xf32>
      %broadcast_in_dim3A_233 = vector.shape_cast %reduce_min3A_232 : vector<256xf32> to vector<256x1xf32>
      %eq3A_234 = vector.broadcast %broadcast_in_dim3A_233 : vector<256x1xf32> to vector<256x4096xf32>
      %eq3A_235 = arith.cmpf oeq, %select_n3A_227, %eq3A_234 : vector<256x4096xf32>
      %jit3A_236 = arith.constant 1073741824 : i32
      %broadcast_in_dim3A_237 = vector.broadcast %jit3A_236 : i32 to vector<256x4096xi32>
      %select_n3A_238 = arith.select %eq3A_235, %select_n3A_230, %broadcast_in_dim3A_237 : vector<256x4096xi1>, vector<256x4096xi32>
      %reduce_min3A_239 = arith.constant dense<2147483647> : vector<256xi32>
      %reduce_min3A_240 = vector.multi_reduction <minsi>, %select_n3A_238, %reduce_min3A_239 [1] : vector<256x4096xi32> to vector<256xi32>
      %broadcast_in_dim3A_241 = vector.shape_cast %reduce_min3A_240 : vector<256xi32> to vector<256x1xi32>
      %eq3A_242 = vector.broadcast %broadcast_in_dim3A_241 : vector<256x1xi32> to vector<256x4096xi32>
      %eq3A_243 = arith.cmpi eq, %select_n3A_230, %eq3A_242 : vector<256x4096xi32>
      %jit3A_244 = arith.constant 0x7F800000 : f32
      %broadcast_in_dim3A_245 = vector.broadcast %jit3A_244 : f32 to vector<256x4096xf32>
      %select_n3A_246 = arith.select %eq3A_243, %broadcast_in_dim3A_245, %select_n3A_227 : vector<256x4096xi1>, vector<256x4096xf32>
      %jit3A_247 = arith.constant 1073741824 : i32
      %broadcast_in_dim3A_248 = vector.broadcast %jit3A_247 : i32 to vector<256x4096xi32>
      %select_n3A_249 = arith.select %eq3A_243, %broadcast_in_dim3A_248, %select_n3A_230 : vector<256x4096xi1>, vector<256x4096xi32>
      %reduce_min3A_250 = arith.constant dense<0x7F800000> : vector<256xf32>
      %reduce_min3A_251 = vector.multi_reduction <minimumf>, %select_n3A_246, %reduce_min3A_250 [1] : vector<256x4096xf32> to vector<256xf32>
      %broadcast_in_dim3A_252 = vector.shape_cast %reduce_min3A_251 : vector<256xf32> to vector<256x1xf32>
      %eq3A_253 = vector.broadcast %broadcast_in_dim3A_252 : vector<256x1xf32> to vector<256x4096xf32>
      %eq3A_254 = arith.cmpf oeq, %select_n3A_246, %eq3A_253 : vector<256x4096xf32>
      %jit3A_255 = arith.constant 1073741824 : i32
      %broadcast_in_dim3A_256 = vector.broadcast %jit3A_255 : i32 to vector<256x4096xi32>
      %select_n3A_257 = arith.select %eq3A_254, %select_n3A_249, %broadcast_in_dim3A_256 : vector<256x4096xi1>, vector<256x4096xi32>
      %reduce_min3A_258 = arith.constant dense<2147483647> : vector<256xi32>
      %reduce_min3A_259 = vector.multi_reduction <minsi>, %select_n3A_257, %reduce_min3A_258 [1] : vector<256x4096xi32> to vector<256xi32>
      %broadcast_in_dim3A_260 = vector.shape_cast %reduce_min3A_259 : vector<256xi32> to vector<256x1xi32>
      %eq3A_261 = vector.broadcast %broadcast_in_dim3A_260 : vector<256x1xi32> to vector<256x4096xi32>
      %eq3A_262 = arith.cmpi eq, %select_n3A_249, %eq3A_261 : vector<256x4096xi32>
      %jit3A_263 = arith.constant 0x7F800000 : f32
      %broadcast_in_dim3A_264 = vector.broadcast %jit3A_263 : f32 to vector<256x4096xf32>
      %select_n3A_265 = arith.select %eq3A_262, %broadcast_in_dim3A_264, %select_n3A_246 : vector<256x4096xi1>, vector<256x4096xf32>
      %jit3A_266 = arith.constant 1073741824 : i32
      %broadcast_in_dim3A_267 = vector.broadcast %jit3A_266 : i32 to vector<256x4096xi32>
      %select_n3A_268 = arith.select %eq3A_262, %broadcast_in_dim3A_267, %select_n3A_249 : vector<256x4096xi1>, vector<256x4096xi32>
      %reduce_min3A_269 = arith.constant dense<0x7F800000> : vector<256xf32>
      %reduce_min3A_270 = vector.multi_reduction <minimumf>, %select_n3A_265, %reduce_min3A_269 [1] : vector<256x4096xf32> to vector<256xf32>
      %broadcast_in_dim3A_271 = vector.shape_cast %reduce_min3A_270 : vector<256xf32> to vector<256x1xf32>
      %eq3A_272 = vector.broadcast %broadcast_in_dim3A_271 : vector<256x1xf32> to vector<256x4096xf32>
      %eq3A_273 = arith.cmpf oeq, %select_n3A_265, %eq3A_272 : vector<256x4096xf32>
      %jit3A_274 = arith.constant 1073741824 : i32
      %broadcast_in_dim3A_275 = vector.broadcast %jit3A_274 : i32 to vector<256x4096xi32>
      %select_n3A_276 = arith.select %eq3A_273, %select_n3A_268, %broadcast_in_dim3A_275 : vector<256x4096xi1>, vector<256x4096xi32>
      %reduce_min3A_277 = arith.constant dense<2147483647> : vector<256xi32>
      %reduce_min3A_278 = vector.multi_reduction <minsi>, %select_n3A_276, %reduce_min3A_277 [1] : vector<256x4096xi32> to vector<256xi32>
      %broadcast_in_dim3A_279 = vector.shape_cast %reduce_min3A_278 : vector<256xi32> to vector<256x1xi32>
      %eq3A_280 = vector.broadcast %broadcast_in_dim3A_279 : vector<256x1xi32> to vector<256x4096xi32>
      %eq3A_281 = arith.cmpi eq, %select_n3A_268, %eq3A_280 : vector<256x4096xi32>
      %jit3A_282 = arith.constant 0x7F800000 : f32
      %broadcast_in_dim3A_283 = vector.broadcast %jit3A_282 : f32 to vector<256x4096xf32>
      %select_n3A_284 = arith.select %eq3A_281, %broadcast_in_dim3A_283, %select_n3A_265 : vector<256x4096xi1>, vector<256x4096xf32>
      %jit3A_285 = arith.constant 1073741824 : i32
      %broadcast_in_dim3A_286 = vector.broadcast %jit3A_285 : i32 to vector<256x4096xi32>
      %select_n3A_287 = arith.select %eq3A_281, %broadcast_in_dim3A_286, %select_n3A_268 : vector<256x4096xi1>, vector<256x4096xi32>
      %reduce_min3A_288 = arith.constant dense<0x7F800000> : vector<256xf32>
      %reduce_min3A_289 = vector.multi_reduction <minimumf>, %select_n3A_284, %reduce_min3A_288 [1] : vector<256x4096xf32> to vector<256xf32>
      %broadcast_in_dim3A_290 = vector.shape_cast %reduce_min3A_289 : vector<256xf32> to vector<256x1xf32>
      %eq3A_291 = vector.broadcast %broadcast_in_dim3A_290 : vector<256x1xf32> to vector<256x4096xf32>
      %eq3A_292 = arith.cmpf oeq, %select_n3A_284, %eq3A_291 : vector<256x4096xf32>
      %jit3A_293 = arith.constant 1073741824 : i32
      %broadcast_in_dim3A_294 = vector.broadcast %jit3A_293 : i32 to vector<256x4096xi32>
      %select_n3A_295 = arith.select %eq3A_292, %select_n3A_287, %broadcast_in_dim3A_294 : vector<256x4096xi1>, vector<256x4096xi32>
      %reduce_min3A_296 = arith.constant dense<2147483647> : vector<256xi32>
      %reduce_min3A_297 = vector.multi_reduction <minsi>, %select_n3A_295, %reduce_min3A_296 [1] : vector<256x4096xi32> to vector<256xi32>
      %broadcast_in_dim3A_298 = vector.shape_cast %reduce_min3A_297 : vector<256xi32> to vector<256x1xi32>
      %eq3A_299 = vector.broadcast %broadcast_in_dim3A_298 : vector<256x1xi32> to vector<256x4096xi32>
      %eq3A_300 = arith.cmpi eq, %select_n3A_287, %eq3A_299 : vector<256x4096xi32>
      %jit3A_301 = arith.constant 0x7F800000 : f32
      %broadcast_in_dim3A_302 = vector.broadcast %jit3A_301 : f32 to vector<256x4096xf32>
      %select_n3A_303 = arith.select %eq3A_300, %broadcast_in_dim3A_302, %select_n3A_284 : vector<256x4096xi1>, vector<256x4096xf32>
      %jit3A_304 = arith.constant 1073741824 : i32
      %broadcast_in_dim3A_305 = vector.broadcast %jit3A_304 : i32 to vector<256x4096xi32>
      %select_n3A_306 = arith.select %eq3A_300, %broadcast_in_dim3A_305, %select_n3A_287 : vector<256x4096xi1>, vector<256x4096xi32>
      %reduce_min3A_307 = arith.constant dense<0x7F800000> : vector<256xf32>
      %reduce_min3A_308 = vector.multi_reduction <minimumf>, %select_n3A_303, %reduce_min3A_307 [1] : vector<256x4096xf32> to vector<256xf32>
      %broadcast_in_dim3A_309 = vector.shape_cast %reduce_min3A_308 : vector<256xf32> to vector<256x1xf32>
      %eq3A_310 = vector.broadcast %broadcast_in_dim3A_309 : vector<256x1xf32> to vector<256x4096xf32>
      %eq3A_311 = arith.cmpf oeq, %select_n3A_303, %eq3A_310 : vector<256x4096xf32>
      %jit3A_312 = arith.constant 1073741824 : i32
      %broadcast_in_dim3A_313 = vector.broadcast %jit3A_312 : i32 to vector<256x4096xi32>
      %select_n3A_314 = arith.select %eq3A_311, %select_n3A_306, %broadcast_in_dim3A_313 : vector<256x4096xi1>, vector<256x4096xi32>
      %reduce_min3A_315 = arith.constant dense<2147483647> : vector<256xi32>
      %reduce_min3A_316 = vector.multi_reduction <minsi>, %select_n3A_314, %reduce_min3A_315 [1] : vector<256x4096xi32> to vector<256xi32>
      %broadcast_in_dim3A_317 = vector.shape_cast %reduce_min3A_316 : vector<256xi32> to vector<256x1xi32>
      %eq3A_318 = vector.broadcast %broadcast_in_dim3A_317 : vector<256x1xi32> to vector<256x4096xi32>
      %eq3A_319 = arith.cmpi eq, %select_n3A_306, %eq3A_318 : vector<256x4096xi32>
      %jit3A_320 = arith.constant 0x7F800000 : f32
      %broadcast_in_dim3A_321 = vector.broadcast %jit3A_320 : f32 to vector<256x4096xf32>
      %select_n3A_322 = arith.select %eq3A_319, %broadcast_in_dim3A_321, %select_n3A_303 : vector<256x4096xi1>, vector<256x4096xf32>
      %jit3A_323 = arith.constant 1073741824 : i32
      %broadcast_in_dim3A_324 = vector.broadcast %jit3A_323 : i32 to vector<256x4096xi32>
      %select_n3A_325 = arith.select %eq3A_319, %broadcast_in_dim3A_324, %select_n3A_306 : vector<256x4096xi1>, vector<256x4096xi32>
      %reduce_min3A_326 = arith.constant dense<0x7F800000> : vector<256xf32>
      %reduce_min3A_327 = vector.multi_reduction <minimumf>, %select_n3A_322, %reduce_min3A_326 [1] : vector<256x4096xf32> to vector<256xf32>
      %broadcast_in_dim3A_328 = vector.shape_cast %reduce_min3A_327 : vector<256xf32> to vector<256x1xf32>
      %eq3A_329 = vector.broadcast %broadcast_in_dim3A_328 : vector<256x1xf32> to vector<256x4096xf32>
      %eq3A_330 = arith.cmpf oeq, %select_n3A_322, %eq3A_329 : vector<256x4096xf32>
      %jit3A_331 = arith.constant 1073741824 : i32
      %broadcast_in_dim3A_332 = vector.broadcast %jit3A_331 : i32 to vector<256x4096xi32>
      %select_n3A_333 = arith.select %eq3A_330, %select_n3A_325, %broadcast_in_dim3A_332 : vector<256x4096xi1>, vector<256x4096xi32>
      %reduce_min3A_334 = arith.constant dense<2147483647> : vector<256xi32>
      %reduce_min3A_335 = vector.multi_reduction <minsi>, %select_n3A_333, %reduce_min3A_334 [1] : vector<256x4096xi32> to vector<256xi32>
      %broadcast_in_dim3A_336 = vector.shape_cast %reduce_min3A_335 : vector<256xi32> to vector<256x1xi32>
      %eq3A_337 = vector.broadcast %broadcast_in_dim3A_336 : vector<256x1xi32> to vector<256x4096xi32>
      %eq3A_338 = arith.cmpi eq, %select_n3A_325, %eq3A_337 : vector<256x4096xi32>
      %jit3A_339 = arith.constant 0x7F800000 : f32
      %broadcast_in_dim3A_340 = vector.broadcast %jit3A_339 : f32 to vector<256x4096xf32>
      %select_n3A_341 = arith.select %eq3A_338, %broadcast_in_dim3A_340, %select_n3A_322 : vector<256x4096xi1>, vector<256x4096xf32>
      %jit3A_342 = arith.constant 1073741824 : i32
      %broadcast_in_dim3A_343 = vector.broadcast %jit3A_342 : i32 to vector<256x4096xi32>
      %select_n3A_344 = arith.select %eq3A_338, %broadcast_in_dim3A_343, %select_n3A_325 : vector<256x4096xi1>, vector<256x4096xi32>
      %reduce_min3A_345 = arith.constant dense<0x7F800000> : vector<256xf32>
      %reduce_min3A_346 = vector.multi_reduction <minimumf>, %select_n3A_341, %reduce_min3A_345 [1] : vector<256x4096xf32> to vector<256xf32>
      %broadcast_in_dim3A_347 = vector.shape_cast %reduce_min3A_346 : vector<256xf32> to vector<256x1xf32>
      %eq3A_348 = vector.broadcast %broadcast_in_dim3A_347 : vector<256x1xf32> to vector<256x4096xf32>
      %eq3A_349 = arith.cmpf oeq, %select_n3A_341, %eq3A_348 : vector<256x4096xf32>
      %jit3A_350 = arith.constant 1073741824 : i32
      %broadcast_in_dim3A_351 = vector.broadcast %jit3A_350 : i32 to vector<256x4096xi32>
      %select_n3A_352 = arith.select %eq3A_349, %select_n3A_344, %broadcast_in_dim3A_351 : vector<256x4096xi1>, vector<256x4096xi32>
      %reduce_min3A_353 = arith.constant dense<2147483647> : vector<256xi32>
      %reduce_min3A_354 = vector.multi_reduction <minsi>, %select_n3A_352, %reduce_min3A_353 [1] : vector<256x4096xi32> to vector<256xi32>
      %broadcast_in_dim3A_355 = vector.shape_cast %reduce_min3A_354 : vector<256xi32> to vector<256x1xi32>
      %eq3A_356 = vector.broadcast %broadcast_in_dim3A_355 : vector<256x1xi32> to vector<256x4096xi32>
      %eq3A_357 = arith.cmpi eq, %select_n3A_344, %eq3A_356 : vector<256x4096xi32>
      %jit3A_358 = arith.constant 0x7F800000 : f32
      %broadcast_in_dim3A_359 = vector.broadcast %jit3A_358 : f32 to vector<256x4096xf32>
      %select_n3A_360 = arith.select %eq3A_357, %broadcast_in_dim3A_359, %select_n3A_341 : vector<256x4096xi1>, vector<256x4096xf32>
      %jit3A_361 = arith.constant 1073741824 : i32
      %broadcast_in_dim3A_362 = vector.broadcast %jit3A_361 : i32 to vector<256x4096xi32>
      %select_n3A_363 = arith.select %eq3A_357, %broadcast_in_dim3A_362, %select_n3A_344 : vector<256x4096xi1>, vector<256x4096xi32>
      %reduce_min3A_364 = arith.constant dense<0x7F800000> : vector<256xf32>
      %reduce_min3A_365 = vector.multi_reduction <minimumf>, %select_n3A_360, %reduce_min3A_364 [1] : vector<256x4096xf32> to vector<256xf32>
      %broadcast_in_dim3A_366 = vector.shape_cast %reduce_min3A_365 : vector<256xf32> to vector<256x1xf32>
      %eq3A_367 = vector.broadcast %broadcast_in_dim3A_366 : vector<256x1xf32> to vector<256x4096xf32>
      %eq3A_368 = arith.cmpf oeq, %select_n3A_360, %eq3A_367 : vector<256x4096xf32>
      %jit3A_369 = arith.constant 1073741824 : i32
      %broadcast_in_dim3A_370 = vector.broadcast %jit3A_369 : i32 to vector<256x4096xi32>
      %select_n3A_371 = arith.select %eq3A_368, %select_n3A_363, %broadcast_in_dim3A_370 : vector<256x4096xi1>, vector<256x4096xi32>
      %reduce_min3A_372 = arith.constant dense<2147483647> : vector<256xi32>
      %reduce_min3A_373 = vector.multi_reduction <minsi>, %select_n3A_371, %reduce_min3A_372 [1] : vector<256x4096xi32> to vector<256xi32>
      %broadcast_in_dim3A_374 = vector.shape_cast %reduce_min3A_373 : vector<256xi32> to vector<256x1xi32>
      %eq3A_375 = vector.broadcast %broadcast_in_dim3A_374 : vector<256x1xi32> to vector<256x4096xi32>
      %eq3A_376 = arith.cmpi eq, %select_n3A_363, %eq3A_375 : vector<256x4096xi32>
      %jit3A_377 = arith.constant 0x7F800000 : f32
      %broadcast_in_dim3A_378 = vector.broadcast %jit3A_377 : f32 to vector<256x4096xf32>
      %select_n3A_379 = arith.select %eq3A_376, %broadcast_in_dim3A_378, %select_n3A_360 : vector<256x4096xi1>, vector<256x4096xf32>
      %jit3A_380 = arith.constant 1073741824 : i32
      %broadcast_in_dim3A_381 = vector.broadcast %jit3A_380 : i32 to vector<256x4096xi32>
      %select_n3A_382 = arith.select %eq3A_376, %broadcast_in_dim3A_381, %select_n3A_363 : vector<256x4096xi1>, vector<256x4096xi32>
      %reduce_min3A_383 = arith.constant dense<0x7F800000> : vector<256xf32>
      %reduce_min3A_384 = vector.multi_reduction <minimumf>, %select_n3A_379, %reduce_min3A_383 [1] : vector<256x4096xf32> to vector<256xf32>
      %broadcast_in_dim3A_385 = vector.shape_cast %reduce_min3A_384 : vector<256xf32> to vector<256x1xf32>
      %eq3A_386 = vector.broadcast %broadcast_in_dim3A_385 : vector<256x1xf32> to vector<256x4096xf32>
      %eq3A_387 = arith.cmpf oeq, %select_n3A_379, %eq3A_386 : vector<256x4096xf32>
      %jit3A_388 = arith.constant 1073741824 : i32
      %broadcast_in_dim3A_389 = vector.broadcast %jit3A_388 : i32 to vector<256x4096xi32>
      %select_n3A_390 = arith.select %eq3A_387, %select_n3A_382, %broadcast_in_dim3A_389 : vector<256x4096xi1>, vector<256x4096xi32>
      %reduce_min3A_391 = arith.constant dense<2147483647> : vector<256xi32>
      %reduce_min3A_392 = vector.multi_reduction <minsi>, %select_n3A_390, %reduce_min3A_391 [1] : vector<256x4096xi32> to vector<256xi32>
      %broadcast_in_dim3A_393 = vector.shape_cast %reduce_min3A_392 : vector<256xi32> to vector<256x1xi32>
      %eq3A_394 = vector.broadcast %broadcast_in_dim3A_393 : vector<256x1xi32> to vector<256x4096xi32>
      %eq3A_395 = arith.cmpi eq, %select_n3A_382, %eq3A_394 : vector<256x4096xi32>
      %jit3A_396 = arith.constant 0x7F800000 : f32
      %broadcast_in_dim3A_397 = vector.broadcast %jit3A_396 : f32 to vector<256x4096xf32>
      %select_n3A_398 = arith.select %eq3A_395, %broadcast_in_dim3A_397, %select_n3A_379 : vector<256x4096xi1>, vector<256x4096xf32>
      %jit3A_399 = arith.constant 1073741824 : i32
      %broadcast_in_dim3A_400 = vector.broadcast %jit3A_399 : i32 to vector<256x4096xi32>
      %select_n3A_401 = arith.select %eq3A_395, %broadcast_in_dim3A_400, %select_n3A_382 : vector<256x4096xi1>, vector<256x4096xi32>
      %reduce_min3A_402 = arith.constant dense<0x7F800000> : vector<256xf32>
      %reduce_min3A_403 = vector.multi_reduction <minimumf>, %select_n3A_398, %reduce_min3A_402 [1] : vector<256x4096xf32> to vector<256xf32>
      %broadcast_in_dim3A_404 = vector.shape_cast %reduce_min3A_403 : vector<256xf32> to vector<256x1xf32>
      %eq3A_405 = vector.broadcast %broadcast_in_dim3A_404 : vector<256x1xf32> to vector<256x4096xf32>
      %eq3A_406 = arith.cmpf oeq, %select_n3A_398, %eq3A_405 : vector<256x4096xf32>
      %jit3A_407 = arith.constant 1073741824 : i32
      %broadcast_in_dim3A_408 = vector.broadcast %jit3A_407 : i32 to vector<256x4096xi32>
      %select_n3A_409 = arith.select %eq3A_406, %select_n3A_401, %broadcast_in_dim3A_408 : vector<256x4096xi1>, vector<256x4096xi32>
      %reduce_min3A_410 = arith.constant dense<2147483647> : vector<256xi32>
      %reduce_min3A_411 = vector.multi_reduction <minsi>, %select_n3A_409, %reduce_min3A_410 [1] : vector<256x4096xi32> to vector<256xi32>
      %broadcast_in_dim3A_412 = vector.shape_cast %reduce_min3A_411 : vector<256xi32> to vector<256x1xi32>
      %concatenate3A = tpu.concatenate %broadcast_in_dim3A_51, %broadcast_in_dim3A_70, %broadcast_in_dim3A_89, %broadcast_in_dim3A_108, %broadcast_in_dim3A_127, %broadcast_in_dim3A_146, %broadcast_in_dim3A_165, %broadcast_in_dim3A_184, %broadcast_in_dim3A_203, %broadcast_in_dim3A_222, %broadcast_in_dim3A_241, %broadcast_in_dim3A_260, %broadcast_in_dim3A_279, %broadcast_in_dim3A_298, %broadcast_in_dim3A_317, %broadcast_in_dim3A_336, %broadcast_in_dim3A_355, %broadcast_in_dim3A_374, %broadcast_in_dim3A_393, %broadcast_in_dim3A_412 in 1 : vector<256x1xi32>, vector<256x1xi32>, vector<256x1xi32>, vector<256x1xi32>, vector<256x1xi32>, vector<256x1xi32>, vector<256x1xi32>, vector<256x1xi32>, vector<256x1xi32>, vector<256x1xi32>, vector<256x1xi32>, vector<256x1xi32>, vector<256x1xi32>, vector<256x1xi32>, vector<256x1xi32>, vector<256x1xi32>, vector<256x1xi32>, vector<256x1xi32>, vector<256x1xi32>, vector<256x1xi32> -> vector<256x20xi32>
      %swap3A = arith.constant 0 : index
      %swap3A_413 = arith.constant 0 : index
      %swap3A_414 = vector.load %arg9[%swap3A, %swap3A_413] : memref<256x20xi32, #tpu.memory_space<vmem>>, vector<256x20xi32>
      tpu.vector_store %arg9[%swap3A, %swap3A_413], %concatenate3A {strides = array<i32>} : memref<256x20xi32, #tpu.memory_space<vmem>>, vector<256x20xi32>,
    } else {
    }
    return
  }
  func.func @transform_0(%arg0: i32, %arg1: memref<16xi32, #tpu.memory_space<smem>>, %arg2: memref<16xi32, #tpu.memory_space<smem>>) -> (i32, i32) {
    %c0_i32 = arith.constant 0 : i32
    %c0_i32_0 = arith.constant 0 : i32
    return %arg0, %c0_i32 : i32, i32
  }
  func.func @transform_1(%arg0: i32, %arg1: memref<16xi32, #tpu.memory_space<smem>>, %arg2: memref<16xi32, #tpu.memory_space<smem>>) -> (i32, i32) {
    %c0_i32 = arith.constant 0 : i32
    %c0_i32_0 = arith.constant 0 : i32
    %c0_i32_1 = arith.constant 0 : i32
    return %c0_i32, %c0_i32_0 : i32, i32
  }
  func.func @transform_2(%arg0: i32, %arg1: memref<16xi32, #tpu.memory_space<smem>>, %arg2: memref<16xi32, #tpu.memory_space<smem>>) -> (i32, i32) {
    %c0_i32 = arith.constant 0 : i32
    %c0_i32_0 = arith.constant 0 : i32
    return %arg0, %c0_i32 : i32, i32
  }
  func.func @transform_3(%arg0: i32, %arg1: memref<16xi32, #tpu.memory_space<smem>>, %arg2: memref<16xi32, #tpu.memory_space<smem>>) -> (i32, i32) {
    %c0_i32 = arith.constant 0 : i32
    %c0_i32_0 = arith.constant 0 : i32
    %c0_i32_1 = arith.constant 0 : i32
    return %c0_i32, %c0_i32_0 : i32, i32
  }
  func.func @transform_4(%arg0: i32, %arg1: memref<16xi32, #tpu.memory_space<smem>>, %arg2: memref<16xi32, #tpu.memory_space<smem>>) -> (i32, i32) {
    %c0_i32 = arith.constant 0 : i32
    %c0_i32_0 = arith.constant 0 : i32
    return %arg0, %c0_i32 : i32, i32
  }
  func.func @transform_5(%arg0: i32, %arg1: memref<16xi32, #tpu.memory_space<smem>>, %arg2: memref<16xi32, #tpu.memory_space<smem>>) -> (i32, i32) {
    %c0_i32 = arith.constant 0 : i32
    %c0_i32_0 = arith.constant 0 : i32
    %c0_i32_1 = arith.constant 0 : i32
    return %c0_i32, %c0_i32_0 : i32, i32
  }
  func.func @transform_6(%arg0: i32, %arg1: memref<16xi32, #tpu.memory_space<smem>>, %arg2: memref<16xi32, #tpu.memory_space<smem>>) -> (i32, i32) {
    %c0_i32 = arith.constant 0 : i32
    %c0_i32_0 = arith.constant 0 : i32
    return %arg0, %c0_i32 : i32, i32
  }
}

module attributes {stable_mosaic.version = 14 : i64} {
  func.func @_edge_body(%arg0: i32, %arg1: memref<256x64xf32, #tpu.memory_space<vmem>>, %arg2: memref<20x256x128xf32, #tpu.memory_space<vmem>>, %arg3: memref<128x64xbf16, #tpu.memory_space<vmem>>, %arg4: memref<1x64xf32, #tpu.memory_space<vmem>>, %arg5: memref<256x64xf32, #tpu.memory_space<vmem>>) attributes {dimension_semantics = [#tpu.dimension_semantics<parallel>], iteration_bounds = array<i64: 16>, scalar_prefetch = 0 : i64, scratch_operands = 0 : i64, tpu.core_type = #tpu.core_type<tc>, window_params = [{transform_indices = @transform_0, window_bounds = array<i64: 256, 64>}, {transform_indices = @transform_1, window_bounds = array<i64: 20, 256, 128>}, {pipeline_mode = #tpu.pipeline_mode<synchronous>, transform_indices = @transform_2, window_bounds = array<i64: 128, 64>}, {pipeline_mode = #tpu.pipeline_mode<synchronous>, transform_indices = @transform_3, window_bounds = array<i64: 1, 64>}, {transform_indices = @transform_4, window_bounds = array<i64: 256, 64>}]} {
    %get3A = arith.constant 0 : index
    %get3A_0 = arith.constant 0 : index
    %get3A_1 = vector.load %arg1[%get3A, %get3A_0] : memref<256x64xf32, #tpu.memory_space<vmem>>, vector<256x64xf32>
    %convert_element_type3A = arith.truncf %get3A_1 : vector<256x64xf32> to vector<256x64xbf16>
    %get3A_2 = arith.constant 0 : index
    %get3A_3 = arith.constant 0 : index
    %get3A_4 = vector.load %arg3[%get3A_2, %get3A_3] : memref<128x64xbf16, #tpu.memory_space<vmem>>, vector<128x64xbf16>
    %get3A_5 = arith.constant 0 : index
    %get3A_6 = arith.constant 0 : index
    %get3A_7 = vector.load %arg4[%get3A_5, %get3A_6] : memref<1x64xf32, #tpu.memory_space<vmem>>, vector<1x64xf32>
    %get3A_8 = arith.constant 0 : index
    %get3A_9 = arith.constant 0 : index
    %get3A_10 = arith.constant 0 : index
    %get3A_11 = vector.load %arg2[%get3A_8, %get3A_9, %get3A_10] : memref<20x256x128xf32, #tpu.memory_space<vmem>>, vector<1x256x128xf32>
    %get3A_12 = vector.shape_cast %get3A_11 : vector<1x256x128xf32> to vector<256x128xf32>
    %slice3A = vector.extract_strided_slice %get3A_12 {offsets = [0, 0], sizes = [256, 64], strides = [1, 1]} : vector<256x128xf32> to vector<256x64xf32>
    %sub3A = arith.subf %slice3A, %get3A_1 : vector<256x64xf32>
    %convert_element_type3A_13 = arith.truncf %sub3A : vector<256x64xf32> to vector<256x64xbf16>
    %concatenate3A = tpu.concatenate %convert_element_type3A, %convert_element_type3A_13 in 1 : vector<256x64xbf16>, vector<256x64xbf16> -> vector<256x128xbf16>
    %dot_general3A = arith.constant dense<0.000000e+00> : vector<256x64xf32>
    %dot_general3A_14 = tpu.matmul %concatenate3A, %get3A_4, %dot_general3A {dimension_numbers = #tpu.dot_dimension_numbers<[1], [0], [0], [1], [0, 0, 1, 1], [], []>, transpose_lhs_hint = false} : vector<256x128xbf16>, vector<128x64xbf16>, vector<256x64xf32> -> vector<256x64xf32>
    %add3A = vector.broadcast %get3A_7 : vector<1x64xf32> to vector<256x64xf32>
    %add3A_15 = arith.addf %dot_general3A_14, %add3A : vector<256x64xf32>
    %get3A_16 = arith.constant 1 : index
    %get3A_17 = arith.constant 0 : index
    %get3A_18 = arith.constant 0 : index
    %get3A_19 = vector.load %arg2[%get3A_16, %get3A_17, %get3A_18] : memref<20x256x128xf32, #tpu.memory_space<vmem>>, vector<1x256x128xf32>
    %get3A_20 = vector.shape_cast %get3A_19 : vector<1x256x128xf32> to vector<256x128xf32>
    %slice3A_21 = vector.extract_strided_slice %get3A_20 {offsets = [0, 0], sizes = [256, 64], strides = [1, 1]} : vector<256x128xf32> to vector<256x64xf32>
    %sub3A_22 = arith.subf %slice3A_21, %get3A_1 : vector<256x64xf32>
    %convert_element_type3A_23 = arith.truncf %sub3A_22 : vector<256x64xf32> to vector<256x64xbf16>
    %concatenate3A_24 = tpu.concatenate %convert_element_type3A, %convert_element_type3A_23 in 1 : vector<256x64xbf16>, vector<256x64xbf16> -> vector<256x128xbf16>
    %dot_general3A_25 = arith.constant dense<0.000000e+00> : vector<256x64xf32>
    %dot_general3A_26 = tpu.matmul %concatenate3A_24, %get3A_4, %dot_general3A_25 {dimension_numbers = #tpu.dot_dimension_numbers<[1], [0], [0], [1], [0, 0, 1, 1], [], []>, transpose_lhs_hint = false} : vector<256x128xbf16>, vector<128x64xbf16>, vector<256x64xf32> -> vector<256x64xf32>
    %add3A_27 = vector.broadcast %get3A_7 : vector<1x64xf32> to vector<256x64xf32>
    %add3A_28 = arith.addf %dot_general3A_26, %add3A_27 : vector<256x64xf32>
    %max3A = arith.maximumf %add3A_15, %add3A_28 : vector<256x64xf32>
    %get3A_29 = arith.constant 2 : index
    %get3A_30 = arith.constant 0 : index
    %get3A_31 = arith.constant 0 : index
    %get3A_32 = vector.load %arg2[%get3A_29, %get3A_30, %get3A_31] : memref<20x256x128xf32, #tpu.memory_space<vmem>>, vector<1x256x128xf32>
    %get3A_33 = vector.shape_cast %get3A_32 : vector<1x256x128xf32> to vector<256x128xf32>
    %slice3A_34 = vector.extract_strided_slice %get3A_33 {offsets = [0, 0], sizes = [256, 64], strides = [1, 1]} : vector<256x128xf32> to vector<256x64xf32>
    %sub3A_35 = arith.subf %slice3A_34, %get3A_1 : vector<256x64xf32>
    %convert_element_type3A_36 = arith.truncf %sub3A_35 : vector<256x64xf32> to vector<256x64xbf16>
    %concatenate3A_37 = tpu.concatenate %convert_element_type3A, %convert_element_type3A_36 in 1 : vector<256x64xbf16>, vector<256x64xbf16> -> vector<256x128xbf16>
    %dot_general3A_38 = arith.constant dense<0.000000e+00> : vector<256x64xf32>
    %dot_general3A_39 = tpu.matmul %concatenate3A_37, %get3A_4, %dot_general3A_38 {dimension_numbers = #tpu.dot_dimension_numbers<[1], [0], [0], [1], [0, 0, 1, 1], [], []>, transpose_lhs_hint = false} : vector<256x128xbf16>, vector<128x64xbf16>, vector<256x64xf32> -> vector<256x64xf32>
    %add3A_40 = vector.broadcast %get3A_7 : vector<1x64xf32> to vector<256x64xf32>
    %add3A_41 = arith.addf %dot_general3A_39, %add3A_40 : vector<256x64xf32>
    %max3A_42 = arith.maximumf %max3A, %add3A_41 : vector<256x64xf32>
    %get3A_43 = arith.constant 3 : index
    %get3A_44 = arith.constant 0 : index
    %get3A_45 = arith.constant 0 : index
    %get3A_46 = vector.load %arg2[%get3A_43, %get3A_44, %get3A_45] : memref<20x256x128xf32, #tpu.memory_space<vmem>>, vector<1x256x128xf32>
    %get3A_47 = vector.shape_cast %get3A_46 : vector<1x256x128xf32> to vector<256x128xf32>
    %slice3A_48 = vector.extract_strided_slice %get3A_47 {offsets = [0, 0], sizes = [256, 64], strides = [1, 1]} : vector<256x128xf32> to vector<256x64xf32>
    %sub3A_49 = arith.subf %slice3A_48, %get3A_1 : vector<256x64xf32>
    %convert_element_type3A_50 = arith.truncf %sub3A_49 : vector<256x64xf32> to vector<256x64xbf16>
    %concatenate3A_51 = tpu.concatenate %convert_element_type3A, %convert_element_type3A_50 in 1 : vector<256x64xbf16>, vector<256x64xbf16> -> vector<256x128xbf16>
    %dot_general3A_52 = arith.constant dense<0.000000e+00> : vector<256x64xf32>
    %dot_general3A_53 = tpu.matmul %concatenate3A_51, %get3A_4, %dot_general3A_52 {dimension_numbers = #tpu.dot_dimension_numbers<[1], [0], [0], [1], [0, 0, 1, 1], [], []>, transpose_lhs_hint = false} : vector<256x128xbf16>, vector<128x64xbf16>, vector<256x64xf32> -> vector<256x64xf32>
    %add3A_54 = vector.broadcast %get3A_7 : vector<1x64xf32> to vector<256x64xf32>
    %add3A_55 = arith.addf %dot_general3A_53, %add3A_54 : vector<256x64xf32>
    %max3A_56 = arith.maximumf %max3A_42, %add3A_55 : vector<256x64xf32>
    %get3A_57 = arith.constant 4 : index
    %get3A_58 = arith.constant 0 : index
    %get3A_59 = arith.constant 0 : index
    %get3A_60 = vector.load %arg2[%get3A_57, %get3A_58, %get3A_59] : memref<20x256x128xf32, #tpu.memory_space<vmem>>, vector<1x256x128xf32>
    %get3A_61 = vector.shape_cast %get3A_60 : vector<1x256x128xf32> to vector<256x128xf32>
    %slice3A_62 = vector.extract_strided_slice %get3A_61 {offsets = [0, 0], sizes = [256, 64], strides = [1, 1]} : vector<256x128xf32> to vector<256x64xf32>
    %sub3A_63 = arith.subf %slice3A_62, %get3A_1 : vector<256x64xf32>
    %convert_element_type3A_64 = arith.truncf %sub3A_63 : vector<256x64xf32> to vector<256x64xbf16>
    %concatenate3A_65 = tpu.concatenate %convert_element_type3A, %convert_element_type3A_64 in 1 : vector<256x64xbf16>, vector<256x64xbf16> -> vector<256x128xbf16>
    %dot_general3A_66 = arith.constant dense<0.000000e+00> : vector<256x64xf32>
    %dot_general3A_67 = tpu.matmul %concatenate3A_65, %get3A_4, %dot_general3A_66 {dimension_numbers = #tpu.dot_dimension_numbers<[1], [0], [0], [1], [0, 0, 1, 1], [], []>, transpose_lhs_hint = false} : vector<256x128xbf16>, vector<128x64xbf16>, vector<256x64xf32> -> vector<256x64xf32>
    %add3A_68 = vector.broadcast %get3A_7 : vector<1x64xf32> to vector<256x64xf32>
    %add3A_69 = arith.addf %dot_general3A_67, %add3A_68 : vector<256x64xf32>
    %max3A_70 = arith.maximumf %max3A_56, %add3A_69 : vector<256x64xf32>
    %get3A_71 = arith.constant 5 : index
    %get3A_72 = arith.constant 0 : index
    %get3A_73 = arith.constant 0 : index
    %get3A_74 = vector.load %arg2[%get3A_71, %get3A_72, %get3A_73] : memref<20x256x128xf32, #tpu.memory_space<vmem>>, vector<1x256x128xf32>
    %get3A_75 = vector.shape_cast %get3A_74 : vector<1x256x128xf32> to vector<256x128xf32>
    %slice3A_76 = vector.extract_strided_slice %get3A_75 {offsets = [0, 0], sizes = [256, 64], strides = [1, 1]} : vector<256x128xf32> to vector<256x64xf32>
    %sub3A_77 = arith.subf %slice3A_76, %get3A_1 : vector<256x64xf32>
    %convert_element_type3A_78 = arith.truncf %sub3A_77 : vector<256x64xf32> to vector<256x64xbf16>
    %concatenate3A_79 = tpu.concatenate %convert_element_type3A, %convert_element_type3A_78 in 1 : vector<256x64xbf16>, vector<256x64xbf16> -> vector<256x128xbf16>
    %dot_general3A_80 = arith.constant dense<0.000000e+00> : vector<256x64xf32>
    %dot_general3A_81 = tpu.matmul %concatenate3A_79, %get3A_4, %dot_general3A_80 {dimension_numbers = #tpu.dot_dimension_numbers<[1], [0], [0], [1], [0, 0, 1, 1], [], []>, transpose_lhs_hint = false} : vector<256x128xbf16>, vector<128x64xbf16>, vector<256x64xf32> -> vector<256x64xf32>
    %add3A_82 = vector.broadcast %get3A_7 : vector<1x64xf32> to vector<256x64xf32>
    %add3A_83 = arith.addf %dot_general3A_81, %add3A_82 : vector<256x64xf32>
    %max3A_84 = arith.maximumf %max3A_70, %add3A_83 : vector<256x64xf32>
    %get3A_85 = arith.constant 6 : index
    %get3A_86 = arith.constant 0 : index
    %get3A_87 = arith.constant 0 : index
    %get3A_88 = vector.load %arg2[%get3A_85, %get3A_86, %get3A_87] : memref<20x256x128xf32, #tpu.memory_space<vmem>>, vector<1x256x128xf32>
    %get3A_89 = vector.shape_cast %get3A_88 : vector<1x256x128xf32> to vector<256x128xf32>
    %slice3A_90 = vector.extract_strided_slice %get3A_89 {offsets = [0, 0], sizes = [256, 64], strides = [1, 1]} : vector<256x128xf32> to vector<256x64xf32>
    %sub3A_91 = arith.subf %slice3A_90, %get3A_1 : vector<256x64xf32>
    %convert_element_type3A_92 = arith.truncf %sub3A_91 : vector<256x64xf32> to vector<256x64xbf16>
    %concatenate3A_93 = tpu.concatenate %convert_element_type3A, %convert_element_type3A_92 in 1 : vector<256x64xbf16>, vector<256x64xbf16> -> vector<256x128xbf16>
    %dot_general3A_94 = arith.constant dense<0.000000e+00> : vector<256x64xf32>
    %dot_general3A_95 = tpu.matmul %concatenate3A_93, %get3A_4, %dot_general3A_94 {dimension_numbers = #tpu.dot_dimension_numbers<[1], [0], [0], [1], [0, 0, 1, 1], [], []>, transpose_lhs_hint = false} : vector<256x128xbf16>, vector<128x64xbf16>, vector<256x64xf32> -> vector<256x64xf32>
    %add3A_96 = vector.broadcast %get3A_7 : vector<1x64xf32> to vector<256x64xf32>
    %add3A_97 = arith.addf %dot_general3A_95, %add3A_96 : vector<256x64xf32>
    %max3A_98 = arith.maximumf %max3A_84, %add3A_97 : vector<256x64xf32>
    %get3A_99 = arith.constant 7 : index
    %get3A_100 = arith.constant 0 : index
    %get3A_101 = arith.constant 0 : index
    %get3A_102 = vector.load %arg2[%get3A_99, %get3A_100, %get3A_101] : memref<20x256x128xf32, #tpu.memory_space<vmem>>, vector<1x256x128xf32>
    %get3A_103 = vector.shape_cast %get3A_102 : vector<1x256x128xf32> to vector<256x128xf32>
    %slice3A_104 = vector.extract_strided_slice %get3A_103 {offsets = [0, 0], sizes = [256, 64], strides = [1, 1]} : vector<256x128xf32> to vector<256x64xf32>
    %sub3A_105 = arith.subf %slice3A_104, %get3A_1 : vector<256x64xf32>
    %convert_element_type3A_106 = arith.truncf %sub3A_105 : vector<256x64xf32> to vector<256x64xbf16>
    %concatenate3A_107 = tpu.concatenate %convert_element_type3A, %convert_element_type3A_106 in 1 : vector<256x64xbf16>, vector<256x64xbf16> -> vector<256x128xbf16>
    %dot_general3A_108 = arith.constant dense<0.000000e+00> : vector<256x64xf32>
    %dot_general3A_109 = tpu.matmul %concatenate3A_107, %get3A_4, %dot_general3A_108 {dimension_numbers = #tpu.dot_dimension_numbers<[1], [0], [0], [1], [0, 0, 1, 1], [], []>, transpose_lhs_hint = false} : vector<256x128xbf16>, vector<128x64xbf16>, vector<256x64xf32> -> vector<256x64xf32>
    %add3A_110 = vector.broadcast %get3A_7 : vector<1x64xf32> to vector<256x64xf32>
    %add3A_111 = arith.addf %dot_general3A_109, %add3A_110 : vector<256x64xf32>
    %max3A_112 = arith.maximumf %max3A_98, %add3A_111 : vector<256x64xf32>
    %get3A_113 = arith.constant 8 : index
    %get3A_114 = arith.constant 0 : index
    %get3A_115 = arith.constant 0 : index
    %get3A_116 = vector.load %arg2[%get3A_113, %get3A_114, %get3A_115] : memref<20x256x128xf32, #tpu.memory_space<vmem>>, vector<1x256x128xf32>
    %get3A_117 = vector.shape_cast %get3A_116 : vector<1x256x128xf32> to vector<256x128xf32>
    %slice3A_118 = vector.extract_strided_slice %get3A_117 {offsets = [0, 0], sizes = [256, 64], strides = [1, 1]} : vector<256x128xf32> to vector<256x64xf32>
    %sub3A_119 = arith.subf %slice3A_118, %get3A_1 : vector<256x64xf32>
    %convert_element_type3A_120 = arith.truncf %sub3A_119 : vector<256x64xf32> to vector<256x64xbf16>
    %concatenate3A_121 = tpu.concatenate %convert_element_type3A, %convert_element_type3A_120 in 1 : vector<256x64xbf16>, vector<256x64xbf16> -> vector<256x128xbf16>
    %dot_general3A_122 = arith.constant dense<0.000000e+00> : vector<256x64xf32>
    %dot_general3A_123 = tpu.matmul %concatenate3A_121, %get3A_4, %dot_general3A_122 {dimension_numbers = #tpu.dot_dimension_numbers<[1], [0], [0], [1], [0, 0, 1, 1], [], []>, transpose_lhs_hint = false} : vector<256x128xbf16>, vector<128x64xbf16>, vector<256x64xf32> -> vector<256x64xf32>
    %add3A_124 = vector.broadcast %get3A_7 : vector<1x64xf32> to vector<256x64xf32>
    %add3A_125 = arith.addf %dot_general3A_123, %add3A_124 : vector<256x64xf32>
    %max3A_126 = arith.maximumf %max3A_112, %add3A_125 : vector<256x64xf32>
    %get3A_127 = arith.constant 9 : index
    %get3A_128 = arith.constant 0 : index
    %get3A_129 = arith.constant 0 : index
    %get3A_130 = vector.load %arg2[%get3A_127, %get3A_128, %get3A_129] : memref<20x256x128xf32, #tpu.memory_space<vmem>>, vector<1x256x128xf32>
    %get3A_131 = vector.shape_cast %get3A_130 : vector<1x256x128xf32> to vector<256x128xf32>
    %slice3A_132 = vector.extract_strided_slice %get3A_131 {offsets = [0, 0], sizes = [256, 64], strides = [1, 1]} : vector<256x128xf32> to vector<256x64xf32>
    %sub3A_133 = arith.subf %slice3A_132, %get3A_1 : vector<256x64xf32>
    %convert_element_type3A_134 = arith.truncf %sub3A_133 : vector<256x64xf32> to vector<256x64xbf16>
    %concatenate3A_135 = tpu.concatenate %convert_element_type3A, %convert_element_type3A_134 in 1 : vector<256x64xbf16>, vector<256x64xbf16> -> vector<256x128xbf16>
    %dot_general3A_136 = arith.constant dense<0.000000e+00> : vector<256x64xf32>
    %dot_general3A_137 = tpu.matmul %concatenate3A_135, %get3A_4, %dot_general3A_136 {dimension_numbers = #tpu.dot_dimension_numbers<[1], [0], [0], [1], [0, 0, 1, 1], [], []>, transpose_lhs_hint = false} : vector<256x128xbf16>, vector<128x64xbf16>, vector<256x64xf32> -> vector<256x64xf32>
    %add3A_138 = vector.broadcast %get3A_7 : vector<1x64xf32> to vector<256x64xf32>
    %add3A_139 = arith.addf %dot_general3A_137, %add3A_138 : vector<256x64xf32>
    %max3A_140 = arith.maximumf %max3A_126, %add3A_139 : vector<256x64xf32>
    %get3A_141 = arith.constant 10 : index
    %get3A_142 = arith.constant 0 : index
    %get3A_143 = arith.constant 0 : index
    %get3A_144 = vector.load %arg2[%get3A_141, %get3A_142, %get3A_143] : memref<20x256x128xf32, #tpu.memory_space<vmem>>, vector<1x256x128xf32>
    %get3A_145 = vector.shape_cast %get3A_144 : vector<1x256x128xf32> to vector<256x128xf32>
    %slice3A_146 = vector.extract_strided_slice %get3A_145 {offsets = [0, 0], sizes = [256, 64], strides = [1, 1]} : vector<256x128xf32> to vector<256x64xf32>
    %sub3A_147 = arith.subf %slice3A_146, %get3A_1 : vector<256x64xf32>
    %convert_element_type3A_148 = arith.truncf %sub3A_147 : vector<256x64xf32> to vector<256x64xbf16>
    %concatenate3A_149 = tpu.concatenate %convert_element_type3A, %convert_element_type3A_148 in 1 : vector<256x64xbf16>, vector<256x64xbf16> -> vector<256x128xbf16>
    %dot_general3A_150 = arith.constant dense<0.000000e+00> : vector<256x64xf32>
    %dot_general3A_151 = tpu.matmul %concatenate3A_149, %get3A_4, %dot_general3A_150 {dimension_numbers = #tpu.dot_dimension_numbers<[1], [0], [0], [1], [0, 0, 1, 1], [], []>, transpose_lhs_hint = false} : vector<256x128xbf16>, vector<128x64xbf16>, vector<256x64xf32> -> vector<256x64xf32>
    %add3A_152 = vector.broadcast %get3A_7 : vector<1x64xf32> to vector<256x64xf32>
    %add3A_153 = arith.addf %dot_general3A_151, %add3A_152 : vector<256x64xf32>
    %max3A_154 = arith.maximumf %max3A_140, %add3A_153 : vector<256x64xf32>
    %get3A_155 = arith.constant 11 : index
    %get3A_156 = arith.constant 0 : index
    %get3A_157 = arith.constant 0 : index
    %get3A_158 = vector.load %arg2[%get3A_155, %get3A_156, %get3A_157] : memref<20x256x128xf32, #tpu.memory_space<vmem>>, vector<1x256x128xf32>
    %get3A_159 = vector.shape_cast %get3A_158 : vector<1x256x128xf32> to vector<256x128xf32>
    %slice3A_160 = vector.extract_strided_slice %get3A_159 {offsets = [0, 0], sizes = [256, 64], strides = [1, 1]} : vector<256x128xf32> to vector<256x64xf32>
    %sub3A_161 = arith.subf %slice3A_160, %get3A_1 : vector<256x64xf32>
    %convert_element_type3A_162 = arith.truncf %sub3A_161 : vector<256x64xf32> to vector<256x64xbf16>
    %concatenate3A_163 = tpu.concatenate %convert_element_type3A, %convert_element_type3A_162 in 1 : vector<256x64xbf16>, vector<256x64xbf16> -> vector<256x128xbf16>
    %dot_general3A_164 = arith.constant dense<0.000000e+00> : vector<256x64xf32>
    %dot_general3A_165 = tpu.matmul %concatenate3A_163, %get3A_4, %dot_general3A_164 {dimension_numbers = #tpu.dot_dimension_numbers<[1], [0], [0], [1], [0, 0, 1, 1], [], []>, transpose_lhs_hint = false} : vector<256x128xbf16>, vector<128x64xbf16>, vector<256x64xf32> -> vector<256x64xf32>
    %add3A_166 = vector.broadcast %get3A_7 : vector<1x64xf32> to vector<256x64xf32>
    %add3A_167 = arith.addf %dot_general3A_165, %add3A_166 : vector<256x64xf32>
    %max3A_168 = arith.maximumf %max3A_154, %add3A_167 : vector<256x64xf32>
    %get3A_169 = arith.constant 12 : index
    %get3A_170 = arith.constant 0 : index
    %get3A_171 = arith.constant 0 : index
    %get3A_172 = vector.load %arg2[%get3A_169, %get3A_170, %get3A_171] : memref<20x256x128xf32, #tpu.memory_space<vmem>>, vector<1x256x128xf32>
    %get3A_173 = vector.shape_cast %get3A_172 : vector<1x256x128xf32> to vector<256x128xf32>
    %slice3A_174 = vector.extract_strided_slice %get3A_173 {offsets = [0, 0], sizes = [256, 64], strides = [1, 1]} : vector<256x128xf32> to vector<256x64xf32>
    %sub3A_175 = arith.subf %slice3A_174, %get3A_1 : vector<256x64xf32>
    %convert_element_type3A_176 = arith.truncf %sub3A_175 : vector<256x64xf32> to vector<256x64xbf16>
    %concatenate3A_177 = tpu.concatenate %convert_element_type3A, %convert_element_type3A_176 in 1 : vector<256x64xbf16>, vector<256x64xbf16> -> vector<256x128xbf16>
    %dot_general3A_178 = arith.constant dense<0.000000e+00> : vector<256x64xf32>
    %dot_general3A_179 = tpu.matmul %concatenate3A_177, %get3A_4, %dot_general3A_178 {dimension_numbers = #tpu.dot_dimension_numbers<[1], [0], [0], [1], [0, 0, 1, 1], [], []>, transpose_lhs_hint = false} : vector<256x128xbf16>, vector<128x64xbf16>, vector<256x64xf32> -> vector<256x64xf32>
    %add3A_180 = vector.broadcast %get3A_7 : vector<1x64xf32> to vector<256x64xf32>
    %add3A_181 = arith.addf %dot_general3A_179, %add3A_180 : vector<256x64xf32>
    %max3A_182 = arith.maximumf %max3A_168, %add3A_181 : vector<256x64xf32>
    %get3A_183 = arith.constant 13 : index
    %get3A_184 = arith.constant 0 : index
    %get3A_185 = arith.constant 0 : index
    %get3A_186 = vector.load %arg2[%get3A_183, %get3A_184, %get3A_185] : memref<20x256x128xf32, #tpu.memory_space<vmem>>, vector<1x256x128xf32>
    %get3A_187 = vector.shape_cast %get3A_186 : vector<1x256x128xf32> to vector<256x128xf32>
    %slice3A_188 = vector.extract_strided_slice %get3A_187 {offsets = [0, 0], sizes = [256, 64], strides = [1, 1]} : vector<256x128xf32> to vector<256x64xf32>
    %sub3A_189 = arith.subf %slice3A_188, %get3A_1 : vector<256x64xf32>
    %convert_element_type3A_190 = arith.truncf %sub3A_189 : vector<256x64xf32> to vector<256x64xbf16>
    %concatenate3A_191 = tpu.concatenate %convert_element_type3A, %convert_element_type3A_190 in 1 : vector<256x64xbf16>, vector<256x64xbf16> -> vector<256x128xbf16>
    %dot_general3A_192 = arith.constant dense<0.000000e+00> : vector<256x64xf32>
    %dot_general3A_193 = tpu.matmul %concatenate3A_191, %get3A_4, %dot_general3A_192 {dimension_numbers = #tpu.dot_dimension_numbers<[1], [0], [0], [1], [0, 0, 1, 1], [], []>, transpose_lhs_hint = false} : vector<256x128xbf16>, vector<128x64xbf16>, vector<256x64xf32> -> vector<256x64xf32>
    %add3A_194 = vector.broadcast %get3A_7 : vector<1x64xf32> to vector<256x64xf32>
    %add3A_195 = arith.addf %dot_general3A_193, %add3A_194 : vector<256x64xf32>
    %max3A_196 = arith.maximumf %max3A_182, %add3A_195 : vector<256x64xf32>
    %get3A_197 = arith.constant 14 : index
    %get3A_198 = arith.constant 0 : index
    %get3A_199 = arith.constant 0 : index
    %get3A_200 = vector.load %arg2[%get3A_197, %get3A_198, %get3A_199] : memref<20x256x128xf32, #tpu.memory_space<vmem>>, vector<1x256x128xf32>
    %get3A_201 = vector.shape_cast %get3A_200 : vector<1x256x128xf32> to vector<256x128xf32>
    %slice3A_202 = vector.extract_strided_slice %get3A_201 {offsets = [0, 0], sizes = [256, 64], strides = [1, 1]} : vector<256x128xf32> to vector<256x64xf32>
    %sub3A_203 = arith.subf %slice3A_202, %get3A_1 : vector<256x64xf32>
    %convert_element_type3A_204 = arith.truncf %sub3A_203 : vector<256x64xf32> to vector<256x64xbf16>
    %concatenate3A_205 = tpu.concatenate %convert_element_type3A, %convert_element_type3A_204 in 1 : vector<256x64xbf16>, vector<256x64xbf16> -> vector<256x128xbf16>
    %dot_general3A_206 = arith.constant dense<0.000000e+00> : vector<256x64xf32>
    %dot_general3A_207 = tpu.matmul %concatenate3A_205, %get3A_4, %dot_general3A_206 {dimension_numbers = #tpu.dot_dimension_numbers<[1], [0], [0], [1], [0, 0, 1, 1], [], []>, transpose_lhs_hint = false} : vector<256x128xbf16>, vector<128x64xbf16>, vector<256x64xf32> -> vector<256x64xf32>
    %add3A_208 = vector.broadcast %get3A_7 : vector<1x64xf32> to vector<256x64xf32>
    %add3A_209 = arith.addf %dot_general3A_207, %add3A_208 : vector<256x64xf32>
    %max3A_210 = arith.maximumf %max3A_196, %add3A_209 : vector<256x64xf32>
    %get3A_211 = arith.constant 15 : index
    %get3A_212 = arith.constant 0 : index
    %get3A_213 = arith.constant 0 : index
    %get3A_214 = vector.load %arg2[%get3A_211, %get3A_212, %get3A_213] : memref<20x256x128xf32, #tpu.memory_space<vmem>>, vector<1x256x128xf32>
    %get3A_215 = vector.shape_cast %get3A_214 : vector<1x256x128xf32> to vector<256x128xf32>
    %slice3A_216 = vector.extract_strided_slice %get3A_215 {offsets = [0, 0], sizes = [256, 64], strides = [1, 1]} : vector<256x128xf32> to vector<256x64xf32>
    %sub3A_217 = arith.subf %slice3A_216, %get3A_1 : vector<256x64xf32>
    %convert_element_type3A_218 = arith.truncf %sub3A_217 : vector<256x64xf32> to vector<256x64xbf16>
    %concatenate3A_219 = tpu.concatenate %convert_element_type3A, %convert_element_type3A_218 in 1 : vector<256x64xbf16>, vector<256x64xbf16> -> vector<256x128xbf16>
    %dot_general3A_220 = arith.constant dense<0.000000e+00> : vector<256x64xf32>
    %dot_general3A_221 = tpu.matmul %concatenate3A_219, %get3A_4, %dot_general3A_220 {dimension_numbers = #tpu.dot_dimension_numbers<[1], [0], [0], [1], [0, 0, 1, 1], [], []>, transpose_lhs_hint = false} : vector<256x128xbf16>, vector<128x64xbf16>, vector<256x64xf32> -> vector<256x64xf32>
    %add3A_222 = vector.broadcast %get3A_7 : vector<1x64xf32> to vector<256x64xf32>
    %add3A_223 = arith.addf %dot_general3A_221, %add3A_222 : vector<256x64xf32>
    %max3A_224 = arith.maximumf %max3A_210, %add3A_223 : vector<256x64xf32>
    %get3A_225 = arith.constant 16 : index
    %get3A_226 = arith.constant 0 : index
    %get3A_227 = arith.constant 0 : index
    %get3A_228 = vector.load %arg2[%get3A_225, %get3A_226, %get3A_227] : memref<20x256x128xf32, #tpu.memory_space<vmem>>, vector<1x256x128xf32>
    %get3A_229 = vector.shape_cast %get3A_228 : vector<1x256x128xf32> to vector<256x128xf32>
    %slice3A_230 = vector.extract_strided_slice %get3A_229 {offsets = [0, 0], sizes = [256, 64], strides = [1, 1]} : vector<256x128xf32> to vector<256x64xf32>
    %sub3A_231 = arith.subf %slice3A_230, %get3A_1 : vector<256x64xf32>
    %convert_element_type3A_232 = arith.truncf %sub3A_231 : vector<256x64xf32> to vector<256x64xbf16>
    %concatenate3A_233 = tpu.concatenate %convert_element_type3A, %convert_element_type3A_232 in 1 : vector<256x64xbf16>, vector<256x64xbf16> -> vector<256x128xbf16>
    %dot_general3A_234 = arith.constant dense<0.000000e+00> : vector<256x64xf32>
    %dot_general3A_235 = tpu.matmul %concatenate3A_233, %get3A_4, %dot_general3A_234 {dimension_numbers = #tpu.dot_dimension_numbers<[1], [0], [0], [1], [0, 0, 1, 1], [], []>, transpose_lhs_hint = false} : vector<256x128xbf16>, vector<128x64xbf16>, vector<256x64xf32> -> vector<256x64xf32>
    %add3A_236 = vector.broadcast %get3A_7 : vector<1x64xf32> to vector<256x64xf32>
    %add3A_237 = arith.addf %dot_general3A_235, %add3A_236 : vector<256x64xf32>
    %max3A_238 = arith.maximumf %max3A_224, %add3A_237 : vector<256x64xf32>
    %get3A_239 = arith.constant 17 : index
    %get3A_240 = arith.constant 0 : index
    %get3A_241 = arith.constant 0 : index
    %get3A_242 = vector.load %arg2[%get3A_239, %get3A_240, %get3A_241] : memref<20x256x128xf32, #tpu.memory_space<vmem>>, vector<1x256x128xf32>
    %get3A_243 = vector.shape_cast %get3A_242 : vector<1x256x128xf32> to vector<256x128xf32>
    %slice3A_244 = vector.extract_strided_slice %get3A_243 {offsets = [0, 0], sizes = [256, 64], strides = [1, 1]} : vector<256x128xf32> to vector<256x64xf32>
    %sub3A_245 = arith.subf %slice3A_244, %get3A_1 : vector<256x64xf32>
    %convert_element_type3A_246 = arith.truncf %sub3A_245 : vector<256x64xf32> to vector<256x64xbf16>
    %concatenate3A_247 = tpu.concatenate %convert_element_type3A, %convert_element_type3A_246 in 1 : vector<256x64xbf16>, vector<256x64xbf16> -> vector<256x128xbf16>
    %dot_general3A_248 = arith.constant dense<0.000000e+00> : vector<256x64xf32>
    %dot_general3A_249 = tpu.matmul %concatenate3A_247, %get3A_4, %dot_general3A_248 {dimension_numbers = #tpu.dot_dimension_numbers<[1], [0], [0], [1], [0, 0, 1, 1], [], []>, transpose_lhs_hint = false} : vector<256x128xbf16>, vector<128x64xbf16>, vector<256x64xf32> -> vector<256x64xf32>
    %add3A_250 = vector.broadcast %get3A_7 : vector<1x64xf32> to vector<256x64xf32>
    %add3A_251 = arith.addf %dot_general3A_249, %add3A_250 : vector<256x64xf32>
    %max3A_252 = arith.maximumf %max3A_238, %add3A_251 : vector<256x64xf32>
    %get3A_253 = arith.constant 18 : index
    %get3A_254 = arith.constant 0 : index
    %get3A_255 = arith.constant 0 : index
    %get3A_256 = vector.load %arg2[%get3A_253, %get3A_254, %get3A_255] : memref<20x256x128xf32, #tpu.memory_space<vmem>>, vector<1x256x128xf32>
    %get3A_257 = vector.shape_cast %get3A_256 : vector<1x256x128xf32> to vector<256x128xf32>
    %slice3A_258 = vector.extract_strided_slice %get3A_257 {offsets = [0, 0], sizes = [256, 64], strides = [1, 1]} : vector<256x128xf32> to vector<256x64xf32>
    %sub3A_259 = arith.subf %slice3A_258, %get3A_1 : vector<256x64xf32>
    %convert_element_type3A_260 = arith.truncf %sub3A_259 : vector<256x64xf32> to vector<256x64xbf16>
    %concatenate3A_261 = tpu.concatenate %convert_element_type3A, %convert_element_type3A_260 in 1 : vector<256x64xbf16>, vector<256x64xbf16> -> vector<256x128xbf16>
    %dot_general3A_262 = arith.constant dense<0.000000e+00> : vector<256x64xf32>
    %dot_general3A_263 = tpu.matmul %concatenate3A_261, %get3A_4, %dot_general3A_262 {dimension_numbers = #tpu.dot_dimension_numbers<[1], [0], [0], [1], [0, 0, 1, 1], [], []>, transpose_lhs_hint = false} : vector<256x128xbf16>, vector<128x64xbf16>, vector<256x64xf32> -> vector<256x64xf32>
    %add3A_264 = vector.broadcast %get3A_7 : vector<1x64xf32> to vector<256x64xf32>
    %add3A_265 = arith.addf %dot_general3A_263, %add3A_264 : vector<256x64xf32>
    %max3A_266 = arith.maximumf %max3A_252, %add3A_265 : vector<256x64xf32>
    %get3A_267 = arith.constant 19 : index
    %get3A_268 = arith.constant 0 : index
    %get3A_269 = arith.constant 0 : index
    %get3A_270 = vector.load %arg2[%get3A_267, %get3A_268, %get3A_269] : memref<20x256x128xf32, #tpu.memory_space<vmem>>, vector<1x256x128xf32>
    %get3A_271 = vector.shape_cast %get3A_270 : vector<1x256x128xf32> to vector<256x128xf32>
    %slice3A_272 = vector.extract_strided_slice %get3A_271 {offsets = [0, 0], sizes = [256, 64], strides = [1, 1]} : vector<256x128xf32> to vector<256x64xf32>
    %sub3A_273 = arith.subf %slice3A_272, %get3A_1 : vector<256x64xf32>
    %convert_element_type3A_274 = arith.truncf %sub3A_273 : vector<256x64xf32> to vector<256x64xbf16>
    %concatenate3A_275 = tpu.concatenate %convert_element_type3A, %convert_element_type3A_274 in 1 : vector<256x64xbf16>, vector<256x64xbf16> -> vector<256x128xbf16>
    %dot_general3A_276 = arith.constant dense<0.000000e+00> : vector<256x64xf32>
    %dot_general3A_277 = tpu.matmul %concatenate3A_275, %get3A_4, %dot_general3A_276 {dimension_numbers = #tpu.dot_dimension_numbers<[1], [0], [0], [1], [0, 0, 1, 1], [], []>, transpose_lhs_hint = false} : vector<256x128xbf16>, vector<128x64xbf16>, vector<256x64xf32> -> vector<256x64xf32>
    %add3A_278 = vector.broadcast %get3A_7 : vector<1x64xf32> to vector<256x64xf32>
    %add3A_279 = arith.addf %dot_general3A_277, %add3A_278 : vector<256x64xf32>
    %max3A_280 = arith.maximumf %max3A_266, %add3A_279 : vector<256x64xf32>
    %swap3A = arith.constant 0 : index
    %swap3A_281 = arith.constant 0 : index
    %swap3A_282 = vector.load %arg5[%swap3A, %swap3A_281] : memref<256x64xf32, #tpu.memory_space<vmem>>, vector<256x64xf32>
    tpu.vector_store %arg5[%swap3A, %swap3A_281], %max3A_280 {strides = array<i32>} : memref<256x64xf32, #tpu.memory_space<vmem>>, vector<256x64xf32>,
    return
  }
  func.func @transform_0(%arg0: i32) -> (i32, i32) {
    %c0_i32 = arith.constant 0 : i32
    %c0_i32_0 = arith.constant 0 : i32
    return %arg0, %c0_i32 : i32, i32
  }
  func.func @transform_1(%arg0: i32) -> (i32, i32, i32) {
    %c0_i32 = arith.constant 0 : i32
    %c0_i32_0 = arith.constant 0 : i32
    %c0_i32_1 = arith.constant 0 : i32
    return %c0_i32, %arg0, %c0_i32_0 : i32, i32, i32
  }
  func.func @transform_2(%arg0: i32) -> (i32, i32) {
    %c0_i32 = arith.constant 0 : i32
    %c0_i32_0 = arith.constant 0 : i32
    %c0_i32_1 = arith.constant 0 : i32
    return %c0_i32, %c0_i32_0 : i32, i32
  }
  func.func @transform_3(%arg0: i32) -> (i32, i32) {
    %c0_i32 = arith.constant 0 : i32
    %c0_i32_0 = arith.constant 0 : i32
    %c0_i32_1 = arith.constant 0 : i32
    return %c0_i32, %c0_i32_0 : i32, i32
  }
  func.func @transform_4(%arg0: i32) -> (i32, i32) {
    %c0_i32 = arith.constant 0 : i32
    %c0_i32_0 = arith.constant 0 : i32
    return %arg0, %c0_i32 : i32, i32
  }
}

module attributes {stable_mosaic.version = 14 : i64} {
  func.func @_edge_body(%arg0: i32, %arg1: memref<256x64xf32, #tpu.memory_space<vmem>>, %arg2: memref<20x256x128xf32, #tpu.memory_space<vmem>>, %arg3: memref<128x128xbf16, #tpu.memory_space<vmem>>, %arg4: memref<1x128xf32, #tpu.memory_space<vmem>>, %arg5: memref<256x128xf32, #tpu.memory_space<vmem>>) attributes {dimension_semantics = [#tpu.dimension_semantics<parallel>], iteration_bounds = array<i64: 16>, scalar_prefetch = 0 : i64, scratch_operands = 0 : i64, tpu.core_type = #tpu.core_type<tc>, window_params = [{transform_indices = @transform_0, window_bounds = array<i64: 256, 64>}, {transform_indices = @transform_1, window_bounds = array<i64: 20, 256, 128>}, {pipeline_mode = #tpu.pipeline_mode<synchronous>, transform_indices = @transform_2, window_bounds = array<i64: 128, 128>}, {pipeline_mode = #tpu.pipeline_mode<synchronous>, transform_indices = @transform_3, window_bounds = array<i64: 1, 128>}, {transform_indices = @transform_4, window_bounds = array<i64: 256, 128>}]} {
    %get3A = arith.constant 0 : index
    %get3A_0 = arith.constant 0 : index
    %get3A_1 = vector.load %arg1[%get3A, %get3A_0] : memref<256x64xf32, #tpu.memory_space<vmem>>, vector<256x64xf32>
    %convert_element_type3A = arith.truncf %get3A_1 : vector<256x64xf32> to vector<256x64xbf16>
    %get3A_2 = arith.constant 0 : index
    %get3A_3 = arith.constant 0 : index
    %get3A_4 = vector.load %arg3[%get3A_2, %get3A_3] : memref<128x128xbf16, #tpu.memory_space<vmem>>, vector<128x128xbf16>
    %get3A_5 = arith.constant 0 : index
    %get3A_6 = arith.constant 0 : index
    %get3A_7 = vector.load %arg4[%get3A_5, %get3A_6] : memref<1x128xf32, #tpu.memory_space<vmem>>, vector<1x128xf32>
    %get3A_8 = arith.constant 0 : index
    %get3A_9 = arith.constant 0 : index
    %get3A_10 = arith.constant 0 : index
    %get3A_11 = vector.load %arg2[%get3A_8, %get3A_9, %get3A_10] : memref<20x256x128xf32, #tpu.memory_space<vmem>>, vector<1x256x128xf32>
    %get3A_12 = vector.shape_cast %get3A_11 : vector<1x256x128xf32> to vector<256x128xf32>
    %slice3A = vector.extract_strided_slice %get3A_12 {offsets = [0, 0], sizes = [256, 64], strides = [1, 1]} : vector<256x128xf32> to vector<256x64xf32>
    %sub3A = arith.subf %slice3A, %get3A_1 : vector<256x64xf32>
    %convert_element_type3A_13 = arith.truncf %sub3A : vector<256x64xf32> to vector<256x64xbf16>
    %concatenate3A = tpu.concatenate %convert_element_type3A, %convert_element_type3A_13 in 1 : vector<256x64xbf16>, vector<256x64xbf16> -> vector<256x128xbf16>
    %dot_general3A = arith.constant dense<0.000000e+00> : vector<256x128xf32>
    %dot_general3A_14 = tpu.matmul %concatenate3A, %get3A_4, %dot_general3A {dimension_numbers = #tpu.dot_dimension_numbers<[1], [0], [0], [1], [0, 0, 1, 1], [], []>, transpose_lhs_hint = false} : vector<256x128xbf16>, vector<128x128xbf16>, vector<256x128xf32> -> vector<256x128xf32>
    %add3A = vector.broadcast %get3A_7 : vector<1x128xf32> to vector<256x128xf32>
    %add3A_15 = arith.addf %dot_general3A_14, %add3A : vector<256x128xf32>
    %get3A_16 = arith.constant 1 : index
    %get3A_17 = arith.constant 0 : index
    %get3A_18 = arith.constant 0 : index
    %get3A_19 = vector.load %arg2[%get3A_16, %get3A_17, %get3A_18] : memref<20x256x128xf32, #tpu.memory_space<vmem>>, vector<1x256x128xf32>
    %get3A_20 = vector.shape_cast %get3A_19 : vector<1x256x128xf32> to vector<256x128xf32>
    %slice3A_21 = vector.extract_strided_slice %get3A_20 {offsets = [0, 0], sizes = [256, 64], strides = [1, 1]} : vector<256x128xf32> to vector<256x64xf32>
    %sub3A_22 = arith.subf %slice3A_21, %get3A_1 : vector<256x64xf32>
    %convert_element_type3A_23 = arith.truncf %sub3A_22 : vector<256x64xf32> to vector<256x64xbf16>
    %concatenate3A_24 = tpu.concatenate %convert_element_type3A, %convert_element_type3A_23 in 1 : vector<256x64xbf16>, vector<256x64xbf16> -> vector<256x128xbf16>
    %dot_general3A_25 = arith.constant dense<0.000000e+00> : vector<256x128xf32>
    %dot_general3A_26 = tpu.matmul %concatenate3A_24, %get3A_4, %dot_general3A_25 {dimension_numbers = #tpu.dot_dimension_numbers<[1], [0], [0], [1], [0, 0, 1, 1], [], []>, transpose_lhs_hint = false} : vector<256x128xbf16>, vector<128x128xbf16>, vector<256x128xf32> -> vector<256x128xf32>
    %add3A_27 = vector.broadcast %get3A_7 : vector<1x128xf32> to vector<256x128xf32>
    %add3A_28 = arith.addf %dot_general3A_26, %add3A_27 : vector<256x128xf32>
    %max3A = arith.maximumf %add3A_15, %add3A_28 : vector<256x128xf32>
    %get3A_29 = arith.constant 2 : index
    %get3A_30 = arith.constant 0 : index
    %get3A_31 = arith.constant 0 : index
    %get3A_32 = vector.load %arg2[%get3A_29, %get3A_30, %get3A_31] : memref<20x256x128xf32, #tpu.memory_space<vmem>>, vector<1x256x128xf32>
    %get3A_33 = vector.shape_cast %get3A_32 : vector<1x256x128xf32> to vector<256x128xf32>
    %slice3A_34 = vector.extract_strided_slice %get3A_33 {offsets = [0, 0], sizes = [256, 64], strides = [1, 1]} : vector<256x128xf32> to vector<256x64xf32>
    %sub3A_35 = arith.subf %slice3A_34, %get3A_1 : vector<256x64xf32>
    %convert_element_type3A_36 = arith.truncf %sub3A_35 : vector<256x64xf32> to vector<256x64xbf16>
    %concatenate3A_37 = tpu.concatenate %convert_element_type3A, %convert_element_type3A_36 in 1 : vector<256x64xbf16>, vector<256x64xbf16> -> vector<256x128xbf16>
    %dot_general3A_38 = arith.constant dense<0.000000e+00> : vector<256x128xf32>
    %dot_general3A_39 = tpu.matmul %concatenate3A_37, %get3A_4, %dot_general3A_38 {dimension_numbers = #tpu.dot_dimension_numbers<[1], [0], [0], [1], [0, 0, 1, 1], [], []>, transpose_lhs_hint = false} : vector<256x128xbf16>, vector<128x128xbf16>, vector<256x128xf32> -> vector<256x128xf32>
    %add3A_40 = vector.broadcast %get3A_7 : vector<1x128xf32> to vector<256x128xf32>
    %add3A_41 = arith.addf %dot_general3A_39, %add3A_40 : vector<256x128xf32>
    %max3A_42 = arith.maximumf %max3A, %add3A_41 : vector<256x128xf32>
    %get3A_43 = arith.constant 3 : index
    %get3A_44 = arith.constant 0 : index
    %get3A_45 = arith.constant 0 : index
    %get3A_46 = vector.load %arg2[%get3A_43, %get3A_44, %get3A_45] : memref<20x256x128xf32, #tpu.memory_space<vmem>>, vector<1x256x128xf32>
    %get3A_47 = vector.shape_cast %get3A_46 : vector<1x256x128xf32> to vector<256x128xf32>
    %slice3A_48 = vector.extract_strided_slice %get3A_47 {offsets = [0, 0], sizes = [256, 64], strides = [1, 1]} : vector<256x128xf32> to vector<256x64xf32>
    %sub3A_49 = arith.subf %slice3A_48, %get3A_1 : vector<256x64xf32>
    %convert_element_type3A_50 = arith.truncf %sub3A_49 : vector<256x64xf32> to vector<256x64xbf16>
    %concatenate3A_51 = tpu.concatenate %convert_element_type3A, %convert_element_type3A_50 in 1 : vector<256x64xbf16>, vector<256x64xbf16> -> vector<256x128xbf16>
    %dot_general3A_52 = arith.constant dense<0.000000e+00> : vector<256x128xf32>
    %dot_general3A_53 = tpu.matmul %concatenate3A_51, %get3A_4, %dot_general3A_52 {dimension_numbers = #tpu.dot_dimension_numbers<[1], [0], [0], [1], [0, 0, 1, 1], [], []>, transpose_lhs_hint = false} : vector<256x128xbf16>, vector<128x128xbf16>, vector<256x128xf32> -> vector<256x128xf32>
    %add3A_54 = vector.broadcast %get3A_7 : vector<1x128xf32> to vector<256x128xf32>
    %add3A_55 = arith.addf %dot_general3A_53, %add3A_54 : vector<256x128xf32>
    %max3A_56 = arith.maximumf %max3A_42, %add3A_55 : vector<256x128xf32>
    %get3A_57 = arith.constant 4 : index
    %get3A_58 = arith.constant 0 : index
    %get3A_59 = arith.constant 0 : index
    %get3A_60 = vector.load %arg2[%get3A_57, %get3A_58, %get3A_59] : memref<20x256x128xf32, #tpu.memory_space<vmem>>, vector<1x256x128xf32>
    %get3A_61 = vector.shape_cast %get3A_60 : vector<1x256x128xf32> to vector<256x128xf32>
    %slice3A_62 = vector.extract_strided_slice %get3A_61 {offsets = [0, 0], sizes = [256, 64], strides = [1, 1]} : vector<256x128xf32> to vector<256x64xf32>
    %sub3A_63 = arith.subf %slice3A_62, %get3A_1 : vector<256x64xf32>
    %convert_element_type3A_64 = arith.truncf %sub3A_63 : vector<256x64xf32> to vector<256x64xbf16>
    %concatenate3A_65 = tpu.concatenate %convert_element_type3A, %convert_element_type3A_64 in 1 : vector<256x64xbf16>, vector<256x64xbf16> -> vector<256x128xbf16>
    %dot_general3A_66 = arith.constant dense<0.000000e+00> : vector<256x128xf32>
    %dot_general3A_67 = tpu.matmul %concatenate3A_65, %get3A_4, %dot_general3A_66 {dimension_numbers = #tpu.dot_dimension_numbers<[1], [0], [0], [1], [0, 0, 1, 1], [], []>, transpose_lhs_hint = false} : vector<256x128xbf16>, vector<128x128xbf16>, vector<256x128xf32> -> vector<256x128xf32>
    %add3A_68 = vector.broadcast %get3A_7 : vector<1x128xf32> to vector<256x128xf32>
    %add3A_69 = arith.addf %dot_general3A_67, %add3A_68 : vector<256x128xf32>
    %max3A_70 = arith.maximumf %max3A_56, %add3A_69 : vector<256x128xf32>
    %get3A_71 = arith.constant 5 : index
    %get3A_72 = arith.constant 0 : index
    %get3A_73 = arith.constant 0 : index
    %get3A_74 = vector.load %arg2[%get3A_71, %get3A_72, %get3A_73] : memref<20x256x128xf32, #tpu.memory_space<vmem>>, vector<1x256x128xf32>
    %get3A_75 = vector.shape_cast %get3A_74 : vector<1x256x128xf32> to vector<256x128xf32>
    %slice3A_76 = vector.extract_strided_slice %get3A_75 {offsets = [0, 0], sizes = [256, 64], strides = [1, 1]} : vector<256x128xf32> to vector<256x64xf32>
    %sub3A_77 = arith.subf %slice3A_76, %get3A_1 : vector<256x64xf32>
    %convert_element_type3A_78 = arith.truncf %sub3A_77 : vector<256x64xf32> to vector<256x64xbf16>
    %concatenate3A_79 = tpu.concatenate %convert_element_type3A, %convert_element_type3A_78 in 1 : vector<256x64xbf16>, vector<256x64xbf16> -> vector<256x128xbf16>
    %dot_general3A_80 = arith.constant dense<0.000000e+00> : vector<256x128xf32>
    %dot_general3A_81 = tpu.matmul %concatenate3A_79, %get3A_4, %dot_general3A_80 {dimension_numbers = #tpu.dot_dimension_numbers<[1], [0], [0], [1], [0, 0, 1, 1], [], []>, transpose_lhs_hint = false} : vector<256x128xbf16>, vector<128x128xbf16>, vector<256x128xf32> -> vector<256x128xf32>
    %add3A_82 = vector.broadcast %get3A_7 : vector<1x128xf32> to vector<256x128xf32>
    %add3A_83 = arith.addf %dot_general3A_81, %add3A_82 : vector<256x128xf32>
    %max3A_84 = arith.maximumf %max3A_70, %add3A_83 : vector<256x128xf32>
    %get3A_85 = arith.constant 6 : index
    %get3A_86 = arith.constant 0 : index
    %get3A_87 = arith.constant 0 : index
    %get3A_88 = vector.load %arg2[%get3A_85, %get3A_86, %get3A_87] : memref<20x256x128xf32, #tpu.memory_space<vmem>>, vector<1x256x128xf32>
    %get3A_89 = vector.shape_cast %get3A_88 : vector<1x256x128xf32> to vector<256x128xf32>
    %slice3A_90 = vector.extract_strided_slice %get3A_89 {offsets = [0, 0], sizes = [256, 64], strides = [1, 1]} : vector<256x128xf32> to vector<256x64xf32>
    %sub3A_91 = arith.subf %slice3A_90, %get3A_1 : vector<256x64xf32>
    %convert_element_type3A_92 = arith.truncf %sub3A_91 : vector<256x64xf32> to vector<256x64xbf16>
    %concatenate3A_93 = tpu.concatenate %convert_element_type3A, %convert_element_type3A_92 in 1 : vector<256x64xbf16>, vector<256x64xbf16> -> vector<256x128xbf16>
    %dot_general3A_94 = arith.constant dense<0.000000e+00> : vector<256x128xf32>
    %dot_general3A_95 = tpu.matmul %concatenate3A_93, %get3A_4, %dot_general3A_94 {dimension_numbers = #tpu.dot_dimension_numbers<[1], [0], [0], [1], [0, 0, 1, 1], [], []>, transpose_lhs_hint = false} : vector<256x128xbf16>, vector<128x128xbf16>, vector<256x128xf32> -> vector<256x128xf32>
    %add3A_96 = vector.broadcast %get3A_7 : vector<1x128xf32> to vector<256x128xf32>
    %add3A_97 = arith.addf %dot_general3A_95, %add3A_96 : vector<256x128xf32>
    %max3A_98 = arith.maximumf %max3A_84, %add3A_97 : vector<256x128xf32>
    %get3A_99 = arith.constant 7 : index
    %get3A_100 = arith.constant 0 : index
    %get3A_101 = arith.constant 0 : index
    %get3A_102 = vector.load %arg2[%get3A_99, %get3A_100, %get3A_101] : memref<20x256x128xf32, #tpu.memory_space<vmem>>, vector<1x256x128xf32>
    %get3A_103 = vector.shape_cast %get3A_102 : vector<1x256x128xf32> to vector<256x128xf32>
    %slice3A_104 = vector.extract_strided_slice %get3A_103 {offsets = [0, 0], sizes = [256, 64], strides = [1, 1]} : vector<256x128xf32> to vector<256x64xf32>
    %sub3A_105 = arith.subf %slice3A_104, %get3A_1 : vector<256x64xf32>
    %convert_element_type3A_106 = arith.truncf %sub3A_105 : vector<256x64xf32> to vector<256x64xbf16>
    %concatenate3A_107 = tpu.concatenate %convert_element_type3A, %convert_element_type3A_106 in 1 : vector<256x64xbf16>, vector<256x64xbf16> -> vector<256x128xbf16>
    %dot_general3A_108 = arith.constant dense<0.000000e+00> : vector<256x128xf32>
    %dot_general3A_109 = tpu.matmul %concatenate3A_107, %get3A_4, %dot_general3A_108 {dimension_numbers = #tpu.dot_dimension_numbers<[1], [0], [0], [1], [0, 0, 1, 1], [], []>, transpose_lhs_hint = false} : vector<256x128xbf16>, vector<128x128xbf16>, vector<256x128xf32> -> vector<256x128xf32>
    %add3A_110 = vector.broadcast %get3A_7 : vector<1x128xf32> to vector<256x128xf32>
    %add3A_111 = arith.addf %dot_general3A_109, %add3A_110 : vector<256x128xf32>
    %max3A_112 = arith.maximumf %max3A_98, %add3A_111 : vector<256x128xf32>
    %get3A_113 = arith.constant 8 : index
    %get3A_114 = arith.constant 0 : index
    %get3A_115 = arith.constant 0 : index
    %get3A_116 = vector.load %arg2[%get3A_113, %get3A_114, %get3A_115] : memref<20x256x128xf32, #tpu.memory_space<vmem>>, vector<1x256x128xf32>
    %get3A_117 = vector.shape_cast %get3A_116 : vector<1x256x128xf32> to vector<256x128xf32>
    %slice3A_118 = vector.extract_strided_slice %get3A_117 {offsets = [0, 0], sizes = [256, 64], strides = [1, 1]} : vector<256x128xf32> to vector<256x64xf32>
    %sub3A_119 = arith.subf %slice3A_118, %get3A_1 : vector<256x64xf32>
    %convert_element_type3A_120 = arith.truncf %sub3A_119 : vector<256x64xf32> to vector<256x64xbf16>
    %concatenate3A_121 = tpu.concatenate %convert_element_type3A, %convert_element_type3A_120 in 1 : vector<256x64xbf16>, vector<256x64xbf16> -> vector<256x128xbf16>
    %dot_general3A_122 = arith.constant dense<0.000000e+00> : vector<256x128xf32>
    %dot_general3A_123 = tpu.matmul %concatenate3A_121, %get3A_4, %dot_general3A_122 {dimension_numbers = #tpu.dot_dimension_numbers<[1], [0], [0], [1], [0, 0, 1, 1], [], []>, transpose_lhs_hint = false} : vector<256x128xbf16>, vector<128x128xbf16>, vector<256x128xf32> -> vector<256x128xf32>
    %add3A_124 = vector.broadcast %get3A_7 : vector<1x128xf32> to vector<256x128xf32>
    %add3A_125 = arith.addf %dot_general3A_123, %add3A_124 : vector<256x128xf32>
    %max3A_126 = arith.maximumf %max3A_112, %add3A_125 : vector<256x128xf32>
    %get3A_127 = arith.constant 9 : index
    %get3A_128 = arith.constant 0 : index
    %get3A_129 = arith.constant 0 : index
    %get3A_130 = vector.load %arg2[%get3A_127, %get3A_128, %get3A_129] : memref<20x256x128xf32, #tpu.memory_space<vmem>>, vector<1x256x128xf32>
    %get3A_131 = vector.shape_cast %get3A_130 : vector<1x256x128xf32> to vector<256x128xf32>
    %slice3A_132 = vector.extract_strided_slice %get3A_131 {offsets = [0, 0], sizes = [256, 64], strides = [1, 1]} : vector<256x128xf32> to vector<256x64xf32>
    %sub3A_133 = arith.subf %slice3A_132, %get3A_1 : vector<256x64xf32>
    %convert_element_type3A_134 = arith.truncf %sub3A_133 : vector<256x64xf32> to vector<256x64xbf16>
    %concatenate3A_135 = tpu.concatenate %convert_element_type3A, %convert_element_type3A_134 in 1 : vector<256x64xbf16>, vector<256x64xbf16> -> vector<256x128xbf16>
    %dot_general3A_136 = arith.constant dense<0.000000e+00> : vector<256x128xf32>
    %dot_general3A_137 = tpu.matmul %concatenate3A_135, %get3A_4, %dot_general3A_136 {dimension_numbers = #tpu.dot_dimension_numbers<[1], [0], [0], [1], [0, 0, 1, 1], [], []>, transpose_lhs_hint = false} : vector<256x128xbf16>, vector<128x128xbf16>, vector<256x128xf32> -> vector<256x128xf32>
    %add3A_138 = vector.broadcast %get3A_7 : vector<1x128xf32> to vector<256x128xf32>
    %add3A_139 = arith.addf %dot_general3A_137, %add3A_138 : vector<256x128xf32>
    %max3A_140 = arith.maximumf %max3A_126, %add3A_139 : vector<256x128xf32>
    %get3A_141 = arith.constant 10 : index
    %get3A_142 = arith.constant 0 : index
    %get3A_143 = arith.constant 0 : index
    %get3A_144 = vector.load %arg2[%get3A_141, %get3A_142, %get3A_143] : memref<20x256x128xf32, #tpu.memory_space<vmem>>, vector<1x256x128xf32>
    %get3A_145 = vector.shape_cast %get3A_144 : vector<1x256x128xf32> to vector<256x128xf32>
    %slice3A_146 = vector.extract_strided_slice %get3A_145 {offsets = [0, 0], sizes = [256, 64], strides = [1, 1]} : vector<256x128xf32> to vector<256x64xf32>
    %sub3A_147 = arith.subf %slice3A_146, %get3A_1 : vector<256x64xf32>
    %convert_element_type3A_148 = arith.truncf %sub3A_147 : vector<256x64xf32> to vector<256x64xbf16>
    %concatenate3A_149 = tpu.concatenate %convert_element_type3A, %convert_element_type3A_148 in 1 : vector<256x64xbf16>, vector<256x64xbf16> -> vector<256x128xbf16>
    %dot_general3A_150 = arith.constant dense<0.000000e+00> : vector<256x128xf32>
    %dot_general3A_151 = tpu.matmul %concatenate3A_149, %get3A_4, %dot_general3A_150 {dimension_numbers = #tpu.dot_dimension_numbers<[1], [0], [0], [1], [0, 0, 1, 1], [], []>, transpose_lhs_hint = false} : vector<256x128xbf16>, vector<128x128xbf16>, vector<256x128xf32> -> vector<256x128xf32>
    %add3A_152 = vector.broadcast %get3A_7 : vector<1x128xf32> to vector<256x128xf32>
    %add3A_153 = arith.addf %dot_general3A_151, %add3A_152 : vector<256x128xf32>
    %max3A_154 = arith.maximumf %max3A_140, %add3A_153 : vector<256x128xf32>
    %get3A_155 = arith.constant 11 : index
    %get3A_156 = arith.constant 0 : index
    %get3A_157 = arith.constant 0 : index
    %get3A_158 = vector.load %arg2[%get3A_155, %get3A_156, %get3A_157] : memref<20x256x128xf32, #tpu.memory_space<vmem>>, vector<1x256x128xf32>
    %get3A_159 = vector.shape_cast %get3A_158 : vector<1x256x128xf32> to vector<256x128xf32>
    %slice3A_160 = vector.extract_strided_slice %get3A_159 {offsets = [0, 0], sizes = [256, 64], strides = [1, 1]} : vector<256x128xf32> to vector<256x64xf32>
    %sub3A_161 = arith.subf %slice3A_160, %get3A_1 : vector<256x64xf32>
    %convert_element_type3A_162 = arith.truncf %sub3A_161 : vector<256x64xf32> to vector<256x64xbf16>
    %concatenate3A_163 = tpu.concatenate %convert_element_type3A, %convert_element_type3A_162 in 1 : vector<256x64xbf16>, vector<256x64xbf16> -> vector<256x128xbf16>
    %dot_general3A_164 = arith.constant dense<0.000000e+00> : vector<256x128xf32>
    %dot_general3A_165 = tpu.matmul %concatenate3A_163, %get3A_4, %dot_general3A_164 {dimension_numbers = #tpu.dot_dimension_numbers<[1], [0], [0], [1], [0, 0, 1, 1], [], []>, transpose_lhs_hint = false} : vector<256x128xbf16>, vector<128x128xbf16>, vector<256x128xf32> -> vector<256x128xf32>
    %add3A_166 = vector.broadcast %get3A_7 : vector<1x128xf32> to vector<256x128xf32>
    %add3A_167 = arith.addf %dot_general3A_165, %add3A_166 : vector<256x128xf32>
    %max3A_168 = arith.maximumf %max3A_154, %add3A_167 : vector<256x128xf32>
    %get3A_169 = arith.constant 12 : index
    %get3A_170 = arith.constant 0 : index
    %get3A_171 = arith.constant 0 : index
    %get3A_172 = vector.load %arg2[%get3A_169, %get3A_170, %get3A_171] : memref<20x256x128xf32, #tpu.memory_space<vmem>>, vector<1x256x128xf32>
    %get3A_173 = vector.shape_cast %get3A_172 : vector<1x256x128xf32> to vector<256x128xf32>
    %slice3A_174 = vector.extract_strided_slice %get3A_173 {offsets = [0, 0], sizes = [256, 64], strides = [1, 1]} : vector<256x128xf32> to vector<256x64xf32>
    %sub3A_175 = arith.subf %slice3A_174, %get3A_1 : vector<256x64xf32>
    %convert_element_type3A_176 = arith.truncf %sub3A_175 : vector<256x64xf32> to vector<256x64xbf16>
    %concatenate3A_177 = tpu.concatenate %convert_element_type3A, %convert_element_type3A_176 in 1 : vector<256x64xbf16>, vector<256x64xbf16> -> vector<256x128xbf16>
    %dot_general3A_178 = arith.constant dense<0.000000e+00> : vector<256x128xf32>
    %dot_general3A_179 = tpu.matmul %concatenate3A_177, %get3A_4, %dot_general3A_178 {dimension_numbers = #tpu.dot_dimension_numbers<[1], [0], [0], [1], [0, 0, 1, 1], [], []>, transpose_lhs_hint = false} : vector<256x128xbf16>, vector<128x128xbf16>, vector<256x128xf32> -> vector<256x128xf32>
    %add3A_180 = vector.broadcast %get3A_7 : vector<1x128xf32> to vector<256x128xf32>
    %add3A_181 = arith.addf %dot_general3A_179, %add3A_180 : vector<256x128xf32>
    %max3A_182 = arith.maximumf %max3A_168, %add3A_181 : vector<256x128xf32>
    %get3A_183 = arith.constant 13 : index
    %get3A_184 = arith.constant 0 : index
    %get3A_185 = arith.constant 0 : index
    %get3A_186 = vector.load %arg2[%get3A_183, %get3A_184, %get3A_185] : memref<20x256x128xf32, #tpu.memory_space<vmem>>, vector<1x256x128xf32>
    %get3A_187 = vector.shape_cast %get3A_186 : vector<1x256x128xf32> to vector<256x128xf32>
    %slice3A_188 = vector.extract_strided_slice %get3A_187 {offsets = [0, 0], sizes = [256, 64], strides = [1, 1]} : vector<256x128xf32> to vector<256x64xf32>
    %sub3A_189 = arith.subf %slice3A_188, %get3A_1 : vector<256x64xf32>
    %convert_element_type3A_190 = arith.truncf %sub3A_189 : vector<256x64xf32> to vector<256x64xbf16>
    %concatenate3A_191 = tpu.concatenate %convert_element_type3A, %convert_element_type3A_190 in 1 : vector<256x64xbf16>, vector<256x64xbf16> -> vector<256x128xbf16>
    %dot_general3A_192 = arith.constant dense<0.000000e+00> : vector<256x128xf32>
    %dot_general3A_193 = tpu.matmul %concatenate3A_191, %get3A_4, %dot_general3A_192 {dimension_numbers = #tpu.dot_dimension_numbers<[1], [0], [0], [1], [0, 0, 1, 1], [], []>, transpose_lhs_hint = false} : vector<256x128xbf16>, vector<128x128xbf16>, vector<256x128xf32> -> vector<256x128xf32>
    %add3A_194 = vector.broadcast %get3A_7 : vector<1x128xf32> to vector<256x128xf32>
    %add3A_195 = arith.addf %dot_general3A_193, %add3A_194 : vector<256x128xf32>
    %max3A_196 = arith.maximumf %max3A_182, %add3A_195 : vector<256x128xf32>
    %get3A_197 = arith.constant 14 : index
    %get3A_198 = arith.constant 0 : index
    %get3A_199 = arith.constant 0 : index
    %get3A_200 = vector.load %arg2[%get3A_197, %get3A_198, %get3A_199] : memref<20x256x128xf32, #tpu.memory_space<vmem>>, vector<1x256x128xf32>
    %get3A_201 = vector.shape_cast %get3A_200 : vector<1x256x128xf32> to vector<256x128xf32>
    %slice3A_202 = vector.extract_strided_slice %get3A_201 {offsets = [0, 0], sizes = [256, 64], strides = [1, 1]} : vector<256x128xf32> to vector<256x64xf32>
    %sub3A_203 = arith.subf %slice3A_202, %get3A_1 : vector<256x64xf32>
    %convert_element_type3A_204 = arith.truncf %sub3A_203 : vector<256x64xf32> to vector<256x64xbf16>
    %concatenate3A_205 = tpu.concatenate %convert_element_type3A, %convert_element_type3A_204 in 1 : vector<256x64xbf16>, vector<256x64xbf16> -> vector<256x128xbf16>
    %dot_general3A_206 = arith.constant dense<0.000000e+00> : vector<256x128xf32>
    %dot_general3A_207 = tpu.matmul %concatenate3A_205, %get3A_4, %dot_general3A_206 {dimension_numbers = #tpu.dot_dimension_numbers<[1], [0], [0], [1], [0, 0, 1, 1], [], []>, transpose_lhs_hint = false} : vector<256x128xbf16>, vector<128x128xbf16>, vector<256x128xf32> -> vector<256x128xf32>
    %add3A_208 = vector.broadcast %get3A_7 : vector<1x128xf32> to vector<256x128xf32>
    %add3A_209 = arith.addf %dot_general3A_207, %add3A_208 : vector<256x128xf32>
    %max3A_210 = arith.maximumf %max3A_196, %add3A_209 : vector<256x128xf32>
    %get3A_211 = arith.constant 15 : index
    %get3A_212 = arith.constant 0 : index
    %get3A_213 = arith.constant 0 : index
    %get3A_214 = vector.load %arg2[%get3A_211, %get3A_212, %get3A_213] : memref<20x256x128xf32, #tpu.memory_space<vmem>>, vector<1x256x128xf32>
    %get3A_215 = vector.shape_cast %get3A_214 : vector<1x256x128xf32> to vector<256x128xf32>
    %slice3A_216 = vector.extract_strided_slice %get3A_215 {offsets = [0, 0], sizes = [256, 64], strides = [1, 1]} : vector<256x128xf32> to vector<256x64xf32>
    %sub3A_217 = arith.subf %slice3A_216, %get3A_1 : vector<256x64xf32>
    %convert_element_type3A_218 = arith.truncf %sub3A_217 : vector<256x64xf32> to vector<256x64xbf16>
    %concatenate3A_219 = tpu.concatenate %convert_element_type3A, %convert_element_type3A_218 in 1 : vector<256x64xbf16>, vector<256x64xbf16> -> vector<256x128xbf16>
    %dot_general3A_220 = arith.constant dense<0.000000e+00> : vector<256x128xf32>
    %dot_general3A_221 = tpu.matmul %concatenate3A_219, %get3A_4, %dot_general3A_220 {dimension_numbers = #tpu.dot_dimension_numbers<[1], [0], [0], [1], [0, 0, 1, 1], [], []>, transpose_lhs_hint = false} : vector<256x128xbf16>, vector<128x128xbf16>, vector<256x128xf32> -> vector<256x128xf32>
    %add3A_222 = vector.broadcast %get3A_7 : vector<1x128xf32> to vector<256x128xf32>
    %add3A_223 = arith.addf %dot_general3A_221, %add3A_222 : vector<256x128xf32>
    %max3A_224 = arith.maximumf %max3A_210, %add3A_223 : vector<256x128xf32>
    %get3A_225 = arith.constant 16 : index
    %get3A_226 = arith.constant 0 : index
    %get3A_227 = arith.constant 0 : index
    %get3A_228 = vector.load %arg2[%get3A_225, %get3A_226, %get3A_227] : memref<20x256x128xf32, #tpu.memory_space<vmem>>, vector<1x256x128xf32>
    %get3A_229 = vector.shape_cast %get3A_228 : vector<1x256x128xf32> to vector<256x128xf32>
    %slice3A_230 = vector.extract_strided_slice %get3A_229 {offsets = [0, 0], sizes = [256, 64], strides = [1, 1]} : vector<256x128xf32> to vector<256x64xf32>
    %sub3A_231 = arith.subf %slice3A_230, %get3A_1 : vector<256x64xf32>
    %convert_element_type3A_232 = arith.truncf %sub3A_231 : vector<256x64xf32> to vector<256x64xbf16>
    %concatenate3A_233 = tpu.concatenate %convert_element_type3A, %convert_element_type3A_232 in 1 : vector<256x64xbf16>, vector<256x64xbf16> -> vector<256x128xbf16>
    %dot_general3A_234 = arith.constant dense<0.000000e+00> : vector<256x128xf32>
    %dot_general3A_235 = tpu.matmul %concatenate3A_233, %get3A_4, %dot_general3A_234 {dimension_numbers = #tpu.dot_dimension_numbers<[1], [0], [0], [1], [0, 0, 1, 1], [], []>, transpose_lhs_hint = false} : vector<256x128xbf16>, vector<128x128xbf16>, vector<256x128xf32> -> vector<256x128xf32>
    %add3A_236 = vector.broadcast %get3A_7 : vector<1x128xf32> to vector<256x128xf32>
    %add3A_237 = arith.addf %dot_general3A_235, %add3A_236 : vector<256x128xf32>
    %max3A_238 = arith.maximumf %max3A_224, %add3A_237 : vector<256x128xf32>
    %get3A_239 = arith.constant 17 : index
    %get3A_240 = arith.constant 0 : index
    %get3A_241 = arith.constant 0 : index
    %get3A_242 = vector.load %arg2[%get3A_239, %get3A_240, %get3A_241] : memref<20x256x128xf32, #tpu.memory_space<vmem>>, vector<1x256x128xf32>
    %get3A_243 = vector.shape_cast %get3A_242 : vector<1x256x128xf32> to vector<256x128xf32>
    %slice3A_244 = vector.extract_strided_slice %get3A_243 {offsets = [0, 0], sizes = [256, 64], strides = [1, 1]} : vector<256x128xf32> to vector<256x64xf32>
    %sub3A_245 = arith.subf %slice3A_244, %get3A_1 : vector<256x64xf32>
    %convert_element_type3A_246 = arith.truncf %sub3A_245 : vector<256x64xf32> to vector<256x64xbf16>
    %concatenate3A_247 = tpu.concatenate %convert_element_type3A, %convert_element_type3A_246 in 1 : vector<256x64xbf16>, vector<256x64xbf16> -> vector<256x128xbf16>
    %dot_general3A_248 = arith.constant dense<0.000000e+00> : vector<256x128xf32>
    %dot_general3A_249 = tpu.matmul %concatenate3A_247, %get3A_4, %dot_general3A_248 {dimension_numbers = #tpu.dot_dimension_numbers<[1], [0], [0], [1], [0, 0, 1, 1], [], []>, transpose_lhs_hint = false} : vector<256x128xbf16>, vector<128x128xbf16>, vector<256x128xf32> -> vector<256x128xf32>
    %add3A_250 = vector.broadcast %get3A_7 : vector<1x128xf32> to vector<256x128xf32>
    %add3A_251 = arith.addf %dot_general3A_249, %add3A_250 : vector<256x128xf32>
    %max3A_252 = arith.maximumf %max3A_238, %add3A_251 : vector<256x128xf32>
    %get3A_253 = arith.constant 18 : index
    %get3A_254 = arith.constant 0 : index
    %get3A_255 = arith.constant 0 : index
    %get3A_256 = vector.load %arg2[%get3A_253, %get3A_254, %get3A_255] : memref<20x256x128xf32, #tpu.memory_space<vmem>>, vector<1x256x128xf32>
    %get3A_257 = vector.shape_cast %get3A_256 : vector<1x256x128xf32> to vector<256x128xf32>
    %slice3A_258 = vector.extract_strided_slice %get3A_257 {offsets = [0, 0], sizes = [256, 64], strides = [1, 1]} : vector<256x128xf32> to vector<256x64xf32>
    %sub3A_259 = arith.subf %slice3A_258, %get3A_1 : vector<256x64xf32>
    %convert_element_type3A_260 = arith.truncf %sub3A_259 : vector<256x64xf32> to vector<256x64xbf16>
    %concatenate3A_261 = tpu.concatenate %convert_element_type3A, %convert_element_type3A_260 in 1 : vector<256x64xbf16>, vector<256x64xbf16> -> vector<256x128xbf16>
    %dot_general3A_262 = arith.constant dense<0.000000e+00> : vector<256x128xf32>
    %dot_general3A_263 = tpu.matmul %concatenate3A_261, %get3A_4, %dot_general3A_262 {dimension_numbers = #tpu.dot_dimension_numbers<[1], [0], [0], [1], [0, 0, 1, 1], [], []>, transpose_lhs_hint = false} : vector<256x128xbf16>, vector<128x128xbf16>, vector<256x128xf32> -> vector<256x128xf32>
    %add3A_264 = vector.broadcast %get3A_7 : vector<1x128xf32> to vector<256x128xf32>
    %add3A_265 = arith.addf %dot_general3A_263, %add3A_264 : vector<256x128xf32>
    %max3A_266 = arith.maximumf %max3A_252, %add3A_265 : vector<256x128xf32>
    %get3A_267 = arith.constant 19 : index
    %get3A_268 = arith.constant 0 : index
    %get3A_269 = arith.constant 0 : index
    %get3A_270 = vector.load %arg2[%get3A_267, %get3A_268, %get3A_269] : memref<20x256x128xf32, #tpu.memory_space<vmem>>, vector<1x256x128xf32>
    %get3A_271 = vector.shape_cast %get3A_270 : vector<1x256x128xf32> to vector<256x128xf32>
    %slice3A_272 = vector.extract_strided_slice %get3A_271 {offsets = [0, 0], sizes = [256, 64], strides = [1, 1]} : vector<256x128xf32> to vector<256x64xf32>
    %sub3A_273 = arith.subf %slice3A_272, %get3A_1 : vector<256x64xf32>
    %convert_element_type3A_274 = arith.truncf %sub3A_273 : vector<256x64xf32> to vector<256x64xbf16>
    %concatenate3A_275 = tpu.concatenate %convert_element_type3A, %convert_element_type3A_274 in 1 : vector<256x64xbf16>, vector<256x64xbf16> -> vector<256x128xbf16>
    %dot_general3A_276 = arith.constant dense<0.000000e+00> : vector<256x128xf32>
    %dot_general3A_277 = tpu.matmul %concatenate3A_275, %get3A_4, %dot_general3A_276 {dimension_numbers = #tpu.dot_dimension_numbers<[1], [0], [0], [1], [0, 0, 1, 1], [], []>, transpose_lhs_hint = false} : vector<256x128xbf16>, vector<128x128xbf16>, vector<256x128xf32> -> vector<256x128xf32>
    %add3A_278 = vector.broadcast %get3A_7 : vector<1x128xf32> to vector<256x128xf32>
    %add3A_279 = arith.addf %dot_general3A_277, %add3A_278 : vector<256x128xf32>
    %max3A_280 = arith.maximumf %max3A_266, %add3A_279 : vector<256x128xf32>
    %swap3A = arith.constant 0 : index
    %swap3A_281 = arith.constant 0 : index
    %swap3A_282 = vector.load %arg5[%swap3A, %swap3A_281] : memref<256x128xf32, #tpu.memory_space<vmem>>, vector<256x128xf32>
    tpu.vector_store %arg5[%swap3A, %swap3A_281], %max3A_280 {strides = array<i32>} : memref<256x128xf32, #tpu.memory_space<vmem>>, vector<256x128xf32>,
    return
  }
  func.func @transform_0(%arg0: i32) -> (i32, i32) {
    %c0_i32 = arith.constant 0 : i32
    %c0_i32_0 = arith.constant 0 : i32
    return %arg0, %c0_i32 : i32, i32
  }
  func.func @transform_1(%arg0: i32) -> (i32, i32, i32) {
    %c0_i32 = arith.constant 0 : i32
    %c0_i32_0 = arith.constant 0 : i32
    %c0_i32_1 = arith.constant 0 : i32
    return %c0_i32, %arg0, %c0_i32_0 : i32, i32, i32
  }
  func.func @transform_2(%arg0: i32) -> (i32, i32) {
    %c0_i32 = arith.constant 0 : i32
    %c0_i32_0 = arith.constant 0 : i32
    %c0_i32_1 = arith.constant 0 : i32
    return %c0_i32, %c0_i32_0 : i32, i32
  }
  func.func @transform_3(%arg0: i32) -> (i32, i32) {
    %c0_i32 = arith.constant 0 : i32
    %c0_i32_0 = arith.constant 0 : i32
    %c0_i32_1 = arith.constant 0 : i32
    return %c0_i32, %c0_i32_0 : i32, i32
  }
  func.func @transform_4(%arg0: i32) -> (i32, i32) {
    %c0_i32 = arith.constant 0 : i32
    %c0_i32_0 = arith.constant 0 : i32
    return %arg0, %c0_i32 : i32, i32
  }
}

module attributes {stable_mosaic.version = 14 : i64} {
  func.func @_knn_body(%arg0: i32, %arg1: memref<16xi32, #tpu.memory_space<smem>>, %arg2: memref<16xi32, #tpu.memory_space<smem>>, %arg3: memref<256x128xf32, #tpu.memory_space<vmem>>, %arg4: memref<128x4096xf32, #tpu.memory_space<vmem>>, %arg5: memref<256x128xbf16, #tpu.memory_space<vmem>>, %arg6: memref<128x4096xbf16, #tpu.memory_space<vmem>>, %arg7: memref<256x8xi32, #tpu.memory_space<vmem>>, %arg8: memref<8x4096xi32, #tpu.memory_space<vmem>>, %arg9: memref<256x20xi32, #tpu.memory_space<vmem>>) attributes {dimension_semantics = [#tpu.dimension_semantics<parallel>], iteration_bounds = array<i64: 16>, scalar_prefetch = 2 : i64, scratch_operands = 0 : i64, tpu.core_type = #tpu.core_type<tc>, window_params = [{transform_indices = @transform_0, window_bounds = array<i64: 256, 128>}, {pipeline_mode = #tpu.pipeline_mode<synchronous>, transform_indices = @transform_1, window_bounds = array<i64: 128, 4096>}, {transform_indices = @transform_2, window_bounds = array<i64: 256, 128>}, {pipeline_mode = #tpu.pipeline_mode<synchronous>, transform_indices = @transform_3, window_bounds = array<i64: 128, 4096>}, {transform_indices = @transform_4, window_bounds = array<i64: 256, 8>}, {pipeline_mode = #tpu.pipeline_mode<synchronous>, transform_indices = @transform_5, window_bounds = array<i64: 8, 4096>}, {transform_indices = @transform_6, window_bounds = array<i64: 256, 20>}]} {
    %get3A = arith.constant 0 : index
    %get3A_0 = arith.constant 0 : index
    %get3A_1 = vector.load %arg3[%get3A, %get3A_0] : memref<256x128xf32, #tpu.memory_space<vmem>>, vector<256x128xf32>
    %mul3A = arith.mulf %get3A_1, %get3A_1 : vector<256x128xf32>
    %reduce_sum3A = arith.constant dense<0.000000e+00> : vector<256xf32>
    %reduce_sum3A_2 = vector.multi_reduction <add>, %mul3A, %reduce_sum3A [1] : vector<256x128xf32> to vector<256xf32>
    %broadcast_in_dim3A = vector.shape_cast %reduce_sum3A_2 : vector<256xf32> to vector<256x1xf32>
    %get3A_3 = arith.constant 0 : index
    %get3A_4 = arith.constant 0 : index
    %get3A_5 = vector.load %arg7[%get3A_3, %get3A_4] : memref<256x8xi32, #tpu.memory_space<vmem>>, vector<256x8xi32>
    %slice3A = vector.extract_strided_slice %get3A_5 {offsets = [0, 0], sizes = [256, 1], strides = [1, 1]} : vector<256x8xi32> to vector<256x1xi32>
    %get3A_6 = arith.index_cast %arg0 : i32 to index
    %get3A_7 = memref.load %arg1[%get3A_6] : memref<16xi32, #tpu.memory_space<smem>>
    %multiple_of3A = tpu.assume_multiple %get3A_7, 128 : i32
    %get3A_8 = arith.index_cast %arg0 : i32 to index
    %get3A_9 = memref.load %arg2[%get3A_8] : memref<16xi32, #tpu.memory_space<smem>>
    %eq3A = arith.constant 1 : i32
    %eq3A_10 = arith.cmpi eq, %get3A_9, %eq3A : i32
    %convert_element_type3A = arith.extui %eq3A_10 : i1 to i32
    %cond3A = arith.constant 0 : i32
    %cond3A_11 = arith.cmpi ne, %convert_element_type3A, %cond3A : i32
    scf.if %cond3A_11 {
      %get3A_16 = arith.constant 0 : index
      %get3A_17 = arith.constant 0 : index
      %get3A_18 = vector.load %arg4[%get3A_16, %get3A_17] : memref<128x4096xf32, #tpu.memory_space<vmem>>, vector<128x128xf32>
      %get3A_19 = arith.constant 0 : index
      %get3A_20 = arith.index_cast %multiple_of3A : i32 to index
      %get3A_21 = vector.load %arg4[%get3A_19, %get3A_20] : memref<128x4096xf32, #tpu.memory_space<vmem>>, vector<128x1280xf32>
      %concatenate3A = tpu.concatenate %get3A_18, %get3A_21 in 1 : vector<128x128xf32>, vector<128x1280xf32> -> vector<128x1408xf32>
      %get3A_22 = arith.constant 0 : index
      %get3A_23 = arith.constant 0 : index
      %get3A_24 = vector.load %arg6[%get3A_22, %get3A_23] : memref<128x4096xbf16, #tpu.memory_space<vmem>>, vector<128x128xbf16>
      %get3A_25 = arith.constant 0 : index
      %get3A_26 = arith.index_cast %multiple_of3A : i32 to index
      %get3A_27 = vector.load %arg6[%get3A_25, %get3A_26] : memref<128x4096xbf16, #tpu.memory_space<vmem>>, vector<128x1280xbf16>
      %concatenate3A_28 = tpu.concatenate %get3A_24, %get3A_27 in 1 : vector<128x128xbf16>, vector<128x1280xbf16> -> vector<128x1408xbf16>
      %get3A_29 = arith.constant 0 : index
      %get3A_30 = arith.constant 0 : index
      %get3A_31 = vector.load %arg8[%get3A_29, %get3A_30] : memref<8x4096xi32, #tpu.memory_space<vmem>>, vector<8x128xi32>
      %get3A_32 = arith.constant 0 : index
      %get3A_33 = arith.index_cast %multiple_of3A : i32 to index
      %get3A_34 = vector.load %arg8[%get3A_32, %get3A_33] : memref<8x4096xi32, #tpu.memory_space<vmem>>, vector<8x1280xi32>
      %concatenate3A_35 = tpu.concatenate %get3A_31, %get3A_34 in 1 : vector<8x128xi32>, vector<8x1280xi32> -> vector<8x1408xi32>
      %slice3A_36 = vector.extract_strided_slice %concatenate3A_35 {offsets = [0, 0], sizes = [1, 1408], strides = [1, 1]} : vector<8x1408xi32> to vector<1x1408xi32>
      %mul3A_37 = arith.mulf %concatenate3A, %concatenate3A : vector<128x1408xf32>
      %reduce_sum3A_38 = arith.constant dense<0.000000e+00> : vector<1408xf32>
      %reduce_sum3A_39 = vector.multi_reduction <add>, %mul3A_37, %reduce_sum3A_38 [0] : vector<128x1408xf32> to vector<1408xf32>
      %broadcast_in_dim3A_40 = vector.shape_cast %reduce_sum3A_39 : vector<1408xf32> to vector<1x1408xf32>
      %get3A_41 = arith.constant 0 : index
      %get3A_42 = arith.constant 0 : index
      %get3A_43 = vector.load %arg5[%get3A_41, %get3A_42] : memref<256x128xbf16, #tpu.memory_space<vmem>>, vector<256x128xbf16>
      %dot_general3A = arith.constant dense<0.000000e+00> : vector<256x1408xf32>
      %dot_general3A_44 = tpu.matmul %get3A_43, %concatenate3A_28, %dot_general3A {dimension_numbers = #tpu.dot_dimension_numbers<[1], [0], [0], [1], [0, 0, 1, 1], [], []>, transpose_lhs_hint = false} : vector<256x128xbf16>, vector<128x1408xbf16>, vector<256x1408xf32> -> vector<256x1408xf32>
      %add3A = vector.broadcast %broadcast_in_dim3A : vector<256x1xf32> to vector<256x1408xf32>
      %add3A_45 = vector.broadcast %broadcast_in_dim3A_40 : vector<1x1408xf32> to vector<256x1408xf32>
      %add3A_46 = arith.addf %add3A, %add3A_45 : vector<256x1408xf32>
      %mul3A_47 = arith.constant 2.000000e+00 : f32
      %mul3A_48 = vector.broadcast %mul3A_47 : f32 to vector<256x1408xf32>
      %mul3A_49 = arith.mulf %mul3A_48, %dot_general3A_44 : vector<256x1408xf32>
      %sub3A = arith.subf %add3A_46, %mul3A_49 : vector<256x1408xf32>
      %iota3A = tpu.iota {dimensions = array<i32: 1>} : vector<256x1408xi32>
      %convert_element_type3A_50 = arith.sitofp %iota3A : vector<256x1408xi32> to vector<256x1408xf32>
      %mul3A_51 = arith.constant 9.99999982E+12 : f32
      %mul3A_52 = vector.broadcast %mul3A_51 : f32 to vector<256x1408xf32>
      %mul3A_53 = arith.mulf %convert_element_type3A_50, %mul3A_52 : vector<256x1408xf32>
      %add3A_54 = arith.constant 1.000000e+20 : f32
      %add3A_55 = vector.broadcast %add3A_54 : f32 to vector<256x1408xf32>
      %add3A_56 = arith.addf %add3A_55, %mul3A_53 : vector<256x1408xf32>
      %ne3A = vector.broadcast %slice3A : vector<256x1xi32> to vector<256x1408xi32>
      %ne3A_57 = vector.broadcast %slice3A_36 : vector<1x1408xi32> to vector<256x1408xi32>
      %ne3A_58 = arith.cmpi ne, %ne3A, %ne3A_57 : vector<256x1408xi32>
      %select_n3A = arith.select %ne3A_58, %add3A_56, %sub3A : vector<256x1408xi1>, vector<256x1408xf32>
      %argmin3A = tpu.reduce_index %select_n3A {axis = 1 : i32, kind = #tpu.reduction_kind<arg_min>} : vector<256x1408xf32> -> vector<256xi32>
      %broadcast_in_dim3A_59 = vector.shape_cast %argmin3A : vector<256xi32> to vector<256x1xi32>
      %lt3A = arith.constant 128 : i32
      %lt3A_60 = vector.broadcast %lt3A : i32 to vector<256x1xi32>
      %lt3A_61 = arith.cmpi slt, %broadcast_in_dim3A_59, %lt3A_60 : vector<256x1xi32>
      %sub3A_62 = arith.constant 128 : i32
      %sub3A_63 = arith.subi %multiple_of3A, %sub3A_62 : i32
      %add3A_64 = vector.broadcast %sub3A_63 : i32 to vector<256x1xi32>
      %add3A_65 = arith.addi %broadcast_in_dim3A_59, %add3A_64 : vector<256x1xi32>
      %select_n3A_66 = arith.select %lt3A_61, %broadcast_in_dim3A_59, %add3A_65 : vector<256x1xi1>, vector<256x1xi32>
      %eq3A_67 = vector.broadcast %broadcast_in_dim3A_59 : vector<256x1xi32> to vector<256x1408xi32>
      %eq3A_68 = arith.cmpi eq, %iota3A, %eq3A_67 : vector<256x1408xi32>
      %jit3A = arith.constant 0x7F800000 : f32
      %broadcast_in_dim3A_69 = vector.broadcast %jit3A : f32 to vector<256x1408xf32>
      %select_n3A_70 = arith.select %eq3A_68, %broadcast_in_dim3A_69, %select_n3A : vector<256x1408xi1>, vector<256x1408xf32>
      %argmin3A_71 = tpu.reduce_index %select_n3A_70 {axis = 1 : i32, kind = #tpu.reduction_kind<arg_min>} : vector<256x1408xf32> -> vector<256xi32>
      %broadcast_in_dim3A_72 = vector.shape_cast %argmin3A_71 : vector<256xi32> to vector<256x1xi32>
      %lt3A_73 = arith.constant 128 : i32
      %lt3A_74 = vector.broadcast %lt3A_73 : i32 to vector<256x1xi32>
      %lt3A_75 = arith.cmpi slt, %broadcast_in_dim3A_72, %lt3A_74 : vector<256x1xi32>
      %sub3A_76 = arith.constant 128 : i32
      %sub3A_77 = arith.subi %multiple_of3A, %sub3A_76 : i32
      %add3A_78 = vector.broadcast %sub3A_77 : i32 to vector<256x1xi32>
      %add3A_79 = arith.addi %broadcast_in_dim3A_72, %add3A_78 : vector<256x1xi32>
      %select_n3A_80 = arith.select %lt3A_75, %broadcast_in_dim3A_72, %add3A_79 : vector<256x1xi1>, vector<256x1xi32>
      %eq3A_81 = vector.broadcast %broadcast_in_dim3A_72 : vector<256x1xi32> to vector<256x1408xi32>
      %eq3A_82 = arith.cmpi eq, %iota3A, %eq3A_81 : vector<256x1408xi32>
      %jit3A_83 = arith.constant 0x7F800000 : f32
      %broadcast_in_dim3A_84 = vector.broadcast %jit3A_83 : f32 to vector<256x1408xf32>
      %select_n3A_85 = arith.select %eq3A_82, %broadcast_in_dim3A_84, %select_n3A_70 : vector<256x1408xi1>, vector<256x1408xf32>
      %argmin3A_86 = tpu.reduce_index %select_n3A_85 {axis = 1 : i32, kind = #tpu.reduction_kind<arg_min>} : vector<256x1408xf32> -> vector<256xi32>
      %broadcast_in_dim3A_87 = vector.shape_cast %argmin3A_86 : vector<256xi32> to vector<256x1xi32>
      %lt3A_88 = arith.constant 128 : i32
      %lt3A_89 = vector.broadcast %lt3A_88 : i32 to vector<256x1xi32>
      %lt3A_90 = arith.cmpi slt, %broadcast_in_dim3A_87, %lt3A_89 : vector<256x1xi32>
      %sub3A_91 = arith.constant 128 : i32
      %sub3A_92 = arith.subi %multiple_of3A, %sub3A_91 : i32
      %add3A_93 = vector.broadcast %sub3A_92 : i32 to vector<256x1xi32>
      %add3A_94 = arith.addi %broadcast_in_dim3A_87, %add3A_93 : vector<256x1xi32>
      %select_n3A_95 = arith.select %lt3A_90, %broadcast_in_dim3A_87, %add3A_94 : vector<256x1xi1>, vector<256x1xi32>
      %eq3A_96 = vector.broadcast %broadcast_in_dim3A_87 : vector<256x1xi32> to vector<256x1408xi32>
      %eq3A_97 = arith.cmpi eq, %iota3A, %eq3A_96 : vector<256x1408xi32>
      %jit3A_98 = arith.constant 0x7F800000 : f32
      %broadcast_in_dim3A_99 = vector.broadcast %jit3A_98 : f32 to vector<256x1408xf32>
      %select_n3A_100 = arith.select %eq3A_97, %broadcast_in_dim3A_99, %select_n3A_85 : vector<256x1408xi1>, vector<256x1408xf32>
      %argmin3A_101 = tpu.reduce_index %select_n3A_100 {axis = 1 : i32, kind = #tpu.reduction_kind<arg_min>} : vector<256x1408xf32> -> vector<256xi32>
      %broadcast_in_dim3A_102 = vector.shape_cast %argmin3A_101 : vector<256xi32> to vector<256x1xi32>
      %lt3A_103 = arith.constant 128 : i32
      %lt3A_104 = vector.broadcast %lt3A_103 : i32 to vector<256x1xi32>
      %lt3A_105 = arith.cmpi slt, %broadcast_in_dim3A_102, %lt3A_104 : vector<256x1xi32>
      %sub3A_106 = arith.constant 128 : i32
      %sub3A_107 = arith.subi %multiple_of3A, %sub3A_106 : i32
      %add3A_108 = vector.broadcast %sub3A_107 : i32 to vector<256x1xi32>
      %add3A_109 = arith.addi %broadcast_in_dim3A_102, %add3A_108 : vector<256x1xi32>
      %select_n3A_110 = arith.select %lt3A_105, %broadcast_in_dim3A_102, %add3A_109 : vector<256x1xi1>, vector<256x1xi32>
      %eq3A_111 = vector.broadcast %broadcast_in_dim3A_102 : vector<256x1xi32> to vector<256x1408xi32>
      %eq3A_112 = arith.cmpi eq, %iota3A, %eq3A_111 : vector<256x1408xi32>
      %jit3A_113 = arith.constant 0x7F800000 : f32
      %broadcast_in_dim3A_114 = vector.broadcast %jit3A_113 : f32 to vector<256x1408xf32>
      %select_n3A_115 = arith.select %eq3A_112, %broadcast_in_dim3A_114, %select_n3A_100 : vector<256x1408xi1>, vector<256x1408xf32>
      %argmin3A_116 = tpu.reduce_index %select_n3A_115 {axis = 1 : i32, kind = #tpu.reduction_kind<arg_min>} : vector<256x1408xf32> -> vector<256xi32>
      %broadcast_in_dim3A_117 = vector.shape_cast %argmin3A_116 : vector<256xi32> to vector<256x1xi32>
      %lt3A_118 = arith.constant 128 : i32
      %lt3A_119 = vector.broadcast %lt3A_118 : i32 to vector<256x1xi32>
      %lt3A_120 = arith.cmpi slt, %broadcast_in_dim3A_117, %lt3A_119 : vector<256x1xi32>
      %sub3A_121 = arith.constant 128 : i32
      %sub3A_122 = arith.subi %multiple_of3A, %sub3A_121 : i32
      %add3A_123 = vector.broadcast %sub3A_122 : i32 to vector<256x1xi32>
      %add3A_124 = arith.addi %broadcast_in_dim3A_117, %add3A_123 : vector<256x1xi32>
      %select_n3A_125 = arith.select %lt3A_120, %broadcast_in_dim3A_117, %add3A_124 : vector<256x1xi1>, vector<256x1xi32>
      %eq3A_126 = vector.broadcast %broadcast_in_dim3A_117 : vector<256x1xi32> to vector<256x1408xi32>
      %eq3A_127 = arith.cmpi eq, %iota3A, %eq3A_126 : vector<256x1408xi32>
      %jit3A_128 = arith.constant 0x7F800000 : f32
      %broadcast_in_dim3A_129 = vector.broadcast %jit3A_128 : f32 to vector<256x1408xf32>
      %select_n3A_130 = arith.select %eq3A_127, %broadcast_in_dim3A_129, %select_n3A_115 : vector<256x1408xi1>, vector<256x1408xf32>
      %argmin3A_131 = tpu.reduce_index %select_n3A_130 {axis = 1 : i32, kind = #tpu.reduction_kind<arg_min>} : vector<256x1408xf32> -> vector<256xi32>
      %broadcast_in_dim3A_132 = vector.shape_cast %argmin3A_131 : vector<256xi32> to vector<256x1xi32>
      %lt3A_133 = arith.constant 128 : i32
      %lt3A_134 = vector.broadcast %lt3A_133 : i32 to vector<256x1xi32>
      %lt3A_135 = arith.cmpi slt, %broadcast_in_dim3A_132, %lt3A_134 : vector<256x1xi32>
      %sub3A_136 = arith.constant 128 : i32
      %sub3A_137 = arith.subi %multiple_of3A, %sub3A_136 : i32
      %add3A_138 = vector.broadcast %sub3A_137 : i32 to vector<256x1xi32>
      %add3A_139 = arith.addi %broadcast_in_dim3A_132, %add3A_138 : vector<256x1xi32>
      %select_n3A_140 = arith.select %lt3A_135, %broadcast_in_dim3A_132, %add3A_139 : vector<256x1xi1>, vector<256x1xi32>
      %eq3A_141 = vector.broadcast %broadcast_in_dim3A_132 : vector<256x1xi32> to vector<256x1408xi32>
      %eq3A_142 = arith.cmpi eq, %iota3A, %eq3A_141 : vector<256x1408xi32>
      %jit3A_143 = arith.constant 0x7F800000 : f32
      %broadcast_in_dim3A_144 = vector.broadcast %jit3A_143 : f32 to vector<256x1408xf32>
      %select_n3A_145 = arith.select %eq3A_142, %broadcast_in_dim3A_144, %select_n3A_130 : vector<256x1408xi1>, vector<256x1408xf32>
      %argmin3A_146 = tpu.reduce_index %select_n3A_145 {axis = 1 : i32, kind = #tpu.reduction_kind<arg_min>} : vector<256x1408xf32> -> vector<256xi32>
      %broadcast_in_dim3A_147 = vector.shape_cast %argmin3A_146 : vector<256xi32> to vector<256x1xi32>
      %lt3A_148 = arith.constant 128 : i32
      %lt3A_149 = vector.broadcast %lt3A_148 : i32 to vector<256x1xi32>
      %lt3A_150 = arith.cmpi slt, %broadcast_in_dim3A_147, %lt3A_149 : vector<256x1xi32>
      %sub3A_151 = arith.constant 128 : i32
      %sub3A_152 = arith.subi %multiple_of3A, %sub3A_151 : i32
      %add3A_153 = vector.broadcast %sub3A_152 : i32 to vector<256x1xi32>
      %add3A_154 = arith.addi %broadcast_in_dim3A_147, %add3A_153 : vector<256x1xi32>
      %select_n3A_155 = arith.select %lt3A_150, %broadcast_in_dim3A_147, %add3A_154 : vector<256x1xi1>, vector<256x1xi32>
      %eq3A_156 = vector.broadcast %broadcast_in_dim3A_147 : vector<256x1xi32> to vector<256x1408xi32>
      %eq3A_157 = arith.cmpi eq, %iota3A, %eq3A_156 : vector<256x1408xi32>
      %jit3A_158 = arith.constant 0x7F800000 : f32
      %broadcast_in_dim3A_159 = vector.broadcast %jit3A_158 : f32 to vector<256x1408xf32>
      %select_n3A_160 = arith.select %eq3A_157, %broadcast_in_dim3A_159, %select_n3A_145 : vector<256x1408xi1>, vector<256x1408xf32>
      %argmin3A_161 = tpu.reduce_index %select_n3A_160 {axis = 1 : i32, kind = #tpu.reduction_kind<arg_min>} : vector<256x1408xf32> -> vector<256xi32>
      %broadcast_in_dim3A_162 = vector.shape_cast %argmin3A_161 : vector<256xi32> to vector<256x1xi32>
      %lt3A_163 = arith.constant 128 : i32
      %lt3A_164 = vector.broadcast %lt3A_163 : i32 to vector<256x1xi32>
      %lt3A_165 = arith.cmpi slt, %broadcast_in_dim3A_162, %lt3A_164 : vector<256x1xi32>
      %sub3A_166 = arith.constant 128 : i32
      %sub3A_167 = arith.subi %multiple_of3A, %sub3A_166 : i32
      %add3A_168 = vector.broadcast %sub3A_167 : i32 to vector<256x1xi32>
      %add3A_169 = arith.addi %broadcast_in_dim3A_162, %add3A_168 : vector<256x1xi32>
      %select_n3A_170 = arith.select %lt3A_165, %broadcast_in_dim3A_162, %add3A_169 : vector<256x1xi1>, vector<256x1xi32>
      %eq3A_171 = vector.broadcast %broadcast_in_dim3A_162 : vector<256x1xi32> to vector<256x1408xi32>
      %eq3A_172 = arith.cmpi eq, %iota3A, %eq3A_171 : vector<256x1408xi32>
      %jit3A_173 = arith.constant 0x7F800000 : f32
      %broadcast_in_dim3A_174 = vector.broadcast %jit3A_173 : f32 to vector<256x1408xf32>
      %select_n3A_175 = arith.select %eq3A_172, %broadcast_in_dim3A_174, %select_n3A_160 : vector<256x1408xi1>, vector<256x1408xf32>
      %argmin3A_176 = tpu.reduce_index %select_n3A_175 {axis = 1 : i32, kind = #tpu.reduction_kind<arg_min>} : vector<256x1408xf32> -> vector<256xi32>
      %broadcast_in_dim3A_177 = vector.shape_cast %argmin3A_176 : vector<256xi32> to vector<256x1xi32>
      %lt3A_178 = arith.constant 128 : i32
      %lt3A_179 = vector.broadcast %lt3A_178 : i32 to vector<256x1xi32>
      %lt3A_180 = arith.cmpi slt, %broadcast_in_dim3A_177, %lt3A_179 : vector<256x1xi32>
      %sub3A_181 = arith.constant 128 : i32
      %sub3A_182 = arith.subi %multiple_of3A, %sub3A_181 : i32
      %add3A_183 = vector.broadcast %sub3A_182 : i32 to vector<256x1xi32>
      %add3A_184 = arith.addi %broadcast_in_dim3A_177, %add3A_183 : vector<256x1xi32>
      %select_n3A_185 = arith.select %lt3A_180, %broadcast_in_dim3A_177, %add3A_184 : vector<256x1xi1>, vector<256x1xi32>
      %eq3A_186 = vector.broadcast %broadcast_in_dim3A_177 : vector<256x1xi32> to vector<256x1408xi32>
      %eq3A_187 = arith.cmpi eq, %iota3A, %eq3A_186 : vector<256x1408xi32>
      %jit3A_188 = arith.constant 0x7F800000 : f32
      %broadcast_in_dim3A_189 = vector.broadcast %jit3A_188 : f32 to vector<256x1408xf32>
      %select_n3A_190 = arith.select %eq3A_187, %broadcast_in_dim3A_189, %select_n3A_175 : vector<256x1408xi1>, vector<256x1408xf32>
      %argmin3A_191 = tpu.reduce_index %select_n3A_190 {axis = 1 : i32, kind = #tpu.reduction_kind<arg_min>} : vector<256x1408xf32> -> vector<256xi32>
      %broadcast_in_dim3A_192 = vector.shape_cast %argmin3A_191 : vector<256xi32> to vector<256x1xi32>
      %lt3A_193 = arith.constant 128 : i32
      %lt3A_194 = vector.broadcast %lt3A_193 : i32 to vector<256x1xi32>
      %lt3A_195 = arith.cmpi slt, %broadcast_in_dim3A_192, %lt3A_194 : vector<256x1xi32>
      %sub3A_196 = arith.constant 128 : i32
      %sub3A_197 = arith.subi %multiple_of3A, %sub3A_196 : i32
      %add3A_198 = vector.broadcast %sub3A_197 : i32 to vector<256x1xi32>
      %add3A_199 = arith.addi %broadcast_in_dim3A_192, %add3A_198 : vector<256x1xi32>
      %select_n3A_200 = arith.select %lt3A_195, %broadcast_in_dim3A_192, %add3A_199 : vector<256x1xi1>, vector<256x1xi32>
      %eq3A_201 = vector.broadcast %broadcast_in_dim3A_192 : vector<256x1xi32> to vector<256x1408xi32>
      %eq3A_202 = arith.cmpi eq, %iota3A, %eq3A_201 : vector<256x1408xi32>
      %jit3A_203 = arith.constant 0x7F800000 : f32
      %broadcast_in_dim3A_204 = vector.broadcast %jit3A_203 : f32 to vector<256x1408xf32>
      %select_n3A_205 = arith.select %eq3A_202, %broadcast_in_dim3A_204, %select_n3A_190 : vector<256x1408xi1>, vector<256x1408xf32>
      %argmin3A_206 = tpu.reduce_index %select_n3A_205 {axis = 1 : i32, kind = #tpu.reduction_kind<arg_min>} : vector<256x1408xf32> -> vector<256xi32>
      %broadcast_in_dim3A_207 = vector.shape_cast %argmin3A_206 : vector<256xi32> to vector<256x1xi32>
      %lt3A_208 = arith.constant 128 : i32
      %lt3A_209 = vector.broadcast %lt3A_208 : i32 to vector<256x1xi32>
      %lt3A_210 = arith.cmpi slt, %broadcast_in_dim3A_207, %lt3A_209 : vector<256x1xi32>
      %sub3A_211 = arith.constant 128 : i32
      %sub3A_212 = arith.subi %multiple_of3A, %sub3A_211 : i32
      %add3A_213 = vector.broadcast %sub3A_212 : i32 to vector<256x1xi32>
      %add3A_214 = arith.addi %broadcast_in_dim3A_207, %add3A_213 : vector<256x1xi32>
      %select_n3A_215 = arith.select %lt3A_210, %broadcast_in_dim3A_207, %add3A_214 : vector<256x1xi1>, vector<256x1xi32>
      %eq3A_216 = vector.broadcast %broadcast_in_dim3A_207 : vector<256x1xi32> to vector<256x1408xi32>
      %eq3A_217 = arith.cmpi eq, %iota3A, %eq3A_216 : vector<256x1408xi32>
      %jit3A_218 = arith.constant 0x7F800000 : f32
      %broadcast_in_dim3A_219 = vector.broadcast %jit3A_218 : f32 to vector<256x1408xf32>
      %select_n3A_220 = arith.select %eq3A_217, %broadcast_in_dim3A_219, %select_n3A_205 : vector<256x1408xi1>, vector<256x1408xf32>
      %argmin3A_221 = tpu.reduce_index %select_n3A_220 {axis = 1 : i32, kind = #tpu.reduction_kind<arg_min>} : vector<256x1408xf32> -> vector<256xi32>
      %broadcast_in_dim3A_222 = vector.shape_cast %argmin3A_221 : vector<256xi32> to vector<256x1xi32>
      %lt3A_223 = arith.constant 128 : i32
      %lt3A_224 = vector.broadcast %lt3A_223 : i32 to vector<256x1xi32>
      %lt3A_225 = arith.cmpi slt, %broadcast_in_dim3A_222, %lt3A_224 : vector<256x1xi32>
      %sub3A_226 = arith.constant 128 : i32
      %sub3A_227 = arith.subi %multiple_of3A, %sub3A_226 : i32
      %add3A_228 = vector.broadcast %sub3A_227 : i32 to vector<256x1xi32>
      %add3A_229 = arith.addi %broadcast_in_dim3A_222, %add3A_228 : vector<256x1xi32>
      %select_n3A_230 = arith.select %lt3A_225, %broadcast_in_dim3A_222, %add3A_229 : vector<256x1xi1>, vector<256x1xi32>
      %eq3A_231 = vector.broadcast %broadcast_in_dim3A_222 : vector<256x1xi32> to vector<256x1408xi32>
      %eq3A_232 = arith.cmpi eq, %iota3A, %eq3A_231 : vector<256x1408xi32>
      %jit3A_233 = arith.constant 0x7F800000 : f32
      %broadcast_in_dim3A_234 = vector.broadcast %jit3A_233 : f32 to vector<256x1408xf32>
      %select_n3A_235 = arith.select %eq3A_232, %broadcast_in_dim3A_234, %select_n3A_220 : vector<256x1408xi1>, vector<256x1408xf32>
      %argmin3A_236 = tpu.reduce_index %select_n3A_235 {axis = 1 : i32, kind = #tpu.reduction_kind<arg_min>} : vector<256x1408xf32> -> vector<256xi32>
      %broadcast_in_dim3A_237 = vector.shape_cast %argmin3A_236 : vector<256xi32> to vector<256x1xi32>
      %lt3A_238 = arith.constant 128 : i32
      %lt3A_239 = vector.broadcast %lt3A_238 : i32 to vector<256x1xi32>
      %lt3A_240 = arith.cmpi slt, %broadcast_in_dim3A_237, %lt3A_239 : vector<256x1xi32>
      %sub3A_241 = arith.constant 128 : i32
      %sub3A_242 = arith.subi %multiple_of3A, %sub3A_241 : i32
      %add3A_243 = vector.broadcast %sub3A_242 : i32 to vector<256x1xi32>
      %add3A_244 = arith.addi %broadcast_in_dim3A_237, %add3A_243 : vector<256x1xi32>
      %select_n3A_245 = arith.select %lt3A_240, %broadcast_in_dim3A_237, %add3A_244 : vector<256x1xi1>, vector<256x1xi32>
      %eq3A_246 = vector.broadcast %broadcast_in_dim3A_237 : vector<256x1xi32> to vector<256x1408xi32>
      %eq3A_247 = arith.cmpi eq, %iota3A, %eq3A_246 : vector<256x1408xi32>
      %jit3A_248 = arith.constant 0x7F800000 : f32
      %broadcast_in_dim3A_249 = vector.broadcast %jit3A_248 : f32 to vector<256x1408xf32>
      %select_n3A_250 = arith.select %eq3A_247, %broadcast_in_dim3A_249, %select_n3A_235 : vector<256x1408xi1>, vector<256x1408xf32>
      %argmin3A_251 = tpu.reduce_index %select_n3A_250 {axis = 1 : i32, kind = #tpu.reduction_kind<arg_min>} : vector<256x1408xf32> -> vector<256xi32>
      %broadcast_in_dim3A_252 = vector.shape_cast %argmin3A_251 : vector<256xi32> to vector<256x1xi32>
      %lt3A_253 = arith.constant 128 : i32
      %lt3A_254 = vector.broadcast %lt3A_253 : i32 to vector<256x1xi32>
      %lt3A_255 = arith.cmpi slt, %broadcast_in_dim3A_252, %lt3A_254 : vector<256x1xi32>
      %sub3A_256 = arith.constant 128 : i32
      %sub3A_257 = arith.subi %multiple_of3A, %sub3A_256 : i32
      %add3A_258 = vector.broadcast %sub3A_257 : i32 to vector<256x1xi32>
      %add3A_259 = arith.addi %broadcast_in_dim3A_252, %add3A_258 : vector<256x1xi32>
      %select_n3A_260 = arith.select %lt3A_255, %broadcast_in_dim3A_252, %add3A_259 : vector<256x1xi1>, vector<256x1xi32>
      %eq3A_261 = vector.broadcast %broadcast_in_dim3A_252 : vector<256x1xi32> to vector<256x1408xi32>
      %eq3A_262 = arith.cmpi eq, %iota3A, %eq3A_261 : vector<256x1408xi32>
      %jit3A_263 = arith.constant 0x7F800000 : f32
      %broadcast_in_dim3A_264 = vector.broadcast %jit3A_263 : f32 to vector<256x1408xf32>
      %select_n3A_265 = arith.select %eq3A_262, %broadcast_in_dim3A_264, %select_n3A_250 : vector<256x1408xi1>, vector<256x1408xf32>
      %argmin3A_266 = tpu.reduce_index %select_n3A_265 {axis = 1 : i32, kind = #tpu.reduction_kind<arg_min>} : vector<256x1408xf32> -> vector<256xi32>
      %broadcast_in_dim3A_267 = vector.shape_cast %argmin3A_266 : vector<256xi32> to vector<256x1xi32>
      %lt3A_268 = arith.constant 128 : i32
      %lt3A_269 = vector.broadcast %lt3A_268 : i32 to vector<256x1xi32>
      %lt3A_270 = arith.cmpi slt, %broadcast_in_dim3A_267, %lt3A_269 : vector<256x1xi32>
      %sub3A_271 = arith.constant 128 : i32
      %sub3A_272 = arith.subi %multiple_of3A, %sub3A_271 : i32
      %add3A_273 = vector.broadcast %sub3A_272 : i32 to vector<256x1xi32>
      %add3A_274 = arith.addi %broadcast_in_dim3A_267, %add3A_273 : vector<256x1xi32>
      %select_n3A_275 = arith.select %lt3A_270, %broadcast_in_dim3A_267, %add3A_274 : vector<256x1xi1>, vector<256x1xi32>
      %eq3A_276 = vector.broadcast %broadcast_in_dim3A_267 : vector<256x1xi32> to vector<256x1408xi32>
      %eq3A_277 = arith.cmpi eq, %iota3A, %eq3A_276 : vector<256x1408xi32>
      %jit3A_278 = arith.constant 0x7F800000 : f32
      %broadcast_in_dim3A_279 = vector.broadcast %jit3A_278 : f32 to vector<256x1408xf32>
      %select_n3A_280 = arith.select %eq3A_277, %broadcast_in_dim3A_279, %select_n3A_265 : vector<256x1408xi1>, vector<256x1408xf32>
      %argmin3A_281 = tpu.reduce_index %select_n3A_280 {axis = 1 : i32, kind = #tpu.reduction_kind<arg_min>} : vector<256x1408xf32> -> vector<256xi32>
      %broadcast_in_dim3A_282 = vector.shape_cast %argmin3A_281 : vector<256xi32> to vector<256x1xi32>
      %lt3A_283 = arith.constant 128 : i32
      %lt3A_284 = vector.broadcast %lt3A_283 : i32 to vector<256x1xi32>
      %lt3A_285 = arith.cmpi slt, %broadcast_in_dim3A_282, %lt3A_284 : vector<256x1xi32>
      %sub3A_286 = arith.constant 128 : i32
      %sub3A_287 = arith.subi %multiple_of3A, %sub3A_286 : i32
      %add3A_288 = vector.broadcast %sub3A_287 : i32 to vector<256x1xi32>
      %add3A_289 = arith.addi %broadcast_in_dim3A_282, %add3A_288 : vector<256x1xi32>
      %select_n3A_290 = arith.select %lt3A_285, %broadcast_in_dim3A_282, %add3A_289 : vector<256x1xi1>, vector<256x1xi32>
      %eq3A_291 = vector.broadcast %broadcast_in_dim3A_282 : vector<256x1xi32> to vector<256x1408xi32>
      %eq3A_292 = arith.cmpi eq, %iota3A, %eq3A_291 : vector<256x1408xi32>
      %jit3A_293 = arith.constant 0x7F800000 : f32
      %broadcast_in_dim3A_294 = vector.broadcast %jit3A_293 : f32 to vector<256x1408xf32>
      %select_n3A_295 = arith.select %eq3A_292, %broadcast_in_dim3A_294, %select_n3A_280 : vector<256x1408xi1>, vector<256x1408xf32>
      %argmin3A_296 = tpu.reduce_index %select_n3A_295 {axis = 1 : i32, kind = #tpu.reduction_kind<arg_min>} : vector<256x1408xf32> -> vector<256xi32>
      %broadcast_in_dim3A_297 = vector.shape_cast %argmin3A_296 : vector<256xi32> to vector<256x1xi32>
      %lt3A_298 = arith.constant 128 : i32
      %lt3A_299 = vector.broadcast %lt3A_298 : i32 to vector<256x1xi32>
      %lt3A_300 = arith.cmpi slt, %broadcast_in_dim3A_297, %lt3A_299 : vector<256x1xi32>
      %sub3A_301 = arith.constant 128 : i32
      %sub3A_302 = arith.subi %multiple_of3A, %sub3A_301 : i32
      %add3A_303 = vector.broadcast %sub3A_302 : i32 to vector<256x1xi32>
      %add3A_304 = arith.addi %broadcast_in_dim3A_297, %add3A_303 : vector<256x1xi32>
      %select_n3A_305 = arith.select %lt3A_300, %broadcast_in_dim3A_297, %add3A_304 : vector<256x1xi1>, vector<256x1xi32>
      %eq3A_306 = vector.broadcast %broadcast_in_dim3A_297 : vector<256x1xi32> to vector<256x1408xi32>
      %eq3A_307 = arith.cmpi eq, %iota3A, %eq3A_306 : vector<256x1408xi32>
      %jit3A_308 = arith.constant 0x7F800000 : f32
      %broadcast_in_dim3A_309 = vector.broadcast %jit3A_308 : f32 to vector<256x1408xf32>
      %select_n3A_310 = arith.select %eq3A_307, %broadcast_in_dim3A_309, %select_n3A_295 : vector<256x1408xi1>, vector<256x1408xf32>
      %argmin3A_311 = tpu.reduce_index %select_n3A_310 {axis = 1 : i32, kind = #tpu.reduction_kind<arg_min>} : vector<256x1408xf32> -> vector<256xi32>
      %broadcast_in_dim3A_312 = vector.shape_cast %argmin3A_311 : vector<256xi32> to vector<256x1xi32>
      %lt3A_313 = arith.constant 128 : i32
      %lt3A_314 = vector.broadcast %lt3A_313 : i32 to vector<256x1xi32>
      %lt3A_315 = arith.cmpi slt, %broadcast_in_dim3A_312, %lt3A_314 : vector<256x1xi32>
      %sub3A_316 = arith.constant 128 : i32
      %sub3A_317 = arith.subi %multiple_of3A, %sub3A_316 : i32
      %add3A_318 = vector.broadcast %sub3A_317 : i32 to vector<256x1xi32>
      %add3A_319 = arith.addi %broadcast_in_dim3A_312, %add3A_318 : vector<256x1xi32>
      %select_n3A_320 = arith.select %lt3A_315, %broadcast_in_dim3A_312, %add3A_319 : vector<256x1xi1>, vector<256x1xi32>
      %eq3A_321 = vector.broadcast %broadcast_in_dim3A_312 : vector<256x1xi32> to vector<256x1408xi32>
      %eq3A_322 = arith.cmpi eq, %iota3A, %eq3A_321 : vector<256x1408xi32>
      %jit3A_323 = arith.constant 0x7F800000 : f32
      %broadcast_in_dim3A_324 = vector.broadcast %jit3A_323 : f32 to vector<256x1408xf32>
      %select_n3A_325 = arith.select %eq3A_322, %broadcast_in_dim3A_324, %select_n3A_310 : vector<256x1408xi1>, vector<256x1408xf32>
      %argmin3A_326 = tpu.reduce_index %select_n3A_325 {axis = 1 : i32, kind = #tpu.reduction_kind<arg_min>} : vector<256x1408xf32> -> vector<256xi32>
      %broadcast_in_dim3A_327 = vector.shape_cast %argmin3A_326 : vector<256xi32> to vector<256x1xi32>
      %lt3A_328 = arith.constant 128 : i32
      %lt3A_329 = vector.broadcast %lt3A_328 : i32 to vector<256x1xi32>
      %lt3A_330 = arith.cmpi slt, %broadcast_in_dim3A_327, %lt3A_329 : vector<256x1xi32>
      %sub3A_331 = arith.constant 128 : i32
      %sub3A_332 = arith.subi %multiple_of3A, %sub3A_331 : i32
      %add3A_333 = vector.broadcast %sub3A_332 : i32 to vector<256x1xi32>
      %add3A_334 = arith.addi %broadcast_in_dim3A_327, %add3A_333 : vector<256x1xi32>
      %select_n3A_335 = arith.select %lt3A_330, %broadcast_in_dim3A_327, %add3A_334 : vector<256x1xi1>, vector<256x1xi32>
      %eq3A_336 = vector.broadcast %broadcast_in_dim3A_327 : vector<256x1xi32> to vector<256x1408xi32>
      %eq3A_337 = arith.cmpi eq, %iota3A, %eq3A_336 : vector<256x1408xi32>
      %jit3A_338 = arith.constant 0x7F800000 : f32
      %broadcast_in_dim3A_339 = vector.broadcast %jit3A_338 : f32 to vector<256x1408xf32>
      %select_n3A_340 = arith.select %eq3A_337, %broadcast_in_dim3A_339, %select_n3A_325 : vector<256x1408xi1>, vector<256x1408xf32>
      %argmin3A_341 = tpu.reduce_index %select_n3A_340 {axis = 1 : i32, kind = #tpu.reduction_kind<arg_min>} : vector<256x1408xf32> -> vector<256xi32>
      %broadcast_in_dim3A_342 = vector.shape_cast %argmin3A_341 : vector<256xi32> to vector<256x1xi32>
      %lt3A_343 = arith.constant 128 : i32
      %lt3A_344 = vector.broadcast %lt3A_343 : i32 to vector<256x1xi32>
      %lt3A_345 = arith.cmpi slt, %broadcast_in_dim3A_342, %lt3A_344 : vector<256x1xi32>
      %sub3A_346 = arith.constant 128 : i32
      %sub3A_347 = arith.subi %multiple_of3A, %sub3A_346 : i32
      %add3A_348 = vector.broadcast %sub3A_347 : i32 to vector<256x1xi32>
      %add3A_349 = arith.addi %broadcast_in_dim3A_342, %add3A_348 : vector<256x1xi32>
      %select_n3A_350 = arith.select %lt3A_345, %broadcast_in_dim3A_342, %add3A_349 : vector<256x1xi1>, vector<256x1xi32>
      %concatenate3A_351 = tpu.concatenate %select_n3A_66, %select_n3A_80, %select_n3A_95, %select_n3A_110, %select_n3A_125, %select_n3A_140, %select_n3A_155, %select_n3A_170, %select_n3A_185, %select_n3A_200, %select_n3A_215, %select_n3A_230, %select_n3A_245, %select_n3A_260, %select_n3A_275, %select_n3A_290, %select_n3A_305, %select_n3A_320, %select_n3A_335, %select_n3A_350 in 1 : vector<256x1xi32>, vector<256x1xi32>, vector<256x1xi32>, vector<256x1xi32>, vector<256x1xi32>, vector<256x1xi32>, vector<256x1xi32>, vector<256x1xi32>, vector<256x1xi32>, vector<256x1xi32>, vector<256x1xi32>, vector<256x1xi32>, vector<256x1xi32>, vector<256x1xi32>, vector<256x1xi32>, vector<256x1xi32>, vector<256x1xi32>, vector<256x1xi32>, vector<256x1xi32>, vector<256x1xi32> -> vector<256x20xi32>
      %swap3A = arith.constant 0 : index
      %swap3A_352 = arith.constant 0 : index
      %swap3A_353 = vector.load %arg9[%swap3A, %swap3A_352] : memref<256x20xi32, #tpu.memory_space<vmem>>, vector<256x20xi32>
      tpu.vector_store %arg9[%swap3A, %swap3A_352], %concatenate3A_351 {strides = array<i32>} : memref<256x20xi32, #tpu.memory_space<vmem>>, vector<256x20xi32>,
    } else {
    }
    %not3A = arith.constant true
    %not3A_12 = arith.xori %eq3A_10, %not3A : i1
    %convert_element_type3A_13 = arith.extui %not3A_12 : i1 to i32
    %cond3A_14 = arith.constant 0 : i32
    %cond3A_15 = arith.cmpi ne, %convert_element_type3A_13, %cond3A_14 : i32
    scf.if %cond3A_15 {
      %get3A_16 = arith.constant 0 : index
      %get3A_17 = arith.constant 0 : index
      %get3A_18 = vector.load %arg4[%get3A_16, %get3A_17] : memref<128x4096xf32, #tpu.memory_space<vmem>>, vector<128x4096xf32>
      %mul3A_19 = arith.mulf %get3A_18, %get3A_18 : vector<128x4096xf32>
      %reduce_sum3A_20 = arith.constant dense<0.000000e+00> : vector<4096xf32>
      %reduce_sum3A_21 = vector.multi_reduction <add>, %mul3A_19, %reduce_sum3A_20 [0] : vector<128x4096xf32> to vector<4096xf32>
      %broadcast_in_dim3A_22 = vector.shape_cast %reduce_sum3A_21 : vector<4096xf32> to vector<1x4096xf32>
      %get3A_23 = arith.constant 0 : index
      %get3A_24 = arith.constant 0 : index
      %get3A_25 = vector.load %arg5[%get3A_23, %get3A_24] : memref<256x128xbf16, #tpu.memory_space<vmem>>, vector<256x128xbf16>
      %get3A_26 = arith.constant 0 : index
      %get3A_27 = arith.constant 0 : index
      %get3A_28 = vector.load %arg6[%get3A_26, %get3A_27] : memref<128x4096xbf16, #tpu.memory_space<vmem>>, vector<128x4096xbf16>
      %dot_general3A = arith.constant dense<0.000000e+00> : vector<256x4096xf32>
      %dot_general3A_29 = tpu.matmul %get3A_25, %get3A_28, %dot_general3A {dimension_numbers = #tpu.dot_dimension_numbers<[1], [0], [0], [1], [0, 0, 1, 1], [], []>, transpose_lhs_hint = false} : vector<256x128xbf16>, vector<128x4096xbf16>, vector<256x4096xf32> -> vector<256x4096xf32>
      %add3A = vector.broadcast %broadcast_in_dim3A : vector<256x1xf32> to vector<256x4096xf32>
      %add3A_30 = vector.broadcast %broadcast_in_dim3A_22 : vector<1x4096xf32> to vector<256x4096xf32>
      %add3A_31 = arith.addf %add3A, %add3A_30 : vector<256x4096xf32>
      %mul3A_32 = arith.constant 2.000000e+00 : f32
      %mul3A_33 = vector.broadcast %mul3A_32 : f32 to vector<256x4096xf32>
      %mul3A_34 = arith.mulf %mul3A_33, %dot_general3A_29 : vector<256x4096xf32>
      %sub3A = arith.subf %add3A_31, %mul3A_34 : vector<256x4096xf32>
      %get3A_35 = arith.constant 0 : index
      %get3A_36 = arith.constant 0 : index
      %get3A_37 = vector.load %arg8[%get3A_35, %get3A_36] : memref<8x4096xi32, #tpu.memory_space<vmem>>, vector<8x4096xi32>
      %slice3A_38 = vector.extract_strided_slice %get3A_37 {offsets = [0, 0], sizes = [1, 4096], strides = [1, 1]} : vector<8x4096xi32> to vector<1x4096xi32>
      %ne3A = vector.broadcast %slice3A : vector<256x1xi32> to vector<256x4096xi32>
      %ne3A_39 = vector.broadcast %slice3A_38 : vector<1x4096xi32> to vector<256x4096xi32>
      %ne3A_40 = arith.cmpi ne, %ne3A, %ne3A_39 : vector<256x4096xi32>
      %jit3A = arith.constant 0x7F800000 : f32
      %broadcast_in_dim3A_41 = vector.broadcast %jit3A : f32 to vector<256x4096xf32>
      %select_n3A = arith.select %ne3A_40, %broadcast_in_dim3A_41, %sub3A : vector<256x4096xi1>, vector<256x4096xf32>
      %iota3A = tpu.iota {dimensions = array<i32: 1>} : vector<256x4096xi32>
      %reduce_min3A = arith.constant dense<0x7F800000> : vector<256xf32>
      %reduce_min3A_42 = vector.multi_reduction <minimumf>, %select_n3A, %reduce_min3A [1] : vector<256x4096xf32> to vector<256xf32>
      %broadcast_in_dim3A_43 = vector.shape_cast %reduce_min3A_42 : vector<256xf32> to vector<256x1xf32>
      %eq3A_44 = vector.broadcast %broadcast_in_dim3A_43 : vector<256x1xf32> to vector<256x4096xf32>
      %eq3A_45 = arith.cmpf oeq, %select_n3A, %eq3A_44 : vector<256x4096xf32>
      %jit3A_46 = arith.constant 1073741824 : i32
      %broadcast_in_dim3A_47 = vector.broadcast %jit3A_46 : i32 to vector<256x4096xi32>
      %select_n3A_48 = arith.select %eq3A_45, %iota3A, %broadcast_in_dim3A_47 : vector<256x4096xi1>, vector<256x4096xi32>
      %reduce_min3A_49 = arith.constant dense<2147483647> : vector<256xi32>
      %reduce_min3A_50 = vector.multi_reduction <minsi>, %select_n3A_48, %reduce_min3A_49 [1] : vector<256x4096xi32> to vector<256xi32>
      %broadcast_in_dim3A_51 = vector.shape_cast %reduce_min3A_50 : vector<256xi32> to vector<256x1xi32>
      %eq3A_52 = vector.broadcast %broadcast_in_dim3A_51 : vector<256x1xi32> to vector<256x4096xi32>
      %eq3A_53 = arith.cmpi eq, %iota3A, %eq3A_52 : vector<256x4096xi32>
      %jit3A_54 = arith.constant 0x7F800000 : f32
      %broadcast_in_dim3A_55 = vector.broadcast %jit3A_54 : f32 to vector<256x4096xf32>
      %select_n3A_56 = arith.select %eq3A_53, %broadcast_in_dim3A_55, %select_n3A : vector<256x4096xi1>, vector<256x4096xf32>
      %jit3A_57 = arith.constant 1073741824 : i32
      %broadcast_in_dim3A_58 = vector.broadcast %jit3A_57 : i32 to vector<256x4096xi32>
      %select_n3A_59 = arith.select %eq3A_53, %broadcast_in_dim3A_58, %iota3A : vector<256x4096xi1>, vector<256x4096xi32>
      %reduce_min3A_60 = arith.constant dense<0x7F800000> : vector<256xf32>
      %reduce_min3A_61 = vector.multi_reduction <minimumf>, %select_n3A_56, %reduce_min3A_60 [1] : vector<256x4096xf32> to vector<256xf32>
      %broadcast_in_dim3A_62 = vector.shape_cast %reduce_min3A_61 : vector<256xf32> to vector<256x1xf32>
      %eq3A_63 = vector.broadcast %broadcast_in_dim3A_62 : vector<256x1xf32> to vector<256x4096xf32>
      %eq3A_64 = arith.cmpf oeq, %select_n3A_56, %eq3A_63 : vector<256x4096xf32>
      %jit3A_65 = arith.constant 1073741824 : i32
      %broadcast_in_dim3A_66 = vector.broadcast %jit3A_65 : i32 to vector<256x4096xi32>
      %select_n3A_67 = arith.select %eq3A_64, %select_n3A_59, %broadcast_in_dim3A_66 : vector<256x4096xi1>, vector<256x4096xi32>
      %reduce_min3A_68 = arith.constant dense<2147483647> : vector<256xi32>
      %reduce_min3A_69 = vector.multi_reduction <minsi>, %select_n3A_67, %reduce_min3A_68 [1] : vector<256x4096xi32> to vector<256xi32>
      %broadcast_in_dim3A_70 = vector.shape_cast %reduce_min3A_69 : vector<256xi32> to vector<256x1xi32>
      %eq3A_71 = vector.broadcast %broadcast_in_dim3A_70 : vector<256x1xi32> to vector<256x4096xi32>
      %eq3A_72 = arith.cmpi eq, %select_n3A_59, %eq3A_71 : vector<256x4096xi32>
      %jit3A_73 = arith.constant 0x7F800000 : f32
      %broadcast_in_dim3A_74 = vector.broadcast %jit3A_73 : f32 to vector<256x4096xf32>
      %select_n3A_75 = arith.select %eq3A_72, %broadcast_in_dim3A_74, %select_n3A_56 : vector<256x4096xi1>, vector<256x4096xf32>
      %jit3A_76 = arith.constant 1073741824 : i32
      %broadcast_in_dim3A_77 = vector.broadcast %jit3A_76 : i32 to vector<256x4096xi32>
      %select_n3A_78 = arith.select %eq3A_72, %broadcast_in_dim3A_77, %select_n3A_59 : vector<256x4096xi1>, vector<256x4096xi32>
      %reduce_min3A_79 = arith.constant dense<0x7F800000> : vector<256xf32>
      %reduce_min3A_80 = vector.multi_reduction <minimumf>, %select_n3A_75, %reduce_min3A_79 [1] : vector<256x4096xf32> to vector<256xf32>
      %broadcast_in_dim3A_81 = vector.shape_cast %reduce_min3A_80 : vector<256xf32> to vector<256x1xf32>
      %eq3A_82 = vector.broadcast %broadcast_in_dim3A_81 : vector<256x1xf32> to vector<256x4096xf32>
      %eq3A_83 = arith.cmpf oeq, %select_n3A_75, %eq3A_82 : vector<256x4096xf32>
      %jit3A_84 = arith.constant 1073741824 : i32
      %broadcast_in_dim3A_85 = vector.broadcast %jit3A_84 : i32 to vector<256x4096xi32>
      %select_n3A_86 = arith.select %eq3A_83, %select_n3A_78, %broadcast_in_dim3A_85 : vector<256x4096xi1>, vector<256x4096xi32>
      %reduce_min3A_87 = arith.constant dense<2147483647> : vector<256xi32>
      %reduce_min3A_88 = vector.multi_reduction <minsi>, %select_n3A_86, %reduce_min3A_87 [1] : vector<256x4096xi32> to vector<256xi32>
      %broadcast_in_dim3A_89 = vector.shape_cast %reduce_min3A_88 : vector<256xi32> to vector<256x1xi32>
      %eq3A_90 = vector.broadcast %broadcast_in_dim3A_89 : vector<256x1xi32> to vector<256x4096xi32>
      %eq3A_91 = arith.cmpi eq, %select_n3A_78, %eq3A_90 : vector<256x4096xi32>
      %jit3A_92 = arith.constant 0x7F800000 : f32
      %broadcast_in_dim3A_93 = vector.broadcast %jit3A_92 : f32 to vector<256x4096xf32>
      %select_n3A_94 = arith.select %eq3A_91, %broadcast_in_dim3A_93, %select_n3A_75 : vector<256x4096xi1>, vector<256x4096xf32>
      %jit3A_95 = arith.constant 1073741824 : i32
      %broadcast_in_dim3A_96 = vector.broadcast %jit3A_95 : i32 to vector<256x4096xi32>
      %select_n3A_97 = arith.select %eq3A_91, %broadcast_in_dim3A_96, %select_n3A_78 : vector<256x4096xi1>, vector<256x4096xi32>
      %reduce_min3A_98 = arith.constant dense<0x7F800000> : vector<256xf32>
      %reduce_min3A_99 = vector.multi_reduction <minimumf>, %select_n3A_94, %reduce_min3A_98 [1] : vector<256x4096xf32> to vector<256xf32>
      %broadcast_in_dim3A_100 = vector.shape_cast %reduce_min3A_99 : vector<256xf32> to vector<256x1xf32>
      %eq3A_101 = vector.broadcast %broadcast_in_dim3A_100 : vector<256x1xf32> to vector<256x4096xf32>
      %eq3A_102 = arith.cmpf oeq, %select_n3A_94, %eq3A_101 : vector<256x4096xf32>
      %jit3A_103 = arith.constant 1073741824 : i32
      %broadcast_in_dim3A_104 = vector.broadcast %jit3A_103 : i32 to vector<256x4096xi32>
      %select_n3A_105 = arith.select %eq3A_102, %select_n3A_97, %broadcast_in_dim3A_104 : vector<256x4096xi1>, vector<256x4096xi32>
      %reduce_min3A_106 = arith.constant dense<2147483647> : vector<256xi32>
      %reduce_min3A_107 = vector.multi_reduction <minsi>, %select_n3A_105, %reduce_min3A_106 [1] : vector<256x4096xi32> to vector<256xi32>
      %broadcast_in_dim3A_108 = vector.shape_cast %reduce_min3A_107 : vector<256xi32> to vector<256x1xi32>
      %eq3A_109 = vector.broadcast %broadcast_in_dim3A_108 : vector<256x1xi32> to vector<256x4096xi32>
      %eq3A_110 = arith.cmpi eq, %select_n3A_97, %eq3A_109 : vector<256x4096xi32>
      %jit3A_111 = arith.constant 0x7F800000 : f32
      %broadcast_in_dim3A_112 = vector.broadcast %jit3A_111 : f32 to vector<256x4096xf32>
      %select_n3A_113 = arith.select %eq3A_110, %broadcast_in_dim3A_112, %select_n3A_94 : vector<256x4096xi1>, vector<256x4096xf32>
      %jit3A_114 = arith.constant 1073741824 : i32
      %broadcast_in_dim3A_115 = vector.broadcast %jit3A_114 : i32 to vector<256x4096xi32>
      %select_n3A_116 = arith.select %eq3A_110, %broadcast_in_dim3A_115, %select_n3A_97 : vector<256x4096xi1>, vector<256x4096xi32>
      %reduce_min3A_117 = arith.constant dense<0x7F800000> : vector<256xf32>
      %reduce_min3A_118 = vector.multi_reduction <minimumf>, %select_n3A_113, %reduce_min3A_117 [1] : vector<256x4096xf32> to vector<256xf32>
      %broadcast_in_dim3A_119 = vector.shape_cast %reduce_min3A_118 : vector<256xf32> to vector<256x1xf32>
      %eq3A_120 = vector.broadcast %broadcast_in_dim3A_119 : vector<256x1xf32> to vector<256x4096xf32>
      %eq3A_121 = arith.cmpf oeq, %select_n3A_113, %eq3A_120 : vector<256x4096xf32>
      %jit3A_122 = arith.constant 1073741824 : i32
      %broadcast_in_dim3A_123 = vector.broadcast %jit3A_122 : i32 to vector<256x4096xi32>
      %select_n3A_124 = arith.select %eq3A_121, %select_n3A_116, %broadcast_in_dim3A_123 : vector<256x4096xi1>, vector<256x4096xi32>
      %reduce_min3A_125 = arith.constant dense<2147483647> : vector<256xi32>
      %reduce_min3A_126 = vector.multi_reduction <minsi>, %select_n3A_124, %reduce_min3A_125 [1] : vector<256x4096xi32> to vector<256xi32>
      %broadcast_in_dim3A_127 = vector.shape_cast %reduce_min3A_126 : vector<256xi32> to vector<256x1xi32>
      %eq3A_128 = vector.broadcast %broadcast_in_dim3A_127 : vector<256x1xi32> to vector<256x4096xi32>
      %eq3A_129 = arith.cmpi eq, %select_n3A_116, %eq3A_128 : vector<256x4096xi32>
      %jit3A_130 = arith.constant 0x7F800000 : f32
      %broadcast_in_dim3A_131 = vector.broadcast %jit3A_130 : f32 to vector<256x4096xf32>
      %select_n3A_132 = arith.select %eq3A_129, %broadcast_in_dim3A_131, %select_n3A_113 : vector<256x4096xi1>, vector<256x4096xf32>
      %jit3A_133 = arith.constant 1073741824 : i32
      %broadcast_in_dim3A_134 = vector.broadcast %jit3A_133 : i32 to vector<256x4096xi32>
      %select_n3A_135 = arith.select %eq3A_129, %broadcast_in_dim3A_134, %select_n3A_116 : vector<256x4096xi1>, vector<256x4096xi32>
      %reduce_min3A_136 = arith.constant dense<0x7F800000> : vector<256xf32>
      %reduce_min3A_137 = vector.multi_reduction <minimumf>, %select_n3A_132, %reduce_min3A_136 [1] : vector<256x4096xf32> to vector<256xf32>
      %broadcast_in_dim3A_138 = vector.shape_cast %reduce_min3A_137 : vector<256xf32> to vector<256x1xf32>
      %eq3A_139 = vector.broadcast %broadcast_in_dim3A_138 : vector<256x1xf32> to vector<256x4096xf32>
      %eq3A_140 = arith.cmpf oeq, %select_n3A_132, %eq3A_139 : vector<256x4096xf32>
      %jit3A_141 = arith.constant 1073741824 : i32
      %broadcast_in_dim3A_142 = vector.broadcast %jit3A_141 : i32 to vector<256x4096xi32>
      %select_n3A_143 = arith.select %eq3A_140, %select_n3A_135, %broadcast_in_dim3A_142 : vector<256x4096xi1>, vector<256x4096xi32>
      %reduce_min3A_144 = arith.constant dense<2147483647> : vector<256xi32>
      %reduce_min3A_145 = vector.multi_reduction <minsi>, %select_n3A_143, %reduce_min3A_144 [1] : vector<256x4096xi32> to vector<256xi32>
      %broadcast_in_dim3A_146 = vector.shape_cast %reduce_min3A_145 : vector<256xi32> to vector<256x1xi32>
      %eq3A_147 = vector.broadcast %broadcast_in_dim3A_146 : vector<256x1xi32> to vector<256x4096xi32>
      %eq3A_148 = arith.cmpi eq, %select_n3A_135, %eq3A_147 : vector<256x4096xi32>
      %jit3A_149 = arith.constant 0x7F800000 : f32
      %broadcast_in_dim3A_150 = vector.broadcast %jit3A_149 : f32 to vector<256x4096xf32>
      %select_n3A_151 = arith.select %eq3A_148, %broadcast_in_dim3A_150, %select_n3A_132 : vector<256x4096xi1>, vector<256x4096xf32>
      %jit3A_152 = arith.constant 1073741824 : i32
      %broadcast_in_dim3A_153 = vector.broadcast %jit3A_152 : i32 to vector<256x4096xi32>
      %select_n3A_154 = arith.select %eq3A_148, %broadcast_in_dim3A_153, %select_n3A_135 : vector<256x4096xi1>, vector<256x4096xi32>
      %reduce_min3A_155 = arith.constant dense<0x7F800000> : vector<256xf32>
      %reduce_min3A_156 = vector.multi_reduction <minimumf>, %select_n3A_151, %reduce_min3A_155 [1] : vector<256x4096xf32> to vector<256xf32>
      %broadcast_in_dim3A_157 = vector.shape_cast %reduce_min3A_156 : vector<256xf32> to vector<256x1xf32>
      %eq3A_158 = vector.broadcast %broadcast_in_dim3A_157 : vector<256x1xf32> to vector<256x4096xf32>
      %eq3A_159 = arith.cmpf oeq, %select_n3A_151, %eq3A_158 : vector<256x4096xf32>
      %jit3A_160 = arith.constant 1073741824 : i32
      %broadcast_in_dim3A_161 = vector.broadcast %jit3A_160 : i32 to vector<256x4096xi32>
      %select_n3A_162 = arith.select %eq3A_159, %select_n3A_154, %broadcast_in_dim3A_161 : vector<256x4096xi1>, vector<256x4096xi32>
      %reduce_min3A_163 = arith.constant dense<2147483647> : vector<256xi32>
      %reduce_min3A_164 = vector.multi_reduction <minsi>, %select_n3A_162, %reduce_min3A_163 [1] : vector<256x4096xi32> to vector<256xi32>
      %broadcast_in_dim3A_165 = vector.shape_cast %reduce_min3A_164 : vector<256xi32> to vector<256x1xi32>
      %eq3A_166 = vector.broadcast %broadcast_in_dim3A_165 : vector<256x1xi32> to vector<256x4096xi32>
      %eq3A_167 = arith.cmpi eq, %select_n3A_154, %eq3A_166 : vector<256x4096xi32>
      %jit3A_168 = arith.constant 0x7F800000 : f32
      %broadcast_in_dim3A_169 = vector.broadcast %jit3A_168 : f32 to vector<256x4096xf32>
      %select_n3A_170 = arith.select %eq3A_167, %broadcast_in_dim3A_169, %select_n3A_151 : vector<256x4096xi1>, vector<256x4096xf32>
      %jit3A_171 = arith.constant 1073741824 : i32
      %broadcast_in_dim3A_172 = vector.broadcast %jit3A_171 : i32 to vector<256x4096xi32>
      %select_n3A_173 = arith.select %eq3A_167, %broadcast_in_dim3A_172, %select_n3A_154 : vector<256x4096xi1>, vector<256x4096xi32>
      %reduce_min3A_174 = arith.constant dense<0x7F800000> : vector<256xf32>
      %reduce_min3A_175 = vector.multi_reduction <minimumf>, %select_n3A_170, %reduce_min3A_174 [1] : vector<256x4096xf32> to vector<256xf32>
      %broadcast_in_dim3A_176 = vector.shape_cast %reduce_min3A_175 : vector<256xf32> to vector<256x1xf32>
      %eq3A_177 = vector.broadcast %broadcast_in_dim3A_176 : vector<256x1xf32> to vector<256x4096xf32>
      %eq3A_178 = arith.cmpf oeq, %select_n3A_170, %eq3A_177 : vector<256x4096xf32>
      %jit3A_179 = arith.constant 1073741824 : i32
      %broadcast_in_dim3A_180 = vector.broadcast %jit3A_179 : i32 to vector<256x4096xi32>
      %select_n3A_181 = arith.select %eq3A_178, %select_n3A_173, %broadcast_in_dim3A_180 : vector<256x4096xi1>, vector<256x4096xi32>
      %reduce_min3A_182 = arith.constant dense<2147483647> : vector<256xi32>
      %reduce_min3A_183 = vector.multi_reduction <minsi>, %select_n3A_181, %reduce_min3A_182 [1] : vector<256x4096xi32> to vector<256xi32>
      %broadcast_in_dim3A_184 = vector.shape_cast %reduce_min3A_183 : vector<256xi32> to vector<256x1xi32>
      %eq3A_185 = vector.broadcast %broadcast_in_dim3A_184 : vector<256x1xi32> to vector<256x4096xi32>
      %eq3A_186 = arith.cmpi eq, %select_n3A_173, %eq3A_185 : vector<256x4096xi32>
      %jit3A_187 = arith.constant 0x7F800000 : f32
      %broadcast_in_dim3A_188 = vector.broadcast %jit3A_187 : f32 to vector<256x4096xf32>
      %select_n3A_189 = arith.select %eq3A_186, %broadcast_in_dim3A_188, %select_n3A_170 : vector<256x4096xi1>, vector<256x4096xf32>
      %jit3A_190 = arith.constant 1073741824 : i32
      %broadcast_in_dim3A_191 = vector.broadcast %jit3A_190 : i32 to vector<256x4096xi32>
      %select_n3A_192 = arith.select %eq3A_186, %broadcast_in_dim3A_191, %select_n3A_173 : vector<256x4096xi1>, vector<256x4096xi32>
      %reduce_min3A_193 = arith.constant dense<0x7F800000> : vector<256xf32>
      %reduce_min3A_194 = vector.multi_reduction <minimumf>, %select_n3A_189, %reduce_min3A_193 [1] : vector<256x4096xf32> to vector<256xf32>
      %broadcast_in_dim3A_195 = vector.shape_cast %reduce_min3A_194 : vector<256xf32> to vector<256x1xf32>
      %eq3A_196 = vector.broadcast %broadcast_in_dim3A_195 : vector<256x1xf32> to vector<256x4096xf32>
      %eq3A_197 = arith.cmpf oeq, %select_n3A_189, %eq3A_196 : vector<256x4096xf32>
      %jit3A_198 = arith.constant 1073741824 : i32
      %broadcast_in_dim3A_199 = vector.broadcast %jit3A_198 : i32 to vector<256x4096xi32>
      %select_n3A_200 = arith.select %eq3A_197, %select_n3A_192, %broadcast_in_dim3A_199 : vector<256x4096xi1>, vector<256x4096xi32>
      %reduce_min3A_201 = arith.constant dense<2147483647> : vector<256xi32>
      %reduce_min3A_202 = vector.multi_reduction <minsi>, %select_n3A_200, %reduce_min3A_201 [1] : vector<256x4096xi32> to vector<256xi32>
      %broadcast_in_dim3A_203 = vector.shape_cast %reduce_min3A_202 : vector<256xi32> to vector<256x1xi32>
      %eq3A_204 = vector.broadcast %broadcast_in_dim3A_203 : vector<256x1xi32> to vector<256x4096xi32>
      %eq3A_205 = arith.cmpi eq, %select_n3A_192, %eq3A_204 : vector<256x4096xi32>
      %jit3A_206 = arith.constant 0x7F800000 : f32
      %broadcast_in_dim3A_207 = vector.broadcast %jit3A_206 : f32 to vector<256x4096xf32>
      %select_n3A_208 = arith.select %eq3A_205, %broadcast_in_dim3A_207, %select_n3A_189 : vector<256x4096xi1>, vector<256x4096xf32>
      %jit3A_209 = arith.constant 1073741824 : i32
      %broadcast_in_dim3A_210 = vector.broadcast %jit3A_209 : i32 to vector<256x4096xi32>
      %select_n3A_211 = arith.select %eq3A_205, %broadcast_in_dim3A_210, %select_n3A_192 : vector<256x4096xi1>, vector<256x4096xi32>
      %reduce_min3A_212 = arith.constant dense<0x7F800000> : vector<256xf32>
      %reduce_min3A_213 = vector.multi_reduction <minimumf>, %select_n3A_208, %reduce_min3A_212 [1] : vector<256x4096xf32> to vector<256xf32>
      %broadcast_in_dim3A_214 = vector.shape_cast %reduce_min3A_213 : vector<256xf32> to vector<256x1xf32>
      %eq3A_215 = vector.broadcast %broadcast_in_dim3A_214 : vector<256x1xf32> to vector<256x4096xf32>
      %eq3A_216 = arith.cmpf oeq, %select_n3A_208, %eq3A_215 : vector<256x4096xf32>
      %jit3A_217 = arith.constant 1073741824 : i32
      %broadcast_in_dim3A_218 = vector.broadcast %jit3A_217 : i32 to vector<256x4096xi32>
      %select_n3A_219 = arith.select %eq3A_216, %select_n3A_211, %broadcast_in_dim3A_218 : vector<256x4096xi1>, vector<256x4096xi32>
      %reduce_min3A_220 = arith.constant dense<2147483647> : vector<256xi32>
      %reduce_min3A_221 = vector.multi_reduction <minsi>, %select_n3A_219, %reduce_min3A_220 [1] : vector<256x4096xi32> to vector<256xi32>
      %broadcast_in_dim3A_222 = vector.shape_cast %reduce_min3A_221 : vector<256xi32> to vector<256x1xi32>
      %eq3A_223 = vector.broadcast %broadcast_in_dim3A_222 : vector<256x1xi32> to vector<256x4096xi32>
      %eq3A_224 = arith.cmpi eq, %select_n3A_211, %eq3A_223 : vector<256x4096xi32>
      %jit3A_225 = arith.constant 0x7F800000 : f32
      %broadcast_in_dim3A_226 = vector.broadcast %jit3A_225 : f32 to vector<256x4096xf32>
      %select_n3A_227 = arith.select %eq3A_224, %broadcast_in_dim3A_226, %select_n3A_208 : vector<256x4096xi1>, vector<256x4096xf32>
      %jit3A_228 = arith.constant 1073741824 : i32
      %broadcast_in_dim3A_229 = vector.broadcast %jit3A_228 : i32 to vector<256x4096xi32>
      %select_n3A_230 = arith.select %eq3A_224, %broadcast_in_dim3A_229, %select_n3A_211 : vector<256x4096xi1>, vector<256x4096xi32>
      %reduce_min3A_231 = arith.constant dense<0x7F800000> : vector<256xf32>
      %reduce_min3A_232 = vector.multi_reduction <minimumf>, %select_n3A_227, %reduce_min3A_231 [1] : vector<256x4096xf32> to vector<256xf32>
      %broadcast_in_dim3A_233 = vector.shape_cast %reduce_min3A_232 : vector<256xf32> to vector<256x1xf32>
      %eq3A_234 = vector.broadcast %broadcast_in_dim3A_233 : vector<256x1xf32> to vector<256x4096xf32>
      %eq3A_235 = arith.cmpf oeq, %select_n3A_227, %eq3A_234 : vector<256x4096xf32>
      %jit3A_236 = arith.constant 1073741824 : i32
      %broadcast_in_dim3A_237 = vector.broadcast %jit3A_236 : i32 to vector<256x4096xi32>
      %select_n3A_238 = arith.select %eq3A_235, %select_n3A_230, %broadcast_in_dim3A_237 : vector<256x4096xi1>, vector<256x4096xi32>
      %reduce_min3A_239 = arith.constant dense<2147483647> : vector<256xi32>
      %reduce_min3A_240 = vector.multi_reduction <minsi>, %select_n3A_238, %reduce_min3A_239 [1] : vector<256x4096xi32> to vector<256xi32>
      %broadcast_in_dim3A_241 = vector.shape_cast %reduce_min3A_240 : vector<256xi32> to vector<256x1xi32>
      %eq3A_242 = vector.broadcast %broadcast_in_dim3A_241 : vector<256x1xi32> to vector<256x4096xi32>
      %eq3A_243 = arith.cmpi eq, %select_n3A_230, %eq3A_242 : vector<256x4096xi32>
      %jit3A_244 = arith.constant 0x7F800000 : f32
      %broadcast_in_dim3A_245 = vector.broadcast %jit3A_244 : f32 to vector<256x4096xf32>
      %select_n3A_246 = arith.select %eq3A_243, %broadcast_in_dim3A_245, %select_n3A_227 : vector<256x4096xi1>, vector<256x4096xf32>
      %jit3A_247 = arith.constant 1073741824 : i32
      %broadcast_in_dim3A_248 = vector.broadcast %jit3A_247 : i32 to vector<256x4096xi32>
      %select_n3A_249 = arith.select %eq3A_243, %broadcast_in_dim3A_248, %select_n3A_230 : vector<256x4096xi1>, vector<256x4096xi32>
      %reduce_min3A_250 = arith.constant dense<0x7F800000> : vector<256xf32>
      %reduce_min3A_251 = vector.multi_reduction <minimumf>, %select_n3A_246, %reduce_min3A_250 [1] : vector<256x4096xf32> to vector<256xf32>
      %broadcast_in_dim3A_252 = vector.shape_cast %reduce_min3A_251 : vector<256xf32> to vector<256x1xf32>
      %eq3A_253 = vector.broadcast %broadcast_in_dim3A_252 : vector<256x1xf32> to vector<256x4096xf32>
      %eq3A_254 = arith.cmpf oeq, %select_n3A_246, %eq3A_253 : vector<256x4096xf32>
      %jit3A_255 = arith.constant 1073741824 : i32
      %broadcast_in_dim3A_256 = vector.broadcast %jit3A_255 : i32 to vector<256x4096xi32>
      %select_n3A_257 = arith.select %eq3A_254, %select_n3A_249, %broadcast_in_dim3A_256 : vector<256x4096xi1>, vector<256x4096xi32>
      %reduce_min3A_258 = arith.constant dense<2147483647> : vector<256xi32>
      %reduce_min3A_259 = vector.multi_reduction <minsi>, %select_n3A_257, %reduce_min3A_258 [1] : vector<256x4096xi32> to vector<256xi32>
      %broadcast_in_dim3A_260 = vector.shape_cast %reduce_min3A_259 : vector<256xi32> to vector<256x1xi32>
      %eq3A_261 = vector.broadcast %broadcast_in_dim3A_260 : vector<256x1xi32> to vector<256x4096xi32>
      %eq3A_262 = arith.cmpi eq, %select_n3A_249, %eq3A_261 : vector<256x4096xi32>
      %jit3A_263 = arith.constant 0x7F800000 : f32
      %broadcast_in_dim3A_264 = vector.broadcast %jit3A_263 : f32 to vector<256x4096xf32>
      %select_n3A_265 = arith.select %eq3A_262, %broadcast_in_dim3A_264, %select_n3A_246 : vector<256x4096xi1>, vector<256x4096xf32>
      %jit3A_266 = arith.constant 1073741824 : i32
      %broadcast_in_dim3A_267 = vector.broadcast %jit3A_266 : i32 to vector<256x4096xi32>
      %select_n3A_268 = arith.select %eq3A_262, %broadcast_in_dim3A_267, %select_n3A_249 : vector<256x4096xi1>, vector<256x4096xi32>
      %reduce_min3A_269 = arith.constant dense<0x7F800000> : vector<256xf32>
      %reduce_min3A_270 = vector.multi_reduction <minimumf>, %select_n3A_265, %reduce_min3A_269 [1] : vector<256x4096xf32> to vector<256xf32>
      %broadcast_in_dim3A_271 = vector.shape_cast %reduce_min3A_270 : vector<256xf32> to vector<256x1xf32>
      %eq3A_272 = vector.broadcast %broadcast_in_dim3A_271 : vector<256x1xf32> to vector<256x4096xf32>
      %eq3A_273 = arith.cmpf oeq, %select_n3A_265, %eq3A_272 : vector<256x4096xf32>
      %jit3A_274 = arith.constant 1073741824 : i32
      %broadcast_in_dim3A_275 = vector.broadcast %jit3A_274 : i32 to vector<256x4096xi32>
      %select_n3A_276 = arith.select %eq3A_273, %select_n3A_268, %broadcast_in_dim3A_275 : vector<256x4096xi1>, vector<256x4096xi32>
      %reduce_min3A_277 = arith.constant dense<2147483647> : vector<256xi32>
      %reduce_min3A_278 = vector.multi_reduction <minsi>, %select_n3A_276, %reduce_min3A_277 [1] : vector<256x4096xi32> to vector<256xi32>
      %broadcast_in_dim3A_279 = vector.shape_cast %reduce_min3A_278 : vector<256xi32> to vector<256x1xi32>
      %eq3A_280 = vector.broadcast %broadcast_in_dim3A_279 : vector<256x1xi32> to vector<256x4096xi32>
      %eq3A_281 = arith.cmpi eq, %select_n3A_268, %eq3A_280 : vector<256x4096xi32>
      %jit3A_282 = arith.constant 0x7F800000 : f32
      %broadcast_in_dim3A_283 = vector.broadcast %jit3A_282 : f32 to vector<256x4096xf32>
      %select_n3A_284 = arith.select %eq3A_281, %broadcast_in_dim3A_283, %select_n3A_265 : vector<256x4096xi1>, vector<256x4096xf32>
      %jit3A_285 = arith.constant 1073741824 : i32
      %broadcast_in_dim3A_286 = vector.broadcast %jit3A_285 : i32 to vector<256x4096xi32>
      %select_n3A_287 = arith.select %eq3A_281, %broadcast_in_dim3A_286, %select_n3A_268 : vector<256x4096xi1>, vector<256x4096xi32>
      %reduce_min3A_288 = arith.constant dense<0x7F800000> : vector<256xf32>
      %reduce_min3A_289 = vector.multi_reduction <minimumf>, %select_n3A_284, %reduce_min3A_288 [1] : vector<256x4096xf32> to vector<256xf32>
      %broadcast_in_dim3A_290 = vector.shape_cast %reduce_min3A_289 : vector<256xf32> to vector<256x1xf32>
      %eq3A_291 = vector.broadcast %broadcast_in_dim3A_290 : vector<256x1xf32> to vector<256x4096xf32>
      %eq3A_292 = arith.cmpf oeq, %select_n3A_284, %eq3A_291 : vector<256x4096xf32>
      %jit3A_293 = arith.constant 1073741824 : i32
      %broadcast_in_dim3A_294 = vector.broadcast %jit3A_293 : i32 to vector<256x4096xi32>
      %select_n3A_295 = arith.select %eq3A_292, %select_n3A_287, %broadcast_in_dim3A_294 : vector<256x4096xi1>, vector<256x4096xi32>
      %reduce_min3A_296 = arith.constant dense<2147483647> : vector<256xi32>
      %reduce_min3A_297 = vector.multi_reduction <minsi>, %select_n3A_295, %reduce_min3A_296 [1] : vector<256x4096xi32> to vector<256xi32>
      %broadcast_in_dim3A_298 = vector.shape_cast %reduce_min3A_297 : vector<256xi32> to vector<256x1xi32>
      %eq3A_299 = vector.broadcast %broadcast_in_dim3A_298 : vector<256x1xi32> to vector<256x4096xi32>
      %eq3A_300 = arith.cmpi eq, %select_n3A_287, %eq3A_299 : vector<256x4096xi32>
      %jit3A_301 = arith.constant 0x7F800000 : f32
      %broadcast_in_dim3A_302 = vector.broadcast %jit3A_301 : f32 to vector<256x4096xf32>
      %select_n3A_303 = arith.select %eq3A_300, %broadcast_in_dim3A_302, %select_n3A_284 : vector<256x4096xi1>, vector<256x4096xf32>
      %jit3A_304 = arith.constant 1073741824 : i32
      %broadcast_in_dim3A_305 = vector.broadcast %jit3A_304 : i32 to vector<256x4096xi32>
      %select_n3A_306 = arith.select %eq3A_300, %broadcast_in_dim3A_305, %select_n3A_287 : vector<256x4096xi1>, vector<256x4096xi32>
      %reduce_min3A_307 = arith.constant dense<0x7F800000> : vector<256xf32>
      %reduce_min3A_308 = vector.multi_reduction <minimumf>, %select_n3A_303, %reduce_min3A_307 [1] : vector<256x4096xf32> to vector<256xf32>
      %broadcast_in_dim3A_309 = vector.shape_cast %reduce_min3A_308 : vector<256xf32> to vector<256x1xf32>
      %eq3A_310 = vector.broadcast %broadcast_in_dim3A_309 : vector<256x1xf32> to vector<256x4096xf32>
      %eq3A_311 = arith.cmpf oeq, %select_n3A_303, %eq3A_310 : vector<256x4096xf32>
      %jit3A_312 = arith.constant 1073741824 : i32
      %broadcast_in_dim3A_313 = vector.broadcast %jit3A_312 : i32 to vector<256x4096xi32>
      %select_n3A_314 = arith.select %eq3A_311, %select_n3A_306, %broadcast_in_dim3A_313 : vector<256x4096xi1>, vector<256x4096xi32>
      %reduce_min3A_315 = arith.constant dense<2147483647> : vector<256xi32>
      %reduce_min3A_316 = vector.multi_reduction <minsi>, %select_n3A_314, %reduce_min3A_315 [1] : vector<256x4096xi32> to vector<256xi32>
      %broadcast_in_dim3A_317 = vector.shape_cast %reduce_min3A_316 : vector<256xi32> to vector<256x1xi32>
      %eq3A_318 = vector.broadcast %broadcast_in_dim3A_317 : vector<256x1xi32> to vector<256x4096xi32>
      %eq3A_319 = arith.cmpi eq, %select_n3A_306, %eq3A_318 : vector<256x4096xi32>
      %jit3A_320 = arith.constant 0x7F800000 : f32
      %broadcast_in_dim3A_321 = vector.broadcast %jit3A_320 : f32 to vector<256x4096xf32>
      %select_n3A_322 = arith.select %eq3A_319, %broadcast_in_dim3A_321, %select_n3A_303 : vector<256x4096xi1>, vector<256x4096xf32>
      %jit3A_323 = arith.constant 1073741824 : i32
      %broadcast_in_dim3A_324 = vector.broadcast %jit3A_323 : i32 to vector<256x4096xi32>
      %select_n3A_325 = arith.select %eq3A_319, %broadcast_in_dim3A_324, %select_n3A_306 : vector<256x4096xi1>, vector<256x4096xi32>
      %reduce_min3A_326 = arith.constant dense<0x7F800000> : vector<256xf32>
      %reduce_min3A_327 = vector.multi_reduction <minimumf>, %select_n3A_322, %reduce_min3A_326 [1] : vector<256x4096xf32> to vector<256xf32>
      %broadcast_in_dim3A_328 = vector.shape_cast %reduce_min3A_327 : vector<256xf32> to vector<256x1xf32>
      %eq3A_329 = vector.broadcast %broadcast_in_dim3A_328 : vector<256x1xf32> to vector<256x4096xf32>
      %eq3A_330 = arith.cmpf oeq, %select_n3A_322, %eq3A_329 : vector<256x4096xf32>
      %jit3A_331 = arith.constant 1073741824 : i32
      %broadcast_in_dim3A_332 = vector.broadcast %jit3A_331 : i32 to vector<256x4096xi32>
      %select_n3A_333 = arith.select %eq3A_330, %select_n3A_325, %broadcast_in_dim3A_332 : vector<256x4096xi1>, vector<256x4096xi32>
      %reduce_min3A_334 = arith.constant dense<2147483647> : vector<256xi32>
      %reduce_min3A_335 = vector.multi_reduction <minsi>, %select_n3A_333, %reduce_min3A_334 [1] : vector<256x4096xi32> to vector<256xi32>
      %broadcast_in_dim3A_336 = vector.shape_cast %reduce_min3A_335 : vector<256xi32> to vector<256x1xi32>
      %eq3A_337 = vector.broadcast %broadcast_in_dim3A_336 : vector<256x1xi32> to vector<256x4096xi32>
      %eq3A_338 = arith.cmpi eq, %select_n3A_325, %eq3A_337 : vector<256x4096xi32>
      %jit3A_339 = arith.constant 0x7F800000 : f32
      %broadcast_in_dim3A_340 = vector.broadcast %jit3A_339 : f32 to vector<256x4096xf32>
      %select_n3A_341 = arith.select %eq3A_338, %broadcast_in_dim3A_340, %select_n3A_322 : vector<256x4096xi1>, vector<256x4096xf32>
      %jit3A_342 = arith.constant 1073741824 : i32
      %broadcast_in_dim3A_343 = vector.broadcast %jit3A_342 : i32 to vector<256x4096xi32>
      %select_n3A_344 = arith.select %eq3A_338, %broadcast_in_dim3A_343, %select_n3A_325 : vector<256x4096xi1>, vector<256x4096xi32>
      %reduce_min3A_345 = arith.constant dense<0x7F800000> : vector<256xf32>
      %reduce_min3A_346 = vector.multi_reduction <minimumf>, %select_n3A_341, %reduce_min3A_345 [1] : vector<256x4096xf32> to vector<256xf32>
      %broadcast_in_dim3A_347 = vector.shape_cast %reduce_min3A_346 : vector<256xf32> to vector<256x1xf32>
      %eq3A_348 = vector.broadcast %broadcast_in_dim3A_347 : vector<256x1xf32> to vector<256x4096xf32>
      %eq3A_349 = arith.cmpf oeq, %select_n3A_341, %eq3A_348 : vector<256x4096xf32>
      %jit3A_350 = arith.constant 1073741824 : i32
      %broadcast_in_dim3A_351 = vector.broadcast %jit3A_350 : i32 to vector<256x4096xi32>
      %select_n3A_352 = arith.select %eq3A_349, %select_n3A_344, %broadcast_in_dim3A_351 : vector<256x4096xi1>, vector<256x4096xi32>
      %reduce_min3A_353 = arith.constant dense<2147483647> : vector<256xi32>
      %reduce_min3A_354 = vector.multi_reduction <minsi>, %select_n3A_352, %reduce_min3A_353 [1] : vector<256x4096xi32> to vector<256xi32>
      %broadcast_in_dim3A_355 = vector.shape_cast %reduce_min3A_354 : vector<256xi32> to vector<256x1xi32>
      %eq3A_356 = vector.broadcast %broadcast_in_dim3A_355 : vector<256x1xi32> to vector<256x4096xi32>
      %eq3A_357 = arith.cmpi eq, %select_n3A_344, %eq3A_356 : vector<256x4096xi32>
      %jit3A_358 = arith.constant 0x7F800000 : f32
      %broadcast_in_dim3A_359 = vector.broadcast %jit3A_358 : f32 to vector<256x4096xf32>
      %select_n3A_360 = arith.select %eq3A_357, %broadcast_in_dim3A_359, %select_n3A_341 : vector<256x4096xi1>, vector<256x4096xf32>
      %jit3A_361 = arith.constant 1073741824 : i32
      %broadcast_in_dim3A_362 = vector.broadcast %jit3A_361 : i32 to vector<256x4096xi32>
      %select_n3A_363 = arith.select %eq3A_357, %broadcast_in_dim3A_362, %select_n3A_344 : vector<256x4096xi1>, vector<256x4096xi32>
      %reduce_min3A_364 = arith.constant dense<0x7F800000> : vector<256xf32>
      %reduce_min3A_365 = vector.multi_reduction <minimumf>, %select_n3A_360, %reduce_min3A_364 [1] : vector<256x4096xf32> to vector<256xf32>
      %broadcast_in_dim3A_366 = vector.shape_cast %reduce_min3A_365 : vector<256xf32> to vector<256x1xf32>
      %eq3A_367 = vector.broadcast %broadcast_in_dim3A_366 : vector<256x1xf32> to vector<256x4096xf32>
      %eq3A_368 = arith.cmpf oeq, %select_n3A_360, %eq3A_367 : vector<256x4096xf32>
      %jit3A_369 = arith.constant 1073741824 : i32
      %broadcast_in_dim3A_370 = vector.broadcast %jit3A_369 : i32 to vector<256x4096xi32>
      %select_n3A_371 = arith.select %eq3A_368, %select_n3A_363, %broadcast_in_dim3A_370 : vector<256x4096xi1>, vector<256x4096xi32>
      %reduce_min3A_372 = arith.constant dense<2147483647> : vector<256xi32>
      %reduce_min3A_373 = vector.multi_reduction <minsi>, %select_n3A_371, %reduce_min3A_372 [1] : vector<256x4096xi32> to vector<256xi32>
      %broadcast_in_dim3A_374 = vector.shape_cast %reduce_min3A_373 : vector<256xi32> to vector<256x1xi32>
      %eq3A_375 = vector.broadcast %broadcast_in_dim3A_374 : vector<256x1xi32> to vector<256x4096xi32>
      %eq3A_376 = arith.cmpi eq, %select_n3A_363, %eq3A_375 : vector<256x4096xi32>
      %jit3A_377 = arith.constant 0x7F800000 : f32
      %broadcast_in_dim3A_378 = vector.broadcast %jit3A_377 : f32 to vector<256x4096xf32>
      %select_n3A_379 = arith.select %eq3A_376, %broadcast_in_dim3A_378, %select_n3A_360 : vector<256x4096xi1>, vector<256x4096xf32>
      %jit3A_380 = arith.constant 1073741824 : i32
      %broadcast_in_dim3A_381 = vector.broadcast %jit3A_380 : i32 to vector<256x4096xi32>
      %select_n3A_382 = arith.select %eq3A_376, %broadcast_in_dim3A_381, %select_n3A_363 : vector<256x4096xi1>, vector<256x4096xi32>
      %reduce_min3A_383 = arith.constant dense<0x7F800000> : vector<256xf32>
      %reduce_min3A_384 = vector.multi_reduction <minimumf>, %select_n3A_379, %reduce_min3A_383 [1] : vector<256x4096xf32> to vector<256xf32>
      %broadcast_in_dim3A_385 = vector.shape_cast %reduce_min3A_384 : vector<256xf32> to vector<256x1xf32>
      %eq3A_386 = vector.broadcast %broadcast_in_dim3A_385 : vector<256x1xf32> to vector<256x4096xf32>
      %eq3A_387 = arith.cmpf oeq, %select_n3A_379, %eq3A_386 : vector<256x4096xf32>
      %jit3A_388 = arith.constant 1073741824 : i32
      %broadcast_in_dim3A_389 = vector.broadcast %jit3A_388 : i32 to vector<256x4096xi32>
      %select_n3A_390 = arith.select %eq3A_387, %select_n3A_382, %broadcast_in_dim3A_389 : vector<256x4096xi1>, vector<256x4096xi32>
      %reduce_min3A_391 = arith.constant dense<2147483647> : vector<256xi32>
      %reduce_min3A_392 = vector.multi_reduction <minsi>, %select_n3A_390, %reduce_min3A_391 [1] : vector<256x4096xi32> to vector<256xi32>
      %broadcast_in_dim3A_393 = vector.shape_cast %reduce_min3A_392 : vector<256xi32> to vector<256x1xi32>
      %eq3A_394 = vector.broadcast %broadcast_in_dim3A_393 : vector<256x1xi32> to vector<256x4096xi32>
      %eq3A_395 = arith.cmpi eq, %select_n3A_382, %eq3A_394 : vector<256x4096xi32>
      %jit3A_396 = arith.constant 0x7F800000 : f32
      %broadcast_in_dim3A_397 = vector.broadcast %jit3A_396 : f32 to vector<256x4096xf32>
      %select_n3A_398 = arith.select %eq3A_395, %broadcast_in_dim3A_397, %select_n3A_379 : vector<256x4096xi1>, vector<256x4096xf32>
      %jit3A_399 = arith.constant 1073741824 : i32
      %broadcast_in_dim3A_400 = vector.broadcast %jit3A_399 : i32 to vector<256x4096xi32>
      %select_n3A_401 = arith.select %eq3A_395, %broadcast_in_dim3A_400, %select_n3A_382 : vector<256x4096xi1>, vector<256x4096xi32>
      %reduce_min3A_402 = arith.constant dense<0x7F800000> : vector<256xf32>
      %reduce_min3A_403 = vector.multi_reduction <minimumf>, %select_n3A_398, %reduce_min3A_402 [1] : vector<256x4096xf32> to vector<256xf32>
      %broadcast_in_dim3A_404 = vector.shape_cast %reduce_min3A_403 : vector<256xf32> to vector<256x1xf32>
      %eq3A_405 = vector.broadcast %broadcast_in_dim3A_404 : vector<256x1xf32> to vector<256x4096xf32>
      %eq3A_406 = arith.cmpf oeq, %select_n3A_398, %eq3A_405 : vector<256x4096xf32>
      %jit3A_407 = arith.constant 1073741824 : i32
      %broadcast_in_dim3A_408 = vector.broadcast %jit3A_407 : i32 to vector<256x4096xi32>
      %select_n3A_409 = arith.select %eq3A_406, %select_n3A_401, %broadcast_in_dim3A_408 : vector<256x4096xi1>, vector<256x4096xi32>
      %reduce_min3A_410 = arith.constant dense<2147483647> : vector<256xi32>
      %reduce_min3A_411 = vector.multi_reduction <minsi>, %select_n3A_409, %reduce_min3A_410 [1] : vector<256x4096xi32> to vector<256xi32>
      %broadcast_in_dim3A_412 = vector.shape_cast %reduce_min3A_411 : vector<256xi32> to vector<256x1xi32>
      %concatenate3A = tpu.concatenate %broadcast_in_dim3A_51, %broadcast_in_dim3A_70, %broadcast_in_dim3A_89, %broadcast_in_dim3A_108, %broadcast_in_dim3A_127, %broadcast_in_dim3A_146, %broadcast_in_dim3A_165, %broadcast_in_dim3A_184, %broadcast_in_dim3A_203, %broadcast_in_dim3A_222, %broadcast_in_dim3A_241, %broadcast_in_dim3A_260, %broadcast_in_dim3A_279, %broadcast_in_dim3A_298, %broadcast_in_dim3A_317, %broadcast_in_dim3A_336, %broadcast_in_dim3A_355, %broadcast_in_dim3A_374, %broadcast_in_dim3A_393, %broadcast_in_dim3A_412 in 1 : vector<256x1xi32>, vector<256x1xi32>, vector<256x1xi32>, vector<256x1xi32>, vector<256x1xi32>, vector<256x1xi32>, vector<256x1xi32>, vector<256x1xi32>, vector<256x1xi32>, vector<256x1xi32>, vector<256x1xi32>, vector<256x1xi32>, vector<256x1xi32>, vector<256x1xi32>, vector<256x1xi32>, vector<256x1xi32>, vector<256x1xi32>, vector<256x1xi32>, vector<256x1xi32>, vector<256x1xi32> -> vector<256x20xi32>
      %swap3A = arith.constant 0 : index
      %swap3A_413 = arith.constant 0 : index
      %swap3A_414 = vector.load %arg9[%swap3A, %swap3A_413] : memref<256x20xi32, #tpu.memory_space<vmem>>, vector<256x20xi32>
      tpu.vector_store %arg9[%swap3A, %swap3A_413], %concatenate3A {strides = array<i32>} : memref<256x20xi32, #tpu.memory_space<vmem>>, vector<256x20xi32>,
    } else {
    }
    return
  }
  func.func @transform_0(%arg0: i32, %arg1: memref<16xi32, #tpu.memory_space<smem>>, %arg2: memref<16xi32, #tpu.memory_space<smem>>) -> (i32, i32) {
    %c0_i32 = arith.constant 0 : i32
    %c0_i32_0 = arith.constant 0 : i32
    return %arg0, %c0_i32 : i32, i32
  }
  func.func @transform_1(%arg0: i32, %arg1: memref<16xi32, #tpu.memory_space<smem>>, %arg2: memref<16xi32, #tpu.memory_space<smem>>) -> (i32, i32) {
    %c0_i32 = arith.constant 0 : i32
    %c0_i32_0 = arith.constant 0 : i32
    %c0_i32_1 = arith.constant 0 : i32
    return %c0_i32, %c0_i32_0 : i32, i32
  }
  func.func @transform_2(%arg0: i32, %arg1: memref<16xi32, #tpu.memory_space<smem>>, %arg2: memref<16xi32, #tpu.memory_space<smem>>) -> (i32, i32) {
    %c0_i32 = arith.constant 0 : i32
    %c0_i32_0 = arith.constant 0 : i32
    return %arg0, %c0_i32 : i32, i32
  }
  func.func @transform_3(%arg0: i32, %arg1: memref<16xi32, #tpu.memory_space<smem>>, %arg2: memref<16xi32, #tpu.memory_space<smem>>) -> (i32, i32) {
    %c0_i32 = arith.constant 0 : i32
    %c0_i32_0 = arith.constant 0 : i32
    %c0_i32_1 = arith.constant 0 : i32
    return %c0_i32, %c0_i32_0 : i32, i32
  }
  func.func @transform_4(%arg0: i32, %arg1: memref<16xi32, #tpu.memory_space<smem>>, %arg2: memref<16xi32, #tpu.memory_space<smem>>) -> (i32, i32) {
    %c0_i32 = arith.constant 0 : i32
    %c0_i32_0 = arith.constant 0 : i32
    return %arg0, %c0_i32 : i32, i32
  }
  func.func @transform_5(%arg0: i32, %arg1: memref<16xi32, #tpu.memory_space<smem>>, %arg2: memref<16xi32, #tpu.memory_space<smem>>) -> (i32, i32) {
    %c0_i32 = arith.constant 0 : i32
    %c0_i32_0 = arith.constant 0 : i32
    %c0_i32_1 = arith.constant 0 : i32
    return %c0_i32, %c0_i32_0 : i32, i32
  }
  func.func @transform_6(%arg0: i32, %arg1: memref<16xi32, #tpu.memory_space<smem>>, %arg2: memref<16xi32, #tpu.memory_space<smem>>) -> (i32, i32) {
    %c0_i32 = arith.constant 0 : i32
    %c0_i32_0 = arith.constant 0 : i32
    return %arg0, %c0_i32 : i32, i32
  }
}

module attributes {stable_mosaic.version = 14 : i64} {
  func.func @_edge_body(%arg0: i32, %arg1: memref<256x128xf32, #tpu.memory_space<vmem>>, %arg2: memref<20x256x128xf32, #tpu.memory_space<vmem>>, %arg3: memref<256x256xbf16, #tpu.memory_space<vmem>>, %arg4: memref<1x256xf32, #tpu.memory_space<vmem>>, %arg5: memref<256x256xf32, #tpu.memory_space<vmem>>) attributes {dimension_semantics = [#tpu.dimension_semantics<parallel>], iteration_bounds = array<i64: 16>, scalar_prefetch = 0 : i64, scratch_operands = 0 : i64, tpu.core_type = #tpu.core_type<tc>, window_params = [{transform_indices = @transform_0, window_bounds = array<i64: 256, 128>}, {transform_indices = @transform_1, window_bounds = array<i64: 20, 256, 128>}, {pipeline_mode = #tpu.pipeline_mode<synchronous>, transform_indices = @transform_2, window_bounds = array<i64: 256, 256>}, {pipeline_mode = #tpu.pipeline_mode<synchronous>, transform_indices = @transform_3, window_bounds = array<i64: 1, 256>}, {transform_indices = @transform_4, window_bounds = array<i64: 256, 256>}]} {
    %get3A = arith.constant 0 : index
    %get3A_0 = arith.constant 0 : index
    %get3A_1 = vector.load %arg1[%get3A, %get3A_0] : memref<256x128xf32, #tpu.memory_space<vmem>>, vector<256x128xf32>
    %convert_element_type3A = arith.truncf %get3A_1 : vector<256x128xf32> to vector<256x128xbf16>
    %get3A_2 = arith.constant 0 : index
    %get3A_3 = arith.constant 0 : index
    %get3A_4 = vector.load %arg3[%get3A_2, %get3A_3] : memref<256x256xbf16, #tpu.memory_space<vmem>>, vector<256x256xbf16>
    %get3A_5 = arith.constant 0 : index
    %get3A_6 = arith.constant 0 : index
    %get3A_7 = vector.load %arg4[%get3A_5, %get3A_6] : memref<1x256xf32, #tpu.memory_space<vmem>>, vector<1x256xf32>
    %get3A_8 = arith.constant 0 : index
    %get3A_9 = arith.constant 0 : index
    %get3A_10 = arith.constant 0 : index
    %get3A_11 = vector.load %arg2[%get3A_8, %get3A_9, %get3A_10] : memref<20x256x128xf32, #tpu.memory_space<vmem>>, vector<1x256x128xf32>
    %get3A_12 = vector.shape_cast %get3A_11 : vector<1x256x128xf32> to vector<256x128xf32>
    %sub3A = arith.subf %get3A_12, %get3A_1 : vector<256x128xf32>
    %convert_element_type3A_13 = arith.truncf %sub3A : vector<256x128xf32> to vector<256x128xbf16>
    %concatenate3A = tpu.concatenate %convert_element_type3A, %convert_element_type3A_13 in 1 : vector<256x128xbf16>, vector<256x128xbf16> -> vector<256x256xbf16>
    %dot_general3A = arith.constant dense<0.000000e+00> : vector<256x256xf32>
    %dot_general3A_14 = tpu.matmul %concatenate3A, %get3A_4, %dot_general3A {dimension_numbers = #tpu.dot_dimension_numbers<[1], [0], [0], [1], [0, 0, 1, 1], [], []>, transpose_lhs_hint = false} : vector<256x256xbf16>, vector<256x256xbf16>, vector<256x256xf32> -> vector<256x256xf32>
    %add3A = vector.broadcast %get3A_7 : vector<1x256xf32> to vector<256x256xf32>
    %add3A_15 = arith.addf %dot_general3A_14, %add3A : vector<256x256xf32>
    %get3A_16 = arith.constant 1 : index
    %get3A_17 = arith.constant 0 : index
    %get3A_18 = arith.constant 0 : index
    %get3A_19 = vector.load %arg2[%get3A_16, %get3A_17, %get3A_18] : memref<20x256x128xf32, #tpu.memory_space<vmem>>, vector<1x256x128xf32>
    %get3A_20 = vector.shape_cast %get3A_19 : vector<1x256x128xf32> to vector<256x128xf32>
    %sub3A_21 = arith.subf %get3A_20, %get3A_1 : vector<256x128xf32>
    %convert_element_type3A_22 = arith.truncf %sub3A_21 : vector<256x128xf32> to vector<256x128xbf16>
    %concatenate3A_23 = tpu.concatenate %convert_element_type3A, %convert_element_type3A_22 in 1 : vector<256x128xbf16>, vector<256x128xbf16> -> vector<256x256xbf16>
    %dot_general3A_24 = arith.constant dense<0.000000e+00> : vector<256x256xf32>
    %dot_general3A_25 = tpu.matmul %concatenate3A_23, %get3A_4, %dot_general3A_24 {dimension_numbers = #tpu.dot_dimension_numbers<[1], [0], [0], [1], [0, 0, 1, 1], [], []>, transpose_lhs_hint = false} : vector<256x256xbf16>, vector<256x256xbf16>, vector<256x256xf32> -> vector<256x256xf32>
    %add3A_26 = vector.broadcast %get3A_7 : vector<1x256xf32> to vector<256x256xf32>
    %add3A_27 = arith.addf %dot_general3A_25, %add3A_26 : vector<256x256xf32>
    %max3A = arith.maximumf %add3A_15, %add3A_27 : vector<256x256xf32>
    %get3A_28 = arith.constant 2 : index
    %get3A_29 = arith.constant 0 : index
    %get3A_30 = arith.constant 0 : index
    %get3A_31 = vector.load %arg2[%get3A_28, %get3A_29, %get3A_30] : memref<20x256x128xf32, #tpu.memory_space<vmem>>, vector<1x256x128xf32>
    %get3A_32 = vector.shape_cast %get3A_31 : vector<1x256x128xf32> to vector<256x128xf32>
    %sub3A_33 = arith.subf %get3A_32, %get3A_1 : vector<256x128xf32>
    %convert_element_type3A_34 = arith.truncf %sub3A_33 : vector<256x128xf32> to vector<256x128xbf16>
    %concatenate3A_35 = tpu.concatenate %convert_element_type3A, %convert_element_type3A_34 in 1 : vector<256x128xbf16>, vector<256x128xbf16> -> vector<256x256xbf16>
    %dot_general3A_36 = arith.constant dense<0.000000e+00> : vector<256x256xf32>
    %dot_general3A_37 = tpu.matmul %concatenate3A_35, %get3A_4, %dot_general3A_36 {dimension_numbers = #tpu.dot_dimension_numbers<[1], [0], [0], [1], [0, 0, 1, 1], [], []>, transpose_lhs_hint = false} : vector<256x256xbf16>, vector<256x256xbf16>, vector<256x256xf32> -> vector<256x256xf32>
    %add3A_38 = vector.broadcast %get3A_7 : vector<1x256xf32> to vector<256x256xf32>
    %add3A_39 = arith.addf %dot_general3A_37, %add3A_38 : vector<256x256xf32>
    %max3A_40 = arith.maximumf %max3A, %add3A_39 : vector<256x256xf32>
    %get3A_41 = arith.constant 3 : index
    %get3A_42 = arith.constant 0 : index
    %get3A_43 = arith.constant 0 : index
    %get3A_44 = vector.load %arg2[%get3A_41, %get3A_42, %get3A_43] : memref<20x256x128xf32, #tpu.memory_space<vmem>>, vector<1x256x128xf32>
    %get3A_45 = vector.shape_cast %get3A_44 : vector<1x256x128xf32> to vector<256x128xf32>
    %sub3A_46 = arith.subf %get3A_45, %get3A_1 : vector<256x128xf32>
    %convert_element_type3A_47 = arith.truncf %sub3A_46 : vector<256x128xf32> to vector<256x128xbf16>
    %concatenate3A_48 = tpu.concatenate %convert_element_type3A, %convert_element_type3A_47 in 1 : vector<256x128xbf16>, vector<256x128xbf16> -> vector<256x256xbf16>
    %dot_general3A_49 = arith.constant dense<0.000000e+00> : vector<256x256xf32>
    %dot_general3A_50 = tpu.matmul %concatenate3A_48, %get3A_4, %dot_general3A_49 {dimension_numbers = #tpu.dot_dimension_numbers<[1], [0], [0], [1], [0, 0, 1, 1], [], []>, transpose_lhs_hint = false} : vector<256x256xbf16>, vector<256x256xbf16>, vector<256x256xf32> -> vector<256x256xf32>
    %add3A_51 = vector.broadcast %get3A_7 : vector<1x256xf32> to vector<256x256xf32>
    %add3A_52 = arith.addf %dot_general3A_50, %add3A_51 : vector<256x256xf32>
    %max3A_53 = arith.maximumf %max3A_40, %add3A_52 : vector<256x256xf32>
    %get3A_54 = arith.constant 4 : index
    %get3A_55 = arith.constant 0 : index
    %get3A_56 = arith.constant 0 : index
    %get3A_57 = vector.load %arg2[%get3A_54, %get3A_55, %get3A_56] : memref<20x256x128xf32, #tpu.memory_space<vmem>>, vector<1x256x128xf32>
    %get3A_58 = vector.shape_cast %get3A_57 : vector<1x256x128xf32> to vector<256x128xf32>
    %sub3A_59 = arith.subf %get3A_58, %get3A_1 : vector<256x128xf32>
    %convert_element_type3A_60 = arith.truncf %sub3A_59 : vector<256x128xf32> to vector<256x128xbf16>
    %concatenate3A_61 = tpu.concatenate %convert_element_type3A, %convert_element_type3A_60 in 1 : vector<256x128xbf16>, vector<256x128xbf16> -> vector<256x256xbf16>
    %dot_general3A_62 = arith.constant dense<0.000000e+00> : vector<256x256xf32>
    %dot_general3A_63 = tpu.matmul %concatenate3A_61, %get3A_4, %dot_general3A_62 {dimension_numbers = #tpu.dot_dimension_numbers<[1], [0], [0], [1], [0, 0, 1, 1], [], []>, transpose_lhs_hint = false} : vector<256x256xbf16>, vector<256x256xbf16>, vector<256x256xf32> -> vector<256x256xf32>
    %add3A_64 = vector.broadcast %get3A_7 : vector<1x256xf32> to vector<256x256xf32>
    %add3A_65 = arith.addf %dot_general3A_63, %add3A_64 : vector<256x256xf32>
    %max3A_66 = arith.maximumf %max3A_53, %add3A_65 : vector<256x256xf32>
    %get3A_67 = arith.constant 5 : index
    %get3A_68 = arith.constant 0 : index
    %get3A_69 = arith.constant 0 : index
    %get3A_70 = vector.load %arg2[%get3A_67, %get3A_68, %get3A_69] : memref<20x256x128xf32, #tpu.memory_space<vmem>>, vector<1x256x128xf32>
    %get3A_71 = vector.shape_cast %get3A_70 : vector<1x256x128xf32> to vector<256x128xf32>
    %sub3A_72 = arith.subf %get3A_71, %get3A_1 : vector<256x128xf32>
    %convert_element_type3A_73 = arith.truncf %sub3A_72 : vector<256x128xf32> to vector<256x128xbf16>
    %concatenate3A_74 = tpu.concatenate %convert_element_type3A, %convert_element_type3A_73 in 1 : vector<256x128xbf16>, vector<256x128xbf16> -> vector<256x256xbf16>
    %dot_general3A_75 = arith.constant dense<0.000000e+00> : vector<256x256xf32>
    %dot_general3A_76 = tpu.matmul %concatenate3A_74, %get3A_4, %dot_general3A_75 {dimension_numbers = #tpu.dot_dimension_numbers<[1], [0], [0], [1], [0, 0, 1, 1], [], []>, transpose_lhs_hint = false} : vector<256x256xbf16>, vector<256x256xbf16>, vector<256x256xf32> -> vector<256x256xf32>
    %add3A_77 = vector.broadcast %get3A_7 : vector<1x256xf32> to vector<256x256xf32>
    %add3A_78 = arith.addf %dot_general3A_76, %add3A_77 : vector<256x256xf32>
    %max3A_79 = arith.maximumf %max3A_66, %add3A_78 : vector<256x256xf32>
    %get3A_80 = arith.constant 6 : index
    %get3A_81 = arith.constant 0 : index
    %get3A_82 = arith.constant 0 : index
    %get3A_83 = vector.load %arg2[%get3A_80, %get3A_81, %get3A_82] : memref<20x256x128xf32, #tpu.memory_space<vmem>>, vector<1x256x128xf32>
    %get3A_84 = vector.shape_cast %get3A_83 : vector<1x256x128xf32> to vector<256x128xf32>
    %sub3A_85 = arith.subf %get3A_84, %get3A_1 : vector<256x128xf32>
    %convert_element_type3A_86 = arith.truncf %sub3A_85 : vector<256x128xf32> to vector<256x128xbf16>
    %concatenate3A_87 = tpu.concatenate %convert_element_type3A, %convert_element_type3A_86 in 1 : vector<256x128xbf16>, vector<256x128xbf16> -> vector<256x256xbf16>
    %dot_general3A_88 = arith.constant dense<0.000000e+00> : vector<256x256xf32>
    %dot_general3A_89 = tpu.matmul %concatenate3A_87, %get3A_4, %dot_general3A_88 {dimension_numbers = #tpu.dot_dimension_numbers<[1], [0], [0], [1], [0, 0, 1, 1], [], []>, transpose_lhs_hint = false} : vector<256x256xbf16>, vector<256x256xbf16>, vector<256x256xf32> -> vector<256x256xf32>
    %add3A_90 = vector.broadcast %get3A_7 : vector<1x256xf32> to vector<256x256xf32>
    %add3A_91 = arith.addf %dot_general3A_89, %add3A_90 : vector<256x256xf32>
    %max3A_92 = arith.maximumf %max3A_79, %add3A_91 : vector<256x256xf32>
    %get3A_93 = arith.constant 7 : index
    %get3A_94 = arith.constant 0 : index
    %get3A_95 = arith.constant 0 : index
    %get3A_96 = vector.load %arg2[%get3A_93, %get3A_94, %get3A_95] : memref<20x256x128xf32, #tpu.memory_space<vmem>>, vector<1x256x128xf32>
    %get3A_97 = vector.shape_cast %get3A_96 : vector<1x256x128xf32> to vector<256x128xf32>
    %sub3A_98 = arith.subf %get3A_97, %get3A_1 : vector<256x128xf32>
    %convert_element_type3A_99 = arith.truncf %sub3A_98 : vector<256x128xf32> to vector<256x128xbf16>
    %concatenate3A_100 = tpu.concatenate %convert_element_type3A, %convert_element_type3A_99 in 1 : vector<256x128xbf16>, vector<256x128xbf16> -> vector<256x256xbf16>
    %dot_general3A_101 = arith.constant dense<0.000000e+00> : vector<256x256xf32>
    %dot_general3A_102 = tpu.matmul %concatenate3A_100, %get3A_4, %dot_general3A_101 {dimension_numbers = #tpu.dot_dimension_numbers<[1], [0], [0], [1], [0, 0, 1, 1], [], []>, transpose_lhs_hint = false} : vector<256x256xbf16>, vector<256x256xbf16>, vector<256x256xf32> -> vector<256x256xf32>
    %add3A_103 = vector.broadcast %get3A_7 : vector<1x256xf32> to vector<256x256xf32>
    %add3A_104 = arith.addf %dot_general3A_102, %add3A_103 : vector<256x256xf32>
    %max3A_105 = arith.maximumf %max3A_92, %add3A_104 : vector<256x256xf32>
    %get3A_106 = arith.constant 8 : index
    %get3A_107 = arith.constant 0 : index
    %get3A_108 = arith.constant 0 : index
    %get3A_109 = vector.load %arg2[%get3A_106, %get3A_107, %get3A_108] : memref<20x256x128xf32, #tpu.memory_space<vmem>>, vector<1x256x128xf32>
    %get3A_110 = vector.shape_cast %get3A_109 : vector<1x256x128xf32> to vector<256x128xf32>
    %sub3A_111 = arith.subf %get3A_110, %get3A_1 : vector<256x128xf32>
    %convert_element_type3A_112 = arith.truncf %sub3A_111 : vector<256x128xf32> to vector<256x128xbf16>
    %concatenate3A_113 = tpu.concatenate %convert_element_type3A, %convert_element_type3A_112 in 1 : vector<256x128xbf16>, vector<256x128xbf16> -> vector<256x256xbf16>
    %dot_general3A_114 = arith.constant dense<0.000000e+00> : vector<256x256xf32>
    %dot_general3A_115 = tpu.matmul %concatenate3A_113, %get3A_4, %dot_general3A_114 {dimension_numbers = #tpu.dot_dimension_numbers<[1], [0], [0], [1], [0, 0, 1, 1], [], []>, transpose_lhs_hint = false} : vector<256x256xbf16>, vector<256x256xbf16>, vector<256x256xf32> -> vector<256x256xf32>
    %add3A_116 = vector.broadcast %get3A_7 : vector<1x256xf32> to vector<256x256xf32>
    %add3A_117 = arith.addf %dot_general3A_115, %add3A_116 : vector<256x256xf32>
    %max3A_118 = arith.maximumf %max3A_105, %add3A_117 : vector<256x256xf32>
    %get3A_119 = arith.constant 9 : index
    %get3A_120 = arith.constant 0 : index
    %get3A_121 = arith.constant 0 : index
    %get3A_122 = vector.load %arg2[%get3A_119, %get3A_120, %get3A_121] : memref<20x256x128xf32, #tpu.memory_space<vmem>>, vector<1x256x128xf32>
    %get3A_123 = vector.shape_cast %get3A_122 : vector<1x256x128xf32> to vector<256x128xf32>
    %sub3A_124 = arith.subf %get3A_123, %get3A_1 : vector<256x128xf32>
    %convert_element_type3A_125 = arith.truncf %sub3A_124 : vector<256x128xf32> to vector<256x128xbf16>
    %concatenate3A_126 = tpu.concatenate %convert_element_type3A, %convert_element_type3A_125 in 1 : vector<256x128xbf16>, vector<256x128xbf16> -> vector<256x256xbf16>
    %dot_general3A_127 = arith.constant dense<0.000000e+00> : vector<256x256xf32>
    %dot_general3A_128 = tpu.matmul %concatenate3A_126, %get3A_4, %dot_general3A_127 {dimension_numbers = #tpu.dot_dimension_numbers<[1], [0], [0], [1], [0, 0, 1, 1], [], []>, transpose_lhs_hint = false} : vector<256x256xbf16>, vector<256x256xbf16>, vector<256x256xf32> -> vector<256x256xf32>
    %add3A_129 = vector.broadcast %get3A_7 : vector<1x256xf32> to vector<256x256xf32>
    %add3A_130 = arith.addf %dot_general3A_128, %add3A_129 : vector<256x256xf32>
    %max3A_131 = arith.maximumf %max3A_118, %add3A_130 : vector<256x256xf32>
    %get3A_132 = arith.constant 10 : index
    %get3A_133 = arith.constant 0 : index
    %get3A_134 = arith.constant 0 : index
    %get3A_135 = vector.load %arg2[%get3A_132, %get3A_133, %get3A_134] : memref<20x256x128xf32, #tpu.memory_space<vmem>>, vector<1x256x128xf32>
    %get3A_136 = vector.shape_cast %get3A_135 : vector<1x256x128xf32> to vector<256x128xf32>
    %sub3A_137 = arith.subf %get3A_136, %get3A_1 : vector<256x128xf32>
    %convert_element_type3A_138 = arith.truncf %sub3A_137 : vector<256x128xf32> to vector<256x128xbf16>
    %concatenate3A_139 = tpu.concatenate %convert_element_type3A, %convert_element_type3A_138 in 1 : vector<256x128xbf16>, vector<256x128xbf16> -> vector<256x256xbf16>
    %dot_general3A_140 = arith.constant dense<0.000000e+00> : vector<256x256xf32>
    %dot_general3A_141 = tpu.matmul %concatenate3A_139, %get3A_4, %dot_general3A_140 {dimension_numbers = #tpu.dot_dimension_numbers<[1], [0], [0], [1], [0, 0, 1, 1], [], []>, transpose_lhs_hint = false} : vector<256x256xbf16>, vector<256x256xbf16>, vector<256x256xf32> -> vector<256x256xf32>
    %add3A_142 = vector.broadcast %get3A_7 : vector<1x256xf32> to vector<256x256xf32>
    %add3A_143 = arith.addf %dot_general3A_141, %add3A_142 : vector<256x256xf32>
    %max3A_144 = arith.maximumf %max3A_131, %add3A_143 : vector<256x256xf32>
    %get3A_145 = arith.constant 11 : index
    %get3A_146 = arith.constant 0 : index
    %get3A_147 = arith.constant 0 : index
    %get3A_148 = vector.load %arg2[%get3A_145, %get3A_146, %get3A_147] : memref<20x256x128xf32, #tpu.memory_space<vmem>>, vector<1x256x128xf32>
    %get3A_149 = vector.shape_cast %get3A_148 : vector<1x256x128xf32> to vector<256x128xf32>
    %sub3A_150 = arith.subf %get3A_149, %get3A_1 : vector<256x128xf32>
    %convert_element_type3A_151 = arith.truncf %sub3A_150 : vector<256x128xf32> to vector<256x128xbf16>
    %concatenate3A_152 = tpu.concatenate %convert_element_type3A, %convert_element_type3A_151 in 1 : vector<256x128xbf16>, vector<256x128xbf16> -> vector<256x256xbf16>
    %dot_general3A_153 = arith.constant dense<0.000000e+00> : vector<256x256xf32>
    %dot_general3A_154 = tpu.matmul %concatenate3A_152, %get3A_4, %dot_general3A_153 {dimension_numbers = #tpu.dot_dimension_numbers<[1], [0], [0], [1], [0, 0, 1, 1], [], []>, transpose_lhs_hint = false} : vector<256x256xbf16>, vector<256x256xbf16>, vector<256x256xf32> -> vector<256x256xf32>
    %add3A_155 = vector.broadcast %get3A_7 : vector<1x256xf32> to vector<256x256xf32>
    %add3A_156 = arith.addf %dot_general3A_154, %add3A_155 : vector<256x256xf32>
    %max3A_157 = arith.maximumf %max3A_144, %add3A_156 : vector<256x256xf32>
    %get3A_158 = arith.constant 12 : index
    %get3A_159 = arith.constant 0 : index
    %get3A_160 = arith.constant 0 : index
    %get3A_161 = vector.load %arg2[%get3A_158, %get3A_159, %get3A_160] : memref<20x256x128xf32, #tpu.memory_space<vmem>>, vector<1x256x128xf32>
    %get3A_162 = vector.shape_cast %get3A_161 : vector<1x256x128xf32> to vector<256x128xf32>
    %sub3A_163 = arith.subf %get3A_162, %get3A_1 : vector<256x128xf32>
    %convert_element_type3A_164 = arith.truncf %sub3A_163 : vector<256x128xf32> to vector<256x128xbf16>
    %concatenate3A_165 = tpu.concatenate %convert_element_type3A, %convert_element_type3A_164 in 1 : vector<256x128xbf16>, vector<256x128xbf16> -> vector<256x256xbf16>
    %dot_general3A_166 = arith.constant dense<0.000000e+00> : vector<256x256xf32>
    %dot_general3A_167 = tpu.matmul %concatenate3A_165, %get3A_4, %dot_general3A_166 {dimension_numbers = #tpu.dot_dimension_numbers<[1], [0], [0], [1], [0, 0, 1, 1], [], []>, transpose_lhs_hint = false} : vector<256x256xbf16>, vector<256x256xbf16>, vector<256x256xf32> -> vector<256x256xf32>
    %add3A_168 = vector.broadcast %get3A_7 : vector<1x256xf32> to vector<256x256xf32>
    %add3A_169 = arith.addf %dot_general3A_167, %add3A_168 : vector<256x256xf32>
    %max3A_170 = arith.maximumf %max3A_157, %add3A_169 : vector<256x256xf32>
    %get3A_171 = arith.constant 13 : index
    %get3A_172 = arith.constant 0 : index
    %get3A_173 = arith.constant 0 : index
    %get3A_174 = vector.load %arg2[%get3A_171, %get3A_172, %get3A_173] : memref<20x256x128xf32, #tpu.memory_space<vmem>>, vector<1x256x128xf32>
    %get3A_175 = vector.shape_cast %get3A_174 : vector<1x256x128xf32> to vector<256x128xf32>
    %sub3A_176 = arith.subf %get3A_175, %get3A_1 : vector<256x128xf32>
    %convert_element_type3A_177 = arith.truncf %sub3A_176 : vector<256x128xf32> to vector<256x128xbf16>
    %concatenate3A_178 = tpu.concatenate %convert_element_type3A, %convert_element_type3A_177 in 1 : vector<256x128xbf16>, vector<256x128xbf16> -> vector<256x256xbf16>
    %dot_general3A_179 = arith.constant dense<0.000000e+00> : vector<256x256xf32>
    %dot_general3A_180 = tpu.matmul %concatenate3A_178, %get3A_4, %dot_general3A_179 {dimension_numbers = #tpu.dot_dimension_numbers<[1], [0], [0], [1], [0, 0, 1, 1], [], []>, transpose_lhs_hint = false} : vector<256x256xbf16>, vector<256x256xbf16>, vector<256x256xf32> -> vector<256x256xf32>
    %add3A_181 = vector.broadcast %get3A_7 : vector<1x256xf32> to vector<256x256xf32>
    %add3A_182 = arith.addf %dot_general3A_180, %add3A_181 : vector<256x256xf32>
    %max3A_183 = arith.maximumf %max3A_170, %add3A_182 : vector<256x256xf32>
    %get3A_184 = arith.constant 14 : index
    %get3A_185 = arith.constant 0 : index
    %get3A_186 = arith.constant 0 : index
    %get3A_187 = vector.load %arg2[%get3A_184, %get3A_185, %get3A_186] : memref<20x256x128xf32, #tpu.memory_space<vmem>>, vector<1x256x128xf32>
    %get3A_188 = vector.shape_cast %get3A_187 : vector<1x256x128xf32> to vector<256x128xf32>
    %sub3A_189 = arith.subf %get3A_188, %get3A_1 : vector<256x128xf32>
    %convert_element_type3A_190 = arith.truncf %sub3A_189 : vector<256x128xf32> to vector<256x128xbf16>
    %concatenate3A_191 = tpu.concatenate %convert_element_type3A, %convert_element_type3A_190 in 1 : vector<256x128xbf16>, vector<256x128xbf16> -> vector<256x256xbf16>
    %dot_general3A_192 = arith.constant dense<0.000000e+00> : vector<256x256xf32>
    %dot_general3A_193 = tpu.matmul %concatenate3A_191, %get3A_4, %dot_general3A_192 {dimension_numbers = #tpu.dot_dimension_numbers<[1], [0], [0], [1], [0, 0, 1, 1], [], []>, transpose_lhs_hint = false} : vector<256x256xbf16>, vector<256x256xbf16>, vector<256x256xf32> -> vector<256x256xf32>
    %add3A_194 = vector.broadcast %get3A_7 : vector<1x256xf32> to vector<256x256xf32>
    %add3A_195 = arith.addf %dot_general3A_193, %add3A_194 : vector<256x256xf32>
    %max3A_196 = arith.maximumf %max3A_183, %add3A_195 : vector<256x256xf32>
    %get3A_197 = arith.constant 15 : index
    %get3A_198 = arith.constant 0 : index
    %get3A_199 = arith.constant 0 : index
    %get3A_200 = vector.load %arg2[%get3A_197, %get3A_198, %get3A_199] : memref<20x256x128xf32, #tpu.memory_space<vmem>>, vector<1x256x128xf32>
    %get3A_201 = vector.shape_cast %get3A_200 : vector<1x256x128xf32> to vector<256x128xf32>
    %sub3A_202 = arith.subf %get3A_201, %get3A_1 : vector<256x128xf32>
    %convert_element_type3A_203 = arith.truncf %sub3A_202 : vector<256x128xf32> to vector<256x128xbf16>
    %concatenate3A_204 = tpu.concatenate %convert_element_type3A, %convert_element_type3A_203 in 1 : vector<256x128xbf16>, vector<256x128xbf16> -> vector<256x256xbf16>
    %dot_general3A_205 = arith.constant dense<0.000000e+00> : vector<256x256xf32>
    %dot_general3A_206 = tpu.matmul %concatenate3A_204, %get3A_4, %dot_general3A_205 {dimension_numbers = #tpu.dot_dimension_numbers<[1], [0], [0], [1], [0, 0, 1, 1], [], []>, transpose_lhs_hint = false} : vector<256x256xbf16>, vector<256x256xbf16>, vector<256x256xf32> -> vector<256x256xf32>
    %add3A_207 = vector.broadcast %get3A_7 : vector<1x256xf32> to vector<256x256xf32>
    %add3A_208 = arith.addf %dot_general3A_206, %add3A_207 : vector<256x256xf32>
    %max3A_209 = arith.maximumf %max3A_196, %add3A_208 : vector<256x256xf32>
    %get3A_210 = arith.constant 16 : index
    %get3A_211 = arith.constant 0 : index
    %get3A_212 = arith.constant 0 : index
    %get3A_213 = vector.load %arg2[%get3A_210, %get3A_211, %get3A_212] : memref<20x256x128xf32, #tpu.memory_space<vmem>>, vector<1x256x128xf32>
    %get3A_214 = vector.shape_cast %get3A_213 : vector<1x256x128xf32> to vector<256x128xf32>
    %sub3A_215 = arith.subf %get3A_214, %get3A_1 : vector<256x128xf32>
    %convert_element_type3A_216 = arith.truncf %sub3A_215 : vector<256x128xf32> to vector<256x128xbf16>
    %concatenate3A_217 = tpu.concatenate %convert_element_type3A, %convert_element_type3A_216 in 1 : vector<256x128xbf16>, vector<256x128xbf16> -> vector<256x256xbf16>
    %dot_general3A_218 = arith.constant dense<0.000000e+00> : vector<256x256xf32>
    %dot_general3A_219 = tpu.matmul %concatenate3A_217, %get3A_4, %dot_general3A_218 {dimension_numbers = #tpu.dot_dimension_numbers<[1], [0], [0], [1], [0, 0, 1, 1], [], []>, transpose_lhs_hint = false} : vector<256x256xbf16>, vector<256x256xbf16>, vector<256x256xf32> -> vector<256x256xf32>
    %add3A_220 = vector.broadcast %get3A_7 : vector<1x256xf32> to vector<256x256xf32>
    %add3A_221 = arith.addf %dot_general3A_219, %add3A_220 : vector<256x256xf32>
    %max3A_222 = arith.maximumf %max3A_209, %add3A_221 : vector<256x256xf32>
    %get3A_223 = arith.constant 17 : index
    %get3A_224 = arith.constant 0 : index
    %get3A_225 = arith.constant 0 : index
    %get3A_226 = vector.load %arg2[%get3A_223, %get3A_224, %get3A_225] : memref<20x256x128xf32, #tpu.memory_space<vmem>>, vector<1x256x128xf32>
    %get3A_227 = vector.shape_cast %get3A_226 : vector<1x256x128xf32> to vector<256x128xf32>
    %sub3A_228 = arith.subf %get3A_227, %get3A_1 : vector<256x128xf32>
    %convert_element_type3A_229 = arith.truncf %sub3A_228 : vector<256x128xf32> to vector<256x128xbf16>
    %concatenate3A_230 = tpu.concatenate %convert_element_type3A, %convert_element_type3A_229 in 1 : vector<256x128xbf16>, vector<256x128xbf16> -> vector<256x256xbf16>
    %dot_general3A_231 = arith.constant dense<0.000000e+00> : vector<256x256xf32>
    %dot_general3A_232 = tpu.matmul %concatenate3A_230, %get3A_4, %dot_general3A_231 {dimension_numbers = #tpu.dot_dimension_numbers<[1], [0], [0], [1], [0, 0, 1, 1], [], []>, transpose_lhs_hint = false} : vector<256x256xbf16>, vector<256x256xbf16>, vector<256x256xf32> -> vector<256x256xf32>
    %add3A_233 = vector.broadcast %get3A_7 : vector<1x256xf32> to vector<256x256xf32>
    %add3A_234 = arith.addf %dot_general3A_232, %add3A_233 : vector<256x256xf32>
    %max3A_235 = arith.maximumf %max3A_222, %add3A_234 : vector<256x256xf32>
    %get3A_236 = arith.constant 18 : index
    %get3A_237 = arith.constant 0 : index
    %get3A_238 = arith.constant 0 : index
    %get3A_239 = vector.load %arg2[%get3A_236, %get3A_237, %get3A_238] : memref<20x256x128xf32, #tpu.memory_space<vmem>>, vector<1x256x128xf32>
    %get3A_240 = vector.shape_cast %get3A_239 : vector<1x256x128xf32> to vector<256x128xf32>
    %sub3A_241 = arith.subf %get3A_240, %get3A_1 : vector<256x128xf32>
    %convert_element_type3A_242 = arith.truncf %sub3A_241 : vector<256x128xf32> to vector<256x128xbf16>
    %concatenate3A_243 = tpu.concatenate %convert_element_type3A, %convert_element_type3A_242 in 1 : vector<256x128xbf16>, vector<256x128xbf16> -> vector<256x256xbf16>
    %dot_general3A_244 = arith.constant dense<0.000000e+00> : vector<256x256xf32>
    %dot_general3A_245 = tpu.matmul %concatenate3A_243, %get3A_4, %dot_general3A_244 {dimension_numbers = #tpu.dot_dimension_numbers<[1], [0], [0], [1], [0, 0, 1, 1], [], []>, transpose_lhs_hint = false} : vector<256x256xbf16>, vector<256x256xbf16>, vector<256x256xf32> -> vector<256x256xf32>
    %add3A_246 = vector.broadcast %get3A_7 : vector<1x256xf32> to vector<256x256xf32>
    %add3A_247 = arith.addf %dot_general3A_245, %add3A_246 : vector<256x256xf32>
    %max3A_248 = arith.maximumf %max3A_235, %add3A_247 : vector<256x256xf32>
    %get3A_249 = arith.constant 19 : index
    %get3A_250 = arith.constant 0 : index
    %get3A_251 = arith.constant 0 : index
    %get3A_252 = vector.load %arg2[%get3A_249, %get3A_250, %get3A_251] : memref<20x256x128xf32, #tpu.memory_space<vmem>>, vector<1x256x128xf32>
    %get3A_253 = vector.shape_cast %get3A_252 : vector<1x256x128xf32> to vector<256x128xf32>
    %sub3A_254 = arith.subf %get3A_253, %get3A_1 : vector<256x128xf32>
    %convert_element_type3A_255 = arith.truncf %sub3A_254 : vector<256x128xf32> to vector<256x128xbf16>
    %concatenate3A_256 = tpu.concatenate %convert_element_type3A, %convert_element_type3A_255 in 1 : vector<256x128xbf16>, vector<256x128xbf16> -> vector<256x256xbf16>
    %dot_general3A_257 = arith.constant dense<0.000000e+00> : vector<256x256xf32>
    %dot_general3A_258 = tpu.matmul %concatenate3A_256, %get3A_4, %dot_general3A_257 {dimension_numbers = #tpu.dot_dimension_numbers<[1], [0], [0], [1], [0, 0, 1, 1], [], []>, transpose_lhs_hint = false} : vector<256x256xbf16>, vector<256x256xbf16>, vector<256x256xf32> -> vector<256x256xf32>
    %add3A_259 = vector.broadcast %get3A_7 : vector<1x256xf32> to vector<256x256xf32>
    %add3A_260 = arith.addf %dot_general3A_258, %add3A_259 : vector<256x256xf32>
    %max3A_261 = arith.maximumf %max3A_248, %add3A_260 : vector<256x256xf32>
    %swap3A = arith.constant 0 : index
    %swap3A_262 = arith.constant 0 : index
    %swap3A_263 = vector.load %arg5[%swap3A, %swap3A_262] : memref<256x256xf32, #tpu.memory_space<vmem>>, vector<256x256xf32>
    tpu.vector_store %arg5[%swap3A, %swap3A_262], %max3A_261 {strides = array<i32>} : memref<256x256xf32, #tpu.memory_space<vmem>>, vector<256x256xf32>,
    return
  }
  func.func @transform_0(%arg0: i32) -> (i32, i32) {
    %c0_i32 = arith.constant 0 : i32
    %c0_i32_0 = arith.constant 0 : i32
    return %arg0, %c0_i32 : i32, i32
  }
  func.func @transform_1(%arg0: i32) -> (i32, i32, i32) {
    %c0_i32 = arith.constant 0 : i32
    %c0_i32_0 = arith.constant 0 : i32
    %c0_i32_1 = arith.constant 0 : i32
    return %c0_i32, %arg0, %c0_i32_0 : i32, i32, i32
  }
  func.func @transform_2(%arg0: i32) -> (i32, i32) {
    %c0_i32 = arith.constant 0 : i32
    %c0_i32_0 = arith.constant 0 : i32
    %c0_i32_1 = arith.constant 0 : i32
    return %c0_i32, %c0_i32_0 : i32, i32
  }
  func.func @transform_3(%arg0: i32) -> (i32, i32) {
    %c0_i32 = arith.constant 0 : i32
    %c0_i32_0 = arith.constant 0 : i32
    %c0_i32_1 = arith.constant 0 : i32
    return %c0_i32, %c0_i32_0 : i32, i32
  }
  func.func @transform_4(%arg0: i32) -> (i32, i32) {
    %c0_i32 = arith.constant 0 : i32
    %c0_i32_0 = arith.constant 0 : i32
    return %arg0, %c0_i32 : i32, i32
  }
}

module attributes {stable_mosaic.version = 14 : i64} {
  func.func @_head_body(%arg0: memref<4096x64xf32, #tpu.memory_space<vmem>>, %arg1: memref<4096x64xf32, #tpu.memory_space<vmem>>, %arg2: memref<4096x128xf32, #tpu.memory_space<vmem>>, %arg3: memref<4096x256xf32, #tpu.memory_space<vmem>>, %arg4: memref<4096x8xi32, #tpu.memory_space<vmem>>, %arg5: memref<8x4096xi32, #tpu.memory_space<vmem>>, %arg6: memref<512x1024xbf16, #tpu.memory_space<vmem>>, %arg7: memref<1x1024xf32, #tpu.memory_space<vmem>>, %arg8: memref<2048x512xbf16, #tpu.memory_space<vmem>>, %arg9: memref<1x512xf32, #tpu.memory_space<vmem>>, %arg10: memref<512x256xbf16, #tpu.memory_space<vmem>>, %arg11: memref<1x256xf32, #tpu.memory_space<vmem>>, %arg12: memref<256x40xbf16, #tpu.memory_space<vmem>>, %arg13: memref<1x40xf32, #tpu.memory_space<vmem>>, %arg14: memref<8x128xf32, #tpu.memory_space<vmem>>) attributes {dimension_semantics = [], scalar_prefetch = 0 : i64, scratch_operands = 0 : i64, tpu.core_type = #tpu.core_type<tc>} {
    %get3A = arith.constant 0 : index
    %get3A_0 = arith.constant 0 : index
    %get3A_1 = vector.load %arg0[%get3A, %get3A_0] : memref<4096x64xf32, #tpu.memory_space<vmem>>, vector<4096x64xf32>
    %get3A_2 = arith.constant 0 : index
    %get3A_3 = arith.constant 0 : index
    %get3A_4 = vector.load %arg1[%get3A_2, %get3A_3] : memref<4096x64xf32, #tpu.memory_space<vmem>>, vector<4096x64xf32>
    %get3A_5 = arith.constant 0 : index
    %get3A_6 = arith.constant 0 : index
    %get3A_7 = vector.load %arg2[%get3A_5, %get3A_6] : memref<4096x128xf32, #tpu.memory_space<vmem>>, vector<4096x128xf32>
    %get3A_8 = arith.constant 0 : index
    %get3A_9 = arith.constant 0 : index
    %get3A_10 = vector.load %arg3[%get3A_8, %get3A_9] : memref<4096x256xf32, #tpu.memory_space<vmem>>, vector<4096x256xf32>
    %concatenate3A = tpu.concatenate %get3A_1, %get3A_4, %get3A_7, %get3A_10 in 1 : vector<4096x64xf32>, vector<4096x64xf32>, vector<4096x128xf32>, vector<4096x256xf32> -> vector<4096x512xf32>
    %convert_element_type3A = arith.truncf %concatenate3A : vector<4096x512xf32> to vector<4096x512xbf16>
    %get3A_11 = arith.constant 0 : index
    %get3A_12 = arith.constant 0 : index
    %get3A_13 = vector.load %arg6[%get3A_11, %get3A_12] : memref<512x1024xbf16, #tpu.memory_space<vmem>>, vector<512x1024xbf16>
    %dot_general3A = arith.constant dense<0.000000e+00> : vector<4096x1024xf32>
    %dot_general3A_14 = tpu.matmul %convert_element_type3A, %get3A_13, %dot_general3A {dimension_numbers = #tpu.dot_dimension_numbers<[1], [0], [0], [1], [0, 0, 1, 1], [], []>, transpose_lhs_hint = false} : vector<4096x512xbf16>, vector<512x1024xbf16>, vector<4096x1024xf32> -> vector<4096x1024xf32>
    %get3A_15 = arith.constant 0 : index
    %get3A_16 = arith.constant 0 : index
    %get3A_17 = vector.load %arg7[%get3A_15, %get3A_16] : memref<1x1024xf32, #tpu.memory_space<vmem>>, vector<1x1024xf32>
    %add3A = vector.broadcast %get3A_17 : vector<1x1024xf32> to vector<4096x1024xf32>
    %add3A_18 = arith.addf %dot_general3A_14, %add3A : vector<4096x1024xf32>
    %get3A_19 = arith.constant 0 : index
    %get3A_20 = arith.constant 0 : index
    %get3A_21 = vector.load %arg5[%get3A_19, %get3A_20] : memref<8x4096xi32, #tpu.memory_space<vmem>>, vector<8x4096xi32>
    %slice3A = vector.extract_strided_slice %get3A_21 {offsets = [0, 0], sizes = [1, 4096], strides = [1, 1]} : vector<8x4096xi32> to vector<1x4096xi32>
    %iota3A = tpu.iota {dimensions = array<i32: 0>} : vector<8x4096xi32>
    %eq3A = vector.broadcast %slice3A : vector<1x4096xi32> to vector<8x4096xi32>
    %eq3A_22 = arith.cmpi eq, %iota3A, %eq3A : vector<8x4096xi32>
    %convert_element_type3A_23 = arith.extui %eq3A_22 : vector<8x4096xi1> to vector<8x4096xi32>
    %convert_element_type3A_24 = arith.sitofp %convert_element_type3A_23 : vector<8x4096xi32> to vector<8x4096xf32>
    %dot_general3A_25 = arith.constant dense<0.000000e+00> : vector<8x1024xf32>
    %dot_general3A_26 = tpu.matmul %convert_element_type3A_24, %add3A_18, %dot_general3A_25 {dimension_numbers = #tpu.dot_dimension_numbers<[1], [0], [0], [1], [0, 0, 1, 1], [], []>, transpose_lhs_hint = false} : vector<8x4096xf32>, vector<4096x1024xf32>, vector<8x1024xf32> -> vector<8x1024xf32>
    %reduce_sum3A = arith.constant dense<0.000000e+00> : vector<8xf32>
    %reduce_sum3A_27 = vector.multi_reduction <add>, %convert_element_type3A_24, %reduce_sum3A [1] : vector<8x4096xf32> to vector<8xf32>
    %broadcast_in_dim3A = vector.shape_cast %reduce_sum3A_27 : vector<8xf32> to vector<8x1xf32>
    %max3A = arith.constant 1.000000e+00 : f32
    %max3A_28 = vector.broadcast %max3A : f32 to vector<8x1xf32>
    %max3A_29 = arith.maximumf %broadcast_in_dim3A, %max3A_28 : vector<8x1xf32>
    %div3A = vector.broadcast %max3A_29 : vector<8x1xf32> to vector<8x1024xf32>
    %div3A_30 = arith.divf %dot_general3A_26, %div3A : vector<8x1024xf32>
    %get3A_31 = arith.constant 0 : index
    %get3A_32 = arith.constant 0 : index
    %get3A_33 = vector.load %arg4[%get3A_31, %get3A_32] : memref<4096x8xi32, #tpu.memory_space<vmem>>, vector<4096x8xi32>
    %slice3A_34 = vector.extract_strided_slice %get3A_33 {offsets = [0, 0], sizes = [4096, 1], strides = [1, 1]} : vector<4096x8xi32> to vector<4096x1xi32>
    %eq3A_35 = arith.constant 0 : i32
    %eq3A_36 = vector.broadcast %eq3A_35 : i32 to vector<4096x1xi32>
    %eq3A_37 = arith.cmpi eq, %slice3A_34, %eq3A_36 : vector<4096x1xi32>
    %jit3A = arith.constant 0xFF800000 : f32
    %broadcast_in_dim3A_38 = vector.shape_cast %eq3A_37 : vector<4096x1xi1> to vector<4096x1xi1>
    %broadcast_in_dim3A_39 = vector.broadcast %broadcast_in_dim3A_38 : vector<4096x1xi1> to vector<4096x1024xi1>
    %broadcast_in_dim3A_40 = vector.broadcast %jit3A : f32 to vector<4096x1024xf32>
    %select_n3A = arith.select %broadcast_in_dim3A_39, %add3A_18, %broadcast_in_dim3A_40 : vector<4096x1024xi1>, vector<4096x1024xf32>
    %reduce_max3A = arith.constant dense<0xFF800000> : vector<1024xf32>
    %reduce_max3A_41 = vector.multi_reduction <maximumf>, %select_n3A, %reduce_max3A [0] : vector<4096x1024xf32> to vector<1024xf32>
    %broadcast_in_dim3A_42 = vector.shape_cast %reduce_max3A_41 : vector<1024xf32> to vector<1x1024xf32>
    %eq3A_43 = arith.constant 1 : i32
    %eq3A_44 = vector.broadcast %eq3A_43 : i32 to vector<4096x1xi32>
    %eq3A_45 = arith.cmpi eq, %slice3A_34, %eq3A_44 : vector<4096x1xi32>
    %jit3A_46 = arith.constant 0xFF800000 : f32
    %broadcast_in_dim3A_47 = vector.shape_cast %eq3A_45 : vector<4096x1xi1> to vector<4096x1xi1>
    %broadcast_in_dim3A_48 = vector.broadcast %broadcast_in_dim3A_47 : vector<4096x1xi1> to vector<4096x1024xi1>
    %broadcast_in_dim3A_49 = vector.broadcast %jit3A_46 : f32 to vector<4096x1024xf32>
    %select_n3A_50 = arith.select %broadcast_in_dim3A_48, %add3A_18, %broadcast_in_dim3A_49 : vector<4096x1024xi1>, vector<4096x1024xf32>
    %reduce_max3A_51 = arith.constant dense<0xFF800000> : vector<1024xf32>
    %reduce_max3A_52 = vector.multi_reduction <maximumf>, %select_n3A_50, %reduce_max3A_51 [0] : vector<4096x1024xf32> to vector<1024xf32>
    %broadcast_in_dim3A_53 = vector.shape_cast %reduce_max3A_52 : vector<1024xf32> to vector<1x1024xf32>
    %eq3A_54 = arith.constant 2 : i32
    %eq3A_55 = vector.broadcast %eq3A_54 : i32 to vector<4096x1xi32>
    %eq3A_56 = arith.cmpi eq, %slice3A_34, %eq3A_55 : vector<4096x1xi32>
    %jit3A_57 = arith.constant 0xFF800000 : f32
    %broadcast_in_dim3A_58 = vector.shape_cast %eq3A_56 : vector<4096x1xi1> to vector<4096x1xi1>
    %broadcast_in_dim3A_59 = vector.broadcast %broadcast_in_dim3A_58 : vector<4096x1xi1> to vector<4096x1024xi1>
    %broadcast_in_dim3A_60 = vector.broadcast %jit3A_57 : f32 to vector<4096x1024xf32>
    %select_n3A_61 = arith.select %broadcast_in_dim3A_59, %add3A_18, %broadcast_in_dim3A_60 : vector<4096x1024xi1>, vector<4096x1024xf32>
    %reduce_max3A_62 = arith.constant dense<0xFF800000> : vector<1024xf32>
    %reduce_max3A_63 = vector.multi_reduction <maximumf>, %select_n3A_61, %reduce_max3A_62 [0] : vector<4096x1024xf32> to vector<1024xf32>
    %broadcast_in_dim3A_64 = vector.shape_cast %reduce_max3A_63 : vector<1024xf32> to vector<1x1024xf32>
    %eq3A_65 = arith.constant 3 : i32
    %eq3A_66 = vector.broadcast %eq3A_65 : i32 to vector<4096x1xi32>
    %eq3A_67 = arith.cmpi eq, %slice3A_34, %eq3A_66 : vector<4096x1xi32>
    %jit3A_68 = arith.constant 0xFF800000 : f32
    %broadcast_in_dim3A_69 = vector.shape_cast %eq3A_67 : vector<4096x1xi1> to vector<4096x1xi1>
    %broadcast_in_dim3A_70 = vector.broadcast %broadcast_in_dim3A_69 : vector<4096x1xi1> to vector<4096x1024xi1>
    %broadcast_in_dim3A_71 = vector.broadcast %jit3A_68 : f32 to vector<4096x1024xf32>
    %select_n3A_72 = arith.select %broadcast_in_dim3A_70, %add3A_18, %broadcast_in_dim3A_71 : vector<4096x1024xi1>, vector<4096x1024xf32>
    %reduce_max3A_73 = arith.constant dense<0xFF800000> : vector<1024xf32>
    %reduce_max3A_74 = vector.multi_reduction <maximumf>, %select_n3A_72, %reduce_max3A_73 [0] : vector<4096x1024xf32> to vector<1024xf32>
    %broadcast_in_dim3A_75 = vector.shape_cast %reduce_max3A_74 : vector<1024xf32> to vector<1x1024xf32>
    %eq3A_76 = arith.constant 4 : i32
    %eq3A_77 = vector.broadcast %eq3A_76 : i32 to vector<4096x1xi32>
    %eq3A_78 = arith.cmpi eq, %slice3A_34, %eq3A_77 : vector<4096x1xi32>
    %jit3A_79 = arith.constant 0xFF800000 : f32
    %broadcast_in_dim3A_80 = vector.shape_cast %eq3A_78 : vector<4096x1xi1> to vector<4096x1xi1>
    %broadcast_in_dim3A_81 = vector.broadcast %broadcast_in_dim3A_80 : vector<4096x1xi1> to vector<4096x1024xi1>
    %broadcast_in_dim3A_82 = vector.broadcast %jit3A_79 : f32 to vector<4096x1024xf32>
    %select_n3A_83 = arith.select %broadcast_in_dim3A_81, %add3A_18, %broadcast_in_dim3A_82 : vector<4096x1024xi1>, vector<4096x1024xf32>
    %reduce_max3A_84 = arith.constant dense<0xFF800000> : vector<1024xf32>
    %reduce_max3A_85 = vector.multi_reduction <maximumf>, %select_n3A_83, %reduce_max3A_84 [0] : vector<4096x1024xf32> to vector<1024xf32>
    %broadcast_in_dim3A_86 = vector.shape_cast %reduce_max3A_85 : vector<1024xf32> to vector<1x1024xf32>
    %eq3A_87 = arith.constant 5 : i32
    %eq3A_88 = vector.broadcast %eq3A_87 : i32 to vector<4096x1xi32>
    %eq3A_89 = arith.cmpi eq, %slice3A_34, %eq3A_88 : vector<4096x1xi32>
    %jit3A_90 = arith.constant 0xFF800000 : f32
    %broadcast_in_dim3A_91 = vector.shape_cast %eq3A_89 : vector<4096x1xi1> to vector<4096x1xi1>
    %broadcast_in_dim3A_92 = vector.broadcast %broadcast_in_dim3A_91 : vector<4096x1xi1> to vector<4096x1024xi1>
    %broadcast_in_dim3A_93 = vector.broadcast %jit3A_90 : f32 to vector<4096x1024xf32>
    %select_n3A_94 = arith.select %broadcast_in_dim3A_92, %add3A_18, %broadcast_in_dim3A_93 : vector<4096x1024xi1>, vector<4096x1024xf32>
    %reduce_max3A_95 = arith.constant dense<0xFF800000> : vector<1024xf32>
    %reduce_max3A_96 = vector.multi_reduction <maximumf>, %select_n3A_94, %reduce_max3A_95 [0] : vector<4096x1024xf32> to vector<1024xf32>
    %broadcast_in_dim3A_97 = vector.shape_cast %reduce_max3A_96 : vector<1024xf32> to vector<1x1024xf32>
    %eq3A_98 = arith.constant 6 : i32
    %eq3A_99 = vector.broadcast %eq3A_98 : i32 to vector<4096x1xi32>
    %eq3A_100 = arith.cmpi eq, %slice3A_34, %eq3A_99 : vector<4096x1xi32>
    %jit3A_101 = arith.constant 0xFF800000 : f32
    %broadcast_in_dim3A_102 = vector.shape_cast %eq3A_100 : vector<4096x1xi1> to vector<4096x1xi1>
    %broadcast_in_dim3A_103 = vector.broadcast %broadcast_in_dim3A_102 : vector<4096x1xi1> to vector<4096x1024xi1>
    %broadcast_in_dim3A_104 = vector.broadcast %jit3A_101 : f32 to vector<4096x1024xf32>
    %select_n3A_105 = arith.select %broadcast_in_dim3A_103, %add3A_18, %broadcast_in_dim3A_104 : vector<4096x1024xi1>, vector<4096x1024xf32>
    %reduce_max3A_106 = arith.constant dense<0xFF800000> : vector<1024xf32>
    %reduce_max3A_107 = vector.multi_reduction <maximumf>, %select_n3A_105, %reduce_max3A_106 [0] : vector<4096x1024xf32> to vector<1024xf32>
    %broadcast_in_dim3A_108 = vector.shape_cast %reduce_max3A_107 : vector<1024xf32> to vector<1x1024xf32>
    %eq3A_109 = arith.constant 7 : i32
    %eq3A_110 = vector.broadcast %eq3A_109 : i32 to vector<4096x1xi32>
    %eq3A_111 = arith.cmpi eq, %slice3A_34, %eq3A_110 : vector<4096x1xi32>
    %jit3A_112 = arith.constant 0xFF800000 : f32
    %broadcast_in_dim3A_113 = vector.shape_cast %eq3A_111 : vector<4096x1xi1> to vector<4096x1xi1>
    %broadcast_in_dim3A_114 = vector.broadcast %broadcast_in_dim3A_113 : vector<4096x1xi1> to vector<4096x1024xi1>
    %broadcast_in_dim3A_115 = vector.broadcast %jit3A_112 : f32 to vector<4096x1024xf32>
    %select_n3A_116 = arith.select %broadcast_in_dim3A_114, %add3A_18, %broadcast_in_dim3A_115 : vector<4096x1024xi1>, vector<4096x1024xf32>
    %reduce_max3A_117 = arith.constant dense<0xFF800000> : vector<1024xf32>
    %reduce_max3A_118 = vector.multi_reduction <maximumf>, %select_n3A_116, %reduce_max3A_117 [0] : vector<4096x1024xf32> to vector<1024xf32>
    %broadcast_in_dim3A_119 = vector.shape_cast %reduce_max3A_118 : vector<1024xf32> to vector<1x1024xf32>
    %concatenate3A_120 = tpu.concatenate %broadcast_in_dim3A_42, %broadcast_in_dim3A_53, %broadcast_in_dim3A_64, %broadcast_in_dim3A_75, %broadcast_in_dim3A_86, %broadcast_in_dim3A_97, %broadcast_in_dim3A_108, %broadcast_in_dim3A_119 in 0 : vector<1x1024xf32>, vector<1x1024xf32>, vector<1x1024xf32>, vector<1x1024xf32>, vector<1x1024xf32>, vector<1x1024xf32>, vector<1x1024xf32>, vector<1x1024xf32> -> vector<8x1024xf32>
    %gt3A = arith.constant 0.000000e+00 : f32
    %gt3A_121 = vector.broadcast %gt3A : f32 to vector<8x1xf32>
    %gt3A_122 = arith.cmpf ogt, %broadcast_in_dim3A, %gt3A_121 : vector<8x1xf32>
    %jit3A_123 = arith.constant 0.000000e+00 : f32
    %broadcast_in_dim3A_124 = vector.shape_cast %gt3A_122 : vector<8x1xi1> to vector<8x1xi1>
    %broadcast_in_dim3A_125 = vector.broadcast %broadcast_in_dim3A_124 : vector<8x1xi1> to vector<8x1024xi1>
    %broadcast_in_dim3A_126 = vector.broadcast %jit3A_123 : f32 to vector<8x1024xf32>
    %select_n3A_127 = arith.select %broadcast_in_dim3A_125, %concatenate3A_120, %broadcast_in_dim3A_126 : vector<8x1024xi1>, vector<8x1024xf32>
    %concatenate3A_128 = tpu.concatenate %select_n3A_127, %div3A_30 in 1 : vector<8x1024xf32>, vector<8x1024xf32> -> vector<8x2048xf32>
    %convert_element_type3A_129 = arith.truncf %concatenate3A_128 : vector<8x2048xf32> to vector<8x2048xbf16>
    %get3A_130 = arith.constant 0 : index
    %get3A_131 = arith.constant 0 : index
    %get3A_132 = vector.load %arg8[%get3A_130, %get3A_131] : memref<2048x512xbf16, #tpu.memory_space<vmem>>, vector<2048x512xbf16>
    %dot_general3A_133 = arith.constant dense<0.000000e+00> : vector<8x512xf32>
    %dot_general3A_134 = tpu.matmul %convert_element_type3A_129, %get3A_132, %dot_general3A_133 {dimension_numbers = #tpu.dot_dimension_numbers<[1], [0], [0], [1], [0, 0, 1, 1], [], []>, transpose_lhs_hint = false} : vector<8x2048xbf16>, vector<2048x512xbf16>, vector<8x512xf32> -> vector<8x512xf32>
    %get3A_135 = arith.constant 0 : index
    %get3A_136 = arith.constant 0 : index
    %get3A_137 = vector.load %arg9[%get3A_135, %get3A_136] : memref<1x512xf32, #tpu.memory_space<vmem>>, vector<1x512xf32>
    %add3A_138 = vector.broadcast %get3A_137 : vector<1x512xf32> to vector<8x512xf32>
    %add3A_139 = arith.addf %dot_general3A_134, %add3A_138 : vector<8x512xf32>
    %ge3A = arith.constant 0.000000e+00 : f32
    %ge3A_140 = vector.broadcast %ge3A : f32 to vector<8x512xf32>
    %ge3A_141 = arith.cmpf oge, %add3A_139, %ge3A_140 : vector<8x512xf32>
    %mul3A = arith.constant 2.000000e-01 : f32
    %mul3A_142 = vector.broadcast %mul3A : f32 to vector<8x512xf32>
    %mul3A_143 = arith.mulf %mul3A_142, %add3A_139 : vector<8x512xf32>
    %select_n3A_144 = arith.select %ge3A_141, %add3A_139, %mul3A_143 : vector<8x512xi1>, vector<8x512xf32>
    %convert_element_type3A_145 = arith.truncf %select_n3A_144 : vector<8x512xf32> to vector<8x512xbf16>
    %get3A_146 = arith.constant 0 : index
    %get3A_147 = arith.constant 0 : index
    %get3A_148 = vector.load %arg10[%get3A_146, %get3A_147] : memref<512x256xbf16, #tpu.memory_space<vmem>>, vector<512x256xbf16>
    %dot_general3A_149 = arith.constant dense<0.000000e+00> : vector<8x256xf32>
    %dot_general3A_150 = tpu.matmul %convert_element_type3A_145, %get3A_148, %dot_general3A_149 {dimension_numbers = #tpu.dot_dimension_numbers<[1], [0], [0], [1], [0, 0, 1, 1], [], []>, transpose_lhs_hint = false} : vector<8x512xbf16>, vector<512x256xbf16>, vector<8x256xf32> -> vector<8x256xf32>
    %get3A_151 = arith.constant 0 : index
    %get3A_152 = arith.constant 0 : index
    %get3A_153 = vector.load %arg11[%get3A_151, %get3A_152] : memref<1x256xf32, #tpu.memory_space<vmem>>, vector<1x256xf32>
    %add3A_154 = vector.broadcast %get3A_153 : vector<1x256xf32> to vector<8x256xf32>
    %add3A_155 = arith.addf %dot_general3A_150, %add3A_154 : vector<8x256xf32>
    %ge3A_156 = arith.constant 0.000000e+00 : f32
    %ge3A_157 = vector.broadcast %ge3A_156 : f32 to vector<8x256xf32>
    %ge3A_158 = arith.cmpf oge, %add3A_155, %ge3A_157 : vector<8x256xf32>
    %mul3A_159 = arith.constant 2.000000e-01 : f32
    %mul3A_160 = vector.broadcast %mul3A_159 : f32 to vector<8x256xf32>
    %mul3A_161 = arith.mulf %mul3A_160, %add3A_155 : vector<8x256xf32>
    %select_n3A_162 = arith.select %ge3A_158, %add3A_155, %mul3A_161 : vector<8x256xi1>, vector<8x256xf32>
    %convert_element_type3A_163 = arith.truncf %select_n3A_162 : vector<8x256xf32> to vector<8x256xbf16>
    %get3A_164 = arith.constant 0 : index
    %get3A_165 = arith.constant 0 : index
    %get3A_166 = vector.load %arg12[%get3A_164, %get3A_165] : memref<256x40xbf16, #tpu.memory_space<vmem>>, vector<256x40xbf16>
    %dot_general3A_167 = arith.constant dense<0.000000e+00> : vector<8x40xf32>
    %dot_general3A_168 = tpu.matmul %convert_element_type3A_163, %get3A_166, %dot_general3A_167 {dimension_numbers = #tpu.dot_dimension_numbers<[1], [0], [0], [1], [0, 0, 1, 1], [], []>, transpose_lhs_hint = false} : vector<8x256xbf16>, vector<256x40xbf16>, vector<8x40xf32> -> vector<8x40xf32>
    %get3A_169 = arith.constant 0 : index
    %get3A_170 = arith.constant 0 : index
    %get3A_171 = vector.load %arg13[%get3A_169, %get3A_170] : memref<1x40xf32, #tpu.memory_space<vmem>>, vector<1x40xf32>
    %add3A_172 = vector.broadcast %get3A_171 : vector<1x40xf32> to vector<8x40xf32>
    %add3A_173 = arith.addf %dot_general3A_168, %add3A_172 : vector<8x40xf32>
    %jit3A_174 = arith.constant 0 : i32
    %convert_element_type3A_175 = arith.sitofp %jit3A_174 : i32 to f32
    %pad3A = vector.broadcast %convert_element_type3A_175 : f32 to vector<8x88xf32>
    %pad3A_176 = tpu.concatenate %add3A_173, %pad3A in 1 : vector<8x40xf32>, vector<8x88xf32> -> vector<8x128xf32>
    %swap3A = arith.constant 0 : index
    %swap3A_177 = arith.constant 0 : index
    %swap3A_178 = vector.load %arg14[%swap3A, %swap3A_177] : memref<8x128xf32, #tpu.memory_space<vmem>>, vector<8x128xf32>
    tpu.vector_store %arg14[%swap3A, %swap3A_177], %pad3A_176 {strides = array<i32>} : memref<8x128xf32, #tpu.memory_space<vmem>>, vector<8x128xf32>,
    return
  }
}

</mosaic_0001>

<sc_bundles>
// kernel: kernel.15.cloned.1.call-start
scs
__scs_entry_jumppad:
0x0: {  	(pc) =	sbr.rel $0x88, $3  }
0x1: {  	(tag) =	ssettag $0x0;
	lr =	simm.s32 $0x1  }
0x2: {  	[smem:$0x3F8F] =	sst lr;
	_ =	strace $0xD0000000  }
0x3: {  	_ = 	snop  }
0x4: {  	_ = 	snop  }
0x5: {  	_ = 	snop  }
0x6: {  	_ = 	snop  }
0x7: {  	_ = 	snop  }
__scs_overlays_trampoline_lowered:
0x8: {  	[smem:$0x3F9E] =	sst s0  }
0x9: {  	[smem:$0x3F9F] =	sst s1  }
0xa: {  	[smem:$0x3FA0] =	sst s2  }
0xb: {  	[smem:$0x3FA1] =	sst s3  }
0xc: {  	[smem:$0x3FA2] =	sst s4  }
0xd: {  	[smem:$0x3FA3] =	sst s5  }
0xe: {  	[smem:$0x3FA4] =	sst s6  }
0xf: {  	[smem:$0x3FA5] =	sst s7  }
0x10: {  	[smem:$0x3FA6] =	sst s8  }
0x11: {  	[smem:$0x3FA7] =	sst s9;
	s0 =	simm.s32 @!p0 $0x0  }
0x12: {  	s1 =	sld [smem:$0x3F8D];
	s0 =	simm.s32 @p0 $0x1  }
0x13: {  	[smem:$0x3FA8] =	sst s0;
	s0 =	simm.s32 @!p1 $0x0  }
0x14: {  	s2 =	sld [smem:$0x3F8C];
	s0 =	simm.s32 @p1 $0x1  }
0x15: {  	[smem:$0x3FA9] =	sst s0;
	s0 =	simm.s32 @!p2 $0x0  }
0x16: {  	s3 =	sld [smem:$0x3FDB];
	s0 =	simm.s32 @p2 $0x1  }
0x17: {  	s4 =	simm.s32 $0x1BF5;
	[smem:$0x3FAB] =	sst s0  }
0x18: {  	s0 =	sld [smem:$0x3F8E];
	_ =	swait.ge [sflag:s4], $0x0  }
0x19: {  	s7 =	sld [smem:$0x3F8F]  }
0x1a: {  	s8 =	sadd.s32 $0xFFFFE003, lr  }
0x1b: {  	s9 =	sadd.s32 $0xFFFFFEF7, lr;
	s5 =	simm.s32 $0xFFFFFFFF;
	p2 =	slt.u32 s8, $0xFFFFF086  }
0x1c: {  	p1 =	slt.u32 s9, $0xF7A;
	s5 =	simm.s32 @!p2 $0x0  }
0x1d: {  	s5 =	simm.s32 @p1 $0x1;
	p0 =	seq.s32 s7, s2  }
0x1e: {  	s7 =	smul.u32 @!p0 $0xF7A, s2;
	p2 =	seq.s32 @!p0 s5, $0x0  }
0x1f: {  	s9 =	smul.u32 $0xF7A, s1;
	s8 =	simm.s32 @!p0 $0x1BF5;
	p2 =	por !p2, p0  }
0x20: {  	[sflag:s8] =	ssyncset.s32 @!p0 $0xFFFFF086;
	s6 =	sadd.s32 @!p0 s3, s7;
	s7 =	simm.s32 @!p0 $0x108  }
0x21: {  	s3 =	sadd.s32 s3, s9;
	s6 =	sadd.s32 @!p0 $0x88, s6;
	s7 =	simm.s32 @p2 $0x1082  }
0x22: {  	[simem:s7], [sflag:s8] =	dma.local @!p0 [hbm:s6], $0xF7A  }
0x23: {  	s9 =	sor.u32 $0xD0000000, s2;
	s6 =	simm.s32 $0x108;
	_ =	swait.ge @!p0 [sflag:s8], $0x0  }
0x24: {  	s3 =	sadd.s32 $0x88, s3;
	s6 =	simm.s32 @!p1 $0x1082;
	[sflag:s4] =	ssyncset.s32 $0xFFFFF086  }
0x25: {  	[simem:s6], [sflag:s4] =	dma.local [hbm:s3], $0xF7A  }
0x26: {  	[smem:$0x3F8F] =	sst s1;
	(tag) =	ssettag s2;
	_ =	strace s9  }
0x27: {  	s1 =	sld [smem:$0x3F9F]  }
0x28: {  	s2 =	sld [smem:$0x3FA0]  }
0x29: {  	s4 =	sld [smem:$0x3FA2]  }
0x2a: {  	p0 =	seq.s32 s5, $0x0;
	s5 =	sld [smem:$0x3FA3]  }
0x2b: {  	s6 =	sld [smem:$0x3FA4]  }
0x2c: {  	s7 =	sld [smem:$0x3FA5]  }
0x2d: {  	s3 =	simm.s32 $0x108;
	s8 =	sld [smem:$0x3FA6]  }
0x2e: {  	s3 =	simm.s32 @!p0 $0x1082;
	s9 =	sld [smem:$0x3FA7]  }
0x2f: {  	lr =	sadd.s32 s0, s3;
	s0 =	sld [smem:$0x3F9E]  }
0x30: {  	s3 =	sld [smem:$0x3FA1]  }
0x31: {  	[smem:$0x3FAA] =	sst s10  }
0x32: {  	s10 =	sld [smem:$0x3FA8];
	_ =	sdelay $0x3  }
0x33: {  	p0 =	seq.s32 s10, $0x1;
	s10 =	sld [smem:$0x3FAA];
	_ =	sdelay $0x3  }
0x34: {  	[smem:$0x3FAA] =	sst s10  }
0x35: {  	s10 =	sld [smem:$0x3FA9];
	_ =	sdelay $0x3  }
0x36: {  	p1 =	seq.s32 s10, $0x1;
	s10 =	sld [smem:$0x3FAA];
	_ =	sdelay $0x3  }
0x37: {  	[smem:$0x3FAA] =	sst s10  }
0x38: {  	s10 =	sld [smem:$0x3FAB]  }
0x39: {  	_ = 	snop;
	(pc) =	sbr.ind lr, $3  }
0x3a: {  	_ = 	snop  }
0x3b: {  	_ = 	snop  }
0x3c: {  	p2 =	seq.s32 s10, $0x1;
	s10 =	sld [smem:$0x3FAA]  }
0x3d: {  	_ =	shalt  }
0x3e: {  	_ =	shalt  }
0x3f: {  	_ =	shalt  }
0x40: {  	_ =	shalt  }
0x41: {  	_ =	shalt  }
0x42: {  	_ =	shalt  }
0x43: {  	_ =	shalt  }
0x44: {  	_ =	shalt  }
0x45: {  	_ =	shalt  }
0x46: {  	_ =	shalt  }
0x47: {  	_ =	shalt  }
0x48: {  	_ =	shalt  }
0x49: {  	_ =	shalt  }
0x4a: {  	_ =	shalt  }
0x4b: {  	_ =	shalt  }
0x4c: {  	_ =	shalt  }
0x4d: {  	_ =	shalt  }
0x4e: {  	_ =	shalt  }
0x4f: {  	_ =	shalt  }
0x50: {  	_ =	shalt  }
0x51: {  	_ =	shalt  }
0x52: {  	_ =	shalt  }
0x53: {  	_ =	shalt  }
0x54: {  	_ =	shalt  }
0x55: {  	_ =	shalt  }
0x56: {  	_ =	shalt  }
0x57: {  	_ =	shalt  }
0x58: {  	_ =	shalt  }
0x59: {  	_ =	shalt  }
0x5a: {  	_ =	shalt  }
0x5b: {  	_ =	shalt  }
0x5c: {  	_ =	shalt  }
0x5d: {  	_ =	shalt  }
0x5e: {  	_ =	shalt  }
0x5f: {  	_ =	shalt  }
0x60: {  	_ =	shalt  }
0x61: {  	_ =	shalt  }
0x62: {  	_ =	shalt  }
0x63: {  	_ =	shalt  }
0x64: {  	_ =	shalt  }
0x65: {  	_ =	shalt  }
0x66: {  	_ =	shalt  }
0x67: {  	_ =	shalt  }
0x68: {  	_ =	shalt  }
0x69: {  	_ =	shalt  }
0x6a: {  	_ =	shalt  }
0x6b: {  	_ =	shalt  }
0x6c: {  	_ =	shalt  }
0x6d: {  	_ =	shalt  }
0x6e: {  	_ =	shalt  }
0x6f: {  	_ =	shalt  }
0x70: {  	_ =	shalt  }
0x71: {  	_ =	shalt  }
0x72: {  	_ =	shalt  }
0x73: {  	_ =	shalt  }
0x74: {  	_ =	shalt  }
0x75: {  	_ =	shalt  }
0x76: {  	_ =	shalt  }
0x77: {  	_ =	shalt  }
0x78: {  	_ =	shalt  }
0x79: {  	_ =	shalt  }
0x7a: {  	_ =	shalt  }
0x7b: {  	_ =	shalt  }
0x7c: {  	_ =	shalt  }
0x7d: {  	_ =	shalt  }
0x7e: {  	_ =	shalt  }
0x7f: {  	_ =	shalt  }
0x80: {  	_ =	shalt  }
0x81: {  	_ =	shalt  }
0x82: {  	_ =	shalt  }
0x83: {  	_ =	shalt  }
0x84: {  	_ =	shalt  }
0x85: {  	_ =	shalt  }
0x86: {  	_ =	shalt  }
0x87: {  	_ =	shalt  }
.Lfunc_end0:
.L_simem_size_0:
called_computation_lowered:
.L_overlay_start_0:
0x88: {  	s2 =	sld [smem:$0x3FD9]  }
0x89: {  	s3 =	sld [smem:$0x3FFE];
	_ =	sdelay $0x1  }
0x8a: {  	s1 =	srdreg.scid  }
0x8b: {  	s0 =	sand.u32 $0x1, s1  }
0x8c: {  	s16 =	sshll.u32 s0, $0xA;
	s2 =	sadd.s32 s3, s2  }
0x8d: {  	s2 =	sadd.s32 s2, s16  }
0x8e: {  	[smem:$0x3FB6] =	sst s2  }
0x8f: {  	_ = 	snop  }
0x90: {  	(tm) =	ssettm $0x1  }
0x91: {  	s17 =	sld [smem:$0x3FFB];
	_ =	sdelay $0x3  }
0x92: {  	_ =	strace s17  }
0x93: {  	s2 =	sld [smem:$0x3FFC];
	_ =	sdelay $0x3  }
0x94: {  	_ =	strace s2  }
0x95: {  	s2 =	sld [smem:$0x3FFD];
	_ =	sdelay $0x3  }
0x96: {  	_ =	strace s2  }
0x97: {  	_ =	strace $0x8FFFFFFF  }
0x98: {  	s18 =	sld [smem:$0x3FDB];
	_ =	sdelay $0x1  }
0x99: {  	s19 =	simm.s32 $_scs_section_size  }
0x9a: {  	s4 =	simm.s32 $_size__tile_overlayer_lowered;
	s5 =	simm.s32 $_tile_overlayer_lowered  }
0x9b: {  	s22 =	simm.s32 $0x1BFF;
	s21 =	sshll.u32 s5, $0x1;
	s2 =	sadd.s32 s19, s18  }
0x9c: {  	s6 =	simm.s32 $0x0;
	s20 =	sshll.u32 s4, $0x1;
	s4 =	sadd.s32 s21, s2  }
0x9d: {  	[timem:s6], [sflag:s22] =	dma.local [hbm:s4], s20  }
0x9e: {  	_ =	swait.ge [sflag:s22], s20  }
0x9f: {  	s3 =	ssub.s32 $0x0, s20;
	[sflag:s22] =	ssyncset.done $0x0  }
0xa0: {  	[sflag:s22] =	ssyncadd.s32 s3;
	_ =	sdelay $0x1  }
0xa1: {  	s23 =	simm.s32 $0x1B8B  }
0xa2: {  	_ =	swait.ge [sflag:s23], $0x1  }
0xa3: {  	[sflag:s23] =	ssyncset.done $0x0  }
0xa4: {  	s25 =	simm.s32 $0x1B8E;
	s24 =	sld [smem:$0x3FFE];
	[sflag:s23] =	ssyncadd.s32 $0xFFFFFFFF  }
0xa5: {  	s26 =	simm.s32 $execute0_lowered;
	[smem:$0x3FD2] =	sst s25  }
0xa6: {  	s4 =	sshll.u32 s26, $0x1;
	_ =	strace $0x80000046;
	[dreg:$0x1] =	wrdreg $0xFFFFFFFF  }
0xa7: {  	s28 =	simm.s32 $_size_execute0_lowered;
	s2 =	sadd.s32 s2, s4;
	[dreg:$0x0] =	wrdreg $0x0  }
0xa8: {  	s4 =	sshll.u32 s28, $0x1;
	[dreg:$0x2] =	wrdreg s2  }
0xa9: {  	[dreg:$0x3] =	wrdreg s4  }
0xaa: {  	[dreg:$0x4] =	wrdreg $0xC0  }
0xab: {  	_ =	task [dreg:s6], $0x5FFFF  }
0xac: {  	[dreg:$0x1] =	wrdreg $0xFFFFFFFF  }
0xad: {  	[dreg:$0x0] =	wrdreg $0x60  }
0xae: {  	[dreg:$0x2] =	wrdreg s24  }
0xaf: {  	[dreg:$0x3] =	wrdreg $0x9  }
0xb0: {  	_ =	task.clear_ibuf [dreg:s6], $0x4FFFF;
	_ =	strace $0x90000046  }
0xb1: {  	s29 =	simm.s32 $0x9;
	_ =	strace $0x80000048  }
0xb2: {  	_ =	swait.ge [sflag:s29], $0x1  }
0xb3: {  	[sflag:s29] =	ssyncadd.s32 $0xFFFFFFFF  }
0xb4: {  	_ =	strace $0x90000048  }
0xb5: {  	_ =	sfence  }
0xb6: {  	s30 =	sld [smem:$0x0];
	_ =	sdelay $0x2  }
0xb7: {  	s31 =	sshll.u32 s1, $0xD;
	s1 =	sshrl.u32 s1, $0x2  }
0xb8: {  	s3 =	sand.u32 $0x4000, s31;
	s1 =	sadd.s32 s1, s30  }
0xb9: {  	s0 =	sor.u32 s3, s0;
	s1 =	sshll.u32 s1, $0x11  }
0xba: {  	s0 =	sor.u32 s1, s0  }
0xbb: {  	s0 =	sadd.s32 $0x8F2B, s0  }
0xbc: {  	[sflag:s0] =	ssyncadd.remote.s32 $0x1  }
0xbd: {  	_ =	sfence.sel $0xFFFF  }
0xbe: {  	[dreg:$0x0] =	wrdreg $0xFFFFFFFF;
	(pc) =	sbr.abs _section_cstart, $3  }
0xbf: {  	[dreg:$0x1] =	wrdreg $0xFFFFFFFF  }
0xc0: {  	_ =	task.clear_ibuf [dreg:s6], $0x2FFFF;
	_ =	strace $0x9FFFFFFF  }
0xc1: {  	(tm) =	ssettm $0x7FFFFFFF  }
tec
execute0_lowered:
.L_overlay_start_1:
0x0: {  	(tag) =	ssettag $0x1  }
0x1: {  	s4 =	rddreg [dreg:$0x0]  }
0x2: {  	s0 =	rddreg [dreg:$0x1];
	s2 =	simm.s32 $0x0;
	s1 =	stileid.u32  }
0x3: {  	s3 =	srdreg.scid;
	s10 =	simm.s32 $0x0;
	s6 =	smul.u32 $0x1400, s1  }
0x4: {  	[smem:$0x7FF] =	sst s2;
	s5 =	sand.u32 $0x1, s3;
	s8 =	smul.u32 $0x14000, s1  }
0x5: {  	s3 =	sadd.s32 $0x4000, s4;
	s7 =	smul.u32 $0xA00, s5;
	s9 =	ssub.s32 $0x2, s5  }
0x6: {  	_ =	strace $0x80000047;
	s5 =	smul.u32 $0xA000, s5;
	s31 =	sshrl.u32 s9, $0x1  }
0x7: {  	s8 =	sadd.s32 s8, s4;
	s6 =	sadd.s32 s7, s6;
	s7 =	ssub.s32 s9, s31  }
0x8: {  	s5 =	sadd.s32 s5, s8;
	s8 =	simm.s32 $0x80;
	s6 =	sshrl.u32 s6, $0x3  }
0x9: {  	s9 =	simm.s32 $0x1;
	s5 =	sadd.s32 $0x16800, s5;
	s6 =	sadd.s32 s6, s4  }
0xa: {  	s4 =	smax.u32 s7, $0x1;
	s7 =	simm.s32 $0x2;
	s6 =	sadd.s32 $0x14000, s6  }
.LBB2_1:
0xb: {  	s11 =	sadd.s32 $0x0, s6  }
0xc: {  	[tilespmem:s2], [sflag:$0x2] =	stream.linear.gather [hbm4b:s11+s2], $0x80, $0x38;
	[tilespmem:$0x4080] =	vst v63  }
0xd: {  	_ =	swait.ge [sflag:s7], $0x80  }
0xe: {  	[sflag:s7] =	ssyncset.done $0x0  }
0xf: {  	[sflag:s7] =	ssyncadd.s32 $0xFFFFFF80  }
0x10: {  	[tilespmem:s8], [sflag:$0x1] =	stream.indirect.gather [hbm4b:s3+s8], $0x80, s2, s8, $0xb8;
	[tilespmem:$0x4080] =	vst v63  }
0x11: {  	_ =	swait.ge [sflag:s9], $0x4000  }
0x12: {  	[sflag:s9] =	ssyncset.done $0x0  }
0x13: {  	[sflag:s9] =	ssyncadd.s32 $0xFFFFC000  }
0x14: {  	[hbm4b:s5+s2] =	stream.linear.scatter [tilespmem:s8], [sflag:$0x2], $0x4000, $0x38;
	[tilespmem:$0x4080] =	vst v63  }
0x15: {  	s12 =	simm.s32 $0x10;
	_ =	swait.ge [sflag:s7], $0x4000  }
0x16: {  	s13 =	simm.s32 $0x20;
	s11 =	sadd.s32 $0x800, s5;
	[sflag:s7] =	ssyncset.done $0x0  }
.LBB2_2:
0x17: {  	s14 =	sadd.s32 s12, s6  }
0x18: {  	[sflag:s7] =	ssyncadd.s32 $0xFFFFC000;
	s12 =	smov.u32 s13;
	s15 =	sadd.s32 $0x10, s13  }
0x19: {  	[tilespmem:s2], [sflag:$0x2] =	stream.linear.gather [hbm4b:s14+s2], $0x80, $0x38;
	[tilespmem:$0x4080] =	vst v63  }
0x1a: {  	p0 =	sne.s32 s13, $0x130;
	_ =	swait.ge [sflag:s7], $0x80  }
0x1b: {  	[sflag:s7] =	ssyncset.done $0x0  }
0x1c: {  	[sflag:s7] =	ssyncadd.s32 $0xFFFFFF80  }
0x1d: {  	[tilespmem:s8], [sflag:$0x1] =	stream.indirect.gather [hbm4b:s3+s8], $0x80, s2, s8, $0xb8;
	[tilespmem:$0x4080] =	vst v63  }
0x1e: {  	_ =	swait.ge [sflag:s9], $0x4000  }
.Ltmp0:
0x1f: {  	[sflag:s9] =	ssyncset.done $0x0;
	(pc) =	sbr.rel @p0 .LBB2_2-.Ltmp0, $4  }
0x20: {  	[sflag:s9] =	ssyncadd.s32 $0xFFFFC000  }
0x21: {  	[hbm4b:s11+s2] =	stream.linear.scatter [tilespmem:s8], [sflag:$0x2], $0x4000, $0x38;
	[tilespmem:$0x4080] =	vst v63  }
0x22: {  	_ =	swait.ge [sflag:s7], $0x4000  }
0x23: {  	s13 =	smov.u32 s15;
	s11 =	sadd.s32 $0x800, s11;
	[sflag:s7] =	ssyncset.done $0x0  }
0x24: {  	s12 =	sadd.s32 s12, s6;
	[sflag:s7] =	ssyncadd.s32 $0xFFFFC000  }
0x25: {  	[tilespmem:s2], [sflag:$0x2] =	stream.linear.gather [hbm4b:s12+s2], $0x80, $0x38;
	[tilespmem:$0x4080] =	vst v63  }
0x26: {  	_ =	swait.ge [sflag:s7], $0x80  }
0x27: {  	[sflag:s7] =	ssyncset.done $0x0  }
0x28: {  	[sflag:s7] =	ssyncadd.s32 $0xFFFFFF80  }
0x29: {  	[tilespmem:s8], [sflag:$0x1] =	stream.indirect.gather [hbm4b:s3+s8], $0x80, s2, s8, $0xb8;
	[tilespmem:$0x4080] =	vst v63  }
0x2a: {  	s10 =	sadd.s32 $0x1, s10;
	_ =	swait.ge [sflag:s9], $0x4000  }
0x2b: {  	p0 =	sne.s32 s10, s4;
	[sflag:s9] =	ssyncset.done $0x0  }
.Ltmp1:
0x2c: {  	[sflag:s9] =	ssyncadd.s32 $0xFFFFC000;
	(pc) =	sbr.rel @p0 .LBB2_1-.Ltmp1, $4  }
0x2d: {  	[hbm4b:s11+s2] =	stream.linear.scatter [tilespmem:s8], [sflag:$0x2], $0x4000, $0x38;
	[tilespmem:$0x4080] =	vst v63  }
0x2e: {  	_ =	swait.ge [sflag:s7], $0x4000  }
0x2f: {  	[sflag:s7] =	ssyncset.done $0x0  }
0x30: {  	[sflag:s7] =	ssyncadd.s32 $0xFFFFC000  }
0x31: {  	_ =	sfence.sel $0x180000  }
0x32: {  	[bflag:$0x0] =	sbarrier.arrive $0xFFFF  }
0x33: {  	p0 =	sne.s32 s1, $0x0;
	_ =	strace $0x90000047  }
0x34: {  	s0 =	sadd.s32 @!p0 $0x100000, s0;
	[bflag:$0x2] =	sbarrier.arrive $0xFFFF  }
0x35: {  	[sflag:s0] =	ssyncadd.tile.s32 @!p0 $0x1;
	_ =	shalt  }
.Lfunc_end2:
_tile_overlayer_lowered:
.L_overlay_start_2:
0x36: {  	(tag) =	ssettag $0x2  }
0x37: {  	s0 =	rddreg [dreg:$0x0];
	s2 =	stileid.u32  }
0x38: {  	s1 =	rddreg [dreg:$0x1];
	p0 =	sne.s32 s2, $0x0  }
0x39: {  	s3 =	rddreg [dreg:$0x2];
	[bflag:$0x3] =	sbarrier.arrive $0xFFFF;
	s2 =	simm.s32 @!p0 $0x1C02  }
0x3a: {  	[timem:s3], [sflag:s2] =	dma.local @!p0 [hbm:s0], s1  }
0x3b: {  	s0 =	simm.s32 @!p0 $0x2  }
0x3c: {  	_ =	swait.ge @!p0 [sflag:s0], s1  }
0x3d: {  	s1 =	ssub.s32 @!p0 $0x0, s1;
	[sflag:s0] =	ssyncset.done @!p0 $0x0  }
0x3e: {  	[sflag:s0] =	ssyncadd.s32 @!p0 s1  }
0x3f: {  	[bflag:$0x3] =	sbarrier.arrive $0xFFFF  }
0x40: {  	_ =	shalt  }

// kernel: kernel.18.cloned.1.call-start
scs
__scs_entry_jumppad:
0x0: {  	(pc) =	sbr.rel $0x88, $3  }
0x1: {  	(tag) =	ssettag $0x0;
	lr =	simm.s32 $0x1  }
0x2: {  	[smem:$0x3F8F] =	sst lr;
	_ =	strace $0xD0000000  }
0x3: {  	_ = 	snop  }
0x4: {  	_ = 	snop  }
0x5: {  	_ = 	snop  }
0x6: {  	_ = 	snop  }
0x7: {  	_ = 	snop  }
__scs_overlays_trampoline_lowered:
0x8: {  	[smem:$0x3F9E] =	sst s0  }
0x9: {  	[smem:$0x3F9F] =	sst s1  }
0xa: {  	[smem:$0x3FA0] =	sst s2  }
0xb: {  	[smem:$0x3FA1] =	sst s3  }
0xc: {  	[smem:$0x3FA2] =	sst s4  }
0xd: {  	[smem:$0x3FA3] =	sst s5  }
0xe: {  	[smem:$0x3FA4] =	sst s6  }
0xf: {  	[smem:$0x3FA5] =	sst s7  }
0x10: {  	[smem:$0x3FA6] =	sst s8  }
0x11: {  	[smem:$0x3FA7] =	sst s9;
	s0 =	simm.s32 @!p0 $0x0  }
0x12: {  	s1 =	sld [smem:$0x3F8D];
	s0 =	simm.s32 @p0 $0x1  }
0x13: {  	[smem:$0x3FA8] =	sst s0;
	s0 =	simm.s32 @!p1 $0x0  }
0x14: {  	s2 =	sld [smem:$0x3F8C];
	s0 =	simm.s32 @p1 $0x1  }
0x15: {  	[smem:$0x3FA9] =	sst s0;
	s0 =	simm.s32 @!p2 $0x0  }
0x16: {  	s3 =	sld [smem:$0x3FDB];
	s0 =	simm.s32 @p2 $0x1  }
0x17: {  	s4 =	simm.s32 $0x1BF5;
	[smem:$0x3FAB] =	sst s0  }
0x18: {  	s0 =	sld [smem:$0x3F8E];
	_ =	swait.ge [sflag:s4], $0x0  }
0x19: {  	s7 =	sld [smem:$0x3F8F]  }
0x1a: {  	s8 =	sadd.s32 $0xFFFFE003, lr  }
0x1b: {  	s9 =	sadd.s32 $0xFFFFFEF7, lr;
	s5 =	simm.s32 $0xFFFFFFFF;
	p2 =	slt.u32 s8, $0xFFFFF086  }
0x1c: {  	p1 =	slt.u32 s9, $0xF7A;
	s5 =	simm.s32 @!p2 $0x0  }
0x1d: {  	s5 =	simm.s32 @p1 $0x1;
	p0 =	seq.s32 s7, s2  }
0x1e: {  	s7 =	smul.u32 @!p0 $0xF7A, s2;
	p2 =	seq.s32 @!p0 s5, $0x0  }
0x1f: {  	s9 =	smul.u32 $0xF7A, s1;
	s8 =	simm.s32 @!p0 $0x1BF5;
	p2 =	por !p2, p0  }
0x20: {  	[sflag:s8] =	ssyncset.s32 @!p0 $0xFFFFF086;
	s6 =	sadd.s32 @!p0 s3, s7;
	s7 =	simm.s32 @!p0 $0x108  }
0x21: {  	s3 =	sadd.s32 s3, s9;
	s6 =	sadd.s32 @!p0 $0x88, s6;
	s7 =	simm.s32 @p2 $0x1082  }
0x22: {  	[simem:s7], [sflag:s8] =	dma.local @!p0 [hbm:s6], $0xF7A  }
0x23: {  	s9 =	sor.u32 $0xD0000000, s2;
	s6 =	simm.s32 $0x108;
	_ =	swait.ge @!p0 [sflag:s8], $0x0  }
0x24: {  	s3 =	sadd.s32 $0x88, s3;
	s6 =	simm.s32 @!p1 $0x1082;
	[sflag:s4] =	ssyncset.s32 $0xFFFFF086  }
0x25: {  	[simem:s6], [sflag:s4] =	dma.local [hbm:s3], $0xF7A  }
0x26: {  	[smem:$0x3F8F] =	sst s1;
	(tag) =	ssettag s2;
	_ =	strace s9  }
0x27: {  	s1 =	sld [smem:$0x3F9F]  }
0x28: {  	s2 =	sld [smem:$0x3FA0]  }
0x29: {  	s4 =	sld [smem:$0x3FA2]  }
0x2a: {  	p0 =	seq.s32 s5, $0x0;
	s5 =	sld [smem:$0x3FA3]  }
0x2b: {  	s6 =	sld [smem:$0x3FA4]  }
0x2c: {  	s7 =	sld [smem:$0x3FA5]  }
0x2d: {  	s3 =	simm.s32 $0x108;
	s8 =	sld [smem:$0x3FA6]  }
0x2e: {  	s3 =	simm.s32 @!p0 $0x1082;
	s9 =	sld [smem:$0x3FA7]  }
0x2f: {  	lr =	sadd.s32 s0, s3;
	s0 =	sld [smem:$0x3F9E]  }
0x30: {  	s3 =	sld [smem:$0x3FA1]  }
0x31: {  	[smem:$0x3FAA] =	sst s10  }
0x32: {  	s10 =	sld [smem:$0x3FA8];
	_ =	sdelay $0x3  }
0x33: {  	p0 =	seq.s32 s10, $0x1;
	s10 =	sld [smem:$0x3FAA];
	_ =	sdelay $0x3  }
0x34: {  	[smem:$0x3FAA] =	sst s10  }
0x35: {  	s10 =	sld [smem:$0x3FA9];
	_ =	sdelay $0x3  }
0x36: {  	p1 =	seq.s32 s10, $0x1;
	s10 =	sld [smem:$0x3FAA];
	_ =	sdelay $0x3  }
0x37: {  	[smem:$0x3FAA] =	sst s10  }
0x38: {  	s10 =	sld [smem:$0x3FAB]  }
0x39: {  	_ = 	snop;
	(pc) =	sbr.ind lr, $3  }
0x3a: {  	_ = 	snop  }
0x3b: {  	_ = 	snop  }
0x3c: {  	p2 =	seq.s32 s10, $0x1;
	s10 =	sld [smem:$0x3FAA]  }
0x3d: {  	_ =	shalt  }
0x3e: {  	_ =	shalt  }
0x3f: {  	_ =	shalt  }
0x40: {  	_ =	shalt  }
0x41: {  	_ =	shalt  }
0x42: {  	_ =	shalt  }
0x43: {  	_ =	shalt  }
0x44: {  	_ =	shalt  }
0x45: {  	_ =	shalt  }
0x46: {  	_ =	shalt  }
0x47: {  	_ =	shalt  }
0x48: {  	_ =	shalt  }
0x49: {  	_ =	shalt  }
0x4a: {  	_ =	shalt  }
0x4b: {  	_ =	shalt  }
0x4c: {  	_ =	shalt  }
0x4d: {  	_ =	shalt  }
0x4e: {  	_ =	shalt  }
0x4f: {  	_ =	shalt  }
0x50: {  	_ =	shalt  }
0x51: {  	_ =	shalt  }
0x52: {  	_ =	shalt  }
0x53: {  	_ =	shalt  }
0x54: {  	_ =	shalt  }
0x55: {  	_ =	shalt  }
0x56: {  	_ =	shalt  }
0x57: {  	_ =	shalt  }
0x58: {  	_ =	shalt  }
0x59: {  	_ =	shalt  }
0x5a: {  	_ =	shalt  }
0x5b: {  	_ =	shalt  }
0x5c: {  	_ =	shalt  }
0x5d: {  	_ =	shalt  }
0x5e: {  	_ =	shalt  }
0x5f: {  	_ =	shalt  }
0x60: {  	_ =	shalt  }
0x61: {  	_ =	shalt  }
0x62: {  	_ =	shalt  }
0x63: {  	_ =	shalt  }
0x64: {  	_ =	shalt  }
0x65: {  	_ =	shalt  }
0x66: {  	_ =	shalt  }
0x67: {  	_ =	shalt  }
0x68: {  	_ =	shalt  }
0x69: {  	_ =	shalt  }
0x6a: {  	_ =	shalt  }
0x6b: {  	_ =	shalt  }
0x6c: {  	_ =	shalt  }
0x6d: {  	_ =	shalt  }
0x6e: {  	_ =	shalt  }
0x6f: {  	_ =	shalt  }
0x70: {  	_ =	shalt  }
0x71: {  	_ =	shalt  }
0x72: {  	_ =	shalt  }
0x73: {  	_ =	shalt  }
0x74: {  	_ =	shalt  }
0x75: {  	_ =	shalt  }
0x76: {  	_ =	shalt  }
0x77: {  	_ =	shalt  }
0x78: {  	_ =	shalt  }
0x79: {  	_ =	shalt  }
0x7a: {  	_ =	shalt  }
0x7b: {  	_ =	shalt  }
0x7c: {  	_ =	shalt  }
0x7d: {  	_ =	shalt  }
0x7e: {  	_ =	shalt  }
0x7f: {  	_ =	shalt  }
0x80: {  	_ =	shalt  }
0x81: {  	_ =	shalt  }
0x82: {  	_ =	shalt  }
0x83: {  	_ =	shalt  }
0x84: {  	_ =	shalt  }
0x85: {  	_ =	shalt  }
0x86: {  	_ =	shalt  }
0x87: {  	_ =	shalt  }
.Lfunc_end0:
.L_simem_size_0:
called_computation.1_lowered:
.L_overlay_start_0:
0x88: {  	s2 =	sld [smem:$0x3FD9]  }
0x89: {  	s3 =	sld [smem:$0x3FFE];
	_ =	sdelay $0x1  }
0x8a: {  	s1 =	srdreg.scid  }
0x8b: {  	s0 =	sand.u32 $0x1, s1  }
0x8c: {  	s16 =	sshll.u32 s0, $0xA;
	s2 =	sadd.s32 s3, s2  }
0x8d: {  	s2 =	sadd.s32 s2, s16  }
0x8e: {  	[smem:$0x3FB6] =	sst s2  }
0x8f: {  	_ = 	snop  }
0x90: {  	(tm) =	ssettm $0x1  }
0x91: {  	s17 =	sld [smem:$0x3FFB];
	_ =	sdelay $0x3  }
0x92: {  	_ =	strace s17  }
0x93: {  	s2 =	sld [smem:$0x3FFC];
	_ =	sdelay $0x3  }
0x94: {  	_ =	strace s2  }
0x95: {  	s2 =	sld [smem:$0x3FFD];
	_ =	sdelay $0x3  }
0x96: {  	_ =	strace s2  }
0x97: {  	_ =	strace $0x8FFFFFFF  }
0x98: {  	s18 =	sld [smem:$0x3FDB];
	_ =	sdelay $0x1  }
0x99: {  	s19 =	simm.s32 $_scs_section_size  }
0x9a: {  	s4 =	simm.s32 $_size__tile_overlayer_lowered;
	s5 =	simm.s32 $_tile_overlayer_lowered  }
0x9b: {  	s22 =	simm.s32 $0x1BFF;
	s21 =	sshll.u32 s5, $0x1;
	s2 =	sadd.s32 s19, s18  }
0x9c: {  	s6 =	simm.s32 $0x0;
	s20 =	sshll.u32 s4, $0x1;
	s4 =	sadd.s32 s21, s2  }
0x9d: {  	[timem:s6], [sflag:s22] =	dma.local [hbm:s4], s20  }
0x9e: {  	_ =	swait.ge [sflag:s22], s20  }
0x9f: {  	s3 =	ssub.s32 $0x0, s20;
	[sflag:s22] =	ssyncset.done $0x0  }
0xa0: {  	[sflag:s22] =	ssyncadd.s32 s3;
	_ =	sdelay $0x1  }
0xa1: {  	s23 =	simm.s32 $0x1B8B  }
0xa2: {  	_ =	swait.ge [sflag:s23], $0x1  }
0xa3: {  	[sflag:s23] =	ssyncset.done $0x0  }
0xa4: {  	s25 =	simm.s32 $0x1B8E;
	s24 =	sld [smem:$0x3FFE];
	[sflag:s23] =	ssyncadd.s32 $0xFFFFFFFF  }
0xa5: {  	s26 =	simm.s32 $execute0_lowered;
	[smem:$0x3FD2] =	sst s25  }
0xa6: {  	s4 =	sshll.u32 s26, $0x1;
	_ =	strace $0x80000049;
	[dreg:$0x1] =	wrdreg $0xFFFFFFFF  }
0xa7: {  	s28 =	simm.s32 $_size_execute0_lowered;
	s2 =	sadd.s32 s2, s4;
	[dreg:$0x0] =	wrdreg $0x0  }
0xa8: {  	s4 =	sshll.u32 s28, $0x1;
	[dreg:$0x2] =	wrdreg s2  }
0xa9: {  	[dreg:$0x3] =	wrdreg s4  }
0xaa: {  	[dreg:$0x4] =	wrdreg $0xC0  }
0xab: {  	_ =	task [dreg:s6], $0x5FFFF  }
0xac: {  	[dreg:$0x1] =	wrdreg $0xFFFFFFFF  }
0xad: {  	[dreg:$0x0] =	wrdreg $0x60  }
0xae: {  	[dreg:$0x2] =	wrdreg s24  }
0xaf: {  	[dreg:$0x3] =	wrdreg $0x9  }
0xb0: {  	_ =	task.clear_ibuf [dreg:s6], $0x4FFFF;
	_ =	strace $0x90000049  }
0xb1: {  	s29 =	simm.s32 $0x9;
	_ =	strace $0x8000004B  }
0xb2: {  	_ =	swait.ge [sflag:s29], $0x1  }
0xb3: {  	[sflag:s29] =	ssyncadd.s32 $0xFFFFFFFF  }
0xb4: {  	_ =	strace $0x9000004B  }
0xb5: {  	_ =	sfence  }
0xb6: {  	s30 =	sld [smem:$0x0];
	_ =	sdelay $0x2  }
0xb7: {  	s31 =	sshll.u32 s1, $0xD;
	s1 =	sshrl.u32 s1, $0x2  }
0xb8: {  	s3 =	sand.u32 $0x4000, s31;
	s1 =	sadd.s32 s1, s30  }
0xb9: {  	s0 =	sor.u32 s3, s0;
	s1 =	sshll.u32 s1, $0x11  }
0xba: {  	s0 =	sor.u32 s1, s0  }
0xbb: {  	s0 =	sadd.s32 $0x8F2B, s0  }
0xbc: {  	[sflag:s0] =	ssyncadd.remote.s32 $0x1  }
0xbd: {  	_ =	sfence.sel $0xFFFF  }
0xbe: {  	[dreg:$0x0] =	wrdreg $0xFFFFFFFF;
	(pc) =	sbr.abs _section_cstart, $3  }
0xbf: {  	[dreg:$0x1] =	wrdreg $0xFFFFFFFF  }
0xc0: {  	_ =	task.clear_ibuf [dreg:s6], $0x2FFFF;
	_ =	strace $0x9FFFFFFF  }
0xc1: {  	(tm) =	ssettm $0x7FFFFFFF  }
tec
execute0_lowered:
.L_overlay_start_1:
0x0: {  	(tag) =	ssettag $0x1  }
0x1: {  	s4 =	rddreg [dreg:$0x0]  }
0x2: {  	s0 =	rddreg [dreg:$0x1];
	s2 =	simm.s32 $0x0;
	s1 =	stileid.u32  }
0x3: {  	s3 =	srdreg.scid;
	s10 =	simm.s32 $0x0;
	s6 =	smul.u32 $0x1400, s1  }
0x4: {  	[smem:$0x7FF] =	sst s2;
	s5 =	sand.u32 $0x1, s3;
	s8 =	smul.u32 $0x14000, s1  }
0x5: {  	s3 =	sadd.s32 $0x4000, s4;
	s7 =	smul.u32 $0xA00, s5;
	s9 =	ssub.s32 $0x2, s5  }
0x6: {  	_ =	strace $0x8000004A;
	s5 =	smul.u32 $0xA000, s5;
	s31 =	sshrl.u32 s9, $0x1  }
0x7: {  	s8 =	sadd.s32 s8, s4;
	s6 =	sadd.s32 s7, s6;
	s7 =	ssub.s32 s9, s31  }
0x8: {  	s5 =	sadd.s32 s5, s8;
	s8 =	simm.s32 $0x80;
	s6 =	sshrl.u32 s6, $0x3  }
0x9: {  	s9 =	simm.s32 $0x1;
	s5 =	sadd.s32 $0x16800, s5;
	s6 =	sadd.s32 s6, s4  }
0xa: {  	s4 =	smax.u32 s7, $0x1;
	s7 =	simm.s32 $0x2;
	s6 =	sadd.s32 $0x14000, s6  }
.LBB2_1:
0xb: {  	s11 =	sadd.s32 $0x0, s6  }
0xc: {  	[tilespmem:s2], [sflag:$0x2] =	stream.linear.gather [hbm4b:s11+s2], $0x80, $0x38;
	[tilespmem:$0x4080] =	vst v63  }
0xd: {  	_ =	swait.ge [sflag:s7], $0x80  }
0xe: {  	[sflag:s7] =	ssyncset.done $0x0  }
0xf: {  	[sflag:s7] =	ssyncadd.s32 $0xFFFFFF80  }
0x10: {  	[tilespmem:s8], [sflag:$0x1] =	stream.indirect.gather [hbm4b:s3+s8], $0x80, s2, s8, $0xb8;
	[tilespmem:$0x4080] =	vst v63  }
0x11: {  	_ =	swait.ge [sflag:s9], $0x4000  }
0x12: {  	[sflag:s9] =	ssyncset.done $0x0  }
0x13: {  	[sflag:s9] =	ssyncadd.s32 $0xFFFFC000  }
0x14: {  	[hbm4b:s5+s2] =	stream.linear.scatter [tilespmem:s8], [sflag:$0x2], $0x4000, $0x38;
	[tilespmem:$0x4080] =	vst v63  }
0x15: {  	s12 =	simm.s32 $0x10;
	_ =	swait.ge [sflag:s7], $0x4000  }
0x16: {  	s13 =	simm.s32 $0x20;
	s11 =	sadd.s32 $0x800, s5;
	[sflag:s7] =	ssyncset.done $0x0  }
.LBB2_2:
0x17: {  	s14 =	sadd.s32 s12, s6  }
0x18: {  	[sflag:s7] =	ssyncadd.s32 $0xFFFFC000;
	s12 =	smov.u32 s13;
	s15 =	sadd.s32 $0x10, s13  }
0x19: {  	[tilespmem:s2], [sflag:$0x2] =	stream.linear.gather [hbm4b:s14+s2], $0x80, $0x38;
	[tilespmem:$0x4080] =	vst v63  }
0x1a: {  	p0 =	sne.s32 s13, $0x130;
	_ =	swait.ge [sflag:s7], $0x80  }
0x1b: {  	[sflag:s7] =	ssyncset.done $0x0  }
0x1c: {  	[sflag:s7] =	ssyncadd.s32 $0xFFFFFF80  }
0x1d: {  	[tilespmem:s8], [sflag:$0x1] =	stream.indirect.gather [hbm4b:s3+s8], $0x80, s2, s8, $0xb8;
	[tilespmem:$0x4080] =	vst v63  }
0x1e: {  	_ =	swait.ge [sflag:s9], $0x4000  }
.Ltmp0:
0x1f: {  	[sflag:s9] =	ssyncset.done $0x0;
	(pc) =	sbr.rel @p0 .LBB2_2-.Ltmp0, $4  }
0x20: {  	[sflag:s9] =	ssyncadd.s32 $0xFFFFC000  }
0x21: {  	[hbm4b:s11+s2] =	stream.linear.scatter [tilespmem:s8], [sflag:$0x2], $0x4000, $0x38;
	[tilespmem:$0x4080] =	vst v63  }
0x22: {  	_ =	swait.ge [sflag:s7], $0x4000  }
0x23: {  	s13 =	smov.u32 s15;
	s11 =	sadd.s32 $0x800, s11;
	[sflag:s7] =	ssyncset.done $0x0  }
0x24: {  	s12 =	sadd.s32 s12, s6;
	[sflag:s7] =	ssyncadd.s32 $0xFFFFC000  }
0x25: {  	[tilespmem:s2], [sflag:$0x2] =	stream.linear.gather [hbm4b:s12+s2], $0x80, $0x38;
	[tilespmem:$0x4080] =	vst v63  }
0x26: {  	_ =	swait.ge [sflag:s7], $0x80  }
0x27: {  	[sflag:s7] =	ssyncset.done $0x0  }
0x28: {  	[sflag:s7] =	ssyncadd.s32 $0xFFFFFF80  }
0x29: {  	[tilespmem:s8], [sflag:$0x1] =	stream.indirect.gather [hbm4b:s3+s8], $0x80, s2, s8, $0xb8;
	[tilespmem:$0x4080] =	vst v63  }
0x2a: {  	s10 =	sadd.s32 $0x1, s10;
	_ =	swait.ge [sflag:s9], $0x4000  }
0x2b: {  	p0 =	sne.s32 s10, s4;
	[sflag:s9] =	ssyncset.done $0x0  }
.Ltmp1:
0x2c: {  	[sflag:s9] =	ssyncadd.s32 $0xFFFFC000;
	(pc) =	sbr.rel @p0 .LBB2_1-.Ltmp1, $4  }
0x2d: {  	[hbm4b:s11+s2] =	stream.linear.scatter [tilespmem:s8], [sflag:$0x2], $0x4000, $0x38;
	[tilespmem:$0x4080] =	vst v63  }
0x2e: {  	_ =	swait.ge [sflag:s7], $0x4000  }
0x2f: {  	[sflag:s7] =	ssyncset.done $0x0  }
0x30: {  	[sflag:s7] =	ssyncadd.s32 $0xFFFFC000  }
0x31: {  	_ =	sfence.sel $0x180000  }
0x32: {  	[bflag:$0x0] =	sbarrier.arrive $0xFFFF  }
0x33: {  	p0 =	sne.s32 s1, $0x0;
	_ =	strace $0x9000004A  }
0x34: {  	s0 =	sadd.s32 @!p0 $0x100000, s0;
	[bflag:$0x2] =	sbarrier.arrive $0xFFFF  }
0x35: {  	[sflag:s0] =	ssyncadd.tile.s32 @!p0 $0x1;
	_ =	shalt  }
.Lfunc_end2:
_tile_overlayer_lowered:
.L_overlay_start_2:
0x36: {  	(tag) =	ssettag $0x2  }
0x37: {  	s0 =	rddreg [dreg:$0x0];
	s2 =	stileid.u32  }
0x38: {  	s1 =	rddreg [dreg:$0x1];
	p0 =	sne.s32 s2, $0x0  }
0x39: {  	s3 =	rddreg [dreg:$0x2];
	[bflag:$0x3] =	sbarrier.arrive $0xFFFF;
	s2 =	simm.s32 @!p0 $0x1C02  }
0x3a: {  	[timem:s3], [sflag:s2] =	dma.local @!p0 [hbm:s0], s1  }
0x3b: {  	s0 =	simm.s32 @!p0 $0x2  }
0x3c: {  	_ =	swait.ge @!p0 [sflag:s0], s1  }
0x3d: {  	s1 =	ssub.s32 @!p0 $0x0, s1;
	[sflag:s0] =	ssyncset.done @!p0 $0x0  }
0x3e: {  	[sflag:s0] =	ssyncadd.s32 @!p0 s1  }
0x3f: {  	[bflag:$0x3] =	sbarrier.arrive $0xFFFF  }
0x40: {  	_ =	shalt  }

// kernel: kernel.21.cloned.1.call-start
scs
__scs_entry_jumppad:
0x0: {  	(pc) =	sbr.rel $0x88, $3  }
0x1: {  	(tag) =	ssettag $0x0;
	lr =	simm.s32 $0x1  }
0x2: {  	[smem:$0x3F8F] =	sst lr;
	_ =	strace $0xD0000000  }
0x3: {  	_ = 	snop  }
0x4: {  	_ = 	snop  }
0x5: {  	_ = 	snop  }
0x6: {  	_ = 	snop  }
0x7: {  	_ = 	snop  }
__scs_overlays_trampoline_lowered:
0x8: {  	[smem:$0x3F9E] =	sst s0  }
0x9: {  	[smem:$0x3F9F] =	sst s1  }
0xa: {  	[smem:$0x3FA0] =	sst s2  }
0xb: {  	[smem:$0x3FA1] =	sst s3  }
0xc: {  	[smem:$0x3FA2] =	sst s4  }
0xd: {  	[smem:$0x3FA3] =	sst s5  }
0xe: {  	[smem:$0x3FA4] =	sst s6  }
0xf: {  	[smem:$0x3FA5] =	sst s7  }
0x10: {  	[smem:$0x3FA6] =	sst s8  }
0x11: {  	[smem:$0x3FA7] =	sst s9;
	s0 =	simm.s32 @!p0 $0x0  }
0x12: {  	s1 =	sld [smem:$0x3F8D];
	s0 =	simm.s32 @p0 $0x1  }
0x13: {  	[smem:$0x3FA8] =	sst s0;
	s0 =	simm.s32 @!p1 $0x0  }
0x14: {  	s2 =	sld [smem:$0x3F8C];
	s0 =	simm.s32 @p1 $0x1  }
0x15: {  	[smem:$0x3FA9] =	sst s0;
	s0 =	simm.s32 @!p2 $0x0  }
0x16: {  	s3 =	sld [smem:$0x3FDB];
	s0 =	simm.s32 @p2 $0x1  }
0x17: {  	s4 =	simm.s32 $0x1BF5;
	[smem:$0x3FAB] =	sst s0  }
0x18: {  	s0 =	sld [smem:$0x3F8E];
	_ =	swait.ge [sflag:s4], $0x0  }
0x19: {  	s7 =	sld [smem:$0x3F8F]  }
0x1a: {  	s8 =	sadd.s32 $0xFFFFE003, lr  }
0x1b: {  	s9 =	sadd.s32 $0xFFFFFEF7, lr;
	s5 =	simm.s32 $0xFFFFFFFF;
	p2 =	slt.u32 s8, $0xFFFFF086  }
0x1c: {  	p1 =	slt.u32 s9, $0xF7A;
	s5 =	simm.s32 @!p2 $0x0  }
0x1d: {  	s5 =	simm.s32 @p1 $0x1;
	p0 =	seq.s32 s7, s2  }
0x1e: {  	s7 =	smul.u32 @!p0 $0xF7A, s2;
	p2 =	seq.s32 @!p0 s5, $0x0  }
0x1f: {  	s9 =	smul.u32 $0xF7A, s1;
	s8 =	simm.s32 @!p0 $0x1BF5;
	p2 =	por !p2, p0  }
0x20: {  	[sflag:s8] =	ssyncset.s32 @!p0 $0xFFFFF086;
	s6 =	sadd.s32 @!p0 s3, s7;
	s7 =	simm.s32 @!p0 $0x108  }
0x21: {  	s3 =	sadd.s32 s3, s9;
	s6 =	sadd.s32 @!p0 $0x88, s6;
	s7 =	simm.s32 @p2 $0x1082  }
0x22: {  	[simem:s7], [sflag:s8] =	dma.local @!p0 [hbm:s6], $0xF7A  }
0x23: {  	s9 =	sor.u32 $0xD0000000, s2;
	s6 =	simm.s32 $0x108;
	_ =	swait.ge @!p0 [sflag:s8], $0x0  }
0x24: {  	s3 =	sadd.s32 $0x88, s3;
	s6 =	simm.s32 @!p1 $0x1082;
	[sflag:s4] =	ssyncset.s32 $0xFFFFF086  }
0x25: {  	[simem:s6], [sflag:s4] =	dma.local [hbm:s3], $0xF7A  }
0x26: {  	[smem:$0x3F8F] =	sst s1;
	(tag) =	ssettag s2;
	_ =	strace s9  }
0x27: {  	s1 =	sld [smem:$0x3F9F]  }
0x28: {  	s2 =	sld [smem:$0x3FA0]  }
0x29: {  	s4 =	sld [smem:$0x3FA2]  }
0x2a: {  	p0 =	seq.s32 s5, $0x0;
	s5 =	sld [smem:$0x3FA3]  }
0x2b: {  	s6 =	sld [smem:$0x3FA4]  }
0x2c: {  	s7 =	sld [smem:$0x3FA5]  }
0x2d: {  	s3 =	simm.s32 $0x108;
	s8 =	sld [smem:$0x3FA6]  }
0x2e: {  	s3 =	simm.s32 @!p0 $0x1082;
	s9 =	sld [smem:$0x3FA7]  }
0x2f: {  	lr =	sadd.s32 s0, s3;
	s0 =	sld [smem:$0x3F9E]  }
0x30: {  	s3 =	sld [smem:$0x3FA1]  }
0x31: {  	[smem:$0x3FAA] =	sst s10  }
0x32: {  	s10 =	sld [smem:$0x3FA8];
	_ =	sdelay $0x3  }
0x33: {  	p0 =	seq.s32 s10, $0x1;
	s10 =	sld [smem:$0x3FAA];
	_ =	sdelay $0x3  }
0x34: {  	[smem:$0x3FAA] =	sst s10  }
0x35: {  	s10 =	sld [smem:$0x3FA9];
	_ =	sdelay $0x3  }
0x36: {  	p1 =	seq.s32 s10, $0x1;
	s10 =	sld [smem:$0x3FAA];
	_ =	sdelay $0x3  }
0x37: {  	[smem:$0x3FAA] =	sst s10  }
0x38: {  	s10 =	sld [smem:$0x3FAB]  }
0x39: {  	_ = 	snop;
	(pc) =	sbr.ind lr, $3  }
0x3a: {  	_ = 	snop  }
0x3b: {  	_ = 	snop  }
0x3c: {  	p2 =	seq.s32 s10, $0x1;
	s10 =	sld [smem:$0x3FAA]  }
0x3d: {  	_ =	shalt  }
0x3e: {  	_ =	shalt  }
0x3f: {  	_ =	shalt  }
0x40: {  	_ =	shalt  }
0x41: {  	_ =	shalt  }
0x42: {  	_ =	shalt  }
0x43: {  	_ =	shalt  }
0x44: {  	_ =	shalt  }
0x45: {  	_ =	shalt  }
0x46: {  	_ =	shalt  }
0x47: {  	_ =	shalt  }
0x48: {  	_ =	shalt  }
0x49: {  	_ =	shalt  }
0x4a: {  	_ =	shalt  }
0x4b: {  	_ =	shalt  }
0x4c: {  	_ =	shalt  }
0x4d: {  	_ =	shalt  }
0x4e: {  	_ =	shalt  }
0x4f: {  	_ =	shalt  }
0x50: {  	_ =	shalt  }
0x51: {  	_ =	shalt  }
0x52: {  	_ =	shalt  }
0x53: {  	_ =	shalt  }
0x54: {  	_ =	shalt  }
0x55: {  	_ =	shalt  }
0x56: {  	_ =	shalt  }
0x57: {  	_ =	shalt  }
0x58: {  	_ =	shalt  }
0x59: {  	_ =	shalt  }
0x5a: {  	_ =	shalt  }
0x5b: {  	_ =	shalt  }
0x5c: {  	_ =	shalt  }
0x5d: {  	_ =	shalt  }
0x5e: {  	_ =	shalt  }
0x5f: {  	_ =	shalt  }
0x60: {  	_ =	shalt  }
0x61: {  	_ =	shalt  }
0x62: {  	_ =	shalt  }
0x63: {  	_ =	shalt  }
0x64: {  	_ =	shalt  }
0x65: {  	_ =	shalt  }
0x66: {  	_ =	shalt  }
0x67: {  	_ =	shalt  }
0x68: {  	_ =	shalt  }
0x69: {  	_ =	shalt  }
0x6a: {  	_ =	shalt  }
0x6b: {  	_ =	shalt  }
0x6c: {  	_ =	shalt  }
0x6d: {  	_ =	shalt  }
0x6e: {  	_ =	shalt  }
0x6f: {  	_ =	shalt  }
0x70: {  	_ =	shalt  }
0x71: {  	_ =	shalt  }
0x72: {  	_ =	shalt  }
0x73: {  	_ =	shalt  }
0x74: {  	_ =	shalt  }
0x75: {  	_ =	shalt  }
0x76: {  	_ =	shalt  }
0x77: {  	_ =	shalt  }
0x78: {  	_ =	shalt  }
0x79: {  	_ =	shalt  }
0x7a: {  	_ =	shalt  }
0x7b: {  	_ =	shalt  }
0x7c: {  	_ =	shalt  }
0x7d: {  	_ =	shalt  }
0x7e: {  	_ =	shalt  }
0x7f: {  	_ =	shalt  }
0x80: {  	_ =	shalt  }
0x81: {  	_ =	shalt  }
0x82: {  	_ =	shalt  }
0x83: {  	_ =	shalt  }
0x84: {  	_ =	shalt  }
0x85: {  	_ =	shalt  }
0x86: {  	_ =	shalt  }
0x87: {  	_ =	shalt  }
.Lfunc_end0:
.L_simem_size_0:
called_computation.2_lowered:
.L_overlay_start_0:
0x88: {  	s2 =	sld [smem:$0x3FD9]  }
0x89: {  	s3 =	sld [smem:$0x3FFE];
	_ =	sdelay $0x1  }
0x8a: {  	s1 =	srdreg.scid  }
0x8b: {  	s0 =	sand.u32 $0x1, s1  }
0x8c: {  	s16 =	sshll.u32 s0, $0xA;
	s2 =	sadd.s32 s3, s2  }
0x8d: {  	s2 =	sadd.s32 s2, s16  }
0x8e: {  	[smem:$0x3FB6] =	sst s2  }
0x8f: {  	_ = 	snop  }
0x90: {  	(tm) =	ssettm $0x1  }
0x91: {  	s17 =	sld [smem:$0x3FFB];
	_ =	sdelay $0x3  }
0x92: {  	_ =	strace s17  }
0x93: {  	s2 =	sld [smem:$0x3FFC];
	_ =	sdelay $0x3  }
0x94: {  	_ =	strace s2  }
0x95: {  	s2 =	sld [smem:$0x3FFD];
	_ =	sdelay $0x3  }
0x96: {  	_ =	strace s2  }
0x97: {  	_ =	strace $0x8FFFFFFF  }
0x98: {  	s18 =	sld [smem:$0x3FDB];
	_ =	sdelay $0x1  }
0x99: {  	s19 =	simm.s32 $_scs_section_size  }
0x9a: {  	s4 =	simm.s32 $_size__tile_overlayer_lowered;
	s5 =	simm.s32 $_tile_overlayer_lowered  }
0x9b: {  	s22 =	simm.s32 $0x1BFF;
	s21 =	sshll.u32 s5, $0x1;
	s2 =	sadd.s32 s19, s18  }
0x9c: {  	s6 =	simm.s32 $0x0;
	s20 =	sshll.u32 s4, $0x1;
	s4 =	sadd.s32 s21, s2  }
0x9d: {  	[timem:s6], [sflag:s22] =	dma.local [hbm:s4], s20  }
0x9e: {  	_ =	swait.ge [sflag:s22], s20  }
0x9f: {  	s3 =	ssub.s32 $0x0, s20;
	[sflag:s22] =	ssyncset.done $0x0  }
0xa0: {  	[sflag:s22] =	ssyncadd.s32 s3;
	_ =	sdelay $0x1  }
0xa1: {  	s23 =	simm.s32 $0x1B8B  }
0xa2: {  	_ =	swait.ge [sflag:s23], $0x1  }
0xa3: {  	[sflag:s23] =	ssyncset.done $0x0  }
0xa4: {  	s25 =	simm.s32 $0x1B8E;
	s24 =	sld [smem:$0x3FFE];
	[sflag:s23] =	ssyncadd.s32 $0xFFFFFFFF  }
0xa5: {  	s26 =	simm.s32 $execute0_lowered;
	[smem:$0x3FD2] =	sst s25  }
0xa6: {  	s4 =	sshll.u32 s26, $0x1;
	_ =	strace $0x8000004C;
	[dreg:$0x1] =	wrdreg $0xFFFFFFFF  }
0xa7: {  	s28 =	simm.s32 $_size_execute0_lowered;
	s2 =	sadd.s32 s2, s4;
	[dreg:$0x0] =	wrdreg $0x0  }
0xa8: {  	s4 =	sshll.u32 s28, $0x1;
	[dreg:$0x2] =	wrdreg s2  }
0xa9: {  	[dreg:$0x3] =	wrdreg s4  }
0xaa: {  	[dreg:$0x4] =	wrdreg $0xC0  }
0xab: {  	_ =	task [dreg:s6], $0x5FFFF  }
0xac: {  	[dreg:$0x1] =	wrdreg $0xFFFFFFFF  }
0xad: {  	[dreg:$0x0] =	wrdreg $0x60  }
0xae: {  	[dreg:$0x2] =	wrdreg s24  }
0xaf: {  	[dreg:$0x3] =	wrdreg $0x9  }
0xb0: {  	_ =	task.clear_ibuf [dreg:s6], $0x4FFFF;
	_ =	strace $0x9000004C  }
0xb1: {  	s29 =	simm.s32 $0x9;
	_ =	strace $0x8000004E  }
0xb2: {  	_ =	swait.ge [sflag:s29], $0x1  }
0xb3: {  	[sflag:s29] =	ssyncadd.s32 $0xFFFFFFFF  }
0xb4: {  	_ =	strace $0x9000004E  }
0xb5: {  	_ =	sfence  }
0xb6: {  	s30 =	sld [smem:$0x0];
	_ =	sdelay $0x2  }
0xb7: {  	s31 =	sshll.u32 s1, $0xD;
	s1 =	sshrl.u32 s1, $0x2  }
0xb8: {  	s3 =	sand.u32 $0x4000, s31;
	s1 =	sadd.s32 s1, s30  }
0xb9: {  	s0 =	sor.u32 s3, s0;
	s1 =	sshll.u32 s1, $0x11  }
0xba: {  	s0 =	sor.u32 s1, s0  }
0xbb: {  	s0 =	sadd.s32 $0x8F2B, s0  }
0xbc: {  	[sflag:s0] =	ssyncadd.remote.s32 $0x1  }
0xbd: {  	_ =	sfence.sel $0xFFFF  }
0xbe: {  	[dreg:$0x0] =	wrdreg $0xFFFFFFFF;
	(pc) =	sbr.abs _section_cstart, $3  }
0xbf: {  	[dreg:$0x1] =	wrdreg $0xFFFFFFFF  }
0xc0: {  	_ =	task.clear_ibuf [dreg:s6], $0x2FFFF;
	_ =	strace $0x9FFFFFFF  }
0xc1: {  	(tm) =	ssettm $0x7FFFFFFF  }
tec
execute0_lowered:
.L_overlay_start_1:
0x0: {  	(tag) =	ssettag $0x1  }
0x1: {  	s4 =	rddreg [dreg:$0x0]  }
0x2: {  	s0 =	rddreg [dreg:$0x1];
	s2 =	simm.s32 $0x0;
	s1 =	stileid.u32  }
0x3: {  	s3 =	srdreg.scid;
	s10 =	simm.s32 $0x0;
	s6 =	smul.u32 $0x1400, s1  }
0x4: {  	[smem:$0x7FF] =	sst s2;
	s5 =	sand.u32 $0x1, s3;
	s8 =	smul.u32 $0x14000, s1  }
0x5: {  	s3 =	sadd.s32 $0x4000, s4;
	s7 =	smul.u32 $0xA00, s5;
	s9 =	ssub.s32 $0x2, s5  }
0x6: {  	_ =	strace $0x8000004D;
	s5 =	smul.u32 $0xA000, s5;
	s31 =	sshrl.u32 s9, $0x1  }
0x7: {  	s8 =	sadd.s32 s8, s4;
	s6 =	sadd.s32 s7, s6;
	s7 =	ssub.s32 s9, s31  }
0x8: {  	s5 =	sadd.s32 s5, s8;
	s8 =	simm.s32 $0x80;
	s6 =	sshrl.u32 s6, $0x3  }
0x9: {  	s9 =	simm.s32 $0x1;
	s5 =	sadd.s32 $0x16800, s5;
	s6 =	sadd.s32 s6, s4  }
0xa: {  	s4 =	smax.u32 s7, $0x1;
	s7 =	simm.s32 $0x2;
	s6 =	sadd.s32 $0x14000, s6  }
.LBB2_1:
0xb: {  	s11 =	sadd.s32 $0x0, s6  }
0xc: {  	[tilespmem:s2], [sflag:$0x2] =	stream.linear.gather [hbm4b:s11+s2], $0x80, $0x38;
	[tilespmem:$0x4080] =	vst v63  }
0xd: {  	_ =	swait.ge [sflag:s7], $0x80  }
0xe: {  	[sflag:s7] =	ssyncset.done $0x0  }
0xf: {  	[sflag:s7] =	ssyncadd.s32 $0xFFFFFF80  }
0x10: {  	[tilespmem:s8], [sflag:$0x1] =	stream.indirect.gather [hbm4b:s3+s8], $0x80, s2, s8, $0xb8;
	[tilespmem:$0x4080] =	vst v63  }
0x11: {  	_ =	swait.ge [sflag:s9], $0x4000  }
0x12: {  	[sflag:s9] =	ssyncset.done $0x0  }
0x13: {  	[sflag:s9] =	ssyncadd.s32 $0xFFFFC000  }
0x14: {  	[hbm4b:s5+s2] =	stream.linear.scatter [tilespmem:s8], [sflag:$0x2], $0x4000, $0x38;
	[tilespmem:$0x4080] =	vst v63  }
0x15: {  	s12 =	simm.s32 $0x10;
	_ =	swait.ge [sflag:s7], $0x4000  }
0x16: {  	s13 =	simm.s32 $0x20;
	s11 =	sadd.s32 $0x800, s5;
	[sflag:s7] =	ssyncset.done $0x0  }
.LBB2_2:
0x17: {  	s14 =	sadd.s32 s12, s6  }
0x18: {  	[sflag:s7] =	ssyncadd.s32 $0xFFFFC000;
	s12 =	smov.u32 s13;
	s15 =	sadd.s32 $0x10, s13  }
0x19: {  	[tilespmem:s2], [sflag:$0x2] =	stream.linear.gather [hbm4b:s14+s2], $0x80, $0x38;
	[tilespmem:$0x4080] =	vst v63  }
0x1a: {  	p0 =	sne.s32 s13, $0x130;
	_ =	swait.ge [sflag:s7], $0x80  }
0x1b: {  	[sflag:s7] =	ssyncset.done $0x0  }
0x1c: {  	[sflag:s7] =	ssyncadd.s32 $0xFFFFFF80  }
0x1d: {  	[tilespmem:s8], [sflag:$0x1] =	stream.indirect.gather [hbm4b:s3+s8], $0x80, s2, s8, $0xb8;
	[tilespmem:$0x4080] =	vst v63  }
0x1e: {  	_ =	swait.ge [sflag:s9], $0x4000  }
.Ltmp0:
0x1f: {  	[sflag:s9] =	ssyncset.done $0x0;
	(pc) =	sbr.rel @p0 .LBB2_2-.Ltmp0, $4  }
0x20: {  	[sflag:s9] =	ssyncadd.s32 $0xFFFFC000  }
0x21: {  	[hbm4b:s11+s2] =	stream.linear.scatter [tilespmem:s8], [sflag:$0x2], $0x4000, $0x38;
	[tilespmem:$0x4080] =	vst v63  }
0x22: {  	_ =	swait.ge [sflag:s7], $0x4000  }
0x23: {  	s13 =	smov.u32 s15;
	s11 =	sadd.s32 $0x800, s11;
	[sflag:s7] =	ssyncset.done $0x0  }
0x24: {  	s12 =	sadd.s32 s12, s6;
	[sflag:s7] =	ssyncadd.s32 $0xFFFFC000  }
0x25: {  	[tilespmem:s2], [sflag:$0x2] =	stream.linear.gather [hbm4b:s12+s2], $0x80, $0x38;
	[tilespmem:$0x4080] =	vst v63  }
0x26: {  	_ =	swait.ge [sflag:s7], $0x80  }
0x27: {  	[sflag:s7] =	ssyncset.done $0x0  }
0x28: {  	[sflag:s7] =	ssyncadd.s32 $0xFFFFFF80  }
0x29: {  	[tilespmem:s8], [sflag:$0x1] =	stream.indirect.gather [hbm4b:s3+s8], $0x80, s2, s8, $0xb8;
	[tilespmem:$0x4080] =	vst v63  }
0x2a: {  	s10 =	sadd.s32 $0x1, s10;
	_ =	swait.ge [sflag:s9], $0x4000  }
0x2b: {  	p0 =	sne.s32 s10, s4;
	[sflag:s9] =	ssyncset.done $0x0  }
.Ltmp1:
0x2c: {  	[sflag:s9] =	ssyncadd.s32 $0xFFFFC000;
	(pc) =	sbr.rel @p0 .LBB2_1-.Ltmp1, $4  }
0x2d: {  	[hbm4b:s11+s2] =	stream.linear.scatter [tilespmem:s8], [sflag:$0x2], $0x4000, $0x38;
	[tilespmem:$0x4080] =	vst v63  }
0x2e: {  	_ =	swait.ge [sflag:s7], $0x4000  }
0x2f: {  	[sflag:s7] =	ssyncset.done $0x0  }
0x30: {  	[sflag:s7] =	ssyncadd.s32 $0xFFFFC000  }
0x31: {  	_ =	sfence.sel $0x180000  }
0x32: {  	[bflag:$0x0] =	sbarrier.arrive $0xFFFF  }
0x33: {  	p0 =	sne.s32 s1, $0x0;
	_ =	strace $0x9000004D  }
0x34: {  	s0 =	sadd.s32 @!p0 $0x100000, s0;
	[bflag:$0x2] =	sbarrier.arrive $0xFFFF  }
0x35: {  	[sflag:s0] =	ssyncadd.tile.s32 @!p0 $0x1;
	_ =	shalt  }
.Lfunc_end2:
_tile_overlayer_lowered:
.L_overlay_start_2:
0x36: {  	(tag) =	ssettag $0x2  }
0x37: {  	s0 =	rddreg [dreg:$0x0];
	s2 =	stileid.u32  }
0x38: {  	s1 =	rddreg [dreg:$0x1];
	p0 =	sne.s32 s2, $0x0  }
0x39: {  	s3 =	rddreg [dreg:$0x2];
	[bflag:$0x3] =	sbarrier.arrive $0xFFFF;
	s2 =	simm.s32 @!p0 $0x1C02  }
0x3a: {  	[timem:s3], [sflag:s2] =	dma.local @!p0 [hbm:s0], s1  }
0x3b: {  	s0 =	simm.s32 @!p0 $0x2  }
0x3c: {  	_ =	swait.ge @!p0 [sflag:s0], s1  }
0x3d: {  	s1 =	ssub.s32 @!p0 $0x0, s1;
	[sflag:s0] =	ssyncset.done @!p0 $0x0  }
0x3e: {  	[sflag:s0] =	ssyncadd.s32 @!p0 s1  }
0x3f: {  	[bflag:$0x3] =	sbarrier.arrive $0xFFFF  }
0x40: {  	_ =	shalt  }

// kernel: kernel.24.cloned.1.call-start
scs
__scs_entry_jumppad:
0x0: {  	(pc) =	sbr.rel $0x88, $3  }
0x1: {  	(tag) =	ssettag $0x0;
	lr =	simm.s32 $0x1  }
0x2: {  	[smem:$0x3F8F] =	sst lr;
	_ =	strace $0xD0000000  }
0x3: {  	_ = 	snop  }
0x4: {  	_ = 	snop  }
0x5: {  	_ = 	snop  }
0x6: {  	_ = 	snop  }
0x7: {  	_ = 	snop  }
__scs_overlays_trampoline_lowered:
0x8: {  	[smem:$0x3F9E] =	sst s0  }
0x9: {  	[smem:$0x3F9F] =	sst s1  }
0xa: {  	[smem:$0x3FA0] =	sst s2  }
0xb: {  	[smem:$0x3FA1] =	sst s3  }
0xc: {  	[smem:$0x3FA2] =	sst s4  }
0xd: {  	[smem:$0x3FA3] =	sst s5  }
0xe: {  	[smem:$0x3FA4] =	sst s6  }
0xf: {  	[smem:$0x3FA5] =	sst s7  }
0x10: {  	[smem:$0x3FA6] =	sst s8  }
0x11: {  	[smem:$0x3FA7] =	sst s9;
	s0 =	simm.s32 @!p0 $0x0  }
0x12: {  	s1 =	sld [smem:$0x3F8D];
	s0 =	simm.s32 @p0 $0x1  }
0x13: {  	[smem:$0x3FA8] =	sst s0;
	s0 =	simm.s32 @!p1 $0x0  }
0x14: {  	s2 =	sld [smem:$0x3F8C];
	s0 =	simm.s32 @p1 $0x1  }
0x15: {  	[smem:$0x3FA9] =	sst s0;
	s0 =	simm.s32 @!p2 $0x0  }
0x16: {  	s3 =	sld [smem:$0x3FDB];
	s0 =	simm.s32 @p2 $0x1  }
0x17: {  	s4 =	simm.s32 $0x1BF5;
	[smem:$0x3FAB] =	sst s0  }
0x18: {  	s0 =	sld [smem:$0x3F8E];
	_ =	swait.ge [sflag:s4], $0x0  }
0x19: {  	s7 =	sld [smem:$0x3F8F]  }
0x1a: {  	s8 =	sadd.s32 $0xFFFFE003, lr  }
0x1b: {  	s9 =	sadd.s32 $0xFFFFFEF7, lr;
	s5 =	simm.s32 $0xFFFFFFFF;
	p2 =	slt.u32 s8, $0xFFFFF086  }
0x1c: {  	p1 =	slt.u32 s9, $0xF7A;
	s5 =	simm.s32 @!p2 $0x0  }
0x1d: {  	s5 =	simm.s32 @p1 $0x1;
	p0 =	seq.s32 s7, s2  }
0x1e: {  	s7 =	smul.u32 @!p0 $0xF7A, s2;
	p2 =	seq.s32 @!p0 s5, $0x0  }
0x1f: {  	s9 =	smul.u32 $0xF7A, s1;
	s8 =	simm.s32 @!p0 $0x1BF5;
	p2 =	por !p2, p0  }
0x20: {  	[sflag:s8] =	ssyncset.s32 @!p0 $0xFFFFF086;
	s6 =	sadd.s32 @!p0 s3, s7;
	s7 =	simm.s32 @!p0 $0x108  }
0x21: {  	s3 =	sadd.s32 s3, s9;
	s6 =	sadd.s32 @!p0 $0x88, s6;
	s7 =	simm.s32 @p2 $0x1082  }
0x22: {  	[simem:s7], [sflag:s8] =	dma.local @!p0 [hbm:s6], $0xF7A  }
0x23: {  	s9 =	sor.u32 $0xD0000000, s2;
	s6 =	simm.s32 $0x108;
	_ =	swait.ge @!p0 [sflag:s8], $0x0  }
0x24: {  	s3 =	sadd.s32 $0x88, s3;
	s6 =	simm.s32 @!p1 $0x1082;
	[sflag:s4] =	ssyncset.s32 $0xFFFFF086  }
0x25: {  	[simem:s6], [sflag:s4] =	dma.local [hbm:s3], $0xF7A  }
0x26: {  	[smem:$0x3F8F] =	sst s1;
	(tag) =	ssettag s2;
	_ =	strace s9  }
0x27: {  	s1 =	sld [smem:$0x3F9F]  }
0x28: {  	s2 =	sld [smem:$0x3FA0]  }
0x29: {  	s4 =	sld [smem:$0x3FA2]  }
0x2a: {  	p0 =	seq.s32 s5, $0x0;
	s5 =	sld [smem:$0x3FA3]  }
0x2b: {  	s6 =	sld [smem:$0x3FA4]  }
0x2c: {  	s7 =	sld [smem:$0x3FA5]  }
0x2d: {  	s3 =	simm.s32 $0x108;
	s8 =	sld [smem:$0x3FA6]  }
0x2e: {  	s3 =	simm.s32 @!p0 $0x1082;
	s9 =	sld [smem:$0x3FA7]  }
0x2f: {  	lr =	sadd.s32 s0, s3;
	s0 =	sld [smem:$0x3F9E]  }
0x30: {  	s3 =	sld [smem:$0x3FA1]  }
0x31: {  	[smem:$0x3FAA] =	sst s10  }
0x32: {  	s10 =	sld [smem:$0x3FA8];
	_ =	sdelay $0x3  }
0x33: {  	p0 =	seq.s32 s10, $0x1;
	s10 =	sld [smem:$0x3FAA];
	_ =	sdelay $0x3  }
0x34: {  	[smem:$0x3FAA] =	sst s10  }
0x35: {  	s10 =	sld [smem:$0x3FA9];
	_ =	sdelay $0x3  }
0x36: {  	p1 =	seq.s32 s10, $0x1;
	s10 =	sld [smem:$0x3FAA];
	_ =	sdelay $0x3  }
0x37: {  	[smem:$0x3FAA] =	sst s10  }
0x38: {  	s10 =	sld [smem:$0x3FAB]  }
0x39: {  	_ = 	snop;
	(pc) =	sbr.ind lr, $3  }
0x3a: {  	_ = 	snop  }
0x3b: {  	_ = 	snop  }
0x3c: {  	p2 =	seq.s32 s10, $0x1;
	s10 =	sld [smem:$0x3FAA]  }
0x3d: {  	_ =	shalt  }
0x3e: {  	_ =	shalt  }
0x3f: {  	_ =	shalt  }
0x40: {  	_ =	shalt  }
0x41: {  	_ =	shalt  }
0x42: {  	_ =	shalt  }
0x43: {  	_ =	shalt  }
0x44: {  	_ =	shalt  }
0x45: {  	_ =	shalt  }
0x46: {  	_ =	shalt  }
0x47: {  	_ =	shalt  }
0x48: {  	_ =	shalt  }
0x49: {  	_ =	shalt  }
0x4a: {  	_ =	shalt  }
0x4b: {  	_ =	shalt  }
0x4c: {  	_ =	shalt  }
0x4d: {  	_ =	shalt  }
0x4e: {  	_ =	shalt  }
0x4f: {  	_ =	shalt  }
0x50: {  	_ =	shalt  }
0x51: {  	_ =	shalt  }
0x52: {  	_ =	shalt  }
0x53: {  	_ =	shalt  }
0x54: {  	_ =	shalt  }
0x55: {  	_ =	shalt  }
0x56: {  	_ =	shalt  }
0x57: {  	_ =	shalt  }
0x58: {  	_ =	shalt  }
0x59: {  	_ =	shalt  }
0x5a: {  	_ =	shalt  }
0x5b: {  	_ =	shalt  }
0x5c: {  	_ =	shalt  }
0x5d: {  	_ =	shalt  }
0x5e: {  	_ =	shalt  }
0x5f: {  	_ =	shalt  }
0x60: {  	_ =	shalt  }
0x61: {  	_ =	shalt  }
0x62: {  	_ =	shalt  }
0x63: {  	_ =	shalt  }
0x64: {  	_ =	shalt  }
0x65: {  	_ =	shalt  }
0x66: {  	_ =	shalt  }
0x67: {  	_ =	shalt  }
0x68: {  	_ =	shalt  }
0x69: {  	_ =	shalt  }
0x6a: {  	_ =	shalt  }
0x6b: {  	_ =	shalt  }
0x6c: {  	_ =	shalt  }
0x6d: {  	_ =	shalt  }
0x6e: {  	_ =	shalt  }
0x6f: {  	_ =	shalt  }
0x70: {  	_ =	shalt  }
0x71: {  	_ =	shalt  }
0x72: {  	_ =	shalt  }
0x73: {  	_ =	shalt  }
0x74: {  	_ =	shalt  }
0x75: {  	_ =	shalt  }
0x76: {  	_ =	shalt  }
0x77: {  	_ =	shalt  }
0x78: {  	_ =	shalt  }
0x79: {  	_ =	shalt  }
0x7a: {  	_ =	shalt  }
0x7b: {  	_ =	shalt  }
0x7c: {  	_ =	shalt  }
0x7d: {  	_ =	shalt  }
0x7e: {  	_ =	shalt  }
0x7f: {  	_ =	shalt  }
0x80: {  	_ =	shalt  }
0x81: {  	_ =	shalt  }
0x82: {  	_ =	shalt  }
0x83: {  	_ =	shalt  }
0x84: {  	_ =	shalt  }
0x85: {  	_ =	shalt  }
0x86: {  	_ =	shalt  }
0x87: {  	_ =	shalt  }
.Lfunc_end0:
.L_simem_size_0:
called_computation.3_lowered:
.L_overlay_start_0:
0x88: {  	s2 =	sld [smem:$0x3FD9]  }
0x89: {  	s3 =	sld [smem:$0x3FFE];
	_ =	sdelay $0x1  }
0x8a: {  	s1 =	srdreg.scid  }
0x8b: {  	s0 =	sand.u32 $0x1, s1  }
0x8c: {  	s16 =	sshll.u32 s0, $0xA;
	s2 =	sadd.s32 s3, s2  }
0x8d: {  	s2 =	sadd.s32 s2, s16  }
0x8e: {  	[smem:$0x3FB6] =	sst s2  }
0x8f: {  	_ = 	snop  }
0x90: {  	(tm) =	ssettm $0x1  }
0x91: {  	s17 =	sld [smem:$0x3FFB];
	_ =	sdelay $0x3  }
0x92: {  	_ =	strace s17  }
0x93: {  	s2 =	sld [smem:$0x3FFC];
	_ =	sdelay $0x3  }
0x94: {  	_ =	strace s2  }
0x95: {  	s2 =	sld [smem:$0x3FFD];
	_ =	sdelay $0x3  }
0x96: {  	_ =	strace s2  }
0x97: {  	_ =	strace $0x8FFFFFFF  }
0x98: {  	s18 =	sld [smem:$0x3FDB];
	_ =	sdelay $0x1  }
0x99: {  	s19 =	simm.s32 $_scs_section_size  }
0x9a: {  	s4 =	simm.s32 $_size__tile_overlayer_lowered;
	s5 =	simm.s32 $_tile_overlayer_lowered  }
0x9b: {  	s22 =	simm.s32 $0x1BFF;
	s21 =	sshll.u32 s5, $0x1;
	s2 =	sadd.s32 s19, s18  }
0x9c: {  	s6 =	simm.s32 $0x0;
	s20 =	sshll.u32 s4, $0x1;
	s4 =	sadd.s32 s21, s2  }
0x9d: {  	[timem:s6], [sflag:s22] =	dma.local [hbm:s4], s20  }
0x9e: {  	_ =	swait.ge [sflag:s22], s20  }
0x9f: {  	s3 =	ssub.s32 $0x0, s20;
	[sflag:s22] =	ssyncset.done $0x0  }
0xa0: {  	[sflag:s22] =	ssyncadd.s32 s3;
	_ =	sdelay $0x1  }
0xa1: {  	s23 =	simm.s32 $0x1B8B  }
0xa2: {  	_ =	swait.ge [sflag:s23], $0x1  }
0xa3: {  	[sflag:s23] =	ssyncset.done $0x0  }
0xa4: {  	s25 =	simm.s32 $0x1B8E;
	s24 =	sld [smem:$0x3FFE];
	[sflag:s23] =	ssyncadd.s32 $0xFFFFFFFF  }
0xa5: {  	s26 =	simm.s32 $execute0_lowered;
	[smem:$0x3FD2] =	sst s25  }
0xa6: {  	s4 =	sshll.u32 s26, $0x1;
	_ =	strace $0x8000004F;
	[dreg:$0x1] =	wrdreg $0xFFFFFFFF  }
0xa7: {  	s28 =	simm.s32 $_size_execute0_lowered;
	s2 =	sadd.s32 s2, s4;
	[dreg:$0x0] =	wrdreg $0x0  }
0xa8: {  	s4 =	sshll.u32 s28, $0x1;
	[dreg:$0x2] =	wrdreg s2  }
0xa9: {  	[dreg:$0x3] =	wrdreg s4  }
0xaa: {  	[dreg:$0x4] =	wrdreg $0xC0  }
0xab: {  	_ =	task [dreg:s6], $0x5FFFF  }
0xac: {  	[dreg:$0x1] =	wrdreg $0xFFFFFFFF  }
0xad: {  	[dreg:$0x0] =	wrdreg $0x60  }
0xae: {  	[dreg:$0x2] =	wrdreg s24  }
0xaf: {  	[dreg:$0x3] =	wrdreg $0x9  }
0xb0: {  	_ =	task.clear_ibuf [dreg:s6], $0x4FFFF;
	_ =	strace $0x9000004F  }
0xb1: {  	s29 =	simm.s32 $0x9;
	_ =	strace $0x80000051  }
0xb2: {  	_ =	swait.ge [sflag:s29], $0x1  }
0xb3: {  	[sflag:s29] =	ssyncadd.s32 $0xFFFFFFFF  }
0xb4: {  	_ =	strace $0x90000051  }
0xb5: {  	_ =	sfence  }
0xb6: {  	s30 =	sld [smem:$0x0];
	_ =	sdelay $0x2  }
0xb7: {  	s31 =	sshll.u32 s1, $0xD;
	s1 =	sshrl.u32 s1, $0x2  }
0xb8: {  	s3 =	sand.u32 $0x4000, s31;
	s1 =	sadd.s32 s1, s30  }
0xb9: {  	s0 =	sor.u32 s3, s0;
	s1 =	sshll.u32 s1, $0x11  }
0xba: {  	s0 =	sor.u32 s1, s0  }
0xbb: {  	s0 =	sadd.s32 $0x8F2B, s0  }
0xbc: {  	[sflag:s0] =	ssyncadd.remote.s32 $0x1  }
0xbd: {  	_ =	sfence.sel $0xFFFF  }
0xbe: {  	[dreg:$0x0] =	wrdreg $0xFFFFFFFF;
	(pc) =	sbr.abs _section_cstart, $3  }
0xbf: {  	[dreg:$0x1] =	wrdreg $0xFFFFFFFF  }
0xc0: {  	_ =	task.clear_ibuf [dreg:s6], $0x2FFFF;
	_ =	strace $0x9FFFFFFF  }
0xc1: {  	(tm) =	ssettm $0x7FFFFFFF  }
tec
execute0_lowered:
.L_overlay_start_1:
0x0: {  	(tag) =	ssettag $0x1  }
0x1: {  	s4 =	rddreg [dreg:$0x0]  }
0x2: {  	s0 =	rddreg [dreg:$0x1];
	s2 =	simm.s32 $0x0;
	s1 =	stileid.u32  }
0x3: {  	s3 =	srdreg.scid;
	s10 =	simm.s32 $0x0;
	s6 =	smul.u32 $0x1400, s1  }
0x4: {  	[smem:$0x7FF] =	sst s2;
	s5 =	sand.u32 $0x1, s3;
	s8 =	smul.u32 $0x14000, s1  }
0x5: {  	s3 =	sadd.s32 $0x4000, s4;
	s7 =	smul.u32 $0xA00, s5;
	s9 =	ssub.s32 $0x2, s5  }
0x6: {  	_ =	strace $0x80000050;
	s5 =	smul.u32 $0xA000, s5;
	s31 =	sshrl.u32 s9, $0x1  }
0x7: {  	s8 =	sadd.s32 s8, s4;
	s6 =	sadd.s32 s7, s6;
	s7 =	ssub.s32 s9, s31  }
0x8: {  	s5 =	sadd.s32 s5, s8;
	s8 =	simm.s32 $0x80;
	s6 =	sshrl.u32 s6, $0x3  }
0x9: {  	s9 =	simm.s32 $0x1;
	s5 =	sadd.s32 $0x16800, s5;
	s6 =	sadd.s32 s6, s4  }
0xa: {  	s4 =	smax.u32 s7, $0x1;
	s7 =	simm.s32 $0x2;
	s6 =	sadd.s32 $0x14000, s6  }
.LBB2_1:
0xb: {  	s11 =	sadd.s32 $0x0, s6  }
0xc: {  	[tilespmem:s2], [sflag:$0x2] =	stream.linear.gather [hbm4b:s11+s2], $0x80, $0x38;
	[tilespmem:$0x4080] =	vst v63  }
0xd: {  	_ =	swait.ge [sflag:s7], $0x80  }
0xe: {  	[sflag:s7] =	ssyncset.done $0x0  }
0xf: {  	[sflag:s7] =	ssyncadd.s32 $0xFFFFFF80  }
0x10: {  	[tilespmem:s8], [sflag:$0x1] =	stream.indirect.gather [hbm4b:s3+s8], $0x80, s2, s8, $0xb8;
	[tilespmem:$0x4080] =	vst v63  }
0x11: {  	_ =	swait.ge [sflag:s9], $0x4000  }
0x12: {  	[sflag:s9] =	ssyncset.done $0x0  }
0x13: {  	[sflag:s9] =	ssyncadd.s32 $0xFFFFC000  }
0x14: {  	[hbm4b:s5+s2] =	stream.linear.scatter [tilespmem:s8], [sflag:$0x2], $0x4000, $0x38;
	[tilespmem:$0x4080] =	vst v63  }
0x15: {  	s12 =	simm.s32 $0x10;
	_ =	swait.ge [sflag:s7], $0x4000  }
0x16: {  	s13 =	simm.s32 $0x20;
	s11 =	sadd.s32 $0x800, s5;
	[sflag:s7] =	ssyncset.done $0x0  }
.LBB2_2:
0x17: {  	s14 =	sadd.s32 s12, s6  }
0x18: {  	[sflag:s7] =	ssyncadd.s32 $0xFFFFC000;
	s12 =	smov.u32 s13;
	s15 =	sadd.s32 $0x10, s13  }
0x19: {  	[tilespmem:s2], [sflag:$0x2] =	stream.linear.gather [hbm4b:s14+s2], $0x80, $0x38;
	[tilespmem:$0x4080] =	vst v63  }
0x1a: {  	p0 =	sne.s32 s13, $0x130;
	_ =	swait.ge [sflag:s7], $0x80  }
0x1b: {  	[sflag:s7] =	ssyncset.done $0x0  }
0x1c: {  	[sflag:s7] =	ssyncadd.s32 $0xFFFFFF80  }
0x1d: {  	[tilespmem:s8], [sflag:$0x1] =	stream.indirect.gather [hbm4b:s3+s8], $0x80, s2, s8, $0xb8;
	[tilespmem:$0x4080] =	vst v63  }
0x1e: {  	_ =	swait.ge [sflag:s9], $0x4000  }
.Ltmp0:
0x1f: {  	[sflag:s9] =	ssyncset.done $0x0;
	(pc) =	sbr.rel @p0 .LBB2_2-.Ltmp0, $4  }
0x20: {  	[sflag:s9] =	ssyncadd.s32 $0xFFFFC000  }
0x21: {  	[hbm4b:s11+s2] =	stream.linear.scatter [tilespmem:s8], [sflag:$0x2], $0x4000, $0x38;
	[tilespmem:$0x4080] =	vst v63  }
0x22: {  	_ =	swait.ge [sflag:s7], $0x4000  }
0x23: {  	s13 =	smov.u32 s15;
	s11 =	sadd.s32 $0x800, s11;
	[sflag:s7] =	ssyncset.done $0x0  }
0x24: {  	s12 =	sadd.s32 s12, s6;
	[sflag:s7] =	ssyncadd.s32 $0xFFFFC000  }
0x25: {  	[tilespmem:s2], [sflag:$0x2] =	stream.linear.gather [hbm4b:s12+s2], $0x80, $0x38;
	[tilespmem:$0x4080] =	vst v63  }
0x26: {  	_ =	swait.ge [sflag:s7], $0x80  }
0x27: {  	[sflag:s7] =	ssyncset.done $0x0  }
0x28: {  	[sflag:s7] =	ssyncadd.s32 $0xFFFFFF80  }
0x29: {  	[tilespmem:s8], [sflag:$0x1] =	stream.indirect.gather [hbm4b:s3+s8], $0x80, s2, s8, $0xb8;
	[tilespmem:$0x4080] =	vst v63  }
0x2a: {  	s10 =	sadd.s32 $0x1, s10;
	_ =	swait.ge [sflag:s9], $0x4000  }
0x2b: {  	p0 =	sne.s32 s10, s4;
	[sflag:s9] =	ssyncset.done $0x0  }
.Ltmp1:
0x2c: {  	[sflag:s9] =	ssyncadd.s32 $0xFFFFC000;
	(pc) =	sbr.rel @p0 .LBB2_1-.Ltmp1, $4  }
0x2d: {  	[hbm4b:s11+s2] =	stream.linear.scatter [tilespmem:s8], [sflag:$0x2], $0x4000, $0x38;
	[tilespmem:$0x4080] =	vst v63  }
0x2e: {  	_ =	swait.ge [sflag:s7], $0x4000  }
0x2f: {  	[sflag:s7] =	ssyncset.done $0x0  }
0x30: {  	[sflag:s7] =	ssyncadd.s32 $0xFFFFC000  }
0x31: {  	_ =	sfence.sel $0x180000  }
0x32: {  	[bflag:$0x0] =	sbarrier.arrive $0xFFFF  }
0x33: {  	p0 =	sne.s32 s1, $0x0;
	_ =	strace $0x90000050  }
0x34: {  	s0 =	sadd.s32 @!p0 $0x100000, s0;
	[bflag:$0x2] =	sbarrier.arrive $0xFFFF  }
0x35: {  	[sflag:s0] =	ssyncadd.tile.s32 @!p0 $0x1;
	_ =	shalt  }
.Lfunc_end2:
_tile_overlayer_lowered:
.L_overlay_start_2:
0x36: {  	(tag) =	ssettag $0x2  }
0x37: {  	s0 =	rddreg [dreg:$0x0];
	s2 =	stileid.u32  }
0x38: {  	s1 =	rddreg [dreg:$0x1];
	p0 =	sne.s32 s2, $0x0  }
0x39: {  	s3 =	rddreg [dreg:$0x2];
	[bflag:$0x3] =	sbarrier.arrive $0xFFFF;
	s2 =	simm.s32 @!p0 $0x1C02  }
0x3a: {  	[timem:s3], [sflag:s2] =	dma.local @!p0 [hbm:s0], s1  }
0x3b: {  	s0 =	simm.s32 @!p0 $0x2  }
0x3c: {  	_ =	swait.ge @!p0 [sflag:s0], s1  }
0x3d: {  	s1 =	ssub.s32 @!p0 $0x0, s1;
	[sflag:s0] =	ssyncset.done @!p0 $0x0  }
0x3e: {  	[sflag:s0] =	ssyncadd.s32 @!p0 s1  }
0x3f: {  	[bflag:$0x3] =	sbarrier.arrive $0xFFFF  }
0x40: {  	_ =	shalt  }

</sc_bundles>
